<compile_context>
chip_gen: v7x
topology: tpu7x:2x2x1
jax: 0.10.2.dev20260603
libtpu: 0.0.44.dev20260713+nightly
codegen_flags: <defaults>
</compile_context>

<pallas_src>
import functools

import jax
import jax.numpy as jnp
from jax import lax
from jax.experimental import pallas as pl
from jax.experimental.pallas import tpu as pltpu
from jax.experimental.pallas import tpu_sc as plsc

NC = 2
NS = 16
LANES = 16
NW = NC * NS


def kernel(input_ids, word_emb, pos_emb):
    B, S = input_ids.shape
    V, D = word_emb.shape
    N = B * S
    P = S // NW
    CP = 8
    SLOTS = 3
    LEAD = 2
    n_chunks = P // CP

    if input_ids.dtype != jnp.int32:
        input_ids = input_ids.astype(jnp.int32)
    mesh = plsc.VectorSubcoreMesh(
        core_axis_name="c", subcore_axis_name="s",
        num_cores=NC, num_subcores=NS)

    @functools.partial(
        pl.kernel,
        out_type=jax.ShapeDtypeStruct((B, S, D), jnp.float32),
        mesh=mesh,
        scratch_types=[
            pltpu.VMEM((B, P), jnp.int32),
            pltpu.VMEM((SLOTS, CP, D), jnp.float32),
            pltpu.VMEM((SLOTS, B, CP, D), jnp.float32),
        ] + [pltpu.SemaphoreType.DMA] * (2 * SLOTS + 1),
    )
    def emb_kernel(ids_hbm, tab_hbm, pos_hbm, out_hbm, idx_v, pos_s, rows_s,
                   *sems):
        g_sem = sems[:SLOTS]
        o_sem = sems[SLOTS:2 * SLOTS]
        i_sem = sems[2 * SLOTS]
        cid = lax.axis_index("c")
        sid = lax.axis_index("s")
        wid = sid * NC + cid
        pos0 = wid * P

        idx_descs = [pltpu.make_async_copy(
            ids_hbm.at[b, pl.ds(pos0, P)], idx_v.at[b], i_sem)
            for b in range(B)]

        def gather_descs(ci, slot):
            ds = [pltpu.make_async_copy(
                pos_hbm.at[pl.ds(pos0 + ci * CP, CP)], pos_s.at[slot],
                g_sem[slot])]
            for b in range(B):
                ds.append(pltpu.make_async_copy(
                    tab_hbm.at[idx_v.at[b, pl.ds(ci * CP, CP)]],
                    rows_s.at[slot, b], g_sem[slot]))
            return ds

        def out_descs(ci, slot):
            return [pltpu.make_async_copy(
                rows_s.at[slot],
                out_hbm.at[:, pl.ds(pos0 + ci * CP, CP)],
                o_sem[slot])]

        def start_all(descs):
            for d_ in descs:
                d_.start()

        def wait_all(descs):
            for d_ in descs:
                d_.wait()

        start_all(idx_descs)
        for ci in range(LEAD):
            gather_descs(ci, ci % SLOTS)[0].start()
        wait_all(idx_descs)
        for ci in range(LEAD):
            start_all(gather_descs(ci, ci % SLOTS)[1:])

        def chunk_body(ci, carry):
            slot_t = lax.rem(ci, SLOTS)
            for k in range(SLOTS):
                @pl.when(slot_t == k)
                def _():
                    wait_all(gather_descs(ci, k))

            def row_add(r, carry2):
                for sl_i in range(D // LANES):
                    sl = pl.ds(sl_i * LANES, LANES)
                    pvec = pos_s[slot_t, r, sl]
                    for b in range(B):
                        plsc.addupdate(rows_s.at[slot_t, b, r, sl], pvec)
                return carry2

            lax.fori_loop(0, CP, row_add, 0)

            for k in range(SLOTS):
                @pl.when(slot_t == k)
                def _():
                    start_all(out_descs(ci, k))

            nxt = ci + LEAD
            nslot_t = lax.rem(nxt, SLOTS)

            @pl.when(nxt < n_chunks)
            def _():
                for k in range(SLOTS):
                    @pl.when(nslot_t == k)
                    def _():
                        @pl.when(ci >= 1)
                        def _():
                            wait_all(out_descs(ci - 1, k))
                        start_all(gather_descs(nxt, k))
            return carry

        lax.fori_loop(0, n_chunks, chunk_body, 0)

        for ci in range(n_chunks - SLOTS, n_chunks):
            wait_all(out_descs(ci, ci % SLOTS))

    return emb_kernel(input_ids, word_emb, pos_emb)

# --- scband reference (transcript-rebuilt; emitter-appended) ---
"""Pipeline reference for scband-gptembedding-74766790689524 (READ-ONLY COPY).

The authoritative reference and input builder live on the scoring server;
editing this copy changes nothing except your own understanding.
"""

import jax, jax.numpy as jnp
import numpy as np

VOCAB = 100000
MAX_POS = 2048
DIM = 1024
B, S = 4, 2048

def setup_inputs(seed: int = 0) -> dict:
    key = jax.random.key(seed)
    k1, k2, k3 = jax.random.split(key, 3)
    input_ids = jax.random.randint(k1, (B, S), 0, VOCAB, dtype=jnp.int64 if jax.config.jax_enable_x64 else jnp.int32)
    word_emb = jax.random.normal(k2, (VOCAB, DIM), dtype=jnp.float32) * 0.02
    pos_emb = jax.random.normal(k3, (MAX_POS, DIM), dtype=jnp.float32) * 0.02
    return {"input_ids": input_ids, "word_emb": word_emb, "pos_emb": pos_emb}

def reference(input_ids, word_emb, pos_emb):
    bs, seq_length = input_ids.shape
    position_ids = jnp.arange(seq_length, dtype=input_ids.dtype)[None, :]
    position_ids = jnp.tile(position_ids, (bs, 1))
    x = jnp.take(word_emb, input_ids, axis=0) + jnp.take(pos_emb, position_ids, axis=0)
    # dropout p=0.0 -> identity
    return x

if __name__ == "__main__":
    import jax
    _d = setup_inputs()
    print(jax.jit(kernel)(*tuple(_d.values())))

</pallas_src>

<mosaic_0001>
#map = affine_map<(d0, d1) -> (0, 0)>
#map1 = affine_map<(d0, d1) -> (0, 0, 0)>
module attributes {stable_mosaic.version = 14 : i64} {
  func.func @emb_kernel(%arg0: i32, %arg1: i32, %arg2: memref<4x2048xi32, #tpu.memory_space<hbm>>, %arg3: memref<100000x1024xf32, #tpu.memory_space<hbm>>, %arg4: memref<2048x1024xf32, #tpu.memory_space<hbm>>, %arg5: memref<4x2048x1024xf32, #tpu.memory_space<hbm>>, %arg6: memref<4x64xi32, #tpu.memory_space<vmem>>, %arg7: memref<3x8x1024xf32, #tpu.memory_space<vmem>>, %arg8: memref<3x4x8x1024xf32, #tpu.memory_space<vmem>>, %arg9: memref<!tpu.dma_semaphore, #tpu.memory_space<semaphore_mem>>, %arg10: memref<!tpu.dma_semaphore, #tpu.memory_space<semaphore_mem>>, %arg11: memref<!tpu.dma_semaphore, #tpu.memory_space<semaphore_mem>>, %arg12: memref<!tpu.dma_semaphore, #tpu.memory_space<semaphore_mem>>, %arg13: memref<!tpu.dma_semaphore, #tpu.memory_space<semaphore_mem>>, %arg14: memref<!tpu.dma_semaphore, #tpu.memory_space<semaphore_mem>>, %arg15: memref<!tpu.dma_semaphore, #tpu.memory_space<semaphore_mem>>) attributes {dimension_semantics = [#tpu.dimension_semantics<core_parallel>, #tpu.dimension_semantics<subcore_parallel>], iteration_bounds = array<i64: 2, 16>, scalar_prefetch = 0 : i64, scratch_operands = 10 : i64, tpu.core_type = #tpu.core_type<sc_vector_subcore>, window_params = [{transform_indices = #map}, {transform_indices = #map}, {transform_indices = #map}, {transform_indices = #map1}]} {
    %mul3A = arith.constant 2 : i32
    %mul3A_0 = arith.muli %arg1, %mul3A : i32
    %add3A = arith.addi %mul3A_0, %arg0 : i32
    %mul3A_1 = arith.constant 64 : i32
    %mul3A_2 = arith.muli %add3A, %mul3A_1 : i32
    %dma_start3A = arith.constant 0 : i32
    %dma_start3A_3 = arith.constant 0 : i32
    %dma_start3A_4 = arith.constant 0 : i32
    %dma_start3A_5 = tpu.memref_slice %arg6[%dma_start3A_3, %dma_start3A_4] : memref<4x64xi32, #tpu.memory_space<vmem>> -> memref<1x64xi32, #tpu.memory_space<vmem>>
    %dma_start3A_6 = tpu.memref_squeeze %dma_start3A_5 : memref<1x64xi32, #tpu.memory_space<vmem>> -> memref<64xi32, #tpu.memory_space<vmem>>
    %dma_start3A_7 = tpu.memref_slice %arg2[%dma_start3A, %mul3A_2] : memref<4x2048xi32, #tpu.memory_space<hbm>> -> memref<1x64xi32, #tpu.memory_space<hbm>>
    %dma_start3A_8 = tpu.memref_squeeze %dma_start3A_7 : memref<1x64xi32, #tpu.memory_space<hbm>> -> memref<64xi32, #tpu.memory_space<hbm>>
    %dma_start3A_9 = arith.constant 0 : i32
    %dma_start3A_10 = tpu.memref_slice %arg6[%dma_start3A_3, %dma_start3A_9] : memref<4x64xi32, #tpu.memory_space<vmem>> -> memref<1x64xi32, #tpu.memory_space<vmem>>
    %dma_start3A_11 = tpu.memref_squeeze %dma_start3A_10 : memref<1x64xi32, #tpu.memory_space<vmem>> -> memref<64xi32, #tpu.memory_space<vmem>>
    %dma_start3A_12 = tpu.memref_slice %arg2[%dma_start3A, %mul3A_2] : memref<4x2048xi32, #tpu.memory_space<hbm>> -> memref<1x64xi32, #tpu.memory_space<hbm>>
    %dma_start3A_13 = tpu.memref_squeeze %dma_start3A_12 : memref<1x64xi32, #tpu.memory_space<hbm>> -> memref<64xi32, #tpu.memory_space<hbm>>
    tpu.enqueue_dma source(%dma_start3A_13 : memref<64xi32, #tpu.memory_space<hbm>>) target(%dma_start3A_11 : memref<64xi32, #tpu.memory_space<vmem>>) target_semaphore(%arg15 : memref<!tpu.dma_semaphore, #tpu.memory_space<semaphore_mem>>)
    %dma_start3A_14 = arith.constant 1 : i32
    %dma_start3A_15 = arith.constant 1 : i32
    %dma_start3A_16 = arith.constant 0 : i32
    %dma_start3A_17 = tpu.memref_slice %arg6[%dma_start3A_15, %dma_start3A_16] : memref<4x64xi32, #tpu.memory_space<vmem>> -> memref<1x64xi32, #tpu.memory_space<vmem>>
    %dma_start3A_18 = tpu.memref_squeeze %dma_start3A_17 : memref<1x64xi32, #tpu.memory_space<vmem>> -> memref<64xi32, #tpu.memory_space<vmem>>
    %dma_start3A_19 = tpu.memref_slice %arg2[%dma_start3A_14, %mul3A_2] : memref<4x2048xi32, #tpu.memory_space<hbm>> -> memref<1x64xi32, #tpu.memory_space<hbm>>
    %dma_start3A_20 = tpu.memref_squeeze %dma_start3A_19 : memref<1x64xi32, #tpu.memory_space<hbm>> -> memref<64xi32, #tpu.memory_space<hbm>>
    %dma_start3A_21 = arith.constant 0 : i32
    %dma_start3A_22 = tpu.memref_slice %arg6[%dma_start3A_15, %dma_start3A_21] : memref<4x64xi32, #tpu.memory_space<vmem>> -> memref<1x64xi32, #tpu.memory_space<vmem>>
    %dma_start3A_23 = tpu.memref_squeeze %dma_start3A_22 : memref<1x64xi32, #tpu.memory_space<vmem>> -> memref<64xi32, #tpu.memory_space<vmem>>
    %dma_start3A_24 = tpu.memref_slice %arg2[%dma_start3A_14, %mul3A_2] : memref<4x2048xi32, #tpu.memory_space<hbm>> -> memref<1x64xi32, #tpu.memory_space<hbm>>
    %dma_start3A_25 = tpu.memref_squeeze %dma_start3A_24 : memref<1x64xi32, #tpu.memory_space<hbm>> -> memref<64xi32, #tpu.memory_space<hbm>>
    tpu.enqueue_dma source(%dma_start3A_25 : memref<64xi32, #tpu.memory_space<hbm>>) target(%dma_start3A_23 : memref<64xi32, #tpu.memory_space<vmem>>) target_semaphore(%arg15 : memref<!tpu.dma_semaphore, #tpu.memory_space<semaphore_mem>>)
    %dma_start3A_26 = arith.constant 2 : i32
    %dma_start3A_27 = arith.constant 2 : i32
    %dma_start3A_28 = arith.constant 0 : i32
    %dma_start3A_29 = tpu.memref_slice %arg6[%dma_start3A_27, %dma_start3A_28] : memref<4x64xi32, #tpu.memory_space<vmem>> -> memref<1x64xi32, #tpu.memory_space<vmem>>
    %dma_start3A_30 = tpu.memref_squeeze %dma_start3A_29 : memref<1x64xi32, #tpu.memory_space<vmem>> -> memref<64xi32, #tpu.memory_space<vmem>>
    %dma_start3A_31 = tpu.memref_slice %arg2[%dma_start3A_26, %mul3A_2] : memref<4x2048xi32, #tpu.memory_space<hbm>> -> memref<1x64xi32, #tpu.memory_space<hbm>>
    %dma_start3A_32 = tpu.memref_squeeze %dma_start3A_31 : memref<1x64xi32, #tpu.memory_space<hbm>> -> memref<64xi32, #tpu.memory_space<hbm>>
    %dma_start3A_33 = arith.constant 0 : i32
    %dma_start3A_34 = tpu.memref_slice %arg6[%dma_start3A_27, %dma_start3A_33] : memref<4x64xi32, #tpu.memory_space<vmem>> -> memref<1x64xi32, #tpu.memory_space<vmem>>
    %dma_start3A_35 = tpu.memref_squeeze %dma_start3A_34 : memref<1x64xi32, #tpu.memory_space<vmem>> -> memref<64xi32, #tpu.memory_space<vmem>>
    %dma_start3A_36 = tpu.memref_slice %arg2[%dma_start3A_26, %mul3A_2] : memref<4x2048xi32, #tpu.memory_space<hbm>> -> memref<1x64xi32, #tpu.memory_space<hbm>>
    %dma_start3A_37 = tpu.memref_squeeze %dma_start3A_36 : memref<1x64xi32, #tpu.memory_space<hbm>> -> memref<64xi32, #tpu.memory_space<hbm>>
    tpu.enqueue_dma source(%dma_start3A_37 : memref<64xi32, #tpu.memory_space<hbm>>) target(%dma_start3A_35 : memref<64xi32, #tpu.memory_space<vmem>>) target_semaphore(%arg15 : memref<!tpu.dma_semaphore, #tpu.memory_space<semaphore_mem>>)
    %dma_start3A_38 = arith.constant 3 : i32
    %dma_start3A_39 = arith.constant 3 : i32
    %dma_start3A_40 = arith.constant 0 : i32
    %dma_start3A_41 = tpu.memref_slice %arg6[%dma_start3A_39, %dma_start3A_40] : memref<4x64xi32, #tpu.memory_space<vmem>> -> memref<1x64xi32, #tpu.memory_space<vmem>>
    %dma_start3A_42 = tpu.memref_squeeze %dma_start3A_41 : memref<1x64xi32, #tpu.memory_space<vmem>> -> memref<64xi32, #tpu.memory_space<vmem>>
    %dma_start3A_43 = tpu.memref_slice %arg2[%dma_start3A_38, %mul3A_2] : memref<4x2048xi32, #tpu.memory_space<hbm>> -> memref<1x64xi32, #tpu.memory_space<hbm>>
    %dma_start3A_44 = tpu.memref_squeeze %dma_start3A_43 : memref<1x64xi32, #tpu.memory_space<hbm>> -> memref<64xi32, #tpu.memory_space<hbm>>
    %dma_start3A_45 = arith.constant 0 : i32
    %dma_start3A_46 = tpu.memref_slice %arg6[%dma_start3A_39, %dma_start3A_45] : memref<4x64xi32, #tpu.memory_space<vmem>> -> memref<1x64xi32, #tpu.memory_space<vmem>>
    %dma_start3A_47 = tpu.memref_squeeze %dma_start3A_46 : memref<1x64xi32, #tpu.memory_space<vmem>> -> memref<64xi32, #tpu.memory_space<vmem>>
    %dma_start3A_48 = tpu.memref_slice %arg2[%dma_start3A_38, %mul3A_2] : memref<4x2048xi32, #tpu.memory_space<hbm>> -> memref<1x64xi32, #tpu.memory_space<hbm>>
    %dma_start3A_49 = tpu.memref_squeeze %dma_start3A_48 : memref<1x64xi32, #tpu.memory_space<hbm>> -> memref<64xi32, #tpu.memory_space<hbm>>
    tpu.enqueue_dma source(%dma_start3A_49 : memref<64xi32, #tpu.memory_space<hbm>>) target(%dma_start3A_47 : memref<64xi32, #tpu.memory_space<vmem>>) target_semaphore(%arg15 : memref<!tpu.dma_semaphore, #tpu.memory_space<semaphore_mem>>)
    %add3A_50 = arith.constant 0 : i32
    %add3A_51 = arith.addi %mul3A_2, %add3A_50 : i32
    %dma_start3A_52 = arith.constant 0 : i32
    %dma_start3A_53 = arith.constant 0 : i32
    %dma_start3A_54 = arith.constant 0 : i32
    %dma_start3A_55 = tpu.memref_slice %arg7[%dma_start3A_52, %dma_start3A_53, %dma_start3A_54] : memref<3x8x1024xf32, #tpu.memory_space<vmem>> -> memref<1x8x1024xf32, #tpu.memory_space<vmem>>
    %dma_start3A_56 = tpu.memref_squeeze %dma_start3A_55 : memref<1x8x1024xf32, #tpu.memory_space<vmem>> -> memref<8x1024xf32, #tpu.memory_space<vmem>>
    %dma_start3A_57 = arith.constant 0 : i32
    %dma_start3A_58 = tpu.memref_slice %arg4[%add3A_51, %dma_start3A_57] : memref<2048x1024xf32, #tpu.memory_space<hbm>> -> memref<8x1024xf32, #tpu.memory_space<hbm>>
    %dma_start3A_59 = arith.constant 0 : i32
    %dma_start3A_60 = arith.constant 0 : i32
    %dma_start3A_61 = tpu.memref_slice %arg7[%dma_start3A_52, %dma_start3A_59, %dma_start3A_60] : memref<3x8x1024xf32, #tpu.memory_space<vmem>> -> memref<1x8x1024xf32, #tpu.memory_space<vmem>>
    %dma_start3A_62 = tpu.memref_squeeze %dma_start3A_61 : memref<1x8x1024xf32, #tpu.memory_space<vmem>> -> memref<8x1024xf32, #tpu.memory_space<vmem>>
    %dma_start3A_63 = arith.constant 0 : i32
    %dma_start3A_64 = tpu.memref_slice %arg4[%add3A_51, %dma_start3A_63] : memref<2048x1024xf32, #tpu.memory_space<hbm>> -> memref<8x1024xf32, #tpu.memory_space<hbm>>
    tpu.enqueue_dma source(%dma_start3A_64 : memref<8x1024xf32, #tpu.memory_space<hbm>>) target(%dma_start3A_62 : memref<8x1024xf32, #tpu.memory_space<vmem>>) target_semaphore(%arg9 : memref<!tpu.dma_semaphore, #tpu.memory_space<semaphore_mem>>)
    %add3A_65 = arith.constant 8 : i32
    %add3A_66 = arith.addi %mul3A_2, %add3A_65 : i32
    %dma_start3A_67 = arith.constant 1 : i32
    %dma_start3A_68 = arith.constant 0 : i32
    %dma_start3A_69 = arith.constant 0 : i32
    %dma_start3A_70 = tpu.memref_slice %arg7[%dma_start3A_67, %dma_start3A_68, %dma_start3A_69] : memref<3x8x1024xf32, #tpu.memory_space<vmem>> -> memref<1x8x1024xf32, #tpu.memory_space<vmem>>
    %dma_start3A_71 = tpu.memref_squeeze %dma_start3A_70 : memref<1x8x1024xf32, #tpu.memory_space<vmem>> -> memref<8x1024xf32, #tpu.memory_space<vmem>>
    %dma_start3A_72 = arith.constant 0 : i32
    %dma_start3A_73 = tpu.memref_slice %arg4[%add3A_66, %dma_start3A_72] : memref<2048x1024xf32, #tpu.memory_space<hbm>> -> memref<8x1024xf32, #tpu.memory_space<hbm>>
    %dma_start3A_74 = arith.constant 0 : i32
    %dma_start3A_75 = arith.constant 0 : i32
    %dma_start3A_76 = tpu.memref_slice %arg7[%dma_start3A_67, %dma_start3A_74, %dma_start3A_75] : memref<3x8x1024xf32, #tpu.memory_space<vmem>> -> memref<1x8x1024xf32, #tpu.memory_space<vmem>>
    %dma_start3A_77 = tpu.memref_squeeze %dma_start3A_76 : memref<1x8x1024xf32, #tpu.memory_space<vmem>> -> memref<8x1024xf32, #tpu.memory_space<vmem>>
    %dma_start3A_78 = arith.constant 0 : i32
    %dma_start3A_79 = tpu.memref_slice %arg4[%add3A_66, %dma_start3A_78] : memref<2048x1024xf32, #tpu.memory_space<hbm>> -> memref<8x1024xf32, #tpu.memory_space<hbm>>
    tpu.enqueue_dma source(%dma_start3A_79 : memref<8x1024xf32, #tpu.memory_space<hbm>>) target(%dma_start3A_77 : memref<8x1024xf32, #tpu.memory_space<vmem>>) target_semaphore(%arg10 : memref<!tpu.dma_semaphore, #tpu.memory_space<semaphore_mem>>)
    %dma_wait3A = arith.constant 0 : i32
    %dma_wait3A_80 = arith.constant 0 : i32
    %dma_wait3A_81 = arith.constant 0 : i32
    %dma_wait3A_82 = tpu.memref_slice %arg6[%dma_wait3A_80, %dma_wait3A_81] : memref<4x64xi32, #tpu.memory_space<vmem>> -> memref<1x64xi32, #tpu.memory_space<vmem>>
    %dma_wait3A_83 = tpu.memref_squeeze %dma_wait3A_82 : memref<1x64xi32, #tpu.memory_space<vmem>> -> memref<64xi32, #tpu.memory_space<vmem>>
    %dma_wait3A_84 = tpu.memref_slice %arg2[%dma_wait3A, %mul3A_2] : memref<4x2048xi32, #tpu.memory_space<hbm>> -> memref<1x64xi32, #tpu.memory_space<hbm>>
    %dma_wait3A_85 = tpu.memref_squeeze %dma_wait3A_84 : memref<1x64xi32, #tpu.memory_space<hbm>> -> memref<64xi32, #tpu.memory_space<hbm>>
    %dma_wait3A_86 = arith.constant 0 : i32
    %dma_wait3A_87 = tpu.memref_slice %arg6[%dma_wait3A_80, %dma_wait3A_86] : memref<4x64xi32, #tpu.memory_space<vmem>> -> memref<1x64xi32, #tpu.memory_space<vmem>>
    %dma_wait3A_88 = tpu.memref_squeeze %dma_wait3A_87 : memref<1x64xi32, #tpu.memory_space<vmem>> -> memref<64xi32, #tpu.memory_space<vmem>>
    %dma_wait3A_89 = tpu.memref_slice %arg2[%dma_wait3A, %mul3A_2] : memref<4x2048xi32, #tpu.memory_space<hbm>> -> memref<1x64xi32, #tpu.memory_space<hbm>>
    %dma_wait3A_90 = tpu.memref_squeeze %dma_wait3A_89 : memref<1x64xi32, #tpu.memory_space<hbm>> -> memref<64xi32, #tpu.memory_space<hbm>>
    tpu.wait_dma2 semaphore(%arg15 : memref<!tpu.dma_semaphore, #tpu.memory_space<semaphore_mem>>) src(%dma_wait3A_90 : memref<64xi32, #tpu.memory_space<hbm>>) dst(%dma_wait3A_88 : memref<64xi32, #tpu.memory_space<vmem>>)
    %dma_wait3A_91 = arith.constant 1 : i32
    %dma_wait3A_92 = arith.constant 1 : i32
    %dma_wait3A_93 = arith.constant 0 : i32
    %dma_wait3A_94 = tpu.memref_slice %arg6[%dma_wait3A_92, %dma_wait3A_93] : memref<4x64xi32, #tpu.memory_space<vmem>> -> memref<1x64xi32, #tpu.memory_space<vmem>>
    %dma_wait3A_95 = tpu.memref_squeeze %dma_wait3A_94 : memref<1x64xi32, #tpu.memory_space<vmem>> -> memref<64xi32, #tpu.memory_space<vmem>>
    %dma_wait3A_96 = tpu.memref_slice %arg2[%dma_wait3A_91, %mul3A_2] : memref<4x2048xi32, #tpu.memory_space<hbm>> -> memref<1x64xi32, #tpu.memory_space<hbm>>
    %dma_wait3A_97 = tpu.memref_squeeze %dma_wait3A_96 : memref<1x64xi32, #tpu.memory_space<hbm>> -> memref<64xi32, #tpu.memory_space<hbm>>
    %dma_wait3A_98 = arith.constant 0 : i32
    %dma_wait3A_99 = tpu.memref_slice %arg6[%dma_wait3A_92, %dma_wait3A_98] : memref<4x64xi32, #tpu.memory_space<vmem>> -> memref<1x64xi32, #tpu.memory_space<vmem>>
    %dma_wait3A_100 = tpu.memref_squeeze %dma_wait3A_99 : memref<1x64xi32, #tpu.memory_space<vmem>> -> memref<64xi32, #tpu.memory_space<vmem>>
    %dma_wait3A_101 = tpu.memref_slice %arg2[%dma_wait3A_91, %mul3A_2] : memref<4x2048xi32, #tpu.memory_space<hbm>> -> memref<1x64xi32, #tpu.memory_space<hbm>>
    %dma_wait3A_102 = tpu.memref_squeeze %dma_wait3A_101 : memref<1x64xi32, #tpu.memory_space<hbm>> -> memref<64xi32, #tpu.memory_space<hbm>>
    tpu.wait_dma2 semaphore(%arg15 : memref<!tpu.dma_semaphore, #tpu.memory_space<semaphore_mem>>) src(%dma_wait3A_102 : memref<64xi32, #tpu.memory_space<hbm>>) dst(%dma_wait3A_100 : memref<64xi32, #tpu.memory_space<vmem>>)
    %dma_wait3A_103 = arith.constant 2 : i32
    %dma_wait3A_104 = arith.constant 2 : i32
    %dma_wait3A_105 = arith.constant 0 : i32
    %dma_wait3A_106 = tpu.memref_slice %arg6[%dma_wait3A_104, %dma_wait3A_105] : memref<4x64xi32, #tpu.memory_space<vmem>> -> memref<1x64xi32, #tpu.memory_space<vmem>>
    %dma_wait3A_107 = tpu.memref_squeeze %dma_wait3A_106 : memref<1x64xi32, #tpu.memory_space<vmem>> -> memref<64xi32, #tpu.memory_space<vmem>>
    %dma_wait3A_108 = tpu.memref_slice %arg2[%dma_wait3A_103, %mul3A_2] : memref<4x2048xi32, #tpu.memory_space<hbm>> -> memref<1x64xi32, #tpu.memory_space<hbm>>
    %dma_wait3A_109 = tpu.memref_squeeze %dma_wait3A_108 : memref<1x64xi32, #tpu.memory_space<hbm>> -> memref<64xi32, #tpu.memory_space<hbm>>
    %dma_wait3A_110 = arith.constant 0 : i32
    %dma_wait3A_111 = tpu.memref_slice %arg6[%dma_wait3A_104, %dma_wait3A_110] : memref<4x64xi32, #tpu.memory_space<vmem>> -> memref<1x64xi32, #tpu.memory_space<vmem>>
    %dma_wait3A_112 = tpu.memref_squeeze %dma_wait3A_111 : memref<1x64xi32, #tpu.memory_space<vmem>> -> memref<64xi32, #tpu.memory_space<vmem>>
    %dma_wait3A_113 = tpu.memref_slice %arg2[%dma_wait3A_103, %mul3A_2] : memref<4x2048xi32, #tpu.memory_space<hbm>> -> memref<1x64xi32, #tpu.memory_space<hbm>>
    %dma_wait3A_114 = tpu.memref_squeeze %dma_wait3A_113 : memref<1x64xi32, #tpu.memory_space<hbm>> -> memref<64xi32, #tpu.memory_space<hbm>>
    tpu.wait_dma2 semaphore(%arg15 : memref<!tpu.dma_semaphore, #tpu.memory_space<semaphore_mem>>) src(%dma_wait3A_114 : memref<64xi32, #tpu.memory_space<hbm>>) dst(%dma_wait3A_112 : memref<64xi32, #tpu.memory_space<vmem>>)
    %dma_wait3A_115 = arith.constant 3 : i32
    %dma_wait3A_116 = arith.constant 3 : i32
    %dma_wait3A_117 = arith.constant 0 : i32
    %dma_wait3A_118 = tpu.memref_slice %arg6[%dma_wait3A_116, %dma_wait3A_117] : memref<4x64xi32, #tpu.memory_space<vmem>> -> memref<1x64xi32, #tpu.memory_space<vmem>>
    %dma_wait3A_119 = tpu.memref_squeeze %dma_wait3A_118 : memref<1x64xi32, #tpu.memory_space<vmem>> -> memref<64xi32, #tpu.memory_space<vmem>>
    %dma_wait3A_120 = tpu.memref_slice %arg2[%dma_wait3A_115, %mul3A_2] : memref<4x2048xi32, #tpu.memory_space<hbm>> -> memref<1x64xi32, #tpu.memory_space<hbm>>
    %dma_wait3A_121 = tpu.memref_squeeze %dma_wait3A_120 : memref<1x64xi32, #tpu.memory_space<hbm>> -> memref<64xi32, #tpu.memory_space<hbm>>
    %dma_wait3A_122 = arith.constant 0 : i32
    %dma_wait3A_123 = tpu.memref_slice %arg6[%dma_wait3A_116, %dma_wait3A_122] : memref<4x64xi32, #tpu.memory_space<vmem>> -> memref<1x64xi32, #tpu.memory_space<vmem>>
    %dma_wait3A_124 = tpu.memref_squeeze %dma_wait3A_123 : memref<1x64xi32, #tpu.memory_space<vmem>> -> memref<64xi32, #tpu.memory_space<vmem>>
    %dma_wait3A_125 = tpu.memref_slice %arg2[%dma_wait3A_115, %mul3A_2] : memref<4x2048xi32, #tpu.memory_space<hbm>> -> memref<1x64xi32, #tpu.memory_space<hbm>>
    %dma_wait3A_126 = tpu.memref_squeeze %dma_wait3A_125 : memref<1x64xi32, #tpu.memory_space<hbm>> -> memref<64xi32, #tpu.memory_space<hbm>>
    tpu.wait_dma2 semaphore(%arg15 : memref<!tpu.dma_semaphore, #tpu.memory_space<semaphore_mem>>) src(%dma_wait3A_126 : memref<64xi32, #tpu.memory_space<hbm>>) dst(%dma_wait3A_124 : memref<64xi32, #tpu.memory_space<vmem>>)
    %add3A_127 = arith.constant 0 : i32
    %add3A_128 = arith.addi %mul3A_2, %add3A_127 : i32
    %dma_start3A_129 = arith.constant 0 : i32
    %dma_start3A_130 = arith.constant 0 : i32
    %dma_start3A_131 = arith.constant 0 : i32
    %dma_start3A_132 = arith.constant 0 : i32
    %dma_start3A_133 = arith.constant 0 : i32
    %dma_start3A_134 = tpu.memref_slice %arg8[%dma_start3A_130, %dma_start3A_131, %dma_start3A_132, %dma_start3A_133] : memref<3x4x8x1024xf32, #tpu.memory_space<vmem>> -> memref<1x1x8x1024xf32, #tpu.memory_space<vmem>>
    %dma_start3A_135 = tpu.memref_squeeze %dma_start3A_134 : memref<1x1x8x1024xf32, #tpu.memory_space<vmem>> -> memref<8x1024xf32, #tpu.memory_space<vmem>>
    %dma_start3A_136 = arith.constant 0 : i32
    %dma_start3A_137 = tpu.memref_slice %arg6[%dma_start3A_129, %dma_start3A_136] : memref<4x64xi32, #tpu.memory_space<vmem>> -> memref<1x8xi32, #tpu.memory_space<vmem>>
    %dma_start3A_138 = tpu.memref_squeeze %dma_start3A_137 : memref<1x8xi32, #tpu.memory_space<vmem>> -> memref<8xi32, #tpu.memory_space<vmem>>
    %dma_start3A_139 = arith.constant 0 : i32
    %dma_start3A_140 = arith.constant 0 : i32
    %dma_start3A_141 = tpu.memref_slice %arg3[%dma_start3A_139, %dma_start3A_140] : memref<100000x1024xf32, #tpu.memory_space<hbm>> -> memref<100000x1024xf32, #tpu.memory_space<hbm>>
    tpu.enqueue_indirect_dma source(%dma_start3A_141 : memref<100000x1024xf32, #tpu.memory_space<hbm>>) target(%dma_start3A_135 : memref<8x1024xf32, #tpu.memory_space<vmem>>) offsets(%dma_start3A_138 : memref<8xi32, #tpu.memory_space<vmem>>) semaphore(%arg9 : memref<!tpu.dma_semaphore, #tpu.memory_space<semaphore_mem>>)
    %dma_start3A_142 = arith.constant 1 : i32
    %dma_start3A_143 = arith.constant 0 : i32
    %dma_start3A_144 = arith.constant 1 : i32
    %dma_start3A_145 = arith.constant 0 : i32
    %dma_start3A_146 = arith.constant 0 : i32
    %dma_start3A_147 = tpu.memref_slice %arg8[%dma_start3A_143, %dma_start3A_144, %dma_start3A_145, %dma_start3A_146] : memref<3x4x8x1024xf32, #tpu.memory_space<vmem>> -> memref<1x1x8x1024xf32, #tpu.memory_space<vmem>>
    %dma_start3A_148 = tpu.memref_squeeze %dma_start3A_147 : memref<1x1x8x1024xf32, #tpu.memory_space<vmem>> -> memref<8x1024xf32, #tpu.memory_space<vmem>>
    %dma_start3A_149 = arith.constant 0 : i32
    %dma_start3A_150 = tpu.memref_slice %arg6[%dma_start3A_142, %dma_start3A_149] : memref<4x64xi32, #tpu.memory_space<vmem>> -> memref<1x8xi32, #tpu.memory_space<vmem>>
    %dma_start3A_151 = tpu.memref_squeeze %dma_start3A_150 : memref<1x8xi32, #tpu.memory_space<vmem>> -> memref<8xi32, #tpu.memory_space<vmem>>
    %dma_start3A_152 = arith.constant 0 : i32
    %dma_start3A_153 = arith.constant 0 : i32
    %dma_start3A_154 = tpu.memref_slice %arg3[%dma_start3A_152, %dma_start3A_153] : memref<100000x1024xf32, #tpu.memory_space<hbm>> -> memref<100000x1024xf32, #tpu.memory_space<hbm>>
    tpu.enqueue_indirect_dma source(%dma_start3A_154 : memref<100000x1024xf32, #tpu.memory_space<hbm>>) target(%dma_start3A_148 : memref<8x1024xf32, #tpu.memory_space<vmem>>) offsets(%dma_start3A_151 : memref<8xi32, #tpu.memory_space<vmem>>) semaphore(%arg9 : memref<!tpu.dma_semaphore, #tpu.memory_space<semaphore_mem>>)
    %dma_start3A_155 = arith.constant 2 : i32
    %dma_start3A_156 = arith.constant 0 : i32
    %dma_start3A_157 = arith.constant 2 : i32
    %dma_start3A_158 = arith.constant 0 : i32
    %dma_start3A_159 = arith.constant 0 : i32
    %dma_start3A_160 = tpu.memref_slice %arg8[%dma_start3A_156, %dma_start3A_157, %dma_start3A_158, %dma_start3A_159] : memref<3x4x8x1024xf32, #tpu.memory_space<vmem>> -> memref<1x1x8x1024xf32, #tpu.memory_space<vmem>>
    %dma_start3A_161 = tpu.memref_squeeze %dma_start3A_160 : memref<1x1x8x1024xf32, #tpu.memory_space<vmem>> -> memref<8x1024xf32, #tpu.memory_space<vmem>>
    %dma_start3A_162 = arith.constant 0 : i32
    %dma_start3A_163 = tpu.memref_slice %arg6[%dma_start3A_155, %dma_start3A_162] : memref<4x64xi32, #tpu.memory_space<vmem>> -> memref<1x8xi32, #tpu.memory_space<vmem>>
    %dma_start3A_164 = tpu.memref_squeeze %dma_start3A_163 : memref<1x8xi32, #tpu.memory_space<vmem>> -> memref<8xi32, #tpu.memory_space<vmem>>
    %dma_start3A_165 = arith.constant 0 : i32
    %dma_start3A_166 = arith.constant 0 : i32
    %dma_start3A_167 = tpu.memref_slice %arg3[%dma_start3A_165, %dma_start3A_166] : memref<100000x1024xf32, #tpu.memory_space<hbm>> -> memref<100000x1024xf32, #tpu.memory_space<hbm>>
    tpu.enqueue_indirect_dma source(%dma_start3A_167 : memref<100000x1024xf32, #tpu.memory_space<hbm>>) target(%dma_start3A_161 : memref<8x1024xf32, #tpu.memory_space<vmem>>) offsets(%dma_start3A_164 : memref<8xi32, #tpu.memory_space<vmem>>) semaphore(%arg9 : memref<!tpu.dma_semaphore, #tpu.memory_space<semaphore_mem>>)
    %dma_start3A_168 = arith.constant 3 : i32
    %dma_start3A_169 = arith.constant 0 : i32
    %dma_start3A_170 = arith.constant 3 : i32
    %dma_start3A_171 = arith.constant 0 : i32
    %dma_start3A_172 = arith.constant 0 : i32
    %dma_start3A_173 = tpu.memref_slice %arg8[%dma_start3A_169, %dma_start3A_170, %dma_start3A_171, %dma_start3A_172] : memref<3x4x8x1024xf32, #tpu.memory_space<vmem>> -> memref<1x1x8x1024xf32, #tpu.memory_space<vmem>>
    %dma_start3A_174 = tpu.memref_squeeze %dma_start3A_173 : memref<1x1x8x1024xf32, #tpu.memory_space<vmem>> -> memref<8x1024xf32, #tpu.memory_space<vmem>>
    %dma_start3A_175 = arith.constant 0 : i32
    %dma_start3A_176 = tpu.memref_slice %arg6[%dma_start3A_168, %dma_start3A_175] : memref<4x64xi32, #tpu.memory_space<vmem>> -> memref<1x8xi32, #tpu.memory_space<vmem>>
    %dma_start3A_177 = tpu.memref_squeeze %dma_start3A_176 : memref<1x8xi32, #tpu.memory_space<vmem>> -> memref<8xi32, #tpu.memory_space<vmem>>
    %dma_start3A_178 = arith.constant 0 : i32
    %dma_start3A_179 = arith.constant 0 : i32
    %dma_start3A_180 = tpu.memref_slice %arg3[%dma_start3A_178, %dma_start3A_179] : memref<100000x1024xf32, #tpu.memory_space<hbm>> -> memref<100000x1024xf32, #tpu.memory_space<hbm>>
    tpu.enqueue_indirect_dma source(%dma_start3A_180 : memref<100000x1024xf32, #tpu.memory_space<hbm>>) target(%dma_start3A_174 : memref<8x1024xf32, #tpu.memory_space<vmem>>) offsets(%dma_start3A_177 : memref<8xi32, #tpu.memory_space<vmem>>) semaphore(%arg9 : memref<!tpu.dma_semaphore, #tpu.memory_space<semaphore_mem>>)
    %add3A_181 = arith.constant 8 : i32
    %add3A_182 = arith.addi %mul3A_2, %add3A_181 : i32
    %dma_start3A_183 = arith.constant 0 : i32
    %dma_start3A_184 = arith.constant 1 : i32
    %dma_start3A_185 = arith.constant 0 : i32
    %dma_start3A_186 = arith.constant 0 : i32
    %dma_start3A_187 = arith.constant 0 : i32
    %dma_start3A_188 = tpu.memref_slice %arg8[%dma_start3A_184, %dma_start3A_185, %dma_start3A_186, %dma_start3A_187] : memref<3x4x8x1024xf32, #tpu.memory_space<vmem>> -> memref<1x1x8x1024xf32, #tpu.memory_space<vmem>>
    %dma_start3A_189 = tpu.memref_squeeze %dma_start3A_188 : memref<1x1x8x1024xf32, #tpu.memory_space<vmem>> -> memref<8x1024xf32, #tpu.memory_space<vmem>>
    %dma_start3A_190 = arith.constant 8 : i32
    %dma_start3A_191 = tpu.memref_slice %arg6[%dma_start3A_183, %dma_start3A_190] : memref<4x64xi32, #tpu.memory_space<vmem>> -> memref<1x8xi32, #tpu.memory_space<vmem>>
    %dma_start3A_192 = tpu.memref_squeeze %dma_start3A_191 : memref<1x8xi32, #tpu.memory_space<vmem>> -> memref<8xi32, #tpu.memory_space<vmem>>
    %dma_start3A_193 = arith.constant 0 : i32
    %dma_start3A_194 = arith.constant 0 : i32
    %dma_start3A_195 = tpu.memref_slice %arg3[%dma_start3A_193, %dma_start3A_194] : memref<100000x1024xf32, #tpu.memory_space<hbm>> -> memref<100000x1024xf32, #tpu.memory_space<hbm>>
    tpu.enqueue_indirect_dma source(%dma_start3A_195 : memref<100000x1024xf32, #tpu.memory_space<hbm>>) target(%dma_start3A_189 : memref<8x1024xf32, #tpu.memory_space<vmem>>) offsets(%dma_start3A_192 : memref<8xi32, #tpu.memory_space<vmem>>) semaphore(%arg10 : memref<!tpu.dma_semaphore, #tpu.memory_space<semaphore_mem>>)
    %dma_start3A_196 = arith.constant 1 : i32
    %dma_start3A_197 = arith.constant 1 : i32
    %dma_start3A_198 = arith.constant 1 : i32
    %dma_start3A_199 = arith.constant 0 : i32
    %dma_start3A_200 = arith.constant 0 : i32
    %dma_start3A_201 = tpu.memref_slice %arg8[%dma_start3A_197, %dma_start3A_198, %dma_start3A_199, %dma_start3A_200] : memref<3x4x8x1024xf32, #tpu.memory_space<vmem>> -> memref<1x1x8x1024xf32, #tpu.memory_space<vmem>>
    %dma_start3A_202 = tpu.memref_squeeze %dma_start3A_201 : memref<1x1x8x1024xf32, #tpu.memory_space<vmem>> -> memref<8x1024xf32, #tpu.memory_space<vmem>>
    %dma_start3A_203 = arith.constant 8 : i32
    %dma_start3A_204 = tpu.memref_slice %arg6[%dma_start3A_196, %dma_start3A_203] : memref<4x64xi32, #tpu.memory_space<vmem>> -> memref<1x8xi32, #tpu.memory_space<vmem>>
    %dma_start3A_205 = tpu.memref_squeeze %dma_start3A_204 : memref<1x8xi32, #tpu.memory_space<vmem>> -> memref<8xi32, #tpu.memory_space<vmem>>
    %dma_start3A_206 = arith.constant 0 : i32
    %dma_start3A_207 = arith.constant 0 : i32
    %dma_start3A_208 = tpu.memref_slice %arg3[%dma_start3A_206, %dma_start3A_207] : memref<100000x1024xf32, #tpu.memory_space<hbm>> -> memref<100000x1024xf32, #tpu.memory_space<hbm>>
    tpu.enqueue_indirect_dma source(%dma_start3A_208 : memref<100000x1024xf32, #tpu.memory_space<hbm>>) target(%dma_start3A_202 : memref<8x1024xf32, #tpu.memory_space<vmem>>) offsets(%dma_start3A_205 : memref<8xi32, #tpu.memory_space<vmem>>) semaphore(%arg10 : memref<!tpu.dma_semaphore, #tpu.memory_space<semaphore_mem>>)
    %dma_start3A_209 = arith.constant 2 : i32
    %dma_start3A_210 = arith.constant 1 : i32
    %dma_start3A_211 = arith.constant 2 : i32
    %dma_start3A_212 = arith.constant 0 : i32
    %dma_start3A_213 = arith.constant 0 : i32
    %dma_start3A_214 = tpu.memref_slice %arg8[%dma_start3A_210, %dma_start3A_211, %dma_start3A_212, %dma_start3A_213] : memref<3x4x8x1024xf32, #tpu.memory_space<vmem>> -> memref<1x1x8x1024xf32, #tpu.memory_space<vmem>>
    %dma_start3A_215 = tpu.memref_squeeze %dma_start3A_214 : memref<1x1x8x1024xf32, #tpu.memory_space<vmem>> -> memref<8x1024xf32, #tpu.memory_space<vmem>>
    %dma_start3A_216 = arith.constant 8 : i32
    %dma_start3A_217 = tpu.memref_slice %arg6[%dma_start3A_209, %dma_start3A_216] : memref<4x64xi32, #tpu.memory_space<vmem>> -> memref<1x8xi32, #tpu.memory_space<vmem>>
    %dma_start3A_218 = tpu.memref_squeeze %dma_start3A_217 : memref<1x8xi32, #tpu.memory_space<vmem>> -> memref<8xi32, #tpu.memory_space<vmem>>
    %dma_start3A_219 = arith.constant 0 : i32
    %dma_start3A_220 = arith.constant 0 : i32
    %dma_start3A_221 = tpu.memref_slice %arg3[%dma_start3A_219, %dma_start3A_220] : memref<100000x1024xf32, #tpu.memory_space<hbm>> -> memref<100000x1024xf32, #tpu.memory_space<hbm>>
    tpu.enqueue_indirect_dma source(%dma_start3A_221 : memref<100000x1024xf32, #tpu.memory_space<hbm>>) target(%dma_start3A_215 : memref<8x1024xf32, #tpu.memory_space<vmem>>) offsets(%dma_start3A_218 : memref<8xi32, #tpu.memory_space<vmem>>) semaphore(%arg10 : memref<!tpu.dma_semaphore, #tpu.memory_space<semaphore_mem>>)
    %dma_start3A_222 = arith.constant 3 : i32
    %dma_start3A_223 = arith.constant 1 : i32
    %dma_start3A_224 = arith.constant 3 : i32
    %dma_start3A_225 = arith.constant 0 : i32
    %dma_start3A_226 = arith.constant 0 : i32
    %dma_start3A_227 = tpu.memref_slice %arg8[%dma_start3A_223, %dma_start3A_224, %dma_start3A_225, %dma_start3A_226] : memref<3x4x8x1024xf32, #tpu.memory_space<vmem>> -> memref<1x1x8x1024xf32, #tpu.memory_space<vmem>>
    %dma_start3A_228 = tpu.memref_squeeze %dma_start3A_227 : memref<1x1x8x1024xf32, #tpu.memory_space<vmem>> -> memref<8x1024xf32, #tpu.memory_space<vmem>>
    %dma_start3A_229 = arith.constant 8 : i32
    %dma_start3A_230 = tpu.memref_slice %arg6[%dma_start3A_222, %dma_start3A_229] : memref<4x64xi32, #tpu.memory_space<vmem>> -> memref<1x8xi32, #tpu.memory_space<vmem>>
    %dma_start3A_231 = tpu.memref_squeeze %dma_start3A_230 : memref<1x8xi32, #tpu.memory_space<vmem>> -> memref<8xi32, #tpu.memory_space<vmem>>
    %dma_start3A_232 = arith.constant 0 : i32
    %dma_start3A_233 = arith.constant 0 : i32
    %dma_start3A_234 = tpu.memref_slice %arg3[%dma_start3A_232, %dma_start3A_233] : memref<100000x1024xf32, #tpu.memory_space<hbm>> -> memref<100000x1024xf32, #tpu.memory_space<hbm>>
    tpu.enqueue_indirect_dma source(%dma_start3A_234 : memref<100000x1024xf32, #tpu.memory_space<hbm>>) target(%dma_start3A_228 : memref<8x1024xf32, #tpu.memory_space<vmem>>) offsets(%dma_start3A_231 : memref<8xi32, #tpu.memory_space<vmem>>) semaphore(%arg10 : memref<!tpu.dma_semaphore, #tpu.memory_space<semaphore_mem>>)
    %scan3A = arith.constant 0 : i32
    %scan3A_235 = arith.constant 0 : i32
    %scan3A_236 = arith.constant 8 : i32
    %scan3A_237 = arith.addi %scan3A_235, %scan3A_236 : i32
    %scan3A_238 = arith.constant 1 : i32
    scf.for %scan3A_297 = %scan3A_235 to %scan3A_237 step %scan3A_238  : i32 {
      %rem3A = arith.constant 3 : i32
      %rem3A_298 = arith.remsi %scan3A_297, %rem3A : i32
      %eq3A = arith.constant 0 : i32
      %eq3A_299 = arith.cmpi eq, %rem3A_298, %eq3A : i32
      %convert_element_type3A = arith.extui %eq3A_299 : i1 to i32
      %cond3A = arith.constant 0 : i32
      %cond3A_300 = arith.cmpi ne, %convert_element_type3A, %cond3A : i32
      scf.if %cond3A_300 {
        %mul3A_340 = arith.constant 8 : i32
        %mul3A_341 = arith.muli %scan3A_297, %mul3A_340 : i32
        %add3A_342 = arith.addi %mul3A_2, %mul3A_341 : i32
        %mul3A_343 = arith.constant 8 : i32
        %mul3A_344 = arith.muli %scan3A_297, %mul3A_343 : i32
        %mul3A_345 = arith.constant 8 : i32
        %mul3A_346 = arith.muli %scan3A_297, %mul3A_345 : i32
        %mul3A_347 = arith.constant 8 : i32
        %mul3A_348 = arith.muli %scan3A_297, %mul3A_347 : i32
        %mul3A_349 = arith.constant 8 : i32
        %mul3A_350 = arith.muli %scan3A_297, %mul3A_349 : i32
        %dma_wait3A_351 = arith.constant 0 : i32
        %dma_wait3A_352 = arith.constant 0 : i32
        %dma_wait3A_353 = arith.constant 0 : i32
        %dma_wait3A_354 = tpu.memref_slice %arg7[%dma_wait3A_351, %dma_wait3A_352, %dma_wait3A_353] : memref<3x8x1024xf32, #tpu.memory_space<vmem>> -> memref<1x8x1024xf32, #tpu.memory_space<vmem>>
        %dma_wait3A_355 = tpu.memref_squeeze %dma_wait3A_354 : memref<1x8x1024xf32, #tpu.memory_space<vmem>> -> memref<8x1024xf32, #tpu.memory_space<vmem>>
        %dma_wait3A_356 = arith.constant 0 : i32
        %dma_wait3A_357 = tpu.memref_slice %arg4[%add3A_342, %dma_wait3A_356] : memref<2048x1024xf32, #tpu.memory_space<hbm>> -> memref<8x1024xf32, #tpu.memory_space<hbm>>
        %dma_wait3A_358 = arith.constant 0 : i32
        %dma_wait3A_359 = arith.constant 0 : i32
        %dma_wait3A_360 = tpu.memref_slice %arg7[%dma_wait3A_351, %dma_wait3A_358, %dma_wait3A_359] : memref<3x8x1024xf32, #tpu.memory_space<vmem>> -> memref<1x8x1024xf32, #tpu.memory_space<vmem>>
        %dma_wait3A_361 = tpu.memref_squeeze %dma_wait3A_360 : memref<1x8x1024xf32, #tpu.memory_space<vmem>> -> memref<8x1024xf32, #tpu.memory_space<vmem>>
        %dma_wait3A_362 = arith.constant 0 : i32
        %dma_wait3A_363 = tpu.memref_slice %arg4[%add3A_342, %dma_wait3A_362] : memref<2048x1024xf32, #tpu.memory_space<hbm>> -> memref<8x1024xf32, #tpu.memory_space<hbm>>
        tpu.wait_dma2 semaphore(%arg9 : memref<!tpu.dma_semaphore, #tpu.memory_space<semaphore_mem>>) src(%dma_wait3A_363 : memref<8x1024xf32, #tpu.memory_space<hbm>>) dst(%dma_wait3A_361 : memref<8x1024xf32, #tpu.memory_space<vmem>>)
        %dma_wait3A_364 = arith.constant 0 : i32
        %dma_wait3A_365 = arith.constant 0 : i32
        %dma_wait3A_366 = arith.constant 0 : i32
        %dma_wait3A_367 = arith.constant 0 : i32
        %dma_wait3A_368 = arith.constant 0 : i32
        %dma_wait3A_369 = tpu.memref_slice %arg8[%dma_wait3A_365, %dma_wait3A_366, %dma_wait3A_367, %dma_wait3A_368] : memref<3x4x8x1024xf32, #tpu.memory_space<vmem>> -> memref<1x1x8x1024xf32, #tpu.memory_space<vmem>>
        %dma_wait3A_370 = tpu.memref_squeeze %dma_wait3A_369 : memref<1x1x8x1024xf32, #tpu.memory_space<vmem>> -> memref<8x1024xf32, #tpu.memory_space<vmem>>
        %dma_wait3A_371 = tpu.memref_slice %arg6[%dma_wait3A_364, %mul3A_344] : memref<4x64xi32, #tpu.memory_space<vmem>> -> memref<1x8xi32, #tpu.memory_space<vmem>>
        %dma_wait3A_372 = tpu.memref_squeeze %dma_wait3A_371 : memref<1x8xi32, #tpu.memory_space<vmem>> -> memref<8xi32, #tpu.memory_space<vmem>>
        %dma_wait3A_373 = arith.constant 0 : i32
        %dma_wait3A_374 = arith.constant 0 : i32
        %dma_wait3A_375 = tpu.memref_slice %arg3[%dma_wait3A_373, %dma_wait3A_374] : memref<100000x1024xf32, #tpu.memory_space<hbm>> -> memref<100000x1024xf32, #tpu.memory_space<hbm>>
        tpu.wait_indirect_dma semaphore(%arg9 : memref<!tpu.dma_semaphore, #tpu.memory_space<semaphore_mem>>) src(%dma_wait3A_375 : memref<100000x1024xf32, #tpu.memory_space<hbm>>) dst(%dma_wait3A_370 : memref<8x1024xf32, #tpu.memory_space<vmem>>)
        %dma_wait3A_376 = arith.constant 1 : i32
        %dma_wait3A_377 = arith.constant 0 : i32
        %dma_wait3A_378 = arith.constant 1 : i32
        %dma_wait3A_379 = arith.constant 0 : i32
        %dma_wait3A_380 = arith.constant 0 : i32
        %dma_wait3A_381 = tpu.memref_slice %arg8[%dma_wait3A_377, %dma_wait3A_378, %dma_wait3A_379, %dma_wait3A_380] : memref<3x4x8x1024xf32, #tpu.memory_space<vmem>> -> memref<1x1x8x1024xf32, #tpu.memory_space<vmem>>
        %dma_wait3A_382 = tpu.memref_squeeze %dma_wait3A_381 : memref<1x1x8x1024xf32, #tpu.memory_space<vmem>> -> memref<8x1024xf32, #tpu.memory_space<vmem>>
        %dma_wait3A_383 = tpu.memref_slice %arg6[%dma_wait3A_376, %mul3A_346] : memref<4x64xi32, #tpu.memory_space<vmem>> -> memref<1x8xi32, #tpu.memory_space<vmem>>
        %dma_wait3A_384 = tpu.memref_squeeze %dma_wait3A_383 : memref<1x8xi32, #tpu.memory_space<vmem>> -> memref<8xi32, #tpu.memory_space<vmem>>
        %dma_wait3A_385 = arith.constant 0 : i32
        %dma_wait3A_386 = arith.constant 0 : i32
        %dma_wait3A_387 = tpu.memref_slice %arg3[%dma_wait3A_385, %dma_wait3A_386] : memref<100000x1024xf32, #tpu.memory_space<hbm>> -> memref<100000x1024xf32, #tpu.memory_space<hbm>>
        tpu.wait_indirect_dma semaphore(%arg9 : memref<!tpu.dma_semaphore, #tpu.memory_space<semaphore_mem>>) src(%dma_wait3A_387 : memref<100000x1024xf32, #tpu.memory_space<hbm>>) dst(%dma_wait3A_382 : memref<8x1024xf32, #tpu.memory_space<vmem>>)
        %dma_wait3A_388 = arith.constant 2 : i32
        %dma_wait3A_389 = arith.constant 0 : i32
        %dma_wait3A_390 = arith.constant 2 : i32
        %dma_wait3A_391 = arith.constant 0 : i32
        %dma_wait3A_392 = arith.constant 0 : i32
        %dma_wait3A_393 = tpu.memref_slice %arg8[%dma_wait3A_389, %dma_wait3A_390, %dma_wait3A_391, %dma_wait3A_392] : memref<3x4x8x1024xf32, #tpu.memory_space<vmem>> -> memref<1x1x8x1024xf32, #tpu.memory_space<vmem>>
        %dma_wait3A_394 = tpu.memref_squeeze %dma_wait3A_393 : memref<1x1x8x1024xf32, #tpu.memory_space<vmem>> -> memref<8x1024xf32, #tpu.memory_space<vmem>>
        %dma_wait3A_395 = tpu.memref_slice %arg6[%dma_wait3A_388, %mul3A_348] : memref<4x64xi32, #tpu.memory_space<vmem>> -> memref<1x8xi32, #tpu.memory_space<vmem>>
        %dma_wait3A_396 = tpu.memref_squeeze %dma_wait3A_395 : memref<1x8xi32, #tpu.memory_space<vmem>> -> memref<8xi32, #tpu.memory_space<vmem>>
        %dma_wait3A_397 = arith.constant 0 : i32
        %dma_wait3A_398 = arith.constant 0 : i32
        %dma_wait3A_399 = tpu.memref_slice %arg3[%dma_wait3A_397, %dma_wait3A_398] : memref<100000x1024xf32, #tpu.memory_space<hbm>> -> memref<100000x1024xf32, #tpu.memory_space<hbm>>
        tpu.wait_indirect_dma semaphore(%arg9 : memref<!tpu.dma_semaphore, #tpu.memory_space<semaphore_mem>>) src(%dma_wait3A_399 : memref<100000x1024xf32, #tpu.memory_space<hbm>>) dst(%dma_wait3A_394 : memref<8x1024xf32, #tpu.memory_space<vmem>>)
        %dma_wait3A_400 = arith.constant 3 : i32
        %dma_wait3A_401 = arith.constant 0 : i32
        %dma_wait3A_402 = arith.constant 3 : i32
        %dma_wait3A_403 = arith.constant 0 : i32
        %dma_wait3A_404 = arith.constant 0 : i32
        %dma_wait3A_405 = tpu.memref_slice %arg8[%dma_wait3A_401, %dma_wait3A_402, %dma_wait3A_403, %dma_wait3A_404] : memref<3x4x8x1024xf32, #tpu.memory_space<vmem>> -> memref<1x1x8x1024xf32, #tpu.memory_space<vmem>>
        %dma_wait3A_406 = tpu.memref_squeeze %dma_wait3A_405 : memref<1x1x8x1024xf32, #tpu.memory_space<vmem>> -> memref<8x1024xf32, #tpu.memory_space<vmem>>
        %dma_wait3A_407 = tpu.memref_slice %arg6[%dma_wait3A_400, %mul3A_350] : memref<4x64xi32, #tpu.memory_space<vmem>> -> memref<1x8xi32, #tpu.memory_space<vmem>>
        %dma_wait3A_408 = tpu.memref_squeeze %dma_wait3A_407 : memref<1x8xi32, #tpu.memory_space<vmem>> -> memref<8xi32, #tpu.memory_space<vmem>>
        %dma_wait3A_409 = arith.constant 0 : i32
        %dma_wait3A_410 = arith.constant 0 : i32
        %dma_wait3A_411 = tpu.memref_slice %arg3[%dma_wait3A_409, %dma_wait3A_410] : memref<100000x1024xf32, #tpu.memory_space<hbm>> -> memref<100000x1024xf32, #tpu.memory_space<hbm>>
        tpu.wait_indirect_dma semaphore(%arg9 : memref<!tpu.dma_semaphore, #tpu.memory_space<semaphore_mem>>) src(%dma_wait3A_411 : memref<100000x1024xf32, #tpu.memory_space<hbm>>) dst(%dma_wait3A_406 : memref<8x1024xf32, #tpu.memory_space<vmem>>)
      } else {
      }
      %eq3A_301 = arith.constant 1 : i32
      %eq3A_302 = arith.cmpi eq, %rem3A_298, %eq3A_301 : i32
      %convert_element_type3A_303 = arith.extui %eq3A_302 : i1 to i32
      %cond3A_304 = arith.constant 0 : i32
      %cond3A_305 = arith.cmpi ne, %convert_element_type3A_303, %cond3A_304 : i32
      scf.if %cond3A_305 {
        %mul3A_340 = arith.constant 8 : i32
        %mul3A_341 = arith.muli %scan3A_297, %mul3A_340 : i32
        %add3A_342 = arith.addi %mul3A_2, %mul3A_341 : i32
        %mul3A_343 = arith.constant 8 : i32
        %mul3A_344 = arith.muli %scan3A_297, %mul3A_343 : i32
        %mul3A_345 = arith.constant 8 : i32
        %mul3A_346 = arith.muli %scan3A_297, %mul3A_345 : i32
        %mul3A_347 = arith.constant 8 : i32
        %mul3A_348 = arith.muli %scan3A_297, %mul3A_347 : i32
        %mul3A_349 = arith.constant 8 : i32
        %mul3A_350 = arith.muli %scan3A_297, %mul3A_349 : i32
        %dma_wait3A_351 = arith.constant 1 : i32
        %dma_wait3A_352 = arith.constant 0 : i32
        %dma_wait3A_353 = arith.constant 0 : i32
        %dma_wait3A_354 = tpu.memref_slice %arg7[%dma_wait3A_351, %dma_wait3A_352, %dma_wait3A_353] : memref<3x8x1024xf32, #tpu.memory_space<vmem>> -> memref<1x8x1024xf32, #tpu.memory_space<vmem>>
        %dma_wait3A_355 = tpu.memref_squeeze %dma_wait3A_354 : memref<1x8x1024xf32, #tpu.memory_space<vmem>> -> memref<8x1024xf32, #tpu.memory_space<vmem>>
        %dma_wait3A_356 = arith.constant 0 : i32
        %dma_wait3A_357 = tpu.memref_slice %arg4[%add3A_342, %dma_wait3A_356] : memref<2048x1024xf32, #tpu.memory_space<hbm>> -> memref<8x1024xf32, #tpu.memory_space<hbm>>
        %dma_wait3A_358 = arith.constant 0 : i32
        %dma_wait3A_359 = arith.constant 0 : i32
        %dma_wait3A_360 = tpu.memref_slice %arg7[%dma_wait3A_351, %dma_wait3A_358, %dma_wait3A_359] : memref<3x8x1024xf32, #tpu.memory_space<vmem>> -> memref<1x8x1024xf32, #tpu.memory_space<vmem>>
        %dma_wait3A_361 = tpu.memref_squeeze %dma_wait3A_360 : memref<1x8x1024xf32, #tpu.memory_space<vmem>> -> memref<8x1024xf32, #tpu.memory_space<vmem>>
        %dma_wait3A_362 = arith.constant 0 : i32
        %dma_wait3A_363 = tpu.memref_slice %arg4[%add3A_342, %dma_wait3A_362] : memref<2048x1024xf32, #tpu.memory_space<hbm>> -> memref<8x1024xf32, #tpu.memory_space<hbm>>
        tpu.wait_dma2 semaphore(%arg10 : memref<!tpu.dma_semaphore, #tpu.memory_space<semaphore_mem>>) src(%dma_wait3A_363 : memref<8x1024xf32, #tpu.memory_space<hbm>>) dst(%dma_wait3A_361 : memref<8x1024xf32, #tpu.memory_space<vmem>>)
        %dma_wait3A_364 = arith.constant 0 : i32
        %dma_wait3A_365 = arith.constant 1 : i32
        %dma_wait3A_366 = arith.constant 0 : i32
        %dma_wait3A_367 = arith.constant 0 : i32
        %dma_wait3A_368 = arith.constant 0 : i32
        %dma_wait3A_369 = tpu.memref_slice %arg8[%dma_wait3A_365, %dma_wait3A_366, %dma_wait3A_367, %dma_wait3A_368] : memref<3x4x8x1024xf32, #tpu.memory_space<vmem>> -> memref<1x1x8x1024xf32, #tpu.memory_space<vmem>>
        %dma_wait3A_370 = tpu.memref_squeeze %dma_wait3A_369 : memref<1x1x8x1024xf32, #tpu.memory_space<vmem>> -> memref<8x1024xf32, #tpu.memory_space<vmem>>
        %dma_wait3A_371 = tpu.memref_slice %arg6[%dma_wait3A_364, %mul3A_344] : memref<4x64xi32, #tpu.memory_space<vmem>> -> memref<1x8xi32, #tpu.memory_space<vmem>>
        %dma_wait3A_372 = tpu.memref_squeeze %dma_wait3A_371 : memref<1x8xi32, #tpu.memory_space<vmem>> -> memref<8xi32, #tpu.memory_space<vmem>>
        %dma_wait3A_373 = arith.constant 0 : i32
        %dma_wait3A_374 = arith.constant 0 : i32
        %dma_wait3A_375 = tpu.memref_slice %arg3[%dma_wait3A_373, %dma_wait3A_374] : memref<100000x1024xf32, #tpu.memory_space<hbm>> -> memref<100000x1024xf32, #tpu.memory_space<hbm>>
        tpu.wait_indirect_dma semaphore(%arg10 : memref<!tpu.dma_semaphore, #tpu.memory_space<semaphore_mem>>) src(%dma_wait3A_375 : memref<100000x1024xf32, #tpu.memory_space<hbm>>) dst(%dma_wait3A_370 : memref<8x1024xf32, #tpu.memory_space<vmem>>)
        %dma_wait3A_376 = arith.constant 1 : i32
        %dma_wait3A_377 = arith.constant 1 : i32
        %dma_wait3A_378 = arith.constant 1 : i32
        %dma_wait3A_379 = arith.constant 0 : i32
        %dma_wait3A_380 = arith.constant 0 : i32
        %dma_wait3A_381 = tpu.memref_slice %arg8[%dma_wait3A_377, %dma_wait3A_378, %dma_wait3A_379, %dma_wait3A_380] : memref<3x4x8x1024xf32, #tpu.memory_space<vmem>> -> memref<1x1x8x1024xf32, #tpu.memory_space<vmem>>
        %dma_wait3A_382 = tpu.memref_squeeze %dma_wait3A_381 : memref<1x1x8x1024xf32, #tpu.memory_space<vmem>> -> memref<8x1024xf32, #tpu.memory_space<vmem>>
        %dma_wait3A_383 = tpu.memref_slice %arg6[%dma_wait3A_376, %mul3A_346] : memref<4x64xi32, #tpu.memory_space<vmem>> -> memref<1x8xi32, #tpu.memory_space<vmem>>
        %dma_wait3A_384 = tpu.memref_squeeze %dma_wait3A_383 : memref<1x8xi32, #tpu.memory_space<vmem>> -> memref<8xi32, #tpu.memory_space<vmem>>
        %dma_wait3A_385 = arith.constant 0 : i32
        %dma_wait3A_386 = arith.constant 0 : i32
        %dma_wait3A_387 = tpu.memref_slice %arg3[%dma_wait3A_385, %dma_wait3A_386] : memref<100000x1024xf32, #tpu.memory_space<hbm>> -> memref<100000x1024xf32, #tpu.memory_space<hbm>>
        tpu.wait_indirect_dma semaphore(%arg10 : memref<!tpu.dma_semaphore, #tpu.memory_space<semaphore_mem>>) src(%dma_wait3A_387 : memref<100000x1024xf32, #tpu.memory_space<hbm>>) dst(%dma_wait3A_382 : memref<8x1024xf32, #tpu.memory_space<vmem>>)
        %dma_wait3A_388 = arith.constant 2 : i32
        %dma_wait3A_389 = arith.constant 1 : i32
        %dma_wait3A_390 = arith.constant 2 : i32
        %dma_wait3A_391 = arith.constant 0 : i32
        %dma_wait3A_392 = arith.constant 0 : i32
        %dma_wait3A_393 = tpu.memref_slice %arg8[%dma_wait3A_389, %dma_wait3A_390, %dma_wait3A_391, %dma_wait3A_392] : memref<3x4x8x1024xf32, #tpu.memory_space<vmem>> -> memref<1x1x8x1024xf32, #tpu.memory_space<vmem>>
        %dma_wait3A_394 = tpu.memref_squeeze %dma_wait3A_393 : memref<1x1x8x1024xf32, #tpu.memory_space<vmem>> -> memref<8x1024xf32, #tpu.memory_space<vmem>>
        %dma_wait3A_395 = tpu.memref_slice %arg6[%dma_wait3A_388, %mul3A_348] : memref<4x64xi32, #tpu.memory_space<vmem>> -> memref<1x8xi32, #tpu.memory_space<vmem>>
        %dma_wait3A_396 = tpu.memref_squeeze %dma_wait3A_395 : memref<1x8xi32, #tpu.memory_space<vmem>> -> memref<8xi32, #tpu.memory_space<vmem>>
        %dma_wait3A_397 = arith.constant 0 : i32
        %dma_wait3A_398 = arith.constant 0 : i32
        %dma_wait3A_399 = tpu.memref_slice %arg3[%dma_wait3A_397, %dma_wait3A_398] : memref<100000x1024xf32, #tpu.memory_space<hbm>> -> memref<100000x1024xf32, #tpu.memory_space<hbm>>
        tpu.wait_indirect_dma semaphore(%arg10 : memref<!tpu.dma_semaphore, #tpu.memory_space<semaphore_mem>>) src(%dma_wait3A_399 : memref<100000x1024xf32, #tpu.memory_space<hbm>>) dst(%dma_wait3A_394 : memref<8x1024xf32, #tpu.memory_space<vmem>>)
        %dma_wait3A_400 = arith.constant 3 : i32
        %dma_wait3A_401 = arith.constant 1 : i32
        %dma_wait3A_402 = arith.constant 3 : i32
        %dma_wait3A_403 = arith.constant 0 : i32
        %dma_wait3A_404 = arith.constant 0 : i32
        %dma_wait3A_405 = tpu.memref_slice %arg8[%dma_wait3A_401, %dma_wait3A_402, %dma_wait3A_403, %dma_wait3A_404] : memref<3x4x8x1024xf32, #tpu.memory_space<vmem>> -> memref<1x1x8x1024xf32, #tpu.memory_space<vmem>>
        %dma_wait3A_406 = tpu.memref_squeeze %dma_wait3A_405 : memref<1x1x8x1024xf32, #tpu.memory_space<vmem>> -> memref<8x1024xf32, #tpu.memory_space<vmem>>
        %dma_wait3A_407 = tpu.memref_slice %arg6[%dma_wait3A_400, %mul3A_350] : memref<4x64xi32, #tpu.memory_space<vmem>> -> memref<1x8xi32, #tpu.memory_space<vmem>>
        %dma_wait3A_408 = tpu.memref_squeeze %dma_wait3A_407 : memref<1x8xi32, #tpu.memory_space<vmem>> -> memref<8xi32, #tpu.memory_space<vmem>>
        %dma_wait3A_409 = arith.constant 0 : i32
        %dma_wait3A_410 = arith.constant 0 : i32
        %dma_wait3A_411 = tpu.memref_slice %arg3[%dma_wait3A_409, %dma_wait3A_410] : memref<100000x1024xf32, #tpu.memory_space<hbm>> -> memref<100000x1024xf32, #tpu.memory_space<hbm>>
        tpu.wait_indirect_dma semaphore(%arg10 : memref<!tpu.dma_semaphore, #tpu.memory_space<semaphore_mem>>) src(%dma_wait3A_411 : memref<100000x1024xf32, #tpu.memory_space<hbm>>) dst(%dma_wait3A_406 : memref<8x1024xf32, #tpu.memory_space<vmem>>)
      } else {
      }
      %eq3A_306 = arith.constant 2 : i32
      %eq3A_307 = arith.cmpi eq, %rem3A_298, %eq3A_306 : i32
      %convert_element_type3A_308 = arith.extui %eq3A_307 : i1 to i32
      %cond3A_309 = arith.constant 0 : i32
      %cond3A_310 = arith.cmpi ne, %convert_element_type3A_308, %cond3A_309 : i32
      scf.if %cond3A_310 {
        %mul3A_340 = arith.constant 8 : i32
        %mul3A_341 = arith.muli %scan3A_297, %mul3A_340 : i32
        %add3A_342 = arith.addi %mul3A_2, %mul3A_341 : i32
        %mul3A_343 = arith.constant 8 : i32
        %mul3A_344 = arith.muli %scan3A_297, %mul3A_343 : i32
        %mul3A_345 = arith.constant 8 : i32
        %mul3A_346 = arith.muli %scan3A_297, %mul3A_345 : i32
        %mul3A_347 = arith.constant 8 : i32
        %mul3A_348 = arith.muli %scan3A_297, %mul3A_347 : i32
        %mul3A_349 = arith.constant 8 : i32
        %mul3A_350 = arith.muli %scan3A_297, %mul3A_349 : i32
        %dma_wait3A_351 = arith.constant 2 : i32
        %dma_wait3A_352 = arith.constant 0 : i32
        %dma_wait3A_353 = arith.constant 0 : i32
        %dma_wait3A_354 = tpu.memref_slice %arg7[%dma_wait3A_351, %dma_wait3A_352, %dma_wait3A_353] : memref<3x8x1024xf32, #tpu.memory_space<vmem>> -> memref<1x8x1024xf32, #tpu.memory_space<vmem>>
        %dma_wait3A_355 = tpu.memref_squeeze %dma_wait3A_354 : memref<1x8x1024xf32, #tpu.memory_space<vmem>> -> memref<8x1024xf32, #tpu.memory_space<vmem>>
        %dma_wait3A_356 = arith.constant 0 : i32
        %dma_wait3A_357 = tpu.memref_slice %arg4[%add3A_342, %dma_wait3A_356] : memref<2048x1024xf32, #tpu.memory_space<hbm>> -> memref<8x1024xf32, #tpu.memory_space<hbm>>
        %dma_wait3A_358 = arith.constant 0 : i32
        %dma_wait3A_359 = arith.constant 0 : i32
        %dma_wait3A_360 = tpu.memref_slice %arg7[%dma_wait3A_351, %dma_wait3A_358, %dma_wait3A_359] : memref<3x8x1024xf32, #tpu.memory_space<vmem>> -> memref<1x8x1024xf32, #tpu.memory_space<vmem>>
        %dma_wait3A_361 = tpu.memref_squeeze %dma_wait3A_360 : memref<1x8x1024xf32, #tpu.memory_space<vmem>> -> memref<8x1024xf32, #tpu.memory_space<vmem>>
        %dma_wait3A_362 = arith.constant 0 : i32
        %dma_wait3A_363 = tpu.memref_slice %arg4[%add3A_342, %dma_wait3A_362] : memref<2048x1024xf32, #tpu.memory_space<hbm>> -> memref<8x1024xf32, #tpu.memory_space<hbm>>
        tpu.wait_dma2 semaphore(%arg11 : memref<!tpu.dma_semaphore, #tpu.memory_space<semaphore_mem>>) src(%dma_wait3A_363 : memref<8x1024xf32, #tpu.memory_space<hbm>>) dst(%dma_wait3A_361 : memref<8x1024xf32, #tpu.memory_space<vmem>>)
        %dma_wait3A_364 = arith.constant 0 : i32
        %dma_wait3A_365 = arith.constant 2 : i32
        %dma_wait3A_366 = arith.constant 0 : i32
        %dma_wait3A_367 = arith.constant 0 : i32
        %dma_wait3A_368 = arith.constant 0 : i32
        %dma_wait3A_369 = tpu.memref_slice %arg8[%dma_wait3A_365, %dma_wait3A_366, %dma_wait3A_367, %dma_wait3A_368] : memref<3x4x8x1024xf32, #tpu.memory_space<vmem>> -> memref<1x1x8x1024xf32, #tpu.memory_space<vmem>>
        %dma_wait3A_370 = tpu.memref_squeeze %dma_wait3A_369 : memref<1x1x8x1024xf32, #tpu.memory_space<vmem>> -> memref<8x1024xf32, #tpu.memory_space<vmem>>
        %dma_wait3A_371 = tpu.memref_slice %arg6[%dma_wait3A_364, %mul3A_344] : memref<4x64xi32, #tpu.memory_space<vmem>> -> memref<1x8xi32, #tpu.memory_space<vmem>>
        %dma_wait3A_372 = tpu.memref_squeeze %dma_wait3A_371 : memref<1x8xi32, #tpu.memory_space<vmem>> -> memref<8xi32, #tpu.memory_space<vmem>>
        %dma_wait3A_373 = arith.constant 0 : i32
        %dma_wait3A_374 = arith.constant 0 : i32
        %dma_wait3A_375 = tpu.memref_slice %arg3[%dma_wait3A_373, %dma_wait3A_374] : memref<100000x1024xf32, #tpu.memory_space<hbm>> -> memref<100000x1024xf32, #tpu.memory_space<hbm>>
        tpu.wait_indirect_dma semaphore(%arg11 : memref<!tpu.dma_semaphore, #tpu.memory_space<semaphore_mem>>) src(%dma_wait3A_375 : memref<100000x1024xf32, #tpu.memory_space<hbm>>) dst(%dma_wait3A_370 : memref<8x1024xf32, #tpu.memory_space<vmem>>)
        %dma_wait3A_376 = arith.constant 1 : i32
        %dma_wait3A_377 = arith.constant 2 : i32
        %dma_wait3A_378 = arith.constant 1 : i32
        %dma_wait3A_379 = arith.constant 0 : i32
        %dma_wait3A_380 = arith.constant 0 : i32
        %dma_wait3A_381 = tpu.memref_slice %arg8[%dma_wait3A_377, %dma_wait3A_378, %dma_wait3A_379, %dma_wait3A_380] : memref<3x4x8x1024xf32, #tpu.memory_space<vmem>> -> memref<1x1x8x1024xf32, #tpu.memory_space<vmem>>
        %dma_wait3A_382 = tpu.memref_squeeze %dma_wait3A_381 : memref<1x1x8x1024xf32, #tpu.memory_space<vmem>> -> memref<8x1024xf32, #tpu.memory_space<vmem>>
        %dma_wait3A_383 = tpu.memref_slice %arg6[%dma_wait3A_376, %mul3A_346] : memref<4x64xi32, #tpu.memory_space<vmem>> -> memref<1x8xi32, #tpu.memory_space<vmem>>
        %dma_wait3A_384 = tpu.memref_squeeze %dma_wait3A_383 : memref<1x8xi32, #tpu.memory_space<vmem>> -> memref<8xi32, #tpu.memory_space<vmem>>
        %dma_wait3A_385 = arith.constant 0 : i32
        %dma_wait3A_386 = arith.constant 0 : i32
        %dma_wait3A_387 = tpu.memref_slice %arg3[%dma_wait3A_385, %dma_wait3A_386] : memref<100000x1024xf32, #tpu.memory_space<hbm>> -> memref<100000x1024xf32, #tpu.memory_space<hbm>>
        tpu.wait_indirect_dma semaphore(%arg11 : memref<!tpu.dma_semaphore, #tpu.memory_space<semaphore_mem>>) src(%dma_wait3A_387 : memref<100000x1024xf32, #tpu.memory_space<hbm>>) dst(%dma_wait3A_382 : memref<8x1024xf32, #tpu.memory_space<vmem>>)
        %dma_wait3A_388 = arith.constant 2 : i32
        %dma_wait3A_389 = arith.constant 2 : i32
        %dma_wait3A_390 = arith.constant 2 : i32
        %dma_wait3A_391 = arith.constant 0 : i32
        %dma_wait3A_392 = arith.constant 0 : i32
        %dma_wait3A_393 = tpu.memref_slice %arg8[%dma_wait3A_389, %dma_wait3A_390, %dma_wait3A_391, %dma_wait3A_392] : memref<3x4x8x1024xf32, #tpu.memory_space<vmem>> -> memref<1x1x8x1024xf32, #tpu.memory_space<vmem>>
        %dma_wait3A_394 = tpu.memref_squeeze %dma_wait3A_393 : memref<1x1x8x1024xf32, #tpu.memory_space<vmem>> -> memref<8x1024xf32, #tpu.memory_space<vmem>>
        %dma_wait3A_395 = tpu.memref_slice %arg6[%dma_wait3A_388, %mul3A_348] : memref<4x64xi32, #tpu.memory_space<vmem>> -> memref<1x8xi32, #tpu.memory_space<vmem>>
        %dma_wait3A_396 = tpu.memref_squeeze %dma_wait3A_395 : memref<1x8xi32, #tpu.memory_space<vmem>> -> memref<8xi32, #tpu.memory_space<vmem>>
        %dma_wait3A_397 = arith.constant 0 : i32
        %dma_wait3A_398 = arith.constant 0 : i32
        %dma_wait3A_399 = tpu.memref_slice %arg3[%dma_wait3A_397, %dma_wait3A_398] : memref<100000x1024xf32, #tpu.memory_space<hbm>> -> memref<100000x1024xf32, #tpu.memory_space<hbm>>
        tpu.wait_indirect_dma semaphore(%arg11 : memref<!tpu.dma_semaphore, #tpu.memory_space<semaphore_mem>>) src(%dma_wait3A_399 : memref<100000x1024xf32, #tpu.memory_space<hbm>>) dst(%dma_wait3A_394 : memref<8x1024xf32, #tpu.memory_space<vmem>>)
        %dma_wait3A_400 = arith.constant 3 : i32
        %dma_wait3A_401 = arith.constant 2 : i32
        %dma_wait3A_402 = arith.constant 3 : i32
        %dma_wait3A_403 = arith.constant 0 : i32
        %dma_wait3A_404 = arith.constant 0 : i32
        %dma_wait3A_405 = tpu.memref_slice %arg8[%dma_wait3A_401, %dma_wait3A_402, %dma_wait3A_403, %dma_wait3A_404] : memref<3x4x8x1024xf32, #tpu.memory_space<vmem>> -> memref<1x1x8x1024xf32, #tpu.memory_space<vmem>>
        %dma_wait3A_406 = tpu.memref_squeeze %dma_wait3A_405 : memref<1x1x8x1024xf32, #tpu.memory_space<vmem>> -> memref<8x1024xf32, #tpu.memory_space<vmem>>
        %dma_wait3A_407 = tpu.memref_slice %arg6[%dma_wait3A_400, %mul3A_350] : memref<4x64xi32, #tpu.memory_space<vmem>> -> memref<1x8xi32, #tpu.memory_space<vmem>>
        %dma_wait3A_408 = tpu.memref_squeeze %dma_wait3A_407 : memref<1x8xi32, #tpu.memory_space<vmem>> -> memref<8xi32, #tpu.memory_space<vmem>>
        %dma_wait3A_409 = arith.constant 0 : i32
        %dma_wait3A_410 = arith.constant 0 : i32
        %dma_wait3A_411 = tpu.memref_slice %arg3[%dma_wait3A_409, %dma_wait3A_410] : memref<100000x1024xf32, #tpu.memory_space<hbm>> -> memref<100000x1024xf32, #tpu.memory_space<hbm>>
        tpu.wait_indirect_dma semaphore(%arg11 : memref<!tpu.dma_semaphore, #tpu.memory_space<semaphore_mem>>) src(%dma_wait3A_411 : memref<100000x1024xf32, #tpu.memory_space<hbm>>) dst(%dma_wait3A_406 : memref<8x1024xf32, #tpu.memory_space<vmem>>)
      } else {
      }
      %scan3A_311 = arith.constant 0 : i32
      %scan3A_312 = arith.constant 0 : i32
      %scan3A_313 = arith.constant 8 : i32
      %scan3A_314 = arith.addi %scan3A_312, %scan3A_313 : i32
      %scan3A_315 = arith.constant 1 : i32
      scf.for %scan3A_340 = %scan3A_312 to %scan3A_314 step %scan3A_315  : i32 {
        %get3A = arith.index_cast %rem3A_298 : i32 to index
        %get3A_341 = arith.index_cast %scan3A_340 : i32 to index
        %get3A_342 = arith.constant 0 : index
        %get3A_343 = tpu.vector_load %arg7[%get3A, %get3A_341, %get3A_342] {strides = array<i32>} : memref<3x8x1024xf32, #tpu.memory_space<vmem>>, vector<1x1x16xf32>,
        %get3A_344 = vector.shape_cast %get3A_343 : vector<1x1x16xf32> to vector<16xf32>
        %swap3A = arith.constant 0 : i32
        %swap3A_345 = arith.index_cast %rem3A_298 : i32 to index
        %swap3A_346 = arith.index_cast %swap3A : i32 to index
        %swap3A_347 = arith.index_cast %scan3A_340 : i32 to index
        %swap3A_348 = arith.constant 0 : index
        %swap3A_349 = tpu.vector_load %arg8[%swap3A_345, %swap3A_346, %swap3A_347, %swap3A_348] {strides = array<i32>} : memref<3x4x8x1024xf32, #tpu.memory_space<vmem>>, vector<1x1x1x16xf32>,
        %swap3A_350 = vector.shape_cast %swap3A_349 : vector<1x1x1x16xf32> to vector<16xf32>
        %swap3A_351 = vector.shape_cast %get3A_344 : vector<16xf32> to vector<1x1x1x16xf32>
        tpu.vector_store %arg8[%swap3A_345, %swap3A_346, %swap3A_347, %swap3A_348], %swap3A_351 {add = true, strides = array<i32>} : memref<3x4x8x1024xf32, #tpu.memory_space<vmem>>, vector<1x1x1x16xf32>,
        %swap3A_352 = arith.constant 1 : i32
        %swap3A_353 = arith.index_cast %rem3A_298 : i32 to index
        %swap3A_354 = arith.index_cast %swap3A_352 : i32 to index
        %swap3A_355 = arith.index_cast %scan3A_340 : i32 to index
        %swap3A_356 = arith.constant 0 : index
        %swap3A_357 = tpu.vector_load %arg8[%swap3A_353, %swap3A_354, %swap3A_355, %swap3A_356] {strides = array<i32>} : memref<3x4x8x1024xf32, #tpu.memory_space<vmem>>, vector<1x1x1x16xf32>,
        %swap3A_358 = vector.shape_cast %swap3A_357 : vector<1x1x1x16xf32> to vector<16xf32>
        %swap3A_359 = vector.shape_cast %get3A_344 : vector<16xf32> to vector<1x1x1x16xf32>
        tpu.vector_store %arg8[%swap3A_353, %swap3A_354, %swap3A_355, %swap3A_356], %swap3A_359 {add = true, strides = array<i32>} : memref<3x4x8x1024xf32, #tpu.memory_space<vmem>>, vector<1x1x1x16xf32>,
        %swap3A_360 = arith.constant 2 : i32
        %swap3A_361 = arith.index_cast %rem3A_298 : i32 to index
        %swap3A_362 = arith.index_cast %swap3A_360 : i32 to index
        %swap3A_363 = arith.index_cast %scan3A_340 : i32 to index
        %swap3A_364 = arith.constant 0 : index
        %swap3A_365 = tpu.vector_load %arg8[%swap3A_361, %swap3A_362, %swap3A_363, %swap3A_364] {strides = array<i32>} : memref<3x4x8x1024xf32, #tpu.memory_space<vmem>>, vector<1x1x1x16xf32>,
        %swap3A_366 = vector.shape_cast %swap3A_365 : vector<1x1x1x16xf32> to vector<16xf32>
        %swap3A_367 = vector.shape_cast %get3A_344 : vector<16xf32> to vector<1x1x1x16xf32>
        tpu.vector_store %arg8[%swap3A_361, %swap3A_362, %swap3A_363, %swap3A_364], %swap3A_367 {add = true, strides = array<i32>} : memref<3x4x8x1024xf32, #tpu.memory_space<vmem>>, vector<1x1x1x16xf32>,
        %swap3A_368 = arith.constant 3 : i32
        %swap3A_369 = arith.index_cast %rem3A_298 : i32 to index
        %swap3A_370 = arith.index_cast %swap3A_368 : i32 to index
        %swap3A_371 = arith.index_cast %scan3A_340 : i32 to index
        %swap3A_372 = arith.constant 0 : index
        %swap3A_373 = tpu.vector_load %arg8[%swap3A_369, %swap3A_370, %swap3A_371, %swap3A_372] {strides = array<i32>} : memref<3x4x8x1024xf32, #tpu.memory_space<vmem>>, vector<1x1x1x16xf32>,
        %swap3A_374 = vector.shape_cast %swap3A_373 : vector<1x1x1x16xf32> to vector<16xf32>
        %swap3A_375 = vector.shape_cast %get3A_344 : vector<16xf32> to vector<1x1x1x16xf32>
        tpu.vector_store %arg8[%swap3A_369, %swap3A_370, %swap3A_371, %swap3A_372], %swap3A_375 {add = true, strides = array<i32>} : memref<3x4x8x1024xf32, #tpu.memory_space<vmem>>, vector<1x1x1x16xf32>,
        %get3A_376 = arith.index_cast %rem3A_298 : i32 to index
        %get3A_377 = arith.index_cast %scan3A_340 : i32 to index
        %get3A_378 = arith.constant 16 : index
        %get3A_379 = tpu.vector_load %arg7[%get3A_376, %get3A_377, %get3A_378] {strides = array<i32>} : memref<3x8x1024xf32, #tpu.memory_space<vmem>>, vector<1x1x16xf32>,
        %get3A_380 = vector.shape_cast %get3A_379 : vector<1x1x16xf32> to vector<16xf32>
        %swap3A_381 = arith.constant 0 : i32
        %swap3A_382 = arith.index_cast %rem3A_298 : i32 to index
        %swap3A_383 = arith.index_cast %swap3A_381 : i32 to index
        %swap3A_384 = arith.index_cast %scan3A_340 : i32 to index
        %swap3A_385 = arith.constant 16 : index
        %swap3A_386 = tpu.vector_load %arg8[%swap3A_382, %swap3A_383, %swap3A_384, %swap3A_385] {strides = array<i32>} : memref<3x4x8x1024xf32, #tpu.memory_space<vmem>>, vector<1x1x1x16xf32>,
        %swap3A_387 = vector.shape_cast %swap3A_386 : vector<1x1x1x16xf32> to vector<16xf32>
        %swap3A_388 = vector.shape_cast %get3A_380 : vector<16xf32> to vector<1x1x1x16xf32>
        tpu.vector_store %arg8[%swap3A_382, %swap3A_383, %swap3A_384, %swap3A_385], %swap3A_388 {add = true, strides = array<i32>} : memref<3x4x8x1024xf32, #tpu.memory_space<vmem>>, vector<1x1x1x16xf32>,
        %swap3A_389 = arith.constant 1 : i32
        %swap3A_390 = arith.index_cast %rem3A_298 : i32 to index
        %swap3A_391 = arith.index_cast %swap3A_389 : i32 to index
        %swap3A_392 = arith.index_cast %scan3A_340 : i32 to index
        %swap3A_393 = arith.constant 16 : index
        %swap3A_394 = tpu.vector_load %arg8[%swap3A_390, %swap3A_391, %swap3A_392, %swap3A_393] {strides = array<i32>} : memref<3x4x8x1024xf32, #tpu.memory_space<vmem>>, vector<1x1x1x16xf32>,
        %swap3A_395 = vector.shape_cast %swap3A_394 : vector<1x1x1x16xf32> to vector<16xf32>
        %swap3A_396 = vector.shape_cast %get3A_380 : vector<16xf32> to vector<1x1x1x16xf32>
        tpu.vector_store %arg8[%swap3A_390, %swap3A_391, %swap3A_392, %swap3A_393], %swap3A_396 {add = true, strides = array<i32>} : memref<3x4x8x1024xf32, #tpu.memory_space<vmem>>, vector<1x1x1x16xf32>,
        %swap3A_397 = arith.constant 2 : i32
        %swap3A_398 = arith.index_cast %rem3A_298 : i32 to index
        %swap3A_399 = arith.index_cast %swap3A_397 : i32 to index
        %swap3A_400 = arith.index_cast %scan3A_340 : i32 to index
        %swap3A_401 = arith.constant 16 : index
        %swap3A_402 = tpu.vector_load %arg8[%swap3A_398, %swap3A_399, %swap3A_400, %swap3A_401] {strides = array<i32>} : memref<3x4x8x1024xf32, #tpu.memory_space<vmem>>, vector<1x1x1x16xf32>,
        %swap3A_403 = vector.shape_cast %swap3A_402 : vector<1x1x1x16xf32> to vector<16xf32>
        %swap3A_404 = vector.shape_cast %get3A_380 : vector<16xf32> to vector<1x1x1x16xf32>
        tpu.vector_store %arg8[%swap3A_398, %swap3A_399, %swap3A_400, %swap3A_401], %swap3A_404 {add = true, strides = array<i32>} : memref<3x4x8x1024xf32, #tpu.memory_space<vmem>>, vector<1x1x1x16xf32>,
        %swap3A_405 = arith.constant 3 : i32
        %swap3A_406 = arith.index_cast %rem3A_298 : i32 to index
        %swap3A_407 = arith.index_cast %swap3A_405 : i32 to index
        %swap3A_408 = arith.index_cast %scan3A_340 : i32 to index
        %swap3A_409 = arith.constant 16 : index
        %swap3A_410 = tpu.vector_load %arg8[%swap3A_406, %swap3A_407, %swap3A_408, %swap3A_409] {strides = array<i32>} : memref<3x4x8x1024xf32, #tpu.memory_space<vmem>>, vector<1x1x1x16xf32>,
        %swap3A_411 = vector.shape_cast %swap3A_410 : vector<1x1x1x16xf32> to vector<16xf32>
        %swap3A_412 = vector.shape_cast %get3A_380 : vector<16xf32> to vector<1x1x1x16xf32>
        tpu.vector_store %arg8[%swap3A_406, %swap3A_407, %swap3A_408, %swap3A_409], %swap3A_412 {add = true, strides = array<i32>} : memref<3x4x8x1024xf32, #tpu.memory_space<vmem>>, vector<1x1x1x16xf32>,
        %get3A_413 = arith.index_cast %rem3A_298 : i32 to index
        %get3A_414 = arith.index_cast %scan3A_340 : i32 to index
        %get3A_415 = arith.constant 32 : index
        %get3A_416 = tpu.vector_load %arg7[%get3A_413, %get3A_414, %get3A_415] {strides = array<i32>} : memref<3x8x1024xf32, #tpu.memory_space<vmem>>, vector<1x1x16xf32>,
        %get3A_417 = vector.shape_cast %get3A_416 : vector<1x1x16xf32> to vector<16xf32>
        %swap3A_418 = arith.constant 0 : i32
        %swap3A_419 = arith.index_cast %rem3A_298 : i32 to index
        %swap3A_420 = arith.index_cast %swap3A_418 : i32 to index
        %swap3A_421 = arith.index_cast %scan3A_340 : i32 to index
        %swap3A_422 = arith.constant 32 : index
        %swap3A_423 = tpu.vector_load %arg8[%swap3A_419, %swap3A_420, %swap3A_421, %swap3A_422] {strides = array<i32>} : memref<3x4x8x1024xf32, #tpu.memory_space<vmem>>, vector<1x1x1x16xf32>,
        %swap3A_424 = vector.shape_cast %swap3A_423 : vector<1x1x1x16xf32> to vector<16xf32>
        %swap3A_425 = vector.shape_cast %get3A_417 : vector<16xf32> to vector<1x1x1x16xf32>
        tpu.vector_store %arg8[%swap3A_419, %swap3A_420, %swap3A_421, %swap3A_422], %swap3A_425 {add = true, strides = array<i32>} : memref<3x4x8x1024xf32, #tpu.memory_space<vmem>>, vector<1x1x1x16xf32>,
        %swap3A_426 = arith.constant 1 : i32
        %swap3A_427 = arith.index_cast %rem3A_298 : i32 to index
        %swap3A_428 = arith.index_cast %swap3A_426 : i32 to index
        %swap3A_429 = arith.index_cast %scan3A_340 : i32 to index
        %swap3A_430 = arith.constant 32 : index
        %swap3A_431 = tpu.vector_load %arg8[%swap3A_427, %swap3A_428, %swap3A_429, %swap3A_430] {strides = array<i32>} : memref<3x4x8x1024xf32, #tpu.memory_space<vmem>>, vector<1x1x1x16xf32>,
        %swap3A_432 = vector.shape_cast %swap3A_431 : vector<1x1x1x16xf32> to vector<16xf32>
        %swap3A_433 = vector.shape_cast %get3A_417 : vector<16xf32> to vector<1x1x1x16xf32>
        tpu.vector_store %arg8[%swap3A_427, %swap3A_428, %swap3A_429, %swap3A_430], %swap3A_433 {add = true, strides = array<i32>} : memref<3x4x8x1024xf32, #tpu.memory_space<vmem>>, vector<1x1x1x16xf32>,
        %swap3A_434 = arith.constant 2 : i32
        %swap3A_435 = arith.index_cast %rem3A_298 : i32 to index
        %swap3A_436 = arith.index_cast %swap3A_434 : i32 to index
        %swap3A_437 = arith.index_cast %scan3A_340 : i32 to index
        %swap3A_438 = arith.constant 32 : index
        %swap3A_439 = tpu.vector_load %arg8[%swap3A_435, %swap3A_436, %swap3A_437, %swap3A_438] {strides = array<i32>} : memref<3x4x8x1024xf32, #tpu.memory_space<vmem>>, vector<1x1x1x16xf32>,
        %swap3A_440 = vector.shape_cast %swap3A_439 : vector<1x1x1x16xf32> to vector<16xf32>
        %swap3A_441 = vector.shape_cast %get3A_417 : vector<16xf32> to vector<1x1x1x16xf32>
        tpu.vector_store %arg8[%swap3A_435, %swap3A_436, %swap3A_437, %swap3A_438], %swap3A_441 {add = true, strides = array<i32>} : memref<3x4x8x1024xf32, #tpu.memory_space<vmem>>, vector<1x1x1x16xf32>,
        %swap3A_442 = arith.constant 3 : i32
        %swap3A_443 = arith.index_cast %rem3A_298 : i32 to index
        %swap3A_444 = arith.index_cast %swap3A_442 : i32 to index
        %swap3A_445 = arith.index_cast %scan3A_340 : i32 to index
        %swap3A_446 = arith.constant 32 : index
        %swap3A_447 = tpu.vector_load %arg8[%swap3A_443, %swap3A_444, %swap3A_445, %swap3A_446] {strides = array<i32>} : memref<3x4x8x1024xf32, #tpu.memory_space<vmem>>, vector<1x1x1x16xf32>,
        %swap3A_448 = vector.shape_cast %swap3A_447 : vector<1x1x1x16xf32> to vector<16xf32>
        %swap3A_449 = vector.shape_cast %get3A_417 : vector<16xf32> to vector<1x1x1x16xf32>
        tpu.vector_store %arg8[%swap3A_443, %swap3A_444, %swap3A_445, %swap3A_446], %swap3A_449 {add = true, strides = array<i32>} : memref<3x4x8x1024xf32, #tpu.memory_space<vmem>>, vector<1x1x1x16xf32>,
        %get3A_450 = arith.index_cast %rem3A_298 : i32 to index
        %get3A_451 = arith.index_cast %scan3A_340 : i32 to index
        %get3A_452 = arith.constant 48 : index
        %get3A_453 = tpu.vector_load %arg7[%get3A_450, %get3A_451, %get3A_452] {strides = array<i32>} : memref<3x8x1024xf32, #tpu.memory_space<vmem>>, vector<1x1x16xf32>,
        %get3A_454 = vector.shape_cast %get3A_453 : vector<1x1x16xf32> to vector<16xf32>
        %swap3A_455 = arith.constant 0 : i32
        %swap3A_456 = arith.index_cast %rem3A_298 : i32 to index
        %swap3A_457 = arith.index_cast %swap3A_455 : i32 to index
        %swap3A_458 = arith.index_cast %scan3A_340 : i32 to index
        %swap3A_459 = arith.constant 48 : index
        %swap3A_460 = tpu.vector_load %arg8[%swap3A_456, %swap3A_457, %swap3A_458, %swap3A_459] {strides = array<i32>} : memref<3x4x8x1024xf32, #tpu.memory_space<vmem>>, vector<1x1x1x16xf32>,
        %swap3A_461 = vector.shape_cast %swap3A_460 : vector<1x1x1x16xf32> to vector<16xf32>
        %swap3A_462 = vector.shape_cast %get3A_454 : vector<16xf32> to vector<1x1x1x16xf32>
        tpu.vector_store %arg8[%swap3A_456, %swap3A_457, %swap3A_458, %swap3A_459], %swap3A_462 {add = true, strides = array<i32>} : memref<3x4x8x1024xf32, #tpu.memory_space<vmem>>, vector<1x1x1x16xf32>,
        %swap3A_463 = arith.constant 1 : i32
        %swap3A_464 = arith.index_cast %rem3A_298 : i32 to index
        %swap3A_465 = arith.index_cast %swap3A_463 : i32 to index
        %swap3A_466 = arith.index_cast %scan3A_340 : i32 to index
        %swap3A_467 = arith.constant 48 : index
        %swap3A_468 = tpu.vector_load %arg8[%swap3A_464, %swap3A_465, %swap3A_466, %swap3A_467] {strides = array<i32>} : memref<3x4x8x1024xf32, #tpu.memory_space<vmem>>, vector<1x1x1x16xf32>,
        %swap3A_469 = vector.shape_cast %swap3A_468 : vector<1x1x1x16xf32> to vector<16xf32>
        %swap3A_470 = vector.shape_cast %get3A_454 : vector<16xf32> to vector<1x1x1x16xf32>
        tpu.vector_store %arg8[%swap3A_464, %swap3A_465, %swap3A_466, %swap3A_467], %swap3A_470 {add = true, strides = array<i32>} : memref<3x4x8x1024xf32, #tpu.memory_space<vmem>>, vector<1x1x1x16xf32>,
        %swap3A_471 = arith.constant 2 : i32
        %swap3A_472 = arith.index_cast %rem3A_298 : i32 to index
        %swap3A_473 = arith.index_cast %swap3A_471 : i32 to index
        %swap3A_474 = arith.index_cast %scan3A_340 : i32 to index
        %swap3A_475 = arith.constant 48 : index
        %swap3A_476 = tpu.vector_load %arg8[%swap3A_472, %swap3A_473, %swap3A_474, %swap3A_475] {strides = array<i32>} : memref<3x4x8x1024xf32, #tpu.memory_space<vmem>>, vector<1x1x1x16xf32>,
        %swap3A_477 = vector.shape_cast %swap3A_476 : vector<1x1x1x16xf32> to vector<16xf32>
        %swap3A_478 = vector.shape_cast %get3A_454 : vector<16xf32> to vector<1x1x1x16xf32>
        tpu.vector_store %arg8[%swap3A_472, %swap3A_473, %swap3A_474, %swap3A_475], %swap3A_478 {add = true, strides = array<i32>} : memref<3x4x8x1024xf32, #tpu.memory_space<vmem>>, vector<1x1x1x16xf32>,
        %swap3A_479 = arith.constant 3 : i32
        %swap3A_480 = arith.index_cast %rem3A_298 : i32 to index
        %swap3A_481 = arith.index_cast %swap3A_479 : i32 to index
        %swap3A_482 = arith.index_cast %scan3A_340 : i32 to index
        %swap3A_483 = arith.constant 48 : index
        %swap3A_484 = tpu.vector_load %arg8[%swap3A_480, %swap3A_481, %swap3A_482, %swap3A_483] {strides = array<i32>} : memref<3x4x8x1024xf32, #tpu.memory_space<vmem>>, vector<1x1x1x16xf32>,
        %swap3A_485 = vector.shape_cast %swap3A_484 : vector<1x1x1x16xf32> to vector<16xf32>
        %swap3A_486 = vector.shape_cast %get3A_454 : vector<16xf32> to vector<1x1x1x16xf32>
        tpu.vector_store %arg8[%swap3A_480, %swap3A_481, %swap3A_482, %swap3A_483], %swap3A_486 {add = true, strides = array<i32>} : memref<3x4x8x1024xf32, #tpu.memory_space<vmem>>, vector<1x1x1x16xf32>,
        %get3A_487 = arith.index_cast %rem3A_298 : i32 to index
        %get3A_488 = arith.index_cast %scan3A_340 : i32 to index
        %get3A_489 = arith.constant 64 : index
        %get3A_490 = tpu.vector_load %arg7[%get3A_487, %get3A_488, %get3A_489] {strides = array<i32>} : memref<3x8x1024xf32, #tpu.memory_space<vmem>>, vector<1x1x16xf32>,
        %get3A_491 = vector.shape_cast %get3A_490 : vector<1x1x16xf32> to vector<16xf32>
        %swap3A_492 = arith.constant 0 : i32
        %swap3A_493 = arith.index_cast %rem3A_298 : i32 to index
        %swap3A_494 = arith.index_cast %swap3A_492 : i32 to index
        %swap3A_495 = arith.index_cast %scan3A_340 : i32 to index
        %swap3A_496 = arith.constant 64 : index
        %swap3A_497 = tpu.vector_load %arg8[%swap3A_493, %swap3A_494, %swap3A_495, %swap3A_496] {strides = array<i32>} : memref<3x4x8x1024xf32, #tpu.memory_space<vmem>>, vector<1x1x1x16xf32>,
        %swap3A_498 = vector.shape_cast %swap3A_497 : vector<1x1x1x16xf32> to vector<16xf32>
        %swap3A_499 = vector.shape_cast %get3A_491 : vector<16xf32> to vector<1x1x1x16xf32>
        tpu.vector_store %arg8[%swap3A_493, %swap3A_494, %swap3A_495, %swap3A_496], %swap3A_499 {add = true, strides = array<i32>} : memref<3x4x8x1024xf32, #tpu.memory_space<vmem>>, vector<1x1x1x16xf32>,
        %swap3A_500 = arith.constant 1 : i32
        %swap3A_501 = arith.index_cast %rem3A_298 : i32 to index
        %swap3A_502 = arith.index_cast %swap3A_500 : i32 to index
        %swap3A_503 = arith.index_cast %scan3A_340 : i32 to index
        %swap3A_504 = arith.constant 64 : index
        %swap3A_505 = tpu.vector_load %arg8[%swap3A_501, %swap3A_502, %swap3A_503, %swap3A_504] {strides = array<i32>} : memref<3x4x8x1024xf32, #tpu.memory_space<vmem>>, vector<1x1x1x16xf32>,
        %swap3A_506 = vector.shape_cast %swap3A_505 : vector<1x1x1x16xf32> to vector<16xf32>
        %swap3A_507 = vector.shape_cast %get3A_491 : vector<16xf32> to vector<1x1x1x16xf32>
        tpu.vector_store %arg8[%swap3A_501, %swap3A_502, %swap3A_503, %swap3A_504], %swap3A_507 {add = true, strides = array<i32>} : memref<3x4x8x1024xf32, #tpu.memory_space<vmem>>, vector<1x1x1x16xf32>,
        %swap3A_508 = arith.constant 2 : i32
        %swap3A_509 = arith.index_cast %rem3A_298 : i32 to index
        %swap3A_510 = arith.index_cast %swap3A_508 : i32 to index
        %swap3A_511 = arith.index_cast %scan3A_340 : i32 to index
        %swap3A_512 = arith.constant 64 : index
        %swap3A_513 = tpu.vector_load %arg8[%swap3A_509, %swap3A_510, %swap3A_511, %swap3A_512] {strides = array<i32>} : memref<3x4x8x1024xf32, #tpu.memory_space<vmem>>, vector<1x1x1x16xf32>,
        %swap3A_514 = vector.shape_cast %swap3A_513 : vector<1x1x1x16xf32> to vector<16xf32>
        %swap3A_515 = vector.shape_cast %get3A_491 : vector<16xf32> to vector<1x1x1x16xf32>
        tpu.vector_store %arg8[%swap3A_509, %swap3A_510, %swap3A_511, %swap3A_512], %swap3A_515 {add = true, strides = array<i32>} : memref<3x4x8x1024xf32, #tpu.memory_space<vmem>>, vector<1x1x1x16xf32>,
        %swap3A_516 = arith.constant 3 : i32
        %swap3A_517 = arith.index_cast %rem3A_298 : i32 to index
        %swap3A_518 = arith.index_cast %swap3A_516 : i32 to index
        %swap3A_519 = arith.index_cast %scan3A_340 : i32 to index
        %swap3A_520 = arith.constant 64 : index
        %swap3A_521 = tpu.vector_load %arg8[%swap3A_517, %swap3A_518, %swap3A_519, %swap3A_520] {strides = array<i32>} : memref<3x4x8x1024xf32, #tpu.memory_space<vmem>>, vector<1x1x1x16xf32>,
        %swap3A_522 = vector.shape_cast %swap3A_521 : vector<1x1x1x16xf32> to vector<16xf32>
        %swap3A_523 = vector.shape_cast %get3A_491 : vector<16xf32> to vector<1x1x1x16xf32>
        tpu.vector_store %arg8[%swap3A_517, %swap3A_518, %swap3A_519, %swap3A_520], %swap3A_523 {add = true, strides = array<i32>} : memref<3x4x8x1024xf32, #tpu.memory_space<vmem>>, vector<1x1x1x16xf32>,
        %get3A_524 = arith.index_cast %rem3A_298 : i32 to index
        %get3A_525 = arith.index_cast %scan3A_340 : i32 to index
        %get3A_526 = arith.constant 80 : index
        %get3A_527 = tpu.vector_load %arg7[%get3A_524, %get3A_525, %get3A_526] {strides = array<i32>} : memref<3x8x1024xf32, #tpu.memory_space<vmem>>, vector<1x1x16xf32>,
        %get3A_528 = vector.shape_cast %get3A_527 : vector<1x1x16xf32> to vector<16xf32>
        %swap3A_529 = arith.constant 0 : i32
        %swap3A_530 = arith.index_cast %rem3A_298 : i32 to index
        %swap3A_531 = arith.index_cast %swap3A_529 : i32 to index
        %swap3A_532 = arith.index_cast %scan3A_340 : i32 to index
        %swap3A_533 = arith.constant 80 : index
        %swap3A_534 = tpu.vector_load %arg8[%swap3A_530, %swap3A_531, %swap3A_532, %swap3A_533] {strides = array<i32>} : memref<3x4x8x1024xf32, #tpu.memory_space<vmem>>, vector<1x1x1x16xf32>,
        %swap3A_535 = vector.shape_cast %swap3A_534 : vector<1x1x1x16xf32> to vector<16xf32>
        %swap3A_536 = vector.shape_cast %get3A_528 : vector<16xf32> to vector<1x1x1x16xf32>
        tpu.vector_store %arg8[%swap3A_530, %swap3A_531, %swap3A_532, %swap3A_533], %swap3A_536 {add = true, strides = array<i32>} : memref<3x4x8x1024xf32, #tpu.memory_space<vmem>>, vector<1x1x1x16xf32>,
        %swap3A_537 = arith.constant 1 : i32
        %swap3A_538 = arith.index_cast %rem3A_298 : i32 to index
        %swap3A_539 = arith.index_cast %swap3A_537 : i32 to index
        %swap3A_540 = arith.index_cast %scan3A_340 : i32 to index
        %swap3A_541 = arith.constant 80 : index
        %swap3A_542 = tpu.vector_load %arg8[%swap3A_538, %swap3A_539, %swap3A_540, %swap3A_541] {strides = array<i32>} : memref<3x4x8x1024xf32, #tpu.memory_space<vmem>>, vector<1x1x1x16xf32>,
        %swap3A_543 = vector.shape_cast %swap3A_542 : vector<1x1x1x16xf32> to vector<16xf32>
        %swap3A_544 = vector.shape_cast %get3A_528 : vector<16xf32> to vector<1x1x1x16xf32>
        tpu.vector_store %arg8[%swap3A_538, %swap3A_539, %swap3A_540, %swap3A_541], %swap3A_544 {add = true, strides = array<i32>} : memref<3x4x8x1024xf32, #tpu.memory_space<vmem>>, vector<1x1x1x16xf32>,
        %swap3A_545 = arith.constant 2 : i32
        %swap3A_546 = arith.index_cast %rem3A_298 : i32 to index
        %swap3A_547 = arith.index_cast %swap3A_545 : i32 to index
        %swap3A_548 = arith.index_cast %scan3A_340 : i32 to index
        %swap3A_549 = arith.constant 80 : index
        %swap3A_550 = tpu.vector_load %arg8[%swap3A_546, %swap3A_547, %swap3A_548, %swap3A_549] {strides = array<i32>} : memref<3x4x8x1024xf32, #tpu.memory_space<vmem>>, vector<1x1x1x16xf32>,
        %swap3A_551 = vector.shape_cast %swap3A_550 : vector<1x1x1x16xf32> to vector<16xf32>
        %swap3A_552 = vector.shape_cast %get3A_528 : vector<16xf32> to vector<1x1x1x16xf32>
        tpu.vector_store %arg8[%swap3A_546, %swap3A_547, %swap3A_548, %swap3A_549], %swap3A_552 {add = true, strides = array<i32>} : memref<3x4x8x1024xf32, #tpu.memory_space<vmem>>, vector<1x1x1x16xf32>,
        %swap3A_553 = arith.constant 3 : i32
        %swap3A_554 = arith.index_cast %rem3A_298 : i32 to index
        %swap3A_555 = arith.index_cast %swap3A_553 : i32 to index
        %swap3A_556 = arith.index_cast %scan3A_340 : i32 to index
        %swap3A_557 = arith.constant 80 : index
        %swap3A_558 = tpu.vector_load %arg8[%swap3A_554, %swap3A_555, %swap3A_556, %swap3A_557] {strides = array<i32>} : memref<3x4x8x1024xf32, #tpu.memory_space<vmem>>, vector<1x1x1x16xf32>,
        %swap3A_559 = vector.shape_cast %swap3A_558 : vector<1x1x1x16xf32> to vector<16xf32>
        %swap3A_560 = vector.shape_cast %get3A_528 : vector<16xf32> to vector<1x1x1x16xf32>
        tpu.vector_store %arg8[%swap3A_554, %swap3A_555, %swap3A_556, %swap3A_557], %swap3A_560 {add = true, strides = array<i32>} : memref<3x4x8x1024xf32, #tpu.memory_space<vmem>>, vector<1x1x1x16xf32>,
        %get3A_561 = arith.index_cast %rem3A_298 : i32 to index
        %get3A_562 = arith.index_cast %scan3A_340 : i32 to index
        %get3A_563 = arith.constant 96 : index
        %get3A_564 = tpu.vector_load %arg7[%get3A_561, %get3A_562, %get3A_563] {strides = array<i32>} : memref<3x8x1024xf32, #tpu.memory_space<vmem>>, vector<1x1x16xf32>,
        %get3A_565 = vector.shape_cast %get3A_564 : vector<1x1x16xf32> to vector<16xf32>
        %swap3A_566 = arith.constant 0 : i32
        %swap3A_567 = arith.index_cast %rem3A_298 : i32 to index
        %swap3A_568 = arith.index_cast %swap3A_566 : i32 to index
        %swap3A_569 = arith.index_cast %scan3A_340 : i32 to index
        %swap3A_570 = arith.constant 96 : index
        %swap3A_571 = tpu.vector_load %arg8[%swap3A_567, %swap3A_568, %swap3A_569, %swap3A_570] {strides = array<i32>} : memref<3x4x8x1024xf32, #tpu.memory_space<vmem>>, vector<1x1x1x16xf32>,
        %swap3A_572 = vector.shape_cast %swap3A_571 : vector<1x1x1x16xf32> to vector<16xf32>
        %swap3A_573 = vector.shape_cast %get3A_565 : vector<16xf32> to vector<1x1x1x16xf32>
        tpu.vector_store %arg8[%swap3A_567, %swap3A_568, %swap3A_569, %swap3A_570], %swap3A_573 {add = true, strides = array<i32>} : memref<3x4x8x1024xf32, #tpu.memory_space<vmem>>, vector<1x1x1x16xf32>,
        %swap3A_574 = arith.constant 1 : i32
        %swap3A_575 = arith.index_cast %rem3A_298 : i32 to index
        %swap3A_576 = arith.index_cast %swap3A_574 : i32 to index
        %swap3A_577 = arith.index_cast %scan3A_340 : i32 to index
        %swap3A_578 = arith.constant 96 : index
        %swap3A_579 = tpu.vector_load %arg8[%swap3A_575, %swap3A_576, %swap3A_577, %swap3A_578] {strides = array<i32>} : memref<3x4x8x1024xf32, #tpu.memory_space<vmem>>, vector<1x1x1x16xf32>,
        %swap3A_580 = vector.shape_cast %swap3A_579 : vector<1x1x1x16xf32> to vector<16xf32>
        %swap3A_581 = vector.shape_cast %get3A_565 : vector<16xf32> to vector<1x1x1x16xf32>
        tpu.vector_store %arg8[%swap3A_575, %swap3A_576, %swap3A_577, %swap3A_578], %swap3A_581 {add = true, strides = array<i32>} : memref<3x4x8x1024xf32, #tpu.memory_space<vmem>>, vector<1x1x1x16xf32>,
        %swap3A_582 = arith.constant 2 : i32
        %swap3A_583 = arith.index_cast %rem3A_298 : i32 to index
        %swap3A_584 = arith.index_cast %swap3A_582 : i32 to index
        %swap3A_585 = arith.index_cast %scan3A_340 : i32 to index
        %swap3A_586 = arith.constant 96 : index
        %swap3A_587 = tpu.vector_load %arg8[%swap3A_583, %swap3A_584, %swap3A_585, %swap3A_586] {strides = array<i32>} : memref<3x4x8x1024xf32, #tpu.memory_space<vmem>>, vector<1x1x1x16xf32>,
        %swap3A_588 = vector.shape_cast %swap3A_587 : vector<1x1x1x16xf32> to vector<16xf32>
        %swap3A_589 = vector.shape_cast %get3A_565 : vector<16xf32> to vector<1x1x1x16xf32>
        tpu.vector_store %arg8[%swap3A_583, %swap3A_584, %swap3A_585, %swap3A_586], %swap3A_589 {add = true, strides = array<i32>} : memref<3x4x8x1024xf32, #tpu.memory_space<vmem>>, vector<1x1x1x16xf32>,
        %swap3A_590 = arith.constant 3 : i32
        %swap3A_591 = arith.index_cast %rem3A_298 : i32 to index
        %swap3A_592 = arith.index_cast %swap3A_590 : i32 to index
        %swap3A_593 = arith.index_cast %scan3A_340 : i32 to index
        %swap3A_594 = arith.constant 96 : index
        %swap3A_595 = tpu.vector_load %arg8[%swap3A_591, %swap3A_592, %swap3A_593, %swap3A_594] {strides = array<i32>} : memref<3x4x8x1024xf32, #tpu.memory_space<vmem>>, vector<1x1x1x16xf32>,
        %swap3A_596 = vector.shape_cast %swap3A_595 : vector<1x1x1x16xf32> to vector<16xf32>
        %swap3A_597 = vector.shape_cast %get3A_565 : vector<16xf32> to vector<1x1x1x16xf32>
        tpu.vector_store %arg8[%swap3A_591, %swap3A_592, %swap3A_593, %swap3A_594], %swap3A_597 {add = true, strides = array<i32>} : memref<3x4x8x1024xf32, #tpu.memory_space<vmem>>, vector<1x1x1x16xf32>,
        %get3A_598 = arith.index_cast %rem3A_298 : i32 to index
        %get3A_599 = arith.index_cast %scan3A_340 : i32 to index
        %get3A_600 = arith.constant 112 : index
        %get3A_601 = tpu.vector_load %arg7[%get3A_598, %get3A_599, %get3A_600] {strides = array<i32>} : memref<3x8x1024xf32, #tpu.memory_space<vmem>>, vector<1x1x16xf32>,
        %get3A_602 = vector.shape_cast %get3A_601 : vector<1x1x16xf32> to vector<16xf32>
        %swap3A_603 = arith.constant 0 : i32
        %swap3A_604 = arith.index_cast %rem3A_298 : i32 to index
        %swap3A_605 = arith.index_cast %swap3A_603 : i32 to index
        %swap3A_606 = arith.index_cast %scan3A_340 : i32 to index
        %swap3A_607 = arith.constant 112 : index
        %swap3A_608 = tpu.vector_load %arg8[%swap3A_604, %swap3A_605, %swap3A_606, %swap3A_607] {strides = array<i32>} : memref<3x4x8x1024xf32, #tpu.memory_space<vmem>>, vector<1x1x1x16xf32>,
        %swap3A_609 = vector.shape_cast %swap3A_608 : vector<1x1x1x16xf32> to vector<16xf32>
        %swap3A_610 = vector.shape_cast %get3A_602 : vector<16xf32> to vector<1x1x1x16xf32>
        tpu.vector_store %arg8[%swap3A_604, %swap3A_605, %swap3A_606, %swap3A_607], %swap3A_610 {add = true, strides = array<i32>} : memref<3x4x8x1024xf32, #tpu.memory_space<vmem>>, vector<1x1x1x16xf32>,
        %swap3A_611 = arith.constant 1 : i32
        %swap3A_612 = arith.index_cast %rem3A_298 : i32 to index
        %swap3A_613 = arith.index_cast %swap3A_611 : i32 to index
        %swap3A_614 = arith.index_cast %scan3A_340 : i32 to index
        %swap3A_615 = arith.constant 112 : index
        %swap3A_616 = tpu.vector_load %arg8[%swap3A_612, %swap3A_613, %swap3A_614, %swap3A_615] {strides = array<i32>} : memref<3x4x8x1024xf32, #tpu.memory_space<vmem>>, vector<1x1x1x16xf32>,
        %swap3A_617 = vector.shape_cast %swap3A_616 : vector<1x1x1x16xf32> to vector<16xf32>
        %swap3A_618 = vector.shape_cast %get3A_602 : vector<16xf32> to vector<1x1x1x16xf32>
        tpu.vector_store %arg8[%swap3A_612, %swap3A_613, %swap3A_614, %swap3A_615], %swap3A_618 {add = true, strides = array<i32>} : memref<3x4x8x1024xf32, #tpu.memory_space<vmem>>, vector<1x1x1x16xf32>,
        %swap3A_619 = arith.constant 2 : i32
        %swap3A_620 = arith.index_cast %rem3A_298 : i32 to index
        %swap3A_621 = arith.index_cast %swap3A_619 : i32 to index
        %swap3A_622 = arith.index_cast %scan3A_340 : i32 to index
        %swap3A_623 = arith.constant 112 : index
        %swap3A_624 = tpu.vector_load %arg8[%swap3A_620, %swap3A_621, %swap3A_622, %swap3A_623] {strides = array<i32>} : memref<3x4x8x1024xf32, #tpu.memory_space<vmem>>, vector<1x1x1x16xf32>,
        %swap3A_625 = vector.shape_cast %swap3A_624 : vector<1x1x1x16xf32> to vector<16xf32>
        %swap3A_626 = vector.shape_cast %get3A_602 : vector<16xf32> to vector<1x1x1x16xf32>
        tpu.vector_store %arg8[%swap3A_620, %swap3A_621, %swap3A_622, %swap3A_623], %swap3A_626 {add = true, strides = array<i32>} : memref<3x4x8x1024xf32, #tpu.memory_space<vmem>>, vector<1x1x1x16xf32>,
        %swap3A_627 = arith.constant 3 : i32
        %swap3A_628 = arith.index_cast %rem3A_298 : i32 to index
        %swap3A_629 = arith.index_cast %swap3A_627 : i32 to index
        %swap3A_630 = arith.index_cast %scan3A_340 : i32 to index
        %swap3A_631 = arith.constant 112 : index
        %swap3A_632 = tpu.vector_load %arg8[%swap3A_628, %swap3A_629, %swap3A_630, %swap3A_631] {strides = array<i32>} : memref<3x4x8x1024xf32, #tpu.memory_space<vmem>>, vector<1x1x1x16xf32>,
        %swap3A_633 = vector.shape_cast %swap3A_632 : vector<1x1x1x16xf32> to vector<16xf32>
        %swap3A_634 = vector.shape_cast %get3A_602 : vector<16xf32> to vector<1x1x1x16xf32>
        tpu.vector_store %arg8[%swap3A_628, %swap3A_629, %swap3A_630, %swap3A_631], %swap3A_634 {add = true, strides = array<i32>} : memref<3x4x8x1024xf32, #tpu.memory_space<vmem>>, vector<1x1x1x16xf32>,
        %get3A_635 = arith.index_cast %rem3A_298 : i32 to index
        %get3A_636 = arith.index_cast %scan3A_340 : i32 to index
        %get3A_637 = arith.constant 128 : index
        %get3A_638 = tpu.vector_load %arg7[%get3A_635, %get3A_636, %get3A_637] {strides = array<i32>} : memref<3x8x1024xf32, #tpu.memory_space<vmem>>, vector<1x1x16xf32>,
        %get3A_639 = vector.shape_cast %get3A_638 : vector<1x1x16xf32> to vector<16xf32>
        %swap3A_640 = arith.constant 0 : i32
        %swap3A_641 = arith.index_cast %rem3A_298 : i32 to index
        %swap3A_642 = arith.index_cast %swap3A_640 : i32 to index
        %swap3A_643 = arith.index_cast %scan3A_340 : i32 to index
        %swap3A_644 = arith.constant 128 : index
        %swap3A_645 = tpu.vector_load %arg8[%swap3A_641, %swap3A_642, %swap3A_643, %swap3A_644] {strides = array<i32>} : memref<3x4x8x1024xf32, #tpu.memory_space<vmem>>, vector<1x1x1x16xf32>,
        %swap3A_646 = vector.shape_cast %swap3A_645 : vector<1x1x1x16xf32> to vector<16xf32>
        %swap3A_647 = vector.shape_cast %get3A_639 : vector<16xf32> to vector<1x1x1x16xf32>
        tpu.vector_store %arg8[%swap3A_641, %swap3A_642, %swap3A_643, %swap3A_644], %swap3A_647 {add = true, strides = array<i32>} : memref<3x4x8x1024xf32, #tpu.memory_space<vmem>>, vector<1x1x1x16xf32>,
        %swap3A_648 = arith.constant 1 : i32
        %swap3A_649 = arith.index_cast %rem3A_298 : i32 to index
        %swap3A_650 = arith.index_cast %swap3A_648 : i32 to index
        %swap3A_651 = arith.index_cast %scan3A_340 : i32 to index
        %swap3A_652 = arith.constant 128 : index
        %swap3A_653 = tpu.vector_load %arg8[%swap3A_649, %swap3A_650, %swap3A_651, %swap3A_652] {strides = array<i32>} : memref<3x4x8x1024xf32, #tpu.memory_space<vmem>>, vector<1x1x1x16xf32>,
        %swap3A_654 = vector.shape_cast %swap3A_653 : vector<1x1x1x16xf32> to vector<16xf32>
        %swap3A_655 = vector.shape_cast %get3A_639 : vector<16xf32> to vector<1x1x1x16xf32>
        tpu.vector_store %arg8[%swap3A_649, %swap3A_650, %swap3A_651, %swap3A_652], %swap3A_655 {add = true, strides = array<i32>} : memref<3x4x8x1024xf32, #tpu.memory_space<vmem>>, vector<1x1x1x16xf32>,
        %swap3A_656 = arith.constant 2 : i32
        %swap3A_657 = arith.index_cast %rem3A_298 : i32 to index
        %swap3A_658 = arith.index_cast %swap3A_656 : i32 to index
        %swap3A_659 = arith.index_cast %scan3A_340 : i32 to index
        %swap3A_660 = arith.constant 128 : index
        %swap3A_661 = tpu.vector_load %arg8[%swap3A_657, %swap3A_658, %swap3A_659, %swap3A_660] {strides = array<i32>} : memref<3x4x8x1024xf32, #tpu.memory_space<vmem>>, vector<1x1x1x16xf32>,
        %swap3A_662 = vector.shape_cast %swap3A_661 : vector<1x1x1x16xf32> to vector<16xf32>
        %swap3A_663 = vector.shape_cast %get3A_639 : vector<16xf32> to vector<1x1x1x16xf32>
        tpu.vector_store %arg8[%swap3A_657, %swap3A_658, %swap3A_659, %swap3A_660], %swap3A_663 {add = true, strides = array<i32>} : memref<3x4x8x1024xf32, #tpu.memory_space<vmem>>, vector<1x1x1x16xf32>,
        %swap3A_664 = arith.constant 3 : i32
        %swap3A_665 = arith.index_cast %rem3A_298 : i32 to index
        %swap3A_666 = arith.index_cast %swap3A_664 : i32 to index
        %swap3A_667 = arith.index_cast %scan3A_340 : i32 to index
        %swap3A_668 = arith.constant 128 : index
        %swap3A_669 = tpu.vector_load %arg8[%swap3A_665, %swap3A_666, %swap3A_667, %swap3A_668] {strides = array<i32>} : memref<3x4x8x1024xf32, #tpu.memory_space<vmem>>, vector<1x1x1x16xf32>,
        %swap3A_670 = vector.shape_cast %swap3A_669 : vector<1x1x1x16xf32> to vector<16xf32>
        %swap3A_671 = vector.shape_cast %get3A_639 : vector<16xf32> to vector<1x1x1x16xf32>
        tpu.vector_store %arg8[%swap3A_665, %swap3A_666, %swap3A_667, %swap3A_668], %swap3A_671 {add = true, strides = array<i32>} : memref<3x4x8x1024xf32, #tpu.memory_space<vmem>>, vector<1x1x1x16xf32>,
        %get3A_672 = arith.index_cast %rem3A_298 : i32 to index
        %get3A_673 = arith.index_cast %scan3A_340 : i32 to index
        %get3A_674 = arith.constant 144 : index
        %get3A_675 = tpu.vector_load %arg7[%get3A_672, %get3A_673, %get3A_674] {strides = array<i32>} : memref<3x8x1024xf32, #tpu.memory_space<vmem>>, vector<1x1x16xf32>,
        %get3A_676 = vector.shape_cast %get3A_675 : vector<1x1x16xf32> to vector<16xf32>
        %swap3A_677 = arith.constant 0 : i32
        %swap3A_678 = arith.index_cast %rem3A_298 : i32 to index
        %swap3A_679 = arith.index_cast %swap3A_677 : i32 to index
        %swap3A_680 = arith.index_cast %scan3A_340 : i32 to index
        %swap3A_681 = arith.constant 144 : index
        %swap3A_682 = tpu.vector_load %arg8[%swap3A_678, %swap3A_679, %swap3A_680, %swap3A_681] {strides = array<i32>} : memref<3x4x8x1024xf32, #tpu.memory_space<vmem>>, vector<1x1x1x16xf32>,
        %swap3A_683 = vector.shape_cast %swap3A_682 : vector<1x1x1x16xf32> to vector<16xf32>
        %swap3A_684 = vector.shape_cast %get3A_676 : vector<16xf32> to vector<1x1x1x16xf32>
        tpu.vector_store %arg8[%swap3A_678, %swap3A_679, %swap3A_680, %swap3A_681], %swap3A_684 {add = true, strides = array<i32>} : memref<3x4x8x1024xf32, #tpu.memory_space<vmem>>, vector<1x1x1x16xf32>,
        %swap3A_685 = arith.constant 1 : i32
        %swap3A_686 = arith.index_cast %rem3A_298 : i32 to index
        %swap3A_687 = arith.index_cast %swap3A_685 : i32 to index
        %swap3A_688 = arith.index_cast %scan3A_340 : i32 to index
        %swap3A_689 = arith.constant 144 : index
        %swap3A_690 = tpu.vector_load %arg8[%swap3A_686, %swap3A_687, %swap3A_688, %swap3A_689] {strides = array<i32>} : memref<3x4x8x1024xf32, #tpu.memory_space<vmem>>, vector<1x1x1x16xf32>,
        %swap3A_691 = vector.shape_cast %swap3A_690 : vector<1x1x1x16xf32> to vector<16xf32>
        %swap3A_692 = vector.shape_cast %get3A_676 : vector<16xf32> to vector<1x1x1x16xf32>
        tpu.vector_store %arg8[%swap3A_686, %swap3A_687, %swap3A_688, %swap3A_689], %swap3A_692 {add = true, strides = array<i32>} : memref<3x4x8x1024xf32, #tpu.memory_space<vmem>>, vector<1x1x1x16xf32>,
        %swap3A_693 = arith.constant 2 : i32
        %swap3A_694 = arith.index_cast %rem3A_298 : i32 to index
        %swap3A_695 = arith.index_cast %swap3A_693 : i32 to index
        %swap3A_696 = arith.index_cast %scan3A_340 : i32 to index
        %swap3A_697 = arith.constant 144 : index
        %swap3A_698 = tpu.vector_load %arg8[%swap3A_694, %swap3A_695, %swap3A_696, %swap3A_697] {strides = array<i32>} : memref<3x4x8x1024xf32, #tpu.memory_space<vmem>>, vector<1x1x1x16xf32>,
        %swap3A_699 = vector.shape_cast %swap3A_698 : vector<1x1x1x16xf32> to vector<16xf32>
        %swap3A_700 = vector.shape_cast %get3A_676 : vector<16xf32> to vector<1x1x1x16xf32>
        tpu.vector_store %arg8[%swap3A_694, %swap3A_695, %swap3A_696, %swap3A_697], %swap3A_700 {add = true, strides = array<i32>} : memref<3x4x8x1024xf32, #tpu.memory_space<vmem>>, vector<1x1x1x16xf32>,
        %swap3A_701 = arith.constant 3 : i32
        %swap3A_702 = arith.index_cast %rem3A_298 : i32 to index
        %swap3A_703 = arith.index_cast %swap3A_701 : i32 to index
        %swap3A_704 = arith.index_cast %scan3A_340 : i32 to index
        %swap3A_705 = arith.constant 144 : index
        %swap3A_706 = tpu.vector_load %arg8[%swap3A_702, %swap3A_703, %swap3A_704, %swap3A_705] {strides = array<i32>} : memref<3x4x8x1024xf32, #tpu.memory_space<vmem>>, vector<1x1x1x16xf32>,
        %swap3A_707 = vector.shape_cast %swap3A_706 : vector<1x1x1x16xf32> to vector<16xf32>
        %swap3A_708 = vector.shape_cast %get3A_676 : vector<16xf32> to vector<1x1x1x16xf32>
        tpu.vector_store %arg8[%swap3A_702, %swap3A_703, %swap3A_704, %swap3A_705], %swap3A_708 {add = true, strides = array<i32>} : memref<3x4x8x1024xf32, #tpu.memory_space<vmem>>, vector<1x1x1x16xf32>,
        %get3A_709 = arith.index_cast %rem3A_298 : i32 to index
        %get3A_710 = arith.index_cast %scan3A_340 : i32 to index
        %get3A_711 = arith.constant 160 : index
        %get3A_712 = tpu.vector_load %arg7[%get3A_709, %get3A_710, %get3A_711] {strides = array<i32>} : memref<3x8x1024xf32, #tpu.memory_space<vmem>>, vector<1x1x16xf32>,
        %get3A_713 = vector.shape_cast %get3A_712 : vector<1x1x16xf32> to vector<16xf32>
        %swap3A_714 = arith.constant 0 : i32
        %swap3A_715 = arith.index_cast %rem3A_298 : i32 to index
        %swap3A_716 = arith.index_cast %swap3A_714 : i32 to index
        %swap3A_717 = arith.index_cast %scan3A_340 : i32 to index
        %swap3A_718 = arith.constant 160 : index
        %swap3A_719 = tpu.vector_load %arg8[%swap3A_715, %swap3A_716, %swap3A_717, %swap3A_718] {strides = array<i32>} : memref<3x4x8x1024xf32, #tpu.memory_space<vmem>>, vector<1x1x1x16xf32>,
        %swap3A_720 = vector.shape_cast %swap3A_719 : vector<1x1x1x16xf32> to vector<16xf32>
        %swap3A_721 = vector.shape_cast %get3A_713 : vector<16xf32> to vector<1x1x1x16xf32>
        tpu.vector_store %arg8[%swap3A_715, %swap3A_716, %swap3A_717, %swap3A_718], %swap3A_721 {add = true, strides = array<i32>} : memref<3x4x8x1024xf32, #tpu.memory_space<vmem>>, vector<1x1x1x16xf32>,
        %swap3A_722 = arith.constant 1 : i32
        %swap3A_723 = arith.index_cast %rem3A_298 : i32 to index
        %swap3A_724 = arith.index_cast %swap3A_722 : i32 to index
        %swap3A_725 = arith.index_cast %scan3A_340 : i32 to index
        %swap3A_726 = arith.constant 160 : index
        %swap3A_727 = tpu.vector_load %arg8[%swap3A_723, %swap3A_724, %swap3A_725, %swap3A_726] {strides = array<i32>} : memref<3x4x8x1024xf32, #tpu.memory_space<vmem>>, vector<1x1x1x16xf32>,
        %swap3A_728 = vector.shape_cast %swap3A_727 : vector<1x1x1x16xf32> to vector<16xf32>
        %swap3A_729 = vector.shape_cast %get3A_713 : vector<16xf32> to vector<1x1x1x16xf32>
        tpu.vector_store %arg8[%swap3A_723, %swap3A_724, %swap3A_725, %swap3A_726], %swap3A_729 {add = true, strides = array<i32>} : memref<3x4x8x1024xf32, #tpu.memory_space<vmem>>, vector<1x1x1x16xf32>,
        %swap3A_730 = arith.constant 2 : i32
        %swap3A_731 = arith.index_cast %rem3A_298 : i32 to index
        %swap3A_732 = arith.index_cast %swap3A_730 : i32 to index
        %swap3A_733 = arith.index_cast %scan3A_340 : i32 to index
        %swap3A_734 = arith.constant 160 : index
        %swap3A_735 = tpu.vector_load %arg8[%swap3A_731, %swap3A_732, %swap3A_733, %swap3A_734] {strides = array<i32>} : memref<3x4x8x1024xf32, #tpu.memory_space<vmem>>, vector<1x1x1x16xf32>,
        %swap3A_736 = vector.shape_cast %swap3A_735 : vector<1x1x1x16xf32> to vector<16xf32>
        %swap3A_737 = vector.shape_cast %get3A_713 : vector<16xf32> to vector<1x1x1x16xf32>
        tpu.vector_store %arg8[%swap3A_731, %swap3A_732, %swap3A_733, %swap3A_734], %swap3A_737 {add = true, strides = array<i32>} : memref<3x4x8x1024xf32, #tpu.memory_space<vmem>>, vector<1x1x1x16xf32>,
        %swap3A_738 = arith.constant 3 : i32
        %swap3A_739 = arith.index_cast %rem3A_298 : i32 to index
        %swap3A_740 = arith.index_cast %swap3A_738 : i32 to index
        %swap3A_741 = arith.index_cast %scan3A_340 : i32 to index
        %swap3A_742 = arith.constant 160 : index
        %swap3A_743 = tpu.vector_load %arg8[%swap3A_739, %swap3A_740, %swap3A_741, %swap3A_742] {strides = array<i32>} : memref<3x4x8x1024xf32, #tpu.memory_space<vmem>>, vector<1x1x1x16xf32>,
        %swap3A_744 = vector.shape_cast %swap3A_743 : vector<1x1x1x16xf32> to vector<16xf32>
        %swap3A_745 = vector.shape_cast %get3A_713 : vector<16xf32> to vector<1x1x1x16xf32>
        tpu.vector_store %arg8[%swap3A_739, %swap3A_740, %swap3A_741, %swap3A_742], %swap3A_745 {add = true, strides = array<i32>} : memref<3x4x8x1024xf32, #tpu.memory_space<vmem>>, vector<1x1x1x16xf32>,
        %get3A_746 = arith.index_cast %rem3A_298 : i32 to index
        %get3A_747 = arith.index_cast %scan3A_340 : i32 to index
        %get3A_748 = arith.constant 176 : index
        %get3A_749 = tpu.vector_load %arg7[%get3A_746, %get3A_747, %get3A_748] {strides = array<i32>} : memref<3x8x1024xf32, #tpu.memory_space<vmem>>, vector<1x1x16xf32>,
        %get3A_750 = vector.shape_cast %get3A_749 : vector<1x1x16xf32> to vector<16xf32>
        %swap3A_751 = arith.constant 0 : i32
        %swap3A_752 = arith.index_cast %rem3A_298 : i32 to index
        %swap3A_753 = arith.index_cast %swap3A_751 : i32 to index
        %swap3A_754 = arith.index_cast %scan3A_340 : i32 to index
        %swap3A_755 = arith.constant 176 : index
        %swap3A_756 = tpu.vector_load %arg8[%swap3A_752, %swap3A_753, %swap3A_754, %swap3A_755] {strides = array<i32>} : memref<3x4x8x1024xf32, #tpu.memory_space<vmem>>, vector<1x1x1x16xf32>,
        %swap3A_757 = vector.shape_cast %swap3A_756 : vector<1x1x1x16xf32> to vector<16xf32>
        %swap3A_758 = vector.shape_cast %get3A_750 : vector<16xf32> to vector<1x1x1x16xf32>
        tpu.vector_store %arg8[%swap3A_752, %swap3A_753, %swap3A_754, %swap3A_755], %swap3A_758 {add = true, strides = array<i32>} : memref<3x4x8x1024xf32, #tpu.memory_space<vmem>>, vector<1x1x1x16xf32>,
        %swap3A_759 = arith.constant 1 : i32
        %swap3A_760 = arith.index_cast %rem3A_298 : i32 to index
        %swap3A_761 = arith.index_cast %swap3A_759 : i32 to index
        %swap3A_762 = arith.index_cast %scan3A_340 : i32 to index
        %swap3A_763 = arith.constant 176 : index
        %swap3A_764 = tpu.vector_load %arg8[%swap3A_760, %swap3A_761, %swap3A_762, %swap3A_763] {strides = array<i32>} : memref<3x4x8x1024xf32, #tpu.memory_space<vmem>>, vector<1x1x1x16xf32>,
        %swap3A_765 = vector.shape_cast %swap3A_764 : vector<1x1x1x16xf32> to vector<16xf32>
        %swap3A_766 = vector.shape_cast %get3A_750 : vector<16xf32> to vector<1x1x1x16xf32>
        tpu.vector_store %arg8[%swap3A_760, %swap3A_761, %swap3A_762, %swap3A_763], %swap3A_766 {add = true, strides = array<i32>} : memref<3x4x8x1024xf32, #tpu.memory_space<vmem>>, vector<1x1x1x16xf32>,
        %swap3A_767 = arith.constant 2 : i32
        %swap3A_768 = arith.index_cast %rem3A_298 : i32 to index
        %swap3A_769 = arith.index_cast %swap3A_767 : i32 to index
        %swap3A_770 = arith.index_cast %scan3A_340 : i32 to index
        %swap3A_771 = arith.constant 176 : index
        %swap3A_772 = tpu.vector_load %arg8[%swap3A_768, %swap3A_769, %swap3A_770, %swap3A_771] {strides = array<i32>} : memref<3x4x8x1024xf32, #tpu.memory_space<vmem>>, vector<1x1x1x16xf32>,
        %swap3A_773 = vector.shape_cast %swap3A_772 : vector<1x1x1x16xf32> to vector<16xf32>
        %swap3A_774 = vector.shape_cast %get3A_750 : vector<16xf32> to vector<1x1x1x16xf32>
        tpu.vector_store %arg8[%swap3A_768, %swap3A_769, %swap3A_770, %swap3A_771], %swap3A_774 {add = true, strides = array<i32>} : memref<3x4x8x1024xf32, #tpu.memory_space<vmem>>, vector<1x1x1x16xf32>,
        %swap3A_775 = arith.constant 3 : i32
        %swap3A_776 = arith.index_cast %rem3A_298 : i32 to index
        %swap3A_777 = arith.index_cast %swap3A_775 : i32 to index
        %swap3A_778 = arith.index_cast %scan3A_340 : i32 to index
        %swap3A_779 = arith.constant 176 : index
        %swap3A_780 = tpu.vector_load %arg8[%swap3A_776, %swap3A_777, %swap3A_778, %swap3A_779] {strides = array<i32>} : memref<3x4x8x1024xf32, #tpu.memory_space<vmem>>, vector<1x1x1x16xf32>,
        %swap3A_781 = vector.shape_cast %swap3A_780 : vector<1x1x1x16xf32> to vector<16xf32>
        %swap3A_782 = vector.shape_cast %get3A_750 : vector<16xf32> to vector<1x1x1x16xf32>
        tpu.vector_store %arg8[%swap3A_776, %swap3A_777, %swap3A_778, %swap3A_779], %swap3A_782 {add = true, strides = array<i32>} : memref<3x4x8x1024xf32, #tpu.memory_space<vmem>>, vector<1x1x1x16xf32>,
        %get3A_783 = arith.index_cast %rem3A_298 : i32 to index
        %get3A_784 = arith.index_cast %scan3A_340 : i32 to index
        %get3A_785 = arith.constant 192 : index
        %get3A_786 = tpu.vector_load %arg7[%get3A_783, %get3A_784, %get3A_785] {strides = array<i32>} : memref<3x8x1024xf32, #tpu.memory_space<vmem>>, vector<1x1x16xf32>,
        %get3A_787 = vector.shape_cast %get3A_786 : vector<1x1x16xf32> to vector<16xf32>
        %swap3A_788 = arith.constant 0 : i32
        %swap3A_789 = arith.index_cast %rem3A_298 : i32 to index
        %swap3A_790 = arith.index_cast %swap3A_788 : i32 to index
        %swap3A_791 = arith.index_cast %scan3A_340 : i32 to index
        %swap3A_792 = arith.constant 192 : index
        %swap3A_793 = tpu.vector_load %arg8[%swap3A_789, %swap3A_790, %swap3A_791, %swap3A_792] {strides = array<i32>} : memref<3x4x8x1024xf32, #tpu.memory_space<vmem>>, vector<1x1x1x16xf32>,
        %swap3A_794 = vector.shape_cast %swap3A_793 : vector<1x1x1x16xf32> to vector<16xf32>
        %swap3A_795 = vector.shape_cast %get3A_787 : vector<16xf32> to vector<1x1x1x16xf32>
        tpu.vector_store %arg8[%swap3A_789, %swap3A_790, %swap3A_791, %swap3A_792], %swap3A_795 {add = true, strides = array<i32>} : memref<3x4x8x1024xf32, #tpu.memory_space<vmem>>, vector<1x1x1x16xf32>,
        %swap3A_796 = arith.constant 1 : i32
        %swap3A_797 = arith.index_cast %rem3A_298 : i32 to index
        %swap3A_798 = arith.index_cast %swap3A_796 : i32 to index
        %swap3A_799 = arith.index_cast %scan3A_340 : i32 to index
        %swap3A_800 = arith.constant 192 : index
        %swap3A_801 = tpu.vector_load %arg8[%swap3A_797, %swap3A_798, %swap3A_799, %swap3A_800] {strides = array<i32>} : memref<3x4x8x1024xf32, #tpu.memory_space<vmem>>, vector<1x1x1x16xf32>,
        %swap3A_802 = vector.shape_cast %swap3A_801 : vector<1x1x1x16xf32> to vector<16xf32>
        %swap3A_803 = vector.shape_cast %get3A_787 : vector<16xf32> to vector<1x1x1x16xf32>
        tpu.vector_store %arg8[%swap3A_797, %swap3A_798, %swap3A_799, %swap3A_800], %swap3A_803 {add = true, strides = array<i32>} : memref<3x4x8x1024xf32, #tpu.memory_space<vmem>>, vector<1x1x1x16xf32>,
        %swap3A_804 = arith.constant 2 : i32
        %swap3A_805 = arith.index_cast %rem3A_298 : i32 to index
        %swap3A_806 = arith.index_cast %swap3A_804 : i32 to index
        %swap3A_807 = arith.index_cast %scan3A_340 : i32 to index
        %swap3A_808 = arith.constant 192 : index
        %swap3A_809 = tpu.vector_load %arg8[%swap3A_805, %swap3A_806, %swap3A_807, %swap3A_808] {strides = array<i32>} : memref<3x4x8x1024xf32, #tpu.memory_space<vmem>>, vector<1x1x1x16xf32>,
        %swap3A_810 = vector.shape_cast %swap3A_809 : vector<1x1x1x16xf32> to vector<16xf32>
        %swap3A_811 = vector.shape_cast %get3A_787 : vector<16xf32> to vector<1x1x1x16xf32>
        tpu.vector_store %arg8[%swap3A_805, %swap3A_806, %swap3A_807, %swap3A_808], %swap3A_811 {add = true, strides = array<i32>} : memref<3x4x8x1024xf32, #tpu.memory_space<vmem>>, vector<1x1x1x16xf32>,
        %swap3A_812 = arith.constant 3 : i32
        %swap3A_813 = arith.index_cast %rem3A_298 : i32 to index
        %swap3A_814 = arith.index_cast %swap3A_812 : i32 to index
        %swap3A_815 = arith.index_cast %scan3A_340 : i32 to index
        %swap3A_816 = arith.constant 192 : index
        %swap3A_817 = tpu.vector_load %arg8[%swap3A_813, %swap3A_814, %swap3A_815, %swap3A_816] {strides = array<i32>} : memref<3x4x8x1024xf32, #tpu.memory_space<vmem>>, vector<1x1x1x16xf32>,
        %swap3A_818 = vector.shape_cast %swap3A_817 : vector<1x1x1x16xf32> to vector<16xf32>
        %swap3A_819 = vector.shape_cast %get3A_787 : vector<16xf32> to vector<1x1x1x16xf32>
        tpu.vector_store %arg8[%swap3A_813, %swap3A_814, %swap3A_815, %swap3A_816], %swap3A_819 {add = true, strides = array<i32>} : memref<3x4x8x1024xf32, #tpu.memory_space<vmem>>, vector<1x1x1x16xf32>,
        %get3A_820 = arith.index_cast %rem3A_298 : i32 to index
        %get3A_821 = arith.index_cast %scan3A_340 : i32 to index
        %get3A_822 = arith.constant 208 : index
        %get3A_823 = tpu.vector_load %arg7[%get3A_820, %get3A_821, %get3A_822] {strides = array<i32>} : memref<3x8x1024xf32, #tpu.memory_space<vmem>>, vector<1x1x16xf32>,
        %get3A_824 = vector.shape_cast %get3A_823 : vector<1x1x16xf32> to vector<16xf32>
        %swap3A_825 = arith.constant 0 : i32
        %swap3A_826 = arith.index_cast %rem3A_298 : i32 to index
        %swap3A_827 = arith.index_cast %swap3A_825 : i32 to index
        %swap3A_828 = arith.index_cast %scan3A_340 : i32 to index
        %swap3A_829 = arith.constant 208 : index
        %swap3A_830 = tpu.vector_load %arg8[%swap3A_826, %swap3A_827, %swap3A_828, %swap3A_829] {strides = array<i32>} : memref<3x4x8x1024xf32, #tpu.memory_space<vmem>>, vector<1x1x1x16xf32>,
        %swap3A_831 = vector.shape_cast %swap3A_830 : vector<1x1x1x16xf32> to vector<16xf32>
        %swap3A_832 = vector.shape_cast %get3A_824 : vector<16xf32> to vector<1x1x1x16xf32>
        tpu.vector_store %arg8[%swap3A_826, %swap3A_827, %swap3A_828, %swap3A_829], %swap3A_832 {add = true, strides = array<i32>} : memref<3x4x8x1024xf32, #tpu.memory_space<vmem>>, vector<1x1x1x16xf32>,
        %swap3A_833 = arith.constant 1 : i32
        %swap3A_834 = arith.index_cast %rem3A_298 : i32 to index
        %swap3A_835 = arith.index_cast %swap3A_833 : i32 to index
        %swap3A_836 = arith.index_cast %scan3A_340 : i32 to index
        %swap3A_837 = arith.constant 208 : index
        %swap3A_838 = tpu.vector_load %arg8[%swap3A_834, %swap3A_835, %swap3A_836, %swap3A_837] {strides = array<i32>} : memref<3x4x8x1024xf32, #tpu.memory_space<vmem>>, vector<1x1x1x16xf32>,
        %swap3A_839 = vector.shape_cast %swap3A_838 : vector<1x1x1x16xf32> to vector<16xf32>
        %swap3A_840 = vector.shape_cast %get3A_824 : vector<16xf32> to vector<1x1x1x16xf32>
        tpu.vector_store %arg8[%swap3A_834, %swap3A_835, %swap3A_836, %swap3A_837], %swap3A_840 {add = true, strides = array<i32>} : memref<3x4x8x1024xf32, #tpu.memory_space<vmem>>, vector<1x1x1x16xf32>,
        %swap3A_841 = arith.constant 2 : i32
        %swap3A_842 = arith.index_cast %rem3A_298 : i32 to index
        %swap3A_843 = arith.index_cast %swap3A_841 : i32 to index
        %swap3A_844 = arith.index_cast %scan3A_340 : i32 to index
        %swap3A_845 = arith.constant 208 : index
        %swap3A_846 = tpu.vector_load %arg8[%swap3A_842, %swap3A_843, %swap3A_844, %swap3A_845] {strides = array<i32>} : memref<3x4x8x1024xf32, #tpu.memory_space<vmem>>, vector<1x1x1x16xf32>,
        %swap3A_847 = vector.shape_cast %swap3A_846 : vector<1x1x1x16xf32> to vector<16xf32>
        %swap3A_848 = vector.shape_cast %get3A_824 : vector<16xf32> to vector<1x1x1x16xf32>
        tpu.vector_store %arg8[%swap3A_842, %swap3A_843, %swap3A_844, %swap3A_845], %swap3A_848 {add = true, strides = array<i32>} : memref<3x4x8x1024xf32, #tpu.memory_space<vmem>>, vector<1x1x1x16xf32>,
        %swap3A_849 = arith.constant 3 : i32
        %swap3A_850 = arith.index_cast %rem3A_298 : i32 to index
        %swap3A_851 = arith.index_cast %swap3A_849 : i32 to index
        %swap3A_852 = arith.index_cast %scan3A_340 : i32 to index
        %swap3A_853 = arith.constant 208 : index
        %swap3A_854 = tpu.vector_load %arg8[%swap3A_850, %swap3A_851, %swap3A_852, %swap3A_853] {strides = array<i32>} : memref<3x4x8x1024xf32, #tpu.memory_space<vmem>>, vector<1x1x1x16xf32>,
        %swap3A_855 = vector.shape_cast %swap3A_854 : vector<1x1x1x16xf32> to vector<16xf32>
        %swap3A_856 = vector.shape_cast %get3A_824 : vector<16xf32> to vector<1x1x1x16xf32>
        tpu.vector_store %arg8[%swap3A_850, %swap3A_851, %swap3A_852, %swap3A_853], %swap3A_856 {add = true, strides = array<i32>} : memref<3x4x8x1024xf32, #tpu.memory_space<vmem>>, vector<1x1x1x16xf32>,
        %get3A_857 = arith.index_cast %rem3A_298 : i32 to index
        %get3A_858 = arith.index_cast %scan3A_340 : i32 to index
        %get3A_859 = arith.constant 224 : index
        %get3A_860 = tpu.vector_load %arg7[%get3A_857, %get3A_858, %get3A_859] {strides = array<i32>} : memref<3x8x1024xf32, #tpu.memory_space<vmem>>, vector<1x1x16xf32>,
        %get3A_861 = vector.shape_cast %get3A_860 : vector<1x1x16xf32> to vector<16xf32>
        %swap3A_862 = arith.constant 0 : i32
        %swap3A_863 = arith.index_cast %rem3A_298 : i32 to index
        %swap3A_864 = arith.index_cast %swap3A_862 : i32 to index
        %swap3A_865 = arith.index_cast %scan3A_340 : i32 to index
        %swap3A_866 = arith.constant 224 : index
        %swap3A_867 = tpu.vector_load %arg8[%swap3A_863, %swap3A_864, %swap3A_865, %swap3A_866] {strides = array<i32>} : memref<3x4x8x1024xf32, #tpu.memory_space<vmem>>, vector<1x1x1x16xf32>,
        %swap3A_868 = vector.shape_cast %swap3A_867 : vector<1x1x1x16xf32> to vector<16xf32>
        %swap3A_869 = vector.shape_cast %get3A_861 : vector<16xf32> to vector<1x1x1x16xf32>
        tpu.vector_store %arg8[%swap3A_863, %swap3A_864, %swap3A_865, %swap3A_866], %swap3A_869 {add = true, strides = array<i32>} : memref<3x4x8x1024xf32, #tpu.memory_space<vmem>>, vector<1x1x1x16xf32>,
        %swap3A_870 = arith.constant 1 : i32
        %swap3A_871 = arith.index_cast %rem3A_298 : i32 to index
        %swap3A_872 = arith.index_cast %swap3A_870 : i32 to index
        %swap3A_873 = arith.index_cast %scan3A_340 : i32 to index
        %swap3A_874 = arith.constant 224 : index
        %swap3A_875 = tpu.vector_load %arg8[%swap3A_871, %swap3A_872, %swap3A_873, %swap3A_874] {strides = array<i32>} : memref<3x4x8x1024xf32, #tpu.memory_space<vmem>>, vector<1x1x1x16xf32>,
        %swap3A_876 = vector.shape_cast %swap3A_875 : vector<1x1x1x16xf32> to vector<16xf32>
        %swap3A_877 = vector.shape_cast %get3A_861 : vector<16xf32> to vector<1x1x1x16xf32>
        tpu.vector_store %arg8[%swap3A_871, %swap3A_872, %swap3A_873, %swap3A_874], %swap3A_877 {add = true, strides = array<i32>} : memref<3x4x8x1024xf32, #tpu.memory_space<vmem>>, vector<1x1x1x16xf32>,
        %swap3A_878 = arith.constant 2 : i32
        %swap3A_879 = arith.index_cast %rem3A_298 : i32 to index
        %swap3A_880 = arith.index_cast %swap3A_878 : i32 to index
        %swap3A_881 = arith.index_cast %scan3A_340 : i32 to index
        %swap3A_882 = arith.constant 224 : index
        %swap3A_883 = tpu.vector_load %arg8[%swap3A_879, %swap3A_880, %swap3A_881, %swap3A_882] {strides = array<i32>} : memref<3x4x8x1024xf32, #tpu.memory_space<vmem>>, vector<1x1x1x16xf32>,
        %swap3A_884 = vector.shape_cast %swap3A_883 : vector<1x1x1x16xf32> to vector<16xf32>
        %swap3A_885 = vector.shape_cast %get3A_861 : vector<16xf32> to vector<1x1x1x16xf32>
        tpu.vector_store %arg8[%swap3A_879, %swap3A_880, %swap3A_881, %swap3A_882], %swap3A_885 {add = true, strides = array<i32>} : memref<3x4x8x1024xf32, #tpu.memory_space<vmem>>, vector<1x1x1x16xf32>,
        %swap3A_886 = arith.constant 3 : i32
        %swap3A_887 = arith.index_cast %rem3A_298 : i32 to index
        %swap3A_888 = arith.index_cast %swap3A_886 : i32 to index
        %swap3A_889 = arith.index_cast %scan3A_340 : i32 to index
        %swap3A_890 = arith.constant 224 : index
        %swap3A_891 = tpu.vector_load %arg8[%swap3A_887, %swap3A_888, %swap3A_889, %swap3A_890] {strides = array<i32>} : memref<3x4x8x1024xf32, #tpu.memory_space<vmem>>, vector<1x1x1x16xf32>,
        %swap3A_892 = vector.shape_cast %swap3A_891 : vector<1x1x1x16xf32> to vector<16xf32>
        %swap3A_893 = vector.shape_cast %get3A_861 : vector<16xf32> to vector<1x1x1x16xf32>
        tpu.vector_store %arg8[%swap3A_887, %swap3A_888, %swap3A_889, %swap3A_890], %swap3A_893 {add = true, strides = array<i32>} : memref<3x4x8x1024xf32, #tpu.memory_space<vmem>>, vector<1x1x1x16xf32>,
        %get3A_894 = arith.index_cast %rem3A_298 : i32 to index
        %get3A_895 = arith.index_cast %scan3A_340 : i32 to index
        %get3A_896 = arith.constant 240 : index
        %get3A_897 = tpu.vector_load %arg7[%get3A_894, %get3A_895, %get3A_896] {strides = array<i32>} : memref<3x8x1024xf32, #tpu.memory_space<vmem>>, vector<1x1x16xf32>,
        %get3A_898 = vector.shape_cast %get3A_897 : vector<1x1x16xf32> to vector<16xf32>
        %swap3A_899 = arith.constant 0 : i32
        %swap3A_900 = arith.index_cast %rem3A_298 : i32 to index
        %swap3A_901 = arith.index_cast %swap3A_899 : i32 to index
        %swap3A_902 = arith.index_cast %scan3A_340 : i32 to index
        %swap3A_903 = arith.constant 240 : index
        %swap3A_904 = tpu.vector_load %arg8[%swap3A_900, %swap3A_901, %swap3A_902, %swap3A_903] {strides = array<i32>} : memref<3x4x8x1024xf32, #tpu.memory_space<vmem>>, vector<1x1x1x16xf32>,
        %swap3A_905 = vector.shape_cast %swap3A_904 : vector<1x1x1x16xf32> to vector<16xf32>
        %swap3A_906 = vector.shape_cast %get3A_898 : vector<16xf32> to vector<1x1x1x16xf32>
        tpu.vector_store %arg8[%swap3A_900, %swap3A_901, %swap3A_902, %swap3A_903], %swap3A_906 {add = true, strides = array<i32>} : memref<3x4x8x1024xf32, #tpu.memory_space<vmem>>, vector<1x1x1x16xf32>,
        %swap3A_907 = arith.constant 1 : i32
        %swap3A_908 = arith.index_cast %rem3A_298 : i32 to index
        %swap3A_909 = arith.index_cast %swap3A_907 : i32 to index
        %swap3A_910 = arith.index_cast %scan3A_340 : i32 to index
        %swap3A_911 = arith.constant 240 : index
        %swap3A_912 = tpu.vector_load %arg8[%swap3A_908, %swap3A_909, %swap3A_910, %swap3A_911] {strides = array<i32>} : memref<3x4x8x1024xf32, #tpu.memory_space<vmem>>, vector<1x1x1x16xf32>,
        %swap3A_913 = vector.shape_cast %swap3A_912 : vector<1x1x1x16xf32> to vector<16xf32>
        %swap3A_914 = vector.shape_cast %get3A_898 : vector<16xf32> to vector<1x1x1x16xf32>
        tpu.vector_store %arg8[%swap3A_908, %swap3A_909, %swap3A_910, %swap3A_911], %swap3A_914 {add = true, strides = array<i32>} : memref<3x4x8x1024xf32, #tpu.memory_space<vmem>>, vector<1x1x1x16xf32>,
        %swap3A_915 = arith.constant 2 : i32
        %swap3A_916 = arith.index_cast %rem3A_298 : i32 to index
        %swap3A_917 = arith.index_cast %swap3A_915 : i32 to index
        %swap3A_918 = arith.index_cast %scan3A_340 : i32 to index
        %swap3A_919 = arith.constant 240 : index
        %swap3A_920 = tpu.vector_load %arg8[%swap3A_916, %swap3A_917, %swap3A_918, %swap3A_919] {strides = array<i32>} : memref<3x4x8x1024xf32, #tpu.memory_space<vmem>>, vector<1x1x1x16xf32>,
        %swap3A_921 = vector.shape_cast %swap3A_920 : vector<1x1x1x16xf32> to vector<16xf32>
        %swap3A_922 = vector.shape_cast %get3A_898 : vector<16xf32> to vector<1x1x1x16xf32>
        tpu.vector_store %arg8[%swap3A_916, %swap3A_917, %swap3A_918, %swap3A_919], %swap3A_922 {add = true, strides = array<i32>} : memref<3x4x8x1024xf32, #tpu.memory_space<vmem>>, vector<1x1x1x16xf32>,
        %swap3A_923 = arith.constant 3 : i32
        %swap3A_924 = arith.index_cast %rem3A_298 : i32 to index
        %swap3A_925 = arith.index_cast %swap3A_923 : i32 to index
        %swap3A_926 = arith.index_cast %scan3A_340 : i32 to index
        %swap3A_927 = arith.constant 240 : index
        %swap3A_928 = tpu.vector_load %arg8[%swap3A_924, %swap3A_925, %swap3A_926, %swap3A_927] {strides = array<i32>} : memref<3x4x8x1024xf32, #tpu.memory_space<vmem>>, vector<1x1x1x16xf32>,
        %swap3A_929 = vector.shape_cast %swap3A_928 : vector<1x1x1x16xf32> to vector<16xf32>
        %swap3A_930 = vector.shape_cast %get3A_898 : vector<16xf32> to vector<1x1x1x16xf32>
        tpu.vector_store %arg8[%swap3A_924, %swap3A_925, %swap3A_926, %swap3A_927], %swap3A_930 {add = true, strides = array<i32>} : memref<3x4x8x1024xf32, #tpu.memory_space<vmem>>, vector<1x1x1x16xf32>,
        %get3A_931 = arith.index_cast %rem3A_298 : i32 to index
        %get3A_932 = arith.index_cast %scan3A_340 : i32 to index
        %get3A_933 = arith.constant 256 : index
        %get3A_934 = tpu.vector_load %arg7[%get3A_931, %get3A_932, %get3A_933] {strides = array<i32>} : memref<3x8x1024xf32, #tpu.memory_space<vmem>>, vector<1x1x16xf32>,
        %get3A_935 = vector.shape_cast %get3A_934 : vector<1x1x16xf32> to vector<16xf32>
        %swap3A_936 = arith.constant 0 : i32
        %swap3A_937 = arith.index_cast %rem3A_298 : i32 to index
        %swap3A_938 = arith.index_cast %swap3A_936 : i32 to index
        %swap3A_939 = arith.index_cast %scan3A_340 : i32 to index
        %swap3A_940 = arith.constant 256 : index
        %swap3A_941 = tpu.vector_load %arg8[%swap3A_937, %swap3A_938, %swap3A_939, %swap3A_940] {strides = array<i32>} : memref<3x4x8x1024xf32, #tpu.memory_space<vmem>>, vector<1x1x1x16xf32>,
        %swap3A_942 = vector.shape_cast %swap3A_941 : vector<1x1x1x16xf32> to vector<16xf32>
        %swap3A_943 = vector.shape_cast %get3A_935 : vector<16xf32> to vector<1x1x1x16xf32>
        tpu.vector_store %arg8[%swap3A_937, %swap3A_938, %swap3A_939, %swap3A_940], %swap3A_943 {add = true, strides = array<i32>} : memref<3x4x8x1024xf32, #tpu.memory_space<vmem>>, vector<1x1x1x16xf32>,
        %swap3A_944 = arith.constant 1 : i32
        %swap3A_945 = arith.index_cast %rem3A_298 : i32 to index
        %swap3A_946 = arith.index_cast %swap3A_944 : i32 to index
        %swap3A_947 = arith.index_cast %scan3A_340 : i32 to index
        %swap3A_948 = arith.constant 256 : index
        %swap3A_949 = tpu.vector_load %arg8[%swap3A_945, %swap3A_946, %swap3A_947, %swap3A_948] {strides = array<i32>} : memref<3x4x8x1024xf32, #tpu.memory_space<vmem>>, vector<1x1x1x16xf32>,
        %swap3A_950 = vector.shape_cast %swap3A_949 : vector<1x1x1x16xf32> to vector<16xf32>
        %swap3A_951 = vector.shape_cast %get3A_935 : vector<16xf32> to vector<1x1x1x16xf32>
        tpu.vector_store %arg8[%swap3A_945, %swap3A_946, %swap3A_947, %swap3A_948], %swap3A_951 {add = true, strides = array<i32>} : memref<3x4x8x1024xf32, #tpu.memory_space<vmem>>, vector<1x1x1x16xf32>,
        %swap3A_952 = arith.constant 2 : i32
        %swap3A_953 = arith.index_cast %rem3A_298 : i32 to index
        %swap3A_954 = arith.index_cast %swap3A_952 : i32 to index
        %swap3A_955 = arith.index_cast %scan3A_340 : i32 to index
        %swap3A_956 = arith.constant 256 : index
        %swap3A_957 = tpu.vector_load %arg8[%swap3A_953, %swap3A_954, %swap3A_955, %swap3A_956] {strides = array<i32>} : memref<3x4x8x1024xf32, #tpu.memory_space<vmem>>, vector<1x1x1x16xf32>,
        %swap3A_958 = vector.shape_cast %swap3A_957 : vector<1x1x1x16xf32> to vector<16xf32>
        %swap3A_959 = vector.shape_cast %get3A_935 : vector<16xf32> to vector<1x1x1x16xf32>
        tpu.vector_store %arg8[%swap3A_953, %swap3A_954, %swap3A_955, %swap3A_956], %swap3A_959 {add = true, strides = array<i32>} : memref<3x4x8x1024xf32, #tpu.memory_space<vmem>>, vector<1x1x1x16xf32>,
        %swap3A_960 = arith.constant 3 : i32
        %swap3A_961 = arith.index_cast %rem3A_298 : i32 to index
        %swap3A_962 = arith.index_cast %swap3A_960 : i32 to index
        %swap3A_963 = arith.index_cast %scan3A_340 : i32 to index
        %swap3A_964 = arith.constant 256 : index
        %swap3A_965 = tpu.vector_load %arg8[%swap3A_961, %swap3A_962, %swap3A_963, %swap3A_964] {strides = array<i32>} : memref<3x4x8x1024xf32, #tpu.memory_space<vmem>>, vector<1x1x1x16xf32>,
        %swap3A_966 = vector.shape_cast %swap3A_965 : vector<1x1x1x16xf32> to vector<16xf32>
        %swap3A_967 = vector.shape_cast %get3A_935 : vector<16xf32> to vector<1x1x1x16xf32>
        tpu.vector_store %arg8[%swap3A_961, %swap3A_962, %swap3A_963, %swap3A_964], %swap3A_967 {add = true, strides = array<i32>} : memref<3x4x8x1024xf32, #tpu.memory_space<vmem>>, vector<1x1x1x16xf32>,
        %get3A_968 = arith.index_cast %rem3A_298 : i32 to index
        %get3A_969 = arith.index_cast %scan3A_340 : i32 to index
        %get3A_970 = arith.constant 272 : index
        %get3A_971 = tpu.vector_load %arg7[%get3A_968, %get3A_969, %get3A_970] {strides = array<i32>} : memref<3x8x1024xf32, #tpu.memory_space<vmem>>, vector<1x1x16xf32>,
        %get3A_972 = vector.shape_cast %get3A_971 : vector<1x1x16xf32> to vector<16xf32>
        %swap3A_973 = arith.constant 0 : i32
        %swap3A_974 = arith.index_cast %rem3A_298 : i32 to index
        %swap3A_975 = arith.index_cast %swap3A_973 : i32 to index
        %swap3A_976 = arith.index_cast %scan3A_340 : i32 to index
        %swap3A_977 = arith.constant 272 : index
        %swap3A_978 = tpu.vector_load %arg8[%swap3A_974, %swap3A_975, %swap3A_976, %swap3A_977] {strides = array<i32>} : memref<3x4x8x1024xf32, #tpu.memory_space<vmem>>, vector<1x1x1x16xf32>,
        %swap3A_979 = vector.shape_cast %swap3A_978 : vector<1x1x1x16xf32> to vector<16xf32>
        %swap3A_980 = vector.shape_cast %get3A_972 : vector<16xf32> to vector<1x1x1x16xf32>
        tpu.vector_store %arg8[%swap3A_974, %swap3A_975, %swap3A_976, %swap3A_977], %swap3A_980 {add = true, strides = array<i32>} : memref<3x4x8x1024xf32, #tpu.memory_space<vmem>>, vector<1x1x1x16xf32>,
        %swap3A_981 = arith.constant 1 : i32
        %swap3A_982 = arith.index_cast %rem3A_298 : i32 to index
        %swap3A_983 = arith.index_cast %swap3A_981 : i32 to index
        %swap3A_984 = arith.index_cast %scan3A_340 : i32 to index
        %swap3A_985 = arith.constant 272 : index
        %swap3A_986 = tpu.vector_load %arg8[%swap3A_982, %swap3A_983, %swap3A_984, %swap3A_985] {strides = array<i32>} : memref<3x4x8x1024xf32, #tpu.memory_space<vmem>>, vector<1x1x1x16xf32>,
        %swap3A_987 = vector.shape_cast %swap3A_986 : vector<1x1x1x16xf32> to vector<16xf32>
        %swap3A_988 = vector.shape_cast %get3A_972 : vector<16xf32> to vector<1x1x1x16xf32>
        tpu.vector_store %arg8[%swap3A_982, %swap3A_983, %swap3A_984, %swap3A_985], %swap3A_988 {add = true, strides = array<i32>} : memref<3x4x8x1024xf32, #tpu.memory_space<vmem>>, vector<1x1x1x16xf32>,
        %swap3A_989 = arith.constant 2 : i32
        %swap3A_990 = arith.index_cast %rem3A_298 : i32 to index
        %swap3A_991 = arith.index_cast %swap3A_989 : i32 to index
        %swap3A_992 = arith.index_cast %scan3A_340 : i32 to index
        %swap3A_993 = arith.constant 272 : index
        %swap3A_994 = tpu.vector_load %arg8[%swap3A_990, %swap3A_991, %swap3A_992, %swap3A_993] {strides = array<i32>} : memref<3x4x8x1024xf32, #tpu.memory_space<vmem>>, vector<1x1x1x16xf32>,
        %swap3A_995 = vector.shape_cast %swap3A_994 : vector<1x1x1x16xf32> to vector<16xf32>
        %swap3A_996 = vector.shape_cast %get3A_972 : vector<16xf32> to vector<1x1x1x16xf32>
        tpu.vector_store %arg8[%swap3A_990, %swap3A_991, %swap3A_992, %swap3A_993], %swap3A_996 {add = true, strides = array<i32>} : memref<3x4x8x1024xf32, #tpu.memory_space<vmem>>, vector<1x1x1x16xf32>,
        %swap3A_997 = arith.constant 3 : i32
        %swap3A_998 = arith.index_cast %rem3A_298 : i32 to index
        %swap3A_999 = arith.index_cast %swap3A_997 : i32 to index
        %swap3A_1000 = arith.index_cast %scan3A_340 : i32 to index
        %swap3A_1001 = arith.constant 272 : index
        %swap3A_1002 = tpu.vector_load %arg8[%swap3A_998, %swap3A_999, %swap3A_1000, %swap3A_1001] {strides = array<i32>} : memref<3x4x8x1024xf32, #tpu.memory_space<vmem>>, vector<1x1x1x16xf32>,
        %swap3A_1003 = vector.shape_cast %swap3A_1002 : vector<1x1x1x16xf32> to vector<16xf32>
        %swap3A_1004 = vector.shape_cast %get3A_972 : vector<16xf32> to vector<1x1x1x16xf32>
        tpu.vector_store %arg8[%swap3A_998, %swap3A_999, %swap3A_1000, %swap3A_1001], %swap3A_1004 {add = true, strides = array<i32>} : memref<3x4x8x1024xf32, #tpu.memory_space<vmem>>, vector<1x1x1x16xf32>,
        %get3A_1005 = arith.index_cast %rem3A_298 : i32 to index
        %get3A_1006 = arith.index_cast %scan3A_340 : i32 to index
        %get3A_1007 = arith.constant 288 : index
        %get3A_1008 = tpu.vector_load %arg7[%get3A_1005, %get3A_1006, %get3A_1007] {strides = array<i32>} : memref<3x8x1024xf32, #tpu.memory_space<vmem>>, vector<1x1x16xf32>,
        %get3A_1009 = vector.shape_cast %get3A_1008 : vector<1x1x16xf32> to vector<16xf32>
        %swap3A_1010 = arith.constant 0 : i32
        %swap3A_1011 = arith.index_cast %rem3A_298 : i32 to index
        %swap3A_1012 = arith.index_cast %swap3A_1010 : i32 to index
        %swap3A_1013 = arith.index_cast %scan3A_340 : i32 to index
        %swap3A_1014 = arith.constant 288 : index
        %swap3A_1015 = tpu.vector_load %arg8[%swap3A_1011, %swap3A_1012, %swap3A_1013, %swap3A_1014] {strides = array<i32>} : memref<3x4x8x1024xf32, #tpu.memory_space<vmem>>, vector<1x1x1x16xf32>,
        %swap3A_1016 = vector.shape_cast %swap3A_1015 : vector<1x1x1x16xf32> to vector<16xf32>
        %swap3A_1017 = vector.shape_cast %get3A_1009 : vector<16xf32> to vector<1x1x1x16xf32>
        tpu.vector_store %arg8[%swap3A_1011, %swap3A_1012, %swap3A_1013, %swap3A_1014], %swap3A_1017 {add = true, strides = array<i32>} : memref<3x4x8x1024xf32, #tpu.memory_space<vmem>>, vector<1x1x1x16xf32>,
        %swap3A_1018 = arith.constant 1 : i32
        %swap3A_1019 = arith.index_cast %rem3A_298 : i32 to index
        %swap3A_1020 = arith.index_cast %swap3A_1018 : i32 to index
        %swap3A_1021 = arith.index_cast %scan3A_340 : i32 to index
        %swap3A_1022 = arith.constant 288 : index
        %swap3A_1023 = tpu.vector_load %arg8[%swap3A_1019, %swap3A_1020, %swap3A_1021, %swap3A_1022] {strides = array<i32>} : memref<3x4x8x1024xf32, #tpu.memory_space<vmem>>, vector<1x1x1x16xf32>,
        %swap3A_1024 = vector.shape_cast %swap3A_1023 : vector<1x1x1x16xf32> to vector<16xf32>
        %swap3A_1025 = vector.shape_cast %get3A_1009 : vector<16xf32> to vector<1x1x1x16xf32>
        tpu.vector_store %arg8[%swap3A_1019, %swap3A_1020, %swap3A_1021, %swap3A_1022], %swap3A_1025 {add = true, strides = array<i32>} : memref<3x4x8x1024xf32, #tpu.memory_space<vmem>>, vector<1x1x1x16xf32>,
        %swap3A_1026 = arith.constant 2 : i32
        %swap3A_1027 = arith.index_cast %rem3A_298 : i32 to index
        %swap3A_1028 = arith.index_cast %swap3A_1026 : i32 to index
        %swap3A_1029 = arith.index_cast %scan3A_340 : i32 to index
        %swap3A_1030 = arith.constant 288 : index
        %swap3A_1031 = tpu.vector_load %arg8[%swap3A_1027, %swap3A_1028, %swap3A_1029, %swap3A_1030] {strides = array<i32>} : memref<3x4x8x1024xf32, #tpu.memory_space<vmem>>, vector<1x1x1x16xf32>,
        %swap3A_1032 = vector.shape_cast %swap3A_1031 : vector<1x1x1x16xf32> to vector<16xf32>
        %swap3A_1033 = vector.shape_cast %get3A_1009 : vector<16xf32> to vector<1x1x1x16xf32>
        tpu.vector_store %arg8[%swap3A_1027, %swap3A_1028, %swap3A_1029, %swap3A_1030], %swap3A_1033 {add = true, strides = array<i32>} : memref<3x4x8x1024xf32, #tpu.memory_space<vmem>>, vector<1x1x1x16xf32>,
        %swap3A_1034 = arith.constant 3 : i32
        %swap3A_1035 = arith.index_cast %rem3A_298 : i32 to index
        %swap3A_1036 = arith.index_cast %swap3A_1034 : i32 to index
        %swap3A_1037 = arith.index_cast %scan3A_340 : i32 to index
        %swap3A_1038 = arith.constant 288 : index
        %swap3A_1039 = tpu.vector_load %arg8[%swap3A_1035, %swap3A_1036, %swap3A_1037, %swap3A_1038] {strides = array<i32>} : memref<3x4x8x1024xf32, #tpu.memory_space<vmem>>, vector<1x1x1x16xf32>,
        %swap3A_1040 = vector.shape_cast %swap3A_1039 : vector<1x1x1x16xf32> to vector<16xf32>
        %swap3A_1041 = vector.shape_cast %get3A_1009 : vector<16xf32> to vector<1x1x1x16xf32>
        tpu.vector_store %arg8[%swap3A_1035, %swap3A_1036, %swap3A_1037, %swap3A_1038], %swap3A_1041 {add = true, strides = array<i32>} : memref<3x4x8x1024xf32, #tpu.memory_space<vmem>>, vector<1x1x1x16xf32>,
        %get3A_1042 = arith.index_cast %rem3A_298 : i32 to index
        %get3A_1043 = arith.index_cast %scan3A_340 : i32 to index
        %get3A_1044 = arith.constant 304 : index
        %get3A_1045 = tpu.vector_load %arg7[%get3A_1042, %get3A_1043, %get3A_1044] {strides = array<i32>} : memref<3x8x1024xf32, #tpu.memory_space<vmem>>, vector<1x1x16xf32>,
        %get3A_1046 = vector.shape_cast %get3A_1045 : vector<1x1x16xf32> to vector<16xf32>
        %swap3A_1047 = arith.constant 0 : i32
        %swap3A_1048 = arith.index_cast %rem3A_298 : i32 to index
        %swap3A_1049 = arith.index_cast %swap3A_1047 : i32 to index
        %swap3A_1050 = arith.index_cast %scan3A_340 : i32 to index
        %swap3A_1051 = arith.constant 304 : index
        %swap3A_1052 = tpu.vector_load %arg8[%swap3A_1048, %swap3A_1049, %swap3A_1050, %swap3A_1051] {strides = array<i32>} : memref<3x4x8x1024xf32, #tpu.memory_space<vmem>>, vector<1x1x1x16xf32>,
        %swap3A_1053 = vector.shape_cast %swap3A_1052 : vector<1x1x1x16xf32> to vector<16xf32>
        %swap3A_1054 = vector.shape_cast %get3A_1046 : vector<16xf32> to vector<1x1x1x16xf32>
        tpu.vector_store %arg8[%swap3A_1048, %swap3A_1049, %swap3A_1050, %swap3A_1051], %swap3A_1054 {add = true, strides = array<i32>} : memref<3x4x8x1024xf32, #tpu.memory_space<vmem>>, vector<1x1x1x16xf32>,
        %swap3A_1055 = arith.constant 1 : i32
        %swap3A_1056 = arith.index_cast %rem3A_298 : i32 to index
        %swap3A_1057 = arith.index_cast %swap3A_1055 : i32 to index
        %swap3A_1058 = arith.index_cast %scan3A_340 : i32 to index
        %swap3A_1059 = arith.constant 304 : index
        %swap3A_1060 = tpu.vector_load %arg8[%swap3A_1056, %swap3A_1057, %swap3A_1058, %swap3A_1059] {strides = array<i32>} : memref<3x4x8x1024xf32, #tpu.memory_space<vmem>>, vector<1x1x1x16xf32>,
        %swap3A_1061 = vector.shape_cast %swap3A_1060 : vector<1x1x1x16xf32> to vector<16xf32>
        %swap3A_1062 = vector.shape_cast %get3A_1046 : vector<16xf32> to vector<1x1x1x16xf32>
        tpu.vector_store %arg8[%swap3A_1056, %swap3A_1057, %swap3A_1058, %swap3A_1059], %swap3A_1062 {add = true, strides = array<i32>} : memref<3x4x8x1024xf32, #tpu.memory_space<vmem>>, vector<1x1x1x16xf32>,
        %swap3A_1063 = arith.constant 2 : i32
        %swap3A_1064 = arith.index_cast %rem3A_298 : i32 to index
        %swap3A_1065 = arith.index_cast %swap3A_1063 : i32 to index
        %swap3A_1066 = arith.index_cast %scan3A_340 : i32 to index
        %swap3A_1067 = arith.constant 304 : index
        %swap3A_1068 = tpu.vector_load %arg8[%swap3A_1064, %swap3A_1065, %swap3A_1066, %swap3A_1067] {strides = array<i32>} : memref<3x4x8x1024xf32, #tpu.memory_space<vmem>>, vector<1x1x1x16xf32>,
        %swap3A_1069 = vector.shape_cast %swap3A_1068 : vector<1x1x1x16xf32> to vector<16xf32>
        %swap3A_1070 = vector.shape_cast %get3A_1046 : vector<16xf32> to vector<1x1x1x16xf32>
        tpu.vector_store %arg8[%swap3A_1064, %swap3A_1065, %swap3A_1066, %swap3A_1067], %swap3A_1070 {add = true, strides = array<i32>} : memref<3x4x8x1024xf32, #tpu.memory_space<vmem>>, vector<1x1x1x16xf32>,
        %swap3A_1071 = arith.constant 3 : i32
        %swap3A_1072 = arith.index_cast %rem3A_298 : i32 to index
        %swap3A_1073 = arith.index_cast %swap3A_1071 : i32 to index
        %swap3A_1074 = arith.index_cast %scan3A_340 : i32 to index
        %swap3A_1075 = arith.constant 304 : index
        %swap3A_1076 = tpu.vector_load %arg8[%swap3A_1072, %swap3A_1073, %swap3A_1074, %swap3A_1075] {strides = array<i32>} : memref<3x4x8x1024xf32, #tpu.memory_space<vmem>>, vector<1x1x1x16xf32>,
        %swap3A_1077 = vector.shape_cast %swap3A_1076 : vector<1x1x1x16xf32> to vector<16xf32>
        %swap3A_1078 = vector.shape_cast %get3A_1046 : vector<16xf32> to vector<1x1x1x16xf32>
        tpu.vector_store %arg8[%swap3A_1072, %swap3A_1073, %swap3A_1074, %swap3A_1075], %swap3A_1078 {add = true, strides = array<i32>} : memref<3x4x8x1024xf32, #tpu.memory_space<vmem>>, vector<1x1x1x16xf32>,
        %get3A_1079 = arith.index_cast %rem3A_298 : i32 to index
        %get3A_1080 = arith.index_cast %scan3A_340 : i32 to index
        %get3A_1081 = arith.constant 320 : index
        %get3A_1082 = tpu.vector_load %arg7[%get3A_1079, %get3A_1080, %get3A_1081] {strides = array<i32>} : memref<3x8x1024xf32, #tpu.memory_space<vmem>>, vector<1x1x16xf32>,
        %get3A_1083 = vector.shape_cast %get3A_1082 : vector<1x1x16xf32> to vector<16xf32>
        %swap3A_1084 = arith.constant 0 : i32
        %swap3A_1085 = arith.index_cast %rem3A_298 : i32 to index
        %swap3A_1086 = arith.index_cast %swap3A_1084 : i32 to index
        %swap3A_1087 = arith.index_cast %scan3A_340 : i32 to index
        %swap3A_1088 = arith.constant 320 : index
        %swap3A_1089 = tpu.vector_load %arg8[%swap3A_1085, %swap3A_1086, %swap3A_1087, %swap3A_1088] {strides = array<i32>} : memref<3x4x8x1024xf32, #tpu.memory_space<vmem>>, vector<1x1x1x16xf32>,
        %swap3A_1090 = vector.shape_cast %swap3A_1089 : vector<1x1x1x16xf32> to vector<16xf32>
        %swap3A_1091 = vector.shape_cast %get3A_1083 : vector<16xf32> to vector<1x1x1x16xf32>
        tpu.vector_store %arg8[%swap3A_1085, %swap3A_1086, %swap3A_1087, %swap3A_1088], %swap3A_1091 {add = true, strides = array<i32>} : memref<3x4x8x1024xf32, #tpu.memory_space<vmem>>, vector<1x1x1x16xf32>,
        %swap3A_1092 = arith.constant 1 : i32
        %swap3A_1093 = arith.index_cast %rem3A_298 : i32 to index
        %swap3A_1094 = arith.index_cast %swap3A_1092 : i32 to index
        %swap3A_1095 = arith.index_cast %scan3A_340 : i32 to index
        %swap3A_1096 = arith.constant 320 : index
        %swap3A_1097 = tpu.vector_load %arg8[%swap3A_1093, %swap3A_1094, %swap3A_1095, %swap3A_1096] {strides = array<i32>} : memref<3x4x8x1024xf32, #tpu.memory_space<vmem>>, vector<1x1x1x16xf32>,
        %swap3A_1098 = vector.shape_cast %swap3A_1097 : vector<1x1x1x16xf32> to vector<16xf32>
        %swap3A_1099 = vector.shape_cast %get3A_1083 : vector<16xf32> to vector<1x1x1x16xf32>
        tpu.vector_store %arg8[%swap3A_1093, %swap3A_1094, %swap3A_1095, %swap3A_1096], %swap3A_1099 {add = true, strides = array<i32>} : memref<3x4x8x1024xf32, #tpu.memory_space<vmem>>, vector<1x1x1x16xf32>,
        %swap3A_1100 = arith.constant 2 : i32
        %swap3A_1101 = arith.index_cast %rem3A_298 : i32 to index
        %swap3A_1102 = arith.index_cast %swap3A_1100 : i32 to index
        %swap3A_1103 = arith.index_cast %scan3A_340 : i32 to index
        %swap3A_1104 = arith.constant 320 : index
        %swap3A_1105 = tpu.vector_load %arg8[%swap3A_1101, %swap3A_1102, %swap3A_1103, %swap3A_1104] {strides = array<i32>} : memref<3x4x8x1024xf32, #tpu.memory_space<vmem>>, vector<1x1x1x16xf32>,
        %swap3A_1106 = vector.shape_cast %swap3A_1105 : vector<1x1x1x16xf32> to vector<16xf32>
        %swap3A_1107 = vector.shape_cast %get3A_1083 : vector<16xf32> to vector<1x1x1x16xf32>
        tpu.vector_store %arg8[%swap3A_1101, %swap3A_1102, %swap3A_1103, %swap3A_1104], %swap3A_1107 {add = true, strides = array<i32>} : memref<3x4x8x1024xf32, #tpu.memory_space<vmem>>, vector<1x1x1x16xf32>,
        %swap3A_1108 = arith.constant 3 : i32
        %swap3A_1109 = arith.index_cast %rem3A_298 : i32 to index
        %swap3A_1110 = arith.index_cast %swap3A_1108 : i32 to index
        %swap3A_1111 = arith.index_cast %scan3A_340 : i32 to index
        %swap3A_1112 = arith.constant 320 : index
        %swap3A_1113 = tpu.vector_load %arg8[%swap3A_1109, %swap3A_1110, %swap3A_1111, %swap3A_1112] {strides = array<i32>} : memref<3x4x8x1024xf32, #tpu.memory_space<vmem>>, vector<1x1x1x16xf32>,
        %swap3A_1114 = vector.shape_cast %swap3A_1113 : vector<1x1x1x16xf32> to vector<16xf32>
        %swap3A_1115 = vector.shape_cast %get3A_1083 : vector<16xf32> to vector<1x1x1x16xf32>
        tpu.vector_store %arg8[%swap3A_1109, %swap3A_1110, %swap3A_1111, %swap3A_1112], %swap3A_1115 {add = true, strides = array<i32>} : memref<3x4x8x1024xf32, #tpu.memory_space<vmem>>, vector<1x1x1x16xf32>,
        %get3A_1116 = arith.index_cast %rem3A_298 : i32 to index
        %get3A_1117 = arith.index_cast %scan3A_340 : i32 to index
        %get3A_1118 = arith.constant 336 : index
        %get3A_1119 = tpu.vector_load %arg7[%get3A_1116, %get3A_1117, %get3A_1118] {strides = array<i32>} : memref<3x8x1024xf32, #tpu.memory_space<vmem>>, vector<1x1x16xf32>,
        %get3A_1120 = vector.shape_cast %get3A_1119 : vector<1x1x16xf32> to vector<16xf32>
        %swap3A_1121 = arith.constant 0 : i32
        %swap3A_1122 = arith.index_cast %rem3A_298 : i32 to index
        %swap3A_1123 = arith.index_cast %swap3A_1121 : i32 to index
        %swap3A_1124 = arith.index_cast %scan3A_340 : i32 to index
        %swap3A_1125 = arith.constant 336 : index
        %swap3A_1126 = tpu.vector_load %arg8[%swap3A_1122, %swap3A_1123, %swap3A_1124, %swap3A_1125] {strides = array<i32>} : memref<3x4x8x1024xf32, #tpu.memory_space<vmem>>, vector<1x1x1x16xf32>,
        %swap3A_1127 = vector.shape_cast %swap3A_1126 : vector<1x1x1x16xf32> to vector<16xf32>
        %swap3A_1128 = vector.shape_cast %get3A_1120 : vector<16xf32> to vector<1x1x1x16xf32>
        tpu.vector_store %arg8[%swap3A_1122, %swap3A_1123, %swap3A_1124, %swap3A_1125], %swap3A_1128 {add = true, strides = array<i32>} : memref<3x4x8x1024xf32, #tpu.memory_space<vmem>>, vector<1x1x1x16xf32>,
        %swap3A_1129 = arith.constant 1 : i32
        %swap3A_1130 = arith.index_cast %rem3A_298 : i32 to index
        %swap3A_1131 = arith.index_cast %swap3A_1129 : i32 to index
        %swap3A_1132 = arith.index_cast %scan3A_340 : i32 to index
        %swap3A_1133 = arith.constant 336 : index
        %swap3A_1134 = tpu.vector_load %arg8[%swap3A_1130, %swap3A_1131, %swap3A_1132, %swap3A_1133] {strides = array<i32>} : memref<3x4x8x1024xf32, #tpu.memory_space<vmem>>, vector<1x1x1x16xf32>,
        %swap3A_1135 = vector.shape_cast %swap3A_1134 : vector<1x1x1x16xf32> to vector<16xf32>
        %swap3A_1136 = vector.shape_cast %get3A_1120 : vector<16xf32> to vector<1x1x1x16xf32>
        tpu.vector_store %arg8[%swap3A_1130, %swap3A_1131, %swap3A_1132, %swap3A_1133], %swap3A_1136 {add = true, strides = array<i32>} : memref<3x4x8x1024xf32, #tpu.memory_space<vmem>>, vector<1x1x1x16xf32>,
        %swap3A_1137 = arith.constant 2 : i32
        %swap3A_1138 = arith.index_cast %rem3A_298 : i32 to index
        %swap3A_1139 = arith.index_cast %swap3A_1137 : i32 to index
        %swap3A_1140 = arith.index_cast %scan3A_340 : i32 to index
        %swap3A_1141 = arith.constant 336 : index
        %swap3A_1142 = tpu.vector_load %arg8[%swap3A_1138, %swap3A_1139, %swap3A_1140, %swap3A_1141] {strides = array<i32>} : memref<3x4x8x1024xf32, #tpu.memory_space<vmem>>, vector<1x1x1x16xf32>,
        %swap3A_1143 = vector.shape_cast %swap3A_1142 : vector<1x1x1x16xf32> to vector<16xf32>
        %swap3A_1144 = vector.shape_cast %get3A_1120 : vector<16xf32> to vector<1x1x1x16xf32>
        tpu.vector_store %arg8[%swap3A_1138, %swap3A_1139, %swap3A_1140, %swap3A_1141], %swap3A_1144 {add = true, strides = array<i32>} : memref<3x4x8x1024xf32, #tpu.memory_space<vmem>>, vector<1x1x1x16xf32>,
        %swap3A_1145 = arith.constant 3 : i32
        %swap3A_1146 = arith.index_cast %rem3A_298 : i32 to index
        %swap3A_1147 = arith.index_cast %swap3A_1145 : i32 to index
        %swap3A_1148 = arith.index_cast %scan3A_340 : i32 to index
        %swap3A_1149 = arith.constant 336 : index
        %swap3A_1150 = tpu.vector_load %arg8[%swap3A_1146, %swap3A_1147, %swap3A_1148, %swap3A_1149] {strides = array<i32>} : memref<3x4x8x1024xf32, #tpu.memory_space<vmem>>, vector<1x1x1x16xf32>,
        %swap3A_1151 = vector.shape_cast %swap3A_1150 : vector<1x1x1x16xf32> to vector<16xf32>
        %swap3A_1152 = vector.shape_cast %get3A_1120 : vector<16xf32> to vector<1x1x1x16xf32>
        tpu.vector_store %arg8[%swap3A_1146, %swap3A_1147, %swap3A_1148, %swap3A_1149], %swap3A_1152 {add = true, strides = array<i32>} : memref<3x4x8x1024xf32, #tpu.memory_space<vmem>>, vector<1x1x1x16xf32>,
        %get3A_1153 = arith.index_cast %rem3A_298 : i32 to index
        %get3A_1154 = arith.index_cast %scan3A_340 : i32 to index
        %get3A_1155 = arith.constant 352 : index
        %get3A_1156 = tpu.vector_load %arg7[%get3A_1153, %get3A_1154, %get3A_1155] {strides = array<i32>} : memref<3x8x1024xf32, #tpu.memory_space<vmem>>, vector<1x1x16xf32>,
        %get3A_1157 = vector.shape_cast %get3A_1156 : vector<1x1x16xf32> to vector<16xf32>
        %swap3A_1158 = arith.constant 0 : i32
        %swap3A_1159 = arith.index_cast %rem3A_298 : i32 to index
        %swap3A_1160 = arith.index_cast %swap3A_1158 : i32 to index
        %swap3A_1161 = arith.index_cast %scan3A_340 : i32 to index
        %swap3A_1162 = arith.constant 352 : index
        %swap3A_1163 = tpu.vector_load %arg8[%swap3A_1159, %swap3A_1160, %swap3A_1161, %swap3A_1162] {strides = array<i32>} : memref<3x4x8x1024xf32, #tpu.memory_space<vmem>>, vector<1x1x1x16xf32>,
        %swap3A_1164 = vector.shape_cast %swap3A_1163 : vector<1x1x1x16xf32> to vector<16xf32>
        %swap3A_1165 = vector.shape_cast %get3A_1157 : vector<16xf32> to vector<1x1x1x16xf32>
        tpu.vector_store %arg8[%swap3A_1159, %swap3A_1160, %swap3A_1161, %swap3A_1162], %swap3A_1165 {add = true, strides = array<i32>} : memref<3x4x8x1024xf32, #tpu.memory_space<vmem>>, vector<1x1x1x16xf32>,
        %swap3A_1166 = arith.constant 1 : i32
        %swap3A_1167 = arith.index_cast %rem3A_298 : i32 to index
        %swap3A_1168 = arith.index_cast %swap3A_1166 : i32 to index
        %swap3A_1169 = arith.index_cast %scan3A_340 : i32 to index
        %swap3A_1170 = arith.constant 352 : index
        %swap3A_1171 = tpu.vector_load %arg8[%swap3A_1167, %swap3A_1168, %swap3A_1169, %swap3A_1170] {strides = array<i32>} : memref<3x4x8x1024xf32, #tpu.memory_space<vmem>>, vector<1x1x1x16xf32>,
        %swap3A_1172 = vector.shape_cast %swap3A_1171 : vector<1x1x1x16xf32> to vector<16xf32>
        %swap3A_1173 = vector.shape_cast %get3A_1157 : vector<16xf32> to vector<1x1x1x16xf32>
        tpu.vector_store %arg8[%swap3A_1167, %swap3A_1168, %swap3A_1169, %swap3A_1170], %swap3A_1173 {add = true, strides = array<i32>} : memref<3x4x8x1024xf32, #tpu.memory_space<vmem>>, vector<1x1x1x16xf32>,
        %swap3A_1174 = arith.constant 2 : i32
        %swap3A_1175 = arith.index_cast %rem3A_298 : i32 to index
        %swap3A_1176 = arith.index_cast %swap3A_1174 : i32 to index
        %swap3A_1177 = arith.index_cast %scan3A_340 : i32 to index
        %swap3A_1178 = arith.constant 352 : index
        %swap3A_1179 = tpu.vector_load %arg8[%swap3A_1175, %swap3A_1176, %swap3A_1177, %swap3A_1178] {strides = array<i32>} : memref<3x4x8x1024xf32, #tpu.memory_space<vmem>>, vector<1x1x1x16xf32>,
        %swap3A_1180 = vector.shape_cast %swap3A_1179 : vector<1x1x1x16xf32> to vector<16xf32>
        %swap3A_1181 = vector.shape_cast %get3A_1157 : vector<16xf32> to vector<1x1x1x16xf32>
        tpu.vector_store %arg8[%swap3A_1175, %swap3A_1176, %swap3A_1177, %swap3A_1178], %swap3A_1181 {add = true, strides = array<i32>} : memref<3x4x8x1024xf32, #tpu.memory_space<vmem>>, vector<1x1x1x16xf32>,
        %swap3A_1182 = arith.constant 3 : i32
        %swap3A_1183 = arith.index_cast %rem3A_298 : i32 to index
        %swap3A_1184 = arith.index_cast %swap3A_1182 : i32 to index
        %swap3A_1185 = arith.index_cast %scan3A_340 : i32 to index
        %swap3A_1186 = arith.constant 352 : index
        %swap3A_1187 = tpu.vector_load %arg8[%swap3A_1183, %swap3A_1184, %swap3A_1185, %swap3A_1186] {strides = array<i32>} : memref<3x4x8x1024xf32, #tpu.memory_space<vmem>>, vector<1x1x1x16xf32>,
        %swap3A_1188 = vector.shape_cast %swap3A_1187 : vector<1x1x1x16xf32> to vector<16xf32>
        %swap3A_1189 = vector.shape_cast %get3A_1157 : vector<16xf32> to vector<1x1x1x16xf32>
        tpu.vector_store %arg8[%swap3A_1183, %swap3A_1184, %swap3A_1185, %swap3A_1186], %swap3A_1189 {add = true, strides = array<i32>} : memref<3x4x8x1024xf32, #tpu.memory_space<vmem>>, vector<1x1x1x16xf32>,
        %get3A_1190 = arith.index_cast %rem3A_298 : i32 to index
        %get3A_1191 = arith.index_cast %scan3A_340 : i32 to index
        %get3A_1192 = arith.constant 368 : index
        %get3A_1193 = tpu.vector_load %arg7[%get3A_1190, %get3A_1191, %get3A_1192] {strides = array<i32>} : memref<3x8x1024xf32, #tpu.memory_space<vmem>>, vector<1x1x16xf32>,
        %get3A_1194 = vector.shape_cast %get3A_1193 : vector<1x1x16xf32> to vector<16xf32>
        %swap3A_1195 = arith.constant 0 : i32
        %swap3A_1196 = arith.index_cast %rem3A_298 : i32 to index
        %swap3A_1197 = arith.index_cast %swap3A_1195 : i32 to index
        %swap3A_1198 = arith.index_cast %scan3A_340 : i32 to index
        %swap3A_1199 = arith.constant 368 : index
        %swap3A_1200 = tpu.vector_load %arg8[%swap3A_1196, %swap3A_1197, %swap3A_1198, %swap3A_1199] {strides = array<i32>} : memref<3x4x8x1024xf32, #tpu.memory_space<vmem>>, vector<1x1x1x16xf32>,
        %swap3A_1201 = vector.shape_cast %swap3A_1200 : vector<1x1x1x16xf32> to vector<16xf32>
        %swap3A_1202 = vector.shape_cast %get3A_1194 : vector<16xf32> to vector<1x1x1x16xf32>
        tpu.vector_store %arg8[%swap3A_1196, %swap3A_1197, %swap3A_1198, %swap3A_1199], %swap3A_1202 {add = true, strides = array<i32>} : memref<3x4x8x1024xf32, #tpu.memory_space<vmem>>, vector<1x1x1x16xf32>,
        %swap3A_1203 = arith.constant 1 : i32
        %swap3A_1204 = arith.index_cast %rem3A_298 : i32 to index
        %swap3A_1205 = arith.index_cast %swap3A_1203 : i32 to index
        %swap3A_1206 = arith.index_cast %scan3A_340 : i32 to index
        %swap3A_1207 = arith.constant 368 : index
        %swap3A_1208 = tpu.vector_load %arg8[%swap3A_1204, %swap3A_1205, %swap3A_1206, %swap3A_1207] {strides = array<i32>} : memref<3x4x8x1024xf32, #tpu.memory_space<vmem>>, vector<1x1x1x16xf32>,
        %swap3A_1209 = vector.shape_cast %swap3A_1208 : vector<1x1x1x16xf32> to vector<16xf32>
        %swap3A_1210 = vector.shape_cast %get3A_1194 : vector<16xf32> to vector<1x1x1x16xf32>
        tpu.vector_store %arg8[%swap3A_1204, %swap3A_1205, %swap3A_1206, %swap3A_1207], %swap3A_1210 {add = true, strides = array<i32>} : memref<3x4x8x1024xf32, #tpu.memory_space<vmem>>, vector<1x1x1x16xf32>,
        %swap3A_1211 = arith.constant 2 : i32
        %swap3A_1212 = arith.index_cast %rem3A_298 : i32 to index
        %swap3A_1213 = arith.index_cast %swap3A_1211 : i32 to index
        %swap3A_1214 = arith.index_cast %scan3A_340 : i32 to index
        %swap3A_1215 = arith.constant 368 : index
        %swap3A_1216 = tpu.vector_load %arg8[%swap3A_1212, %swap3A_1213, %swap3A_1214, %swap3A_1215] {strides = array<i32>} : memref<3x4x8x1024xf32, #tpu.memory_space<vmem>>, vector<1x1x1x16xf32>,
        %swap3A_1217 = vector.shape_cast %swap3A_1216 : vector<1x1x1x16xf32> to vector<16xf32>
        %swap3A_1218 = vector.shape_cast %get3A_1194 : vector<16xf32> to vector<1x1x1x16xf32>
        tpu.vector_store %arg8[%swap3A_1212, %swap3A_1213, %swap3A_1214, %swap3A_1215], %swap3A_1218 {add = true, strides = array<i32>} : memref<3x4x8x1024xf32, #tpu.memory_space<vmem>>, vector<1x1x1x16xf32>,
        %swap3A_1219 = arith.constant 3 : i32
        %swap3A_1220 = arith.index_cast %rem3A_298 : i32 to index
        %swap3A_1221 = arith.index_cast %swap3A_1219 : i32 to index
        %swap3A_1222 = arith.index_cast %scan3A_340 : i32 to index
        %swap3A_1223 = arith.constant 368 : index
        %swap3A_1224 = tpu.vector_load %arg8[%swap3A_1220, %swap3A_1221, %swap3A_1222, %swap3A_1223] {strides = array<i32>} : memref<3x4x8x1024xf32, #tpu.memory_space<vmem>>, vector<1x1x1x16xf32>,
        %swap3A_1225 = vector.shape_cast %swap3A_1224 : vector<1x1x1x16xf32> to vector<16xf32>
        %swap3A_1226 = vector.shape_cast %get3A_1194 : vector<16xf32> to vector<1x1x1x16xf32>
        tpu.vector_store %arg8[%swap3A_1220, %swap3A_1221, %swap3A_1222, %swap3A_1223], %swap3A_1226 {add = true, strides = array<i32>} : memref<3x4x8x1024xf32, #tpu.memory_space<vmem>>, vector<1x1x1x16xf32>,
        %get3A_1227 = arith.index_cast %rem3A_298 : i32 to index
        %get3A_1228 = arith.index_cast %scan3A_340 : i32 to index
        %get3A_1229 = arith.constant 384 : index
        %get3A_1230 = tpu.vector_load %arg7[%get3A_1227, %get3A_1228, %get3A_1229] {strides = array<i32>} : memref<3x8x1024xf32, #tpu.memory_space<vmem>>, vector<1x1x16xf32>,
        %get3A_1231 = vector.shape_cast %get3A_1230 : vector<1x1x16xf32> to vector<16xf32>
        %swap3A_1232 = arith.constant 0 : i32
        %swap3A_1233 = arith.index_cast %rem3A_298 : i32 to index
        %swap3A_1234 = arith.index_cast %swap3A_1232 : i32 to index
        %swap3A_1235 = arith.index_cast %scan3A_340 : i32 to index
        %swap3A_1236 = arith.constant 384 : index
        %swap3A_1237 = tpu.vector_load %arg8[%swap3A_1233, %swap3A_1234, %swap3A_1235, %swap3A_1236] {strides = array<i32>} : memref<3x4x8x1024xf32, #tpu.memory_space<vmem>>, vector<1x1x1x16xf32>,
        %swap3A_1238 = vector.shape_cast %swap3A_1237 : vector<1x1x1x16xf32> to vector<16xf32>
        %swap3A_1239 = vector.shape_cast %get3A_1231 : vector<16xf32> to vector<1x1x1x16xf32>
        tpu.vector_store %arg8[%swap3A_1233, %swap3A_1234, %swap3A_1235, %swap3A_1236], %swap3A_1239 {add = true, strides = array<i32>} : memref<3x4x8x1024xf32, #tpu.memory_space<vmem>>, vector<1x1x1x16xf32>,
        %swap3A_1240 = arith.constant 1 : i32
        %swap3A_1241 = arith.index_cast %rem3A_298 : i32 to index
        %swap3A_1242 = arith.index_cast %swap3A_1240 : i32 to index
        %swap3A_1243 = arith.index_cast %scan3A_340 : i32 to index
        %swap3A_1244 = arith.constant 384 : index
        %swap3A_1245 = tpu.vector_load %arg8[%swap3A_1241, %swap3A_1242, %swap3A_1243, %swap3A_1244] {strides = array<i32>} : memref<3x4x8x1024xf32, #tpu.memory_space<vmem>>, vector<1x1x1x16xf32>,
        %swap3A_1246 = vector.shape_cast %swap3A_1245 : vector<1x1x1x16xf32> to vector<16xf32>
        %swap3A_1247 = vector.shape_cast %get3A_1231 : vector<16xf32> to vector<1x1x1x16xf32>
        tpu.vector_store %arg8[%swap3A_1241, %swap3A_1242, %swap3A_1243, %swap3A_1244], %swap3A_1247 {add = true, strides = array<i32>} : memref<3x4x8x1024xf32, #tpu.memory_space<vmem>>, vector<1x1x1x16xf32>,
        %swap3A_1248 = arith.constant 2 : i32
        %swap3A_1249 = arith.index_cast %rem3A_298 : i32 to index
        %swap3A_1250 = arith.index_cast %swap3A_1248 : i32 to index
        %swap3A_1251 = arith.index_cast %scan3A_340 : i32 to index
        %swap3A_1252 = arith.constant 384 : index
        %swap3A_1253 = tpu.vector_load %arg8[%swap3A_1249, %swap3A_1250, %swap3A_1251, %swap3A_1252] {strides = array<i32>} : memref<3x4x8x1024xf32, #tpu.memory_space<vmem>>, vector<1x1x1x16xf32>,
        %swap3A_1254 = vector.shape_cast %swap3A_1253 : vector<1x1x1x16xf32> to vector<16xf32>
        %swap3A_1255 = vector.shape_cast %get3A_1231 : vector<16xf32> to vector<1x1x1x16xf32>
        tpu.vector_store %arg8[%swap3A_1249, %swap3A_1250, %swap3A_1251, %swap3A_1252], %swap3A_1255 {add = true, strides = array<i32>} : memref<3x4x8x1024xf32, #tpu.memory_space<vmem>>, vector<1x1x1x16xf32>,
        %swap3A_1256 = arith.constant 3 : i32
        %swap3A_1257 = arith.index_cast %rem3A_298 : i32 to index
        %swap3A_1258 = arith.index_cast %swap3A_1256 : i32 to index
        %swap3A_1259 = arith.index_cast %scan3A_340 : i32 to index
        %swap3A_1260 = arith.constant 384 : index
        %swap3A_1261 = tpu.vector_load %arg8[%swap3A_1257, %swap3A_1258, %swap3A_1259, %swap3A_1260] {strides = array<i32>} : memref<3x4x8x1024xf32, #tpu.memory_space<vmem>>, vector<1x1x1x16xf32>,
        %swap3A_1262 = vector.shape_cast %swap3A_1261 : vector<1x1x1x16xf32> to vector<16xf32>
        %swap3A_1263 = vector.shape_cast %get3A_1231 : vector<16xf32> to vector<1x1x1x16xf32>
        tpu.vector_store %arg8[%swap3A_1257, %swap3A_1258, %swap3A_1259, %swap3A_1260], %swap3A_1263 {add = true, strides = array<i32>} : memref<3x4x8x1024xf32, #tpu.memory_space<vmem>>, vector<1x1x1x16xf32>,
        %get3A_1264 = arith.index_cast %rem3A_298 : i32 to index
        %get3A_1265 = arith.index_cast %scan3A_340 : i32 to index
        %get3A_1266 = arith.constant 400 : index
        %get3A_1267 = tpu.vector_load %arg7[%get3A_1264, %get3A_1265, %get3A_1266] {strides = array<i32>} : memref<3x8x1024xf32, #tpu.memory_space<vmem>>, vector<1x1x16xf32>,
        %get3A_1268 = vector.shape_cast %get3A_1267 : vector<1x1x16xf32> to vector<16xf32>
        %swap3A_1269 = arith.constant 0 : i32
        %swap3A_1270 = arith.index_cast %rem3A_298 : i32 to index
        %swap3A_1271 = arith.index_cast %swap3A_1269 : i32 to index
        %swap3A_1272 = arith.index_cast %scan3A_340 : i32 to index
        %swap3A_1273 = arith.constant 400 : index
        %swap3A_1274 = tpu.vector_load %arg8[%swap3A_1270, %swap3A_1271, %swap3A_1272, %swap3A_1273] {strides = array<i32>} : memref<3x4x8x1024xf32, #tpu.memory_space<vmem>>, vector<1x1x1x16xf32>,
        %swap3A_1275 = vector.shape_cast %swap3A_1274 : vector<1x1x1x16xf32> to vector<16xf32>
        %swap3A_1276 = vector.shape_cast %get3A_1268 : vector<16xf32> to vector<1x1x1x16xf32>
        tpu.vector_store %arg8[%swap3A_1270, %swap3A_1271, %swap3A_1272, %swap3A_1273], %swap3A_1276 {add = true, strides = array<i32>} : memref<3x4x8x1024xf32, #tpu.memory_space<vmem>>, vector<1x1x1x16xf32>,
        %swap3A_1277 = arith.constant 1 : i32
        %swap3A_1278 = arith.index_cast %rem3A_298 : i32 to index
        %swap3A_1279 = arith.index_cast %swap3A_1277 : i32 to index
        %swap3A_1280 = arith.index_cast %scan3A_340 : i32 to index
        %swap3A_1281 = arith.constant 400 : index
        %swap3A_1282 = tpu.vector_load %arg8[%swap3A_1278, %swap3A_1279, %swap3A_1280, %swap3A_1281] {strides = array<i32>} : memref<3x4x8x1024xf32, #tpu.memory_space<vmem>>, vector<1x1x1x16xf32>,
        %swap3A_1283 = vector.shape_cast %swap3A_1282 : vector<1x1x1x16xf32> to vector<16xf32>
        %swap3A_1284 = vector.shape_cast %get3A_1268 : vector<16xf32> to vector<1x1x1x16xf32>
        tpu.vector_store %arg8[%swap3A_1278, %swap3A_1279, %swap3A_1280, %swap3A_1281], %swap3A_1284 {add = true, strides = array<i32>} : memref<3x4x8x1024xf32, #tpu.memory_space<vmem>>, vector<1x1x1x16xf32>,
        %swap3A_1285 = arith.constant 2 : i32
        %swap3A_1286 = arith.index_cast %rem3A_298 : i32 to index
        %swap3A_1287 = arith.index_cast %swap3A_1285 : i32 to index
        %swap3A_1288 = arith.index_cast %scan3A_340 : i32 to index
        %swap3A_1289 = arith.constant 400 : index
        %swap3A_1290 = tpu.vector_load %arg8[%swap3A_1286, %swap3A_1287, %swap3A_1288, %swap3A_1289] {strides = array<i32>} : memref<3x4x8x1024xf32, #tpu.memory_space<vmem>>, vector<1x1x1x16xf32>,
        %swap3A_1291 = vector.shape_cast %swap3A_1290 : vector<1x1x1x16xf32> to vector<16xf32>
        %swap3A_1292 = vector.shape_cast %get3A_1268 : vector<16xf32> to vector<1x1x1x16xf32>
        tpu.vector_store %arg8[%swap3A_1286, %swap3A_1287, %swap3A_1288, %swap3A_1289], %swap3A_1292 {add = true, strides = array<i32>} : memref<3x4x8x1024xf32, #tpu.memory_space<vmem>>, vector<1x1x1x16xf32>,
        %swap3A_1293 = arith.constant 3 : i32
        %swap3A_1294 = arith.index_cast %rem3A_298 : i32 to index
        %swap3A_1295 = arith.index_cast %swap3A_1293 : i32 to index
        %swap3A_1296 = arith.index_cast %scan3A_340 : i32 to index
        %swap3A_1297 = arith.constant 400 : index
        %swap3A_1298 = tpu.vector_load %arg8[%swap3A_1294, %swap3A_1295, %swap3A_1296, %swap3A_1297] {strides = array<i32>} : memref<3x4x8x1024xf32, #tpu.memory_space<vmem>>, vector<1x1x1x16xf32>,
        %swap3A_1299 = vector.shape_cast %swap3A_1298 : vector<1x1x1x16xf32> to vector<16xf32>
        %swap3A_1300 = vector.shape_cast %get3A_1268 : vector<16xf32> to vector<1x1x1x16xf32>
        tpu.vector_store %arg8[%swap3A_1294, %swap3A_1295, %swap3A_1296, %swap3A_1297], %swap3A_1300 {add = true, strides = array<i32>} : memref<3x4x8x1024xf32, #tpu.memory_space<vmem>>, vector<1x1x1x16xf32>,
        %get3A_1301 = arith.index_cast %rem3A_298 : i32 to index
        %get3A_1302 = arith.index_cast %scan3A_340 : i32 to index
        %get3A_1303 = arith.constant 416 : index
        %get3A_1304 = tpu.vector_load %arg7[%get3A_1301, %get3A_1302, %get3A_1303] {strides = array<i32>} : memref<3x8x1024xf32, #tpu.memory_space<vmem>>, vector<1x1x16xf32>,
        %get3A_1305 = vector.shape_cast %get3A_1304 : vector<1x1x16xf32> to vector<16xf32>
        %swap3A_1306 = arith.constant 0 : i32
        %swap3A_1307 = arith.index_cast %rem3A_298 : i32 to index
        %swap3A_1308 = arith.index_cast %swap3A_1306 : i32 to index
        %swap3A_1309 = arith.index_cast %scan3A_340 : i32 to index
        %swap3A_1310 = arith.constant 416 : index
        %swap3A_1311 = tpu.vector_load %arg8[%swap3A_1307, %swap3A_1308, %swap3A_1309, %swap3A_1310] {strides = array<i32>} : memref<3x4x8x1024xf32, #tpu.memory_space<vmem>>, vector<1x1x1x16xf32>,
        %swap3A_1312 = vector.shape_cast %swap3A_1311 : vector<1x1x1x16xf32> to vector<16xf32>
        %swap3A_1313 = vector.shape_cast %get3A_1305 : vector<16xf32> to vector<1x1x1x16xf32>
        tpu.vector_store %arg8[%swap3A_1307, %swap3A_1308, %swap3A_1309, %swap3A_1310], %swap3A_1313 {add = true, strides = array<i32>} : memref<3x4x8x1024xf32, #tpu.memory_space<vmem>>, vector<1x1x1x16xf32>,
        %swap3A_1314 = arith.constant 1 : i32
        %swap3A_1315 = arith.index_cast %rem3A_298 : i32 to index
        %swap3A_1316 = arith.index_cast %swap3A_1314 : i32 to index
        %swap3A_1317 = arith.index_cast %scan3A_340 : i32 to index
        %swap3A_1318 = arith.constant 416 : index
        %swap3A_1319 = tpu.vector_load %arg8[%swap3A_1315, %swap3A_1316, %swap3A_1317, %swap3A_1318] {strides = array<i32>} : memref<3x4x8x1024xf32, #tpu.memory_space<vmem>>, vector<1x1x1x16xf32>,
        %swap3A_1320 = vector.shape_cast %swap3A_1319 : vector<1x1x1x16xf32> to vector<16xf32>
        %swap3A_1321 = vector.shape_cast %get3A_1305 : vector<16xf32> to vector<1x1x1x16xf32>
        tpu.vector_store %arg8[%swap3A_1315, %swap3A_1316, %swap3A_1317, %swap3A_1318], %swap3A_1321 {add = true, strides = array<i32>} : memref<3x4x8x1024xf32, #tpu.memory_space<vmem>>, vector<1x1x1x16xf32>,
        %swap3A_1322 = arith.constant 2 : i32
        %swap3A_1323 = arith.index_cast %rem3A_298 : i32 to index
        %swap3A_1324 = arith.index_cast %swap3A_1322 : i32 to index
        %swap3A_1325 = arith.index_cast %scan3A_340 : i32 to index
        %swap3A_1326 = arith.constant 416 : index
        %swap3A_1327 = tpu.vector_load %arg8[%swap3A_1323, %swap3A_1324, %swap3A_1325, %swap3A_1326] {strides = array<i32>} : memref<3x4x8x1024xf32, #tpu.memory_space<vmem>>, vector<1x1x1x16xf32>,
        %swap3A_1328 = vector.shape_cast %swap3A_1327 : vector<1x1x1x16xf32> to vector<16xf32>
        %swap3A_1329 = vector.shape_cast %get3A_1305 : vector<16xf32> to vector<1x1x1x16xf32>
        tpu.vector_store %arg8[%swap3A_1323, %swap3A_1324, %swap3A_1325, %swap3A_1326], %swap3A_1329 {add = true, strides = array<i32>} : memref<3x4x8x1024xf32, #tpu.memory_space<vmem>>, vector<1x1x1x16xf32>,
        %swap3A_1330 = arith.constant 3 : i32
        %swap3A_1331 = arith.index_cast %rem3A_298 : i32 to index
        %swap3A_1332 = arith.index_cast %swap3A_1330 : i32 to index
        %swap3A_1333 = arith.index_cast %scan3A_340 : i32 to index
        %swap3A_1334 = arith.constant 416 : index
        %swap3A_1335 = tpu.vector_load %arg8[%swap3A_1331, %swap3A_1332, %swap3A_1333, %swap3A_1334] {strides = array<i32>} : memref<3x4x8x1024xf32, #tpu.memory_space<vmem>>, vector<1x1x1x16xf32>,
        %swap3A_1336 = vector.shape_cast %swap3A_1335 : vector<1x1x1x16xf32> to vector<16xf32>
        %swap3A_1337 = vector.shape_cast %get3A_1305 : vector<16xf32> to vector<1x1x1x16xf32>
        tpu.vector_store %arg8[%swap3A_1331, %swap3A_1332, %swap3A_1333, %swap3A_1334], %swap3A_1337 {add = true, strides = array<i32>} : memref<3x4x8x1024xf32, #tpu.memory_space<vmem>>, vector<1x1x1x16xf32>,
        %get3A_1338 = arith.index_cast %rem3A_298 : i32 to index
        %get3A_1339 = arith.index_cast %scan3A_340 : i32 to index
        %get3A_1340 = arith.constant 432 : index
        %get3A_1341 = tpu.vector_load %arg7[%get3A_1338, %get3A_1339, %get3A_1340] {strides = array<i32>} : memref<3x8x1024xf32, #tpu.memory_space<vmem>>, vector<1x1x16xf32>,
        %get3A_1342 = vector.shape_cast %get3A_1341 : vector<1x1x16xf32> to vector<16xf32>
        %swap3A_1343 = arith.constant 0 : i32
        %swap3A_1344 = arith.index_cast %rem3A_298 : i32 to index
        %swap3A_1345 = arith.index_cast %swap3A_1343 : i32 to index
        %swap3A_1346 = arith.index_cast %scan3A_340 : i32 to index
        %swap3A_1347 = arith.constant 432 : index
        %swap3A_1348 = tpu.vector_load %arg8[%swap3A_1344, %swap3A_1345, %swap3A_1346, %swap3A_1347] {strides = array<i32>} : memref<3x4x8x1024xf32, #tpu.memory_space<vmem>>, vector<1x1x1x16xf32>,
        %swap3A_1349 = vector.shape_cast %swap3A_1348 : vector<1x1x1x16xf32> to vector<16xf32>
        %swap3A_1350 = vector.shape_cast %get3A_1342 : vector<16xf32> to vector<1x1x1x16xf32>
        tpu.vector_store %arg8[%swap3A_1344, %swap3A_1345, %swap3A_1346, %swap3A_1347], %swap3A_1350 {add = true, strides = array<i32>} : memref<3x4x8x1024xf32, #tpu.memory_space<vmem>>, vector<1x1x1x16xf32>,
        %swap3A_1351 = arith.constant 1 : i32
        %swap3A_1352 = arith.index_cast %rem3A_298 : i32 to index
        %swap3A_1353 = arith.index_cast %swap3A_1351 : i32 to index
        %swap3A_1354 = arith.index_cast %scan3A_340 : i32 to index
        %swap3A_1355 = arith.constant 432 : index
        %swap3A_1356 = tpu.vector_load %arg8[%swap3A_1352, %swap3A_1353, %swap3A_1354, %swap3A_1355] {strides = array<i32>} : memref<3x4x8x1024xf32, #tpu.memory_space<vmem>>, vector<1x1x1x16xf32>,
        %swap3A_1357 = vector.shape_cast %swap3A_1356 : vector<1x1x1x16xf32> to vector<16xf32>
        %swap3A_1358 = vector.shape_cast %get3A_1342 : vector<16xf32> to vector<1x1x1x16xf32>
        tpu.vector_store %arg8[%swap3A_1352, %swap3A_1353, %swap3A_1354, %swap3A_1355], %swap3A_1358 {add = true, strides = array<i32>} : memref<3x4x8x1024xf32, #tpu.memory_space<vmem>>, vector<1x1x1x16xf32>,
        %swap3A_1359 = arith.constant 2 : i32
        %swap3A_1360 = arith.index_cast %rem3A_298 : i32 to index
        %swap3A_1361 = arith.index_cast %swap3A_1359 : i32 to index
        %swap3A_1362 = arith.index_cast %scan3A_340 : i32 to index
        %swap3A_1363 = arith.constant 432 : index
        %swap3A_1364 = tpu.vector_load %arg8[%swap3A_1360, %swap3A_1361, %swap3A_1362, %swap3A_1363] {strides = array<i32>} : memref<3x4x8x1024xf32, #tpu.memory_space<vmem>>, vector<1x1x1x16xf32>,
        %swap3A_1365 = vector.shape_cast %swap3A_1364 : vector<1x1x1x16xf32> to vector<16xf32>
        %swap3A_1366 = vector.shape_cast %get3A_1342 : vector<16xf32> to vector<1x1x1x16xf32>
        tpu.vector_store %arg8[%swap3A_1360, %swap3A_1361, %swap3A_1362, %swap3A_1363], %swap3A_1366 {add = true, strides = array<i32>} : memref<3x4x8x1024xf32, #tpu.memory_space<vmem>>, vector<1x1x1x16xf32>,
        %swap3A_1367 = arith.constant 3 : i32
        %swap3A_1368 = arith.index_cast %rem3A_298 : i32 to index
        %swap3A_1369 = arith.index_cast %swap3A_1367 : i32 to index
        %swap3A_1370 = arith.index_cast %scan3A_340 : i32 to index
        %swap3A_1371 = arith.constant 432 : index
        %swap3A_1372 = tpu.vector_load %arg8[%swap3A_1368, %swap3A_1369, %swap3A_1370, %swap3A_1371] {strides = array<i32>} : memref<3x4x8x1024xf32, #tpu.memory_space<vmem>>, vector<1x1x1x16xf32>,
        %swap3A_1373 = vector.shape_cast %swap3A_1372 : vector<1x1x1x16xf32> to vector<16xf32>
        %swap3A_1374 = vector.shape_cast %get3A_1342 : vector<16xf32> to vector<1x1x1x16xf32>
        tpu.vector_store %arg8[%swap3A_1368, %swap3A_1369, %swap3A_1370, %swap3A_1371], %swap3A_1374 {add = true, strides = array<i32>} : memref<3x4x8x1024xf32, #tpu.memory_space<vmem>>, vector<1x1x1x16xf32>,
        %get3A_1375 = arith.index_cast %rem3A_298 : i32 to index
        %get3A_1376 = arith.index_cast %scan3A_340 : i32 to index
        %get3A_1377 = arith.constant 448 : index
        %get3A_1378 = tpu.vector_load %arg7[%get3A_1375, %get3A_1376, %get3A_1377] {strides = array<i32>} : memref<3x8x1024xf32, #tpu.memory_space<vmem>>, vector<1x1x16xf32>,
        %get3A_1379 = vector.shape_cast %get3A_1378 : vector<1x1x16xf32> to vector<16xf32>
        %swap3A_1380 = arith.constant 0 : i32
        %swap3A_1381 = arith.index_cast %rem3A_298 : i32 to index
        %swap3A_1382 = arith.index_cast %swap3A_1380 : i32 to index
        %swap3A_1383 = arith.index_cast %scan3A_340 : i32 to index
        %swap3A_1384 = arith.constant 448 : index
        %swap3A_1385 = tpu.vector_load %arg8[%swap3A_1381, %swap3A_1382, %swap3A_1383, %swap3A_1384] {strides = array<i32>} : memref<3x4x8x1024xf32, #tpu.memory_space<vmem>>, vector<1x1x1x16xf32>,
        %swap3A_1386 = vector.shape_cast %swap3A_1385 : vector<1x1x1x16xf32> to vector<16xf32>
        %swap3A_1387 = vector.shape_cast %get3A_1379 : vector<16xf32> to vector<1x1x1x16xf32>
        tpu.vector_store %arg8[%swap3A_1381, %swap3A_1382, %swap3A_1383, %swap3A_1384], %swap3A_1387 {add = true, strides = array<i32>} : memref<3x4x8x1024xf32, #tpu.memory_space<vmem>>, vector<1x1x1x16xf32>,
        %swap3A_1388 = arith.constant 1 : i32
        %swap3A_1389 = arith.index_cast %rem3A_298 : i32 to index
        %swap3A_1390 = arith.index_cast %swap3A_1388 : i32 to index
        %swap3A_1391 = arith.index_cast %scan3A_340 : i32 to index
        %swap3A_1392 = arith.constant 448 : index
        %swap3A_1393 = tpu.vector_load %arg8[%swap3A_1389, %swap3A_1390, %swap3A_1391, %swap3A_1392] {strides = array<i32>} : memref<3x4x8x1024xf32, #tpu.memory_space<vmem>>, vector<1x1x1x16xf32>,
        %swap3A_1394 = vector.shape_cast %swap3A_1393 : vector<1x1x1x16xf32> to vector<16xf32>
        %swap3A_1395 = vector.shape_cast %get3A_1379 : vector<16xf32> to vector<1x1x1x16xf32>
        tpu.vector_store %arg8[%swap3A_1389, %swap3A_1390, %swap3A_1391, %swap3A_1392], %swap3A_1395 {add = true, strides = array<i32>} : memref<3x4x8x1024xf32, #tpu.memory_space<vmem>>, vector<1x1x1x16xf32>,
        %swap3A_1396 = arith.constant 2 : i32
        %swap3A_1397 = arith.index_cast %rem3A_298 : i32 to index
        %swap3A_1398 = arith.index_cast %swap3A_1396 : i32 to index
        %swap3A_1399 = arith.index_cast %scan3A_340 : i32 to index
        %swap3A_1400 = arith.constant 448 : index
        %swap3A_1401 = tpu.vector_load %arg8[%swap3A_1397, %swap3A_1398, %swap3A_1399, %swap3A_1400] {strides = array<i32>} : memref<3x4x8x1024xf32, #tpu.memory_space<vmem>>, vector<1x1x1x16xf32>,
        %swap3A_1402 = vector.shape_cast %swap3A_1401 : vector<1x1x1x16xf32> to vector<16xf32>
        %swap3A_1403 = vector.shape_cast %get3A_1379 : vector<16xf32> to vector<1x1x1x16xf32>
        tpu.vector_store %arg8[%swap3A_1397, %swap3A_1398, %swap3A_1399, %swap3A_1400], %swap3A_1403 {add = true, strides = array<i32>} : memref<3x4x8x1024xf32, #tpu.memory_space<vmem>>, vector<1x1x1x16xf32>,
        %swap3A_1404 = arith.constant 3 : i32
        %swap3A_1405 = arith.index_cast %rem3A_298 : i32 to index
        %swap3A_1406 = arith.index_cast %swap3A_1404 : i32 to index
        %swap3A_1407 = arith.index_cast %scan3A_340 : i32 to index
        %swap3A_1408 = arith.constant 448 : index
        %swap3A_1409 = tpu.vector_load %arg8[%swap3A_1405, %swap3A_1406, %swap3A_1407, %swap3A_1408] {strides = array<i32>} : memref<3x4x8x1024xf32, #tpu.memory_space<vmem>>, vector<1x1x1x16xf32>,
        %swap3A_1410 = vector.shape_cast %swap3A_1409 : vector<1x1x1x16xf32> to vector<16xf32>
        %swap3A_1411 = vector.shape_cast %get3A_1379 : vector<16xf32> to vector<1x1x1x16xf32>
        tpu.vector_store %arg8[%swap3A_1405, %swap3A_1406, %swap3A_1407, %swap3A_1408], %swap3A_1411 {add = true, strides = array<i32>} : memref<3x4x8x1024xf32, #tpu.memory_space<vmem>>, vector<1x1x1x16xf32>,
        %get3A_1412 = arith.index_cast %rem3A_298 : i32 to index
        %get3A_1413 = arith.index_cast %scan3A_340 : i32 to index
        %get3A_1414 = arith.constant 464 : index
        %get3A_1415 = tpu.vector_load %arg7[%get3A_1412, %get3A_1413, %get3A_1414] {strides = array<i32>} : memref<3x8x1024xf32, #tpu.memory_space<vmem>>, vector<1x1x16xf32>,
        %get3A_1416 = vector.shape_cast %get3A_1415 : vector<1x1x16xf32> to vector<16xf32>
        %swap3A_1417 = arith.constant 0 : i32
        %swap3A_1418 = arith.index_cast %rem3A_298 : i32 to index
        %swap3A_1419 = arith.index_cast %swap3A_1417 : i32 to index
        %swap3A_1420 = arith.index_cast %scan3A_340 : i32 to index
        %swap3A_1421 = arith.constant 464 : index
        %swap3A_1422 = tpu.vector_load %arg8[%swap3A_1418, %swap3A_1419, %swap3A_1420, %swap3A_1421] {strides = array<i32>} : memref<3x4x8x1024xf32, #tpu.memory_space<vmem>>, vector<1x1x1x16xf32>,
        %swap3A_1423 = vector.shape_cast %swap3A_1422 : vector<1x1x1x16xf32> to vector<16xf32>
        %swap3A_1424 = vector.shape_cast %get3A_1416 : vector<16xf32> to vector<1x1x1x16xf32>
        tpu.vector_store %arg8[%swap3A_1418, %swap3A_1419, %swap3A_1420, %swap3A_1421], %swap3A_1424 {add = true, strides = array<i32>} : memref<3x4x8x1024xf32, #tpu.memory_space<vmem>>, vector<1x1x1x16xf32>,
        %swap3A_1425 = arith.constant 1 : i32
        %swap3A_1426 = arith.index_cast %rem3A_298 : i32 to index
        %swap3A_1427 = arith.index_cast %swap3A_1425 : i32 to index
        %swap3A_1428 = arith.index_cast %scan3A_340 : i32 to index
        %swap3A_1429 = arith.constant 464 : index
        %swap3A_1430 = tpu.vector_load %arg8[%swap3A_1426, %swap3A_1427, %swap3A_1428, %swap3A_1429] {strides = array<i32>} : memref<3x4x8x1024xf32, #tpu.memory_space<vmem>>, vector<1x1x1x16xf32>,
        %swap3A_1431 = vector.shape_cast %swap3A_1430 : vector<1x1x1x16xf32> to vector<16xf32>
        %swap3A_1432 = vector.shape_cast %get3A_1416 : vector<16xf32> to vector<1x1x1x16xf32>
        tpu.vector_store %arg8[%swap3A_1426, %swap3A_1427, %swap3A_1428, %swap3A_1429], %swap3A_1432 {add = true, strides = array<i32>} : memref<3x4x8x1024xf32, #tpu.memory_space<vmem>>, vector<1x1x1x16xf32>,
        %swap3A_1433 = arith.constant 2 : i32
        %swap3A_1434 = arith.index_cast %rem3A_298 : i32 to index
        %swap3A_1435 = arith.index_cast %swap3A_1433 : i32 to index
        %swap3A_1436 = arith.index_cast %scan3A_340 : i32 to index
        %swap3A_1437 = arith.constant 464 : index
        %swap3A_1438 = tpu.vector_load %arg8[%swap3A_1434, %swap3A_1435, %swap3A_1436, %swap3A_1437] {strides = array<i32>} : memref<3x4x8x1024xf32, #tpu.memory_space<vmem>>, vector<1x1x1x16xf32>,
        %swap3A_1439 = vector.shape_cast %swap3A_1438 : vector<1x1x1x16xf32> to vector<16xf32>
        %swap3A_1440 = vector.shape_cast %get3A_1416 : vector<16xf32> to vector<1x1x1x16xf32>
        tpu.vector_store %arg8[%swap3A_1434, %swap3A_1435, %swap3A_1436, %swap3A_1437], %swap3A_1440 {add = true, strides = array<i32>} : memref<3x4x8x1024xf32, #tpu.memory_space<vmem>>, vector<1x1x1x16xf32>,
        %swap3A_1441 = arith.constant 3 : i32
        %swap3A_1442 = arith.index_cast %rem3A_298 : i32 to index
        %swap3A_1443 = arith.index_cast %swap3A_1441 : i32 to index
        %swap3A_1444 = arith.index_cast %scan3A_340 : i32 to index
        %swap3A_1445 = arith.constant 464 : index
        %swap3A_1446 = tpu.vector_load %arg8[%swap3A_1442, %swap3A_1443, %swap3A_1444, %swap3A_1445] {strides = array<i32>} : memref<3x4x8x1024xf32, #tpu.memory_space<vmem>>, vector<1x1x1x16xf32>,
        %swap3A_1447 = vector.shape_cast %swap3A_1446 : vector<1x1x1x16xf32> to vector<16xf32>
        %swap3A_1448 = vector.shape_cast %get3A_1416 : vector<16xf32> to vector<1x1x1x16xf32>
        tpu.vector_store %arg8[%swap3A_1442, %swap3A_1443, %swap3A_1444, %swap3A_1445], %swap3A_1448 {add = true, strides = array<i32>} : memref<3x4x8x1024xf32, #tpu.memory_space<vmem>>, vector<1x1x1x16xf32>,
        %get3A_1449 = arith.index_cast %rem3A_298 : i32 to index
        %get3A_1450 = arith.index_cast %scan3A_340 : i32 to index
        %get3A_1451 = arith.constant 480 : index
        %get3A_1452 = tpu.vector_load %arg7[%get3A_1449, %get3A_1450, %get3A_1451] {strides = array<i32>} : memref<3x8x1024xf32, #tpu.memory_space<vmem>>, vector<1x1x16xf32>,
        %get3A_1453 = vector.shape_cast %get3A_1452 : vector<1x1x16xf32> to vector<16xf32>
        %swap3A_1454 = arith.constant 0 : i32
        %swap3A_1455 = arith.index_cast %rem3A_298 : i32 to index
        %swap3A_1456 = arith.index_cast %swap3A_1454 : i32 to index
        %swap3A_1457 = arith.index_cast %scan3A_340 : i32 to index
        %swap3A_1458 = arith.constant 480 : index
        %swap3A_1459 = tpu.vector_load %arg8[%swap3A_1455, %swap3A_1456, %swap3A_1457, %swap3A_1458] {strides = array<i32>} : memref<3x4x8x1024xf32, #tpu.memory_space<vmem>>, vector<1x1x1x16xf32>,
        %swap3A_1460 = vector.shape_cast %swap3A_1459 : vector<1x1x1x16xf32> to vector<16xf32>
        %swap3A_1461 = vector.shape_cast %get3A_1453 : vector<16xf32> to vector<1x1x1x16xf32>
        tpu.vector_store %arg8[%swap3A_1455, %swap3A_1456, %swap3A_1457, %swap3A_1458], %swap3A_1461 {add = true, strides = array<i32>} : memref<3x4x8x1024xf32, #tpu.memory_space<vmem>>, vector<1x1x1x16xf32>,
        %swap3A_1462 = arith.constant 1 : i32
        %swap3A_1463 = arith.index_cast %rem3A_298 : i32 to index
        %swap3A_1464 = arith.index_cast %swap3A_1462 : i32 to index
        %swap3A_1465 = arith.index_cast %scan3A_340 : i32 to index
        %swap3A_1466 = arith.constant 480 : index
        %swap3A_1467 = tpu.vector_load %arg8[%swap3A_1463, %swap3A_1464, %swap3A_1465, %swap3A_1466] {strides = array<i32>} : memref<3x4x8x1024xf32, #tpu.memory_space<vmem>>, vector<1x1x1x16xf32>,
        %swap3A_1468 = vector.shape_cast %swap3A_1467 : vector<1x1x1x16xf32> to vector<16xf32>
        %swap3A_1469 = vector.shape_cast %get3A_1453 : vector<16xf32> to vector<1x1x1x16xf32>
        tpu.vector_store %arg8[%swap3A_1463, %swap3A_1464, %swap3A_1465, %swap3A_1466], %swap3A_1469 {add = true, strides = array<i32>} : memref<3x4x8x1024xf32, #tpu.memory_space<vmem>>, vector<1x1x1x16xf32>,
        %swap3A_1470 = arith.constant 2 : i32
        %swap3A_1471 = arith.index_cast %rem3A_298 : i32 to index
        %swap3A_1472 = arith.index_cast %swap3A_1470 : i32 to index
        %swap3A_1473 = arith.index_cast %scan3A_340 : i32 to index
        %swap3A_1474 = arith.constant 480 : index
        %swap3A_1475 = tpu.vector_load %arg8[%swap3A_1471, %swap3A_1472, %swap3A_1473, %swap3A_1474] {strides = array<i32>} : memref<3x4x8x1024xf32, #tpu.memory_space<vmem>>, vector<1x1x1x16xf32>,
        %swap3A_1476 = vector.shape_cast %swap3A_1475 : vector<1x1x1x16xf32> to vector<16xf32>
        %swap3A_1477 = vector.shape_cast %get3A_1453 : vector<16xf32> to vector<1x1x1x16xf32>
        tpu.vector_store %arg8[%swap3A_1471, %swap3A_1472, %swap3A_1473, %swap3A_1474], %swap3A_1477 {add = true, strides = array<i32>} : memref<3x4x8x1024xf32, #tpu.memory_space<vmem>>, vector<1x1x1x16xf32>,
        %swap3A_1478 = arith.constant 3 : i32
        %swap3A_1479 = arith.index_cast %rem3A_298 : i32 to index
        %swap3A_1480 = arith.index_cast %swap3A_1478 : i32 to index
        %swap3A_1481 = arith.index_cast %scan3A_340 : i32 to index
        %swap3A_1482 = arith.constant 480 : index
        %swap3A_1483 = tpu.vector_load %arg8[%swap3A_1479, %swap3A_1480, %swap3A_1481, %swap3A_1482] {strides = array<i32>} : memref<3x4x8x1024xf32, #tpu.memory_space<vmem>>, vector<1x1x1x16xf32>,
        %swap3A_1484 = vector.shape_cast %swap3A_1483 : vector<1x1x1x16xf32> to vector<16xf32>
        %swap3A_1485 = vector.shape_cast %get3A_1453 : vector<16xf32> to vector<1x1x1x16xf32>
        tpu.vector_store %arg8[%swap3A_1479, %swap3A_1480, %swap3A_1481, %swap3A_1482], %swap3A_1485 {add = true, strides = array<i32>} : memref<3x4x8x1024xf32, #tpu.memory_space<vmem>>, vector<1x1x1x16xf32>,
        %get3A_1486 = arith.index_cast %rem3A_298 : i32 to index
        %get3A_1487 = arith.index_cast %scan3A_340 : i32 to index
        %get3A_1488 = arith.constant 496 : index
        %get3A_1489 = tpu.vector_load %arg7[%get3A_1486, %get3A_1487, %get3A_1488] {strides = array<i32>} : memref<3x8x1024xf32, #tpu.memory_space<vmem>>, vector<1x1x16xf32>,
        %get3A_1490 = vector.shape_cast %get3A_1489 : vector<1x1x16xf32> to vector<16xf32>
        %swap3A_1491 = arith.constant 0 : i32
        %swap3A_1492 = arith.index_cast %rem3A_298 : i32 to index
        %swap3A_1493 = arith.index_cast %swap3A_1491 : i32 to index
        %swap3A_1494 = arith.index_cast %scan3A_340 : i32 to index
        %swap3A_1495 = arith.constant 496 : index
        %swap3A_1496 = tpu.vector_load %arg8[%swap3A_1492, %swap3A_1493, %swap3A_1494, %swap3A_1495] {strides = array<i32>} : memref<3x4x8x1024xf32, #tpu.memory_space<vmem>>, vector<1x1x1x16xf32>,
        %swap3A_1497 = vector.shape_cast %swap3A_1496 : vector<1x1x1x16xf32> to vector<16xf32>
        %swap3A_1498 = vector.shape_cast %get3A_1490 : vector<16xf32> to vector<1x1x1x16xf32>
        tpu.vector_store %arg8[%swap3A_1492, %swap3A_1493, %swap3A_1494, %swap3A_1495], %swap3A_1498 {add = true, strides = array<i32>} : memref<3x4x8x1024xf32, #tpu.memory_space<vmem>>, vector<1x1x1x16xf32>,
        %swap3A_1499 = arith.constant 1 : i32
        %swap3A_1500 = arith.index_cast %rem3A_298 : i32 to index
        %swap3A_1501 = arith.index_cast %swap3A_1499 : i32 to index
        %swap3A_1502 = arith.index_cast %scan3A_340 : i32 to index
        %swap3A_1503 = arith.constant 496 : index
        %swap3A_1504 = tpu.vector_load %arg8[%swap3A_1500, %swap3A_1501, %swap3A_1502, %swap3A_1503] {strides = array<i32>} : memref<3x4x8x1024xf32, #tpu.memory_space<vmem>>, vector<1x1x1x16xf32>,
        %swap3A_1505 = vector.shape_cast %swap3A_1504 : vector<1x1x1x16xf32> to vector<16xf32>
        %swap3A_1506 = vector.shape_cast %get3A_1490 : vector<16xf32> to vector<1x1x1x16xf32>
        tpu.vector_store %arg8[%swap3A_1500, %swap3A_1501, %swap3A_1502, %swap3A_1503], %swap3A_1506 {add = true, strides = array<i32>} : memref<3x4x8x1024xf32, #tpu.memory_space<vmem>>, vector<1x1x1x16xf32>,
        %swap3A_1507 = arith.constant 2 : i32
        %swap3A_1508 = arith.index_cast %rem3A_298 : i32 to index
        %swap3A_1509 = arith.index_cast %swap3A_1507 : i32 to index
        %swap3A_1510 = arith.index_cast %scan3A_340 : i32 to index
        %swap3A_1511 = arith.constant 496 : index
        %swap3A_1512 = tpu.vector_load %arg8[%swap3A_1508, %swap3A_1509, %swap3A_1510, %swap3A_1511] {strides = array<i32>} : memref<3x4x8x1024xf32, #tpu.memory_space<vmem>>, vector<1x1x1x16xf32>,
        %swap3A_1513 = vector.shape_cast %swap3A_1512 : vector<1x1x1x16xf32> to vector<16xf32>
        %swap3A_1514 = vector.shape_cast %get3A_1490 : vector<16xf32> to vector<1x1x1x16xf32>
        tpu.vector_store %arg8[%swap3A_1508, %swap3A_1509, %swap3A_1510, %swap3A_1511], %swap3A_1514 {add = true, strides = array<i32>} : memref<3x4x8x1024xf32, #tpu.memory_space<vmem>>, vector<1x1x1x16xf32>,
        %swap3A_1515 = arith.constant 3 : i32
        %swap3A_1516 = arith.index_cast %rem3A_298 : i32 to index
        %swap3A_1517 = arith.index_cast %swap3A_1515 : i32 to index
        %swap3A_1518 = arith.index_cast %scan3A_340 : i32 to index
        %swap3A_1519 = arith.constant 496 : index
        %swap3A_1520 = tpu.vector_load %arg8[%swap3A_1516, %swap3A_1517, %swap3A_1518, %swap3A_1519] {strides = array<i32>} : memref<3x4x8x1024xf32, #tpu.memory_space<vmem>>, vector<1x1x1x16xf32>,
        %swap3A_1521 = vector.shape_cast %swap3A_1520 : vector<1x1x1x16xf32> to vector<16xf32>
        %swap3A_1522 = vector.shape_cast %get3A_1490 : vector<16xf32> to vector<1x1x1x16xf32>
        tpu.vector_store %arg8[%swap3A_1516, %swap3A_1517, %swap3A_1518, %swap3A_1519], %swap3A_1522 {add = true, strides = array<i32>} : memref<3x4x8x1024xf32, #tpu.memory_space<vmem>>, vector<1x1x1x16xf32>,
        %get3A_1523 = arith.index_cast %rem3A_298 : i32 to index
        %get3A_1524 = arith.index_cast %scan3A_340 : i32 to index
        %get3A_1525 = arith.constant 512 : index
        %get3A_1526 = tpu.vector_load %arg7[%get3A_1523, %get3A_1524, %get3A_1525] {strides = array<i32>} : memref<3x8x1024xf32, #tpu.memory_space<vmem>>, vector<1x1x16xf32>,
        %get3A_1527 = vector.shape_cast %get3A_1526 : vector<1x1x16xf32> to vector<16xf32>
        %swap3A_1528 = arith.constant 0 : i32
        %swap3A_1529 = arith.index_cast %rem3A_298 : i32 to index
        %swap3A_1530 = arith.index_cast %swap3A_1528 : i32 to index
        %swap3A_1531 = arith.index_cast %scan3A_340 : i32 to index
        %swap3A_1532 = arith.constant 512 : index
        %swap3A_1533 = tpu.vector_load %arg8[%swap3A_1529, %swap3A_1530, %swap3A_1531, %swap3A_1532] {strides = array<i32>} : memref<3x4x8x1024xf32, #tpu.memory_space<vmem>>, vector<1x1x1x16xf32>,
        %swap3A_1534 = vector.shape_cast %swap3A_1533 : vector<1x1x1x16xf32> to vector<16xf32>
        %swap3A_1535 = vector.shape_cast %get3A_1527 : vector<16xf32> to vector<1x1x1x16xf32>
        tpu.vector_store %arg8[%swap3A_1529, %swap3A_1530, %swap3A_1531, %swap3A_1532], %swap3A_1535 {add = true, strides = array<i32>} : memref<3x4x8x1024xf32, #tpu.memory_space<vmem>>, vector<1x1x1x16xf32>,
        %swap3A_1536 = arith.constant 1 : i32
        %swap3A_1537 = arith.index_cast %rem3A_298 : i32 to index
        %swap3A_1538 = arith.index_cast %swap3A_1536 : i32 to index
        %swap3A_1539 = arith.index_cast %scan3A_340 : i32 to index
        %swap3A_1540 = arith.constant 512 : index
        %swap3A_1541 = tpu.vector_load %arg8[%swap3A_1537, %swap3A_1538, %swap3A_1539, %swap3A_1540] {strides = array<i32>} : memref<3x4x8x1024xf32, #tpu.memory_space<vmem>>, vector<1x1x1x16xf32>,
        %swap3A_1542 = vector.shape_cast %swap3A_1541 : vector<1x1x1x16xf32> to vector<16xf32>
        %swap3A_1543 = vector.shape_cast %get3A_1527 : vector<16xf32> to vector<1x1x1x16xf32>
        tpu.vector_store %arg8[%swap3A_1537, %swap3A_1538, %swap3A_1539, %swap3A_1540], %swap3A_1543 {add = true, strides = array<i32>} : memref<3x4x8x1024xf32, #tpu.memory_space<vmem>>, vector<1x1x1x16xf32>,
        %swap3A_1544 = arith.constant 2 : i32
        %swap3A_1545 = arith.index_cast %rem3A_298 : i32 to index
        %swap3A_1546 = arith.index_cast %swap3A_1544 : i32 to index
        %swap3A_1547 = arith.index_cast %scan3A_340 : i32 to index
        %swap3A_1548 = arith.constant 512 : index
        %swap3A_1549 = tpu.vector_load %arg8[%swap3A_1545, %swap3A_1546, %swap3A_1547, %swap3A_1548] {strides = array<i32>} : memref<3x4x8x1024xf32, #tpu.memory_space<vmem>>, vector<1x1x1x16xf32>,
        %swap3A_1550 = vector.shape_cast %swap3A_1549 : vector<1x1x1x16xf32> to vector<16xf32>
        %swap3A_1551 = vector.shape_cast %get3A_1527 : vector<16xf32> to vector<1x1x1x16xf32>
        tpu.vector_store %arg8[%swap3A_1545, %swap3A_1546, %swap3A_1547, %swap3A_1548], %swap3A_1551 {add = true, strides = array<i32>} : memref<3x4x8x1024xf32, #tpu.memory_space<vmem>>, vector<1x1x1x16xf32>,
        %swap3A_1552 = arith.constant 3 : i32
        %swap3A_1553 = arith.index_cast %rem3A_298 : i32 to index
        %swap3A_1554 = arith.index_cast %swap3A_1552 : i32 to index
        %swap3A_1555 = arith.index_cast %scan3A_340 : i32 to index
        %swap3A_1556 = arith.constant 512 : index
        %swap3A_1557 = tpu.vector_load %arg8[%swap3A_1553, %swap3A_1554, %swap3A_1555, %swap3A_1556] {strides = array<i32>} : memref<3x4x8x1024xf32, #tpu.memory_space<vmem>>, vector<1x1x1x16xf32>,
        %swap3A_1558 = vector.shape_cast %swap3A_1557 : vector<1x1x1x16xf32> to vector<16xf32>
        %swap3A_1559 = vector.shape_cast %get3A_1527 : vector<16xf32> to vector<1x1x1x16xf32>
        tpu.vector_store %arg8[%swap3A_1553, %swap3A_1554, %swap3A_1555, %swap3A_1556], %swap3A_1559 {add = true, strides = array<i32>} : memref<3x4x8x1024xf32, #tpu.memory_space<vmem>>, vector<1x1x1x16xf32>,
        %get3A_1560 = arith.index_cast %rem3A_298 : i32 to index
        %get3A_1561 = arith.index_cast %scan3A_340 : i32 to index
        %get3A_1562 = arith.constant 528 : index
        %get3A_1563 = tpu.vector_load %arg7[%get3A_1560, %get3A_1561, %get3A_1562] {strides = array<i32>} : memref<3x8x1024xf32, #tpu.memory_space<vmem>>, vector<1x1x16xf32>,
        %get3A_1564 = vector.shape_cast %get3A_1563 : vector<1x1x16xf32> to vector<16xf32>
        %swap3A_1565 = arith.constant 0 : i32
        %swap3A_1566 = arith.index_cast %rem3A_298 : i32 to index
        %swap3A_1567 = arith.index_cast %swap3A_1565 : i32 to index
        %swap3A_1568 = arith.index_cast %scan3A_340 : i32 to index
        %swap3A_1569 = arith.constant 528 : index
        %swap3A_1570 = tpu.vector_load %arg8[%swap3A_1566, %swap3A_1567, %swap3A_1568, %swap3A_1569] {strides = array<i32>} : memref<3x4x8x1024xf32, #tpu.memory_space<vmem>>, vector<1x1x1x16xf32>,
        %swap3A_1571 = vector.shape_cast %swap3A_1570 : vector<1x1x1x16xf32> to vector<16xf32>
        %swap3A_1572 = vector.shape_cast %get3A_1564 : vector<16xf32> to vector<1x1x1x16xf32>
        tpu.vector_store %arg8[%swap3A_1566, %swap3A_1567, %swap3A_1568, %swap3A_1569], %swap3A_1572 {add = true, strides = array<i32>} : memref<3x4x8x1024xf32, #tpu.memory_space<vmem>>, vector<1x1x1x16xf32>,
        %swap3A_1573 = arith.constant 1 : i32
        %swap3A_1574 = arith.index_cast %rem3A_298 : i32 to index
        %swap3A_1575 = arith.index_cast %swap3A_1573 : i32 to index
        %swap3A_1576 = arith.index_cast %scan3A_340 : i32 to index
        %swap3A_1577 = arith.constant 528 : index
        %swap3A_1578 = tpu.vector_load %arg8[%swap3A_1574, %swap3A_1575, %swap3A_1576, %swap3A_1577] {strides = array<i32>} : memref<3x4x8x1024xf32, #tpu.memory_space<vmem>>, vector<1x1x1x16xf32>,
        %swap3A_1579 = vector.shape_cast %swap3A_1578 : vector<1x1x1x16xf32> to vector<16xf32>
        %swap3A_1580 = vector.shape_cast %get3A_1564 : vector<16xf32> to vector<1x1x1x16xf32>
        tpu.vector_store %arg8[%swap3A_1574, %swap3A_1575, %swap3A_1576, %swap3A_1577], %swap3A_1580 {add = true, strides = array<i32>} : memref<3x4x8x1024xf32, #tpu.memory_space<vmem>>, vector<1x1x1x16xf32>,
        %swap3A_1581 = arith.constant 2 : i32
        %swap3A_1582 = arith.index_cast %rem3A_298 : i32 to index
        %swap3A_1583 = arith.index_cast %swap3A_1581 : i32 to index
        %swap3A_1584 = arith.index_cast %scan3A_340 : i32 to index
        %swap3A_1585 = arith.constant 528 : index
        %swap3A_1586 = tpu.vector_load %arg8[%swap3A_1582, %swap3A_1583, %swap3A_1584, %swap3A_1585] {strides = array<i32>} : memref<3x4x8x1024xf32, #tpu.memory_space<vmem>>, vector<1x1x1x16xf32>,
        %swap3A_1587 = vector.shape_cast %swap3A_1586 : vector<1x1x1x16xf32> to vector<16xf32>
        %swap3A_1588 = vector.shape_cast %get3A_1564 : vector<16xf32> to vector<1x1x1x16xf32>
        tpu.vector_store %arg8[%swap3A_1582, %swap3A_1583, %swap3A_1584, %swap3A_1585], %swap3A_1588 {add = true, strides = array<i32>} : memref<3x4x8x1024xf32, #tpu.memory_space<vmem>>, vector<1x1x1x16xf32>,
        %swap3A_1589 = arith.constant 3 : i32
        %swap3A_1590 = arith.index_cast %rem3A_298 : i32 to index
        %swap3A_1591 = arith.index_cast %swap3A_1589 : i32 to index
        %swap3A_1592 = arith.index_cast %scan3A_340 : i32 to index
        %swap3A_1593 = arith.constant 528 : index
        %swap3A_1594 = tpu.vector_load %arg8[%swap3A_1590, %swap3A_1591, %swap3A_1592, %swap3A_1593] {strides = array<i32>} : memref<3x4x8x1024xf32, #tpu.memory_space<vmem>>, vector<1x1x1x16xf32>,
        %swap3A_1595 = vector.shape_cast %swap3A_1594 : vector<1x1x1x16xf32> to vector<16xf32>
        %swap3A_1596 = vector.shape_cast %get3A_1564 : vector<16xf32> to vector<1x1x1x16xf32>
        tpu.vector_store %arg8[%swap3A_1590, %swap3A_1591, %swap3A_1592, %swap3A_1593], %swap3A_1596 {add = true, strides = array<i32>} : memref<3x4x8x1024xf32, #tpu.memory_space<vmem>>, vector<1x1x1x16xf32>,
        %get3A_1597 = arith.index_cast %rem3A_298 : i32 to index
        %get3A_1598 = arith.index_cast %scan3A_340 : i32 to index
        %get3A_1599 = arith.constant 544 : index
        %get3A_1600 = tpu.vector_load %arg7[%get3A_1597, %get3A_1598, %get3A_1599] {strides = array<i32>} : memref<3x8x1024xf32, #tpu.memory_space<vmem>>, vector<1x1x16xf32>,
        %get3A_1601 = vector.shape_cast %get3A_1600 : vector<1x1x16xf32> to vector<16xf32>
        %swap3A_1602 = arith.constant 0 : i32
        %swap3A_1603 = arith.index_cast %rem3A_298 : i32 to index
        %swap3A_1604 = arith.index_cast %swap3A_1602 : i32 to index
        %swap3A_1605 = arith.index_cast %scan3A_340 : i32 to index
        %swap3A_1606 = arith.constant 544 : index
        %swap3A_1607 = tpu.vector_load %arg8[%swap3A_1603, %swap3A_1604, %swap3A_1605, %swap3A_1606] {strides = array<i32>} : memref<3x4x8x1024xf32, #tpu.memory_space<vmem>>, vector<1x1x1x16xf32>,
        %swap3A_1608 = vector.shape_cast %swap3A_1607 : vector<1x1x1x16xf32> to vector<16xf32>
        %swap3A_1609 = vector.shape_cast %get3A_1601 : vector<16xf32> to vector<1x1x1x16xf32>
        tpu.vector_store %arg8[%swap3A_1603, %swap3A_1604, %swap3A_1605, %swap3A_1606], %swap3A_1609 {add = true, strides = array<i32>} : memref<3x4x8x1024xf32, #tpu.memory_space<vmem>>, vector<1x1x1x16xf32>,
        %swap3A_1610 = arith.constant 1 : i32
        %swap3A_1611 = arith.index_cast %rem3A_298 : i32 to index
        %swap3A_1612 = arith.index_cast %swap3A_1610 : i32 to index
        %swap3A_1613 = arith.index_cast %scan3A_340 : i32 to index
        %swap3A_1614 = arith.constant 544 : index
        %swap3A_1615 = tpu.vector_load %arg8[%swap3A_1611, %swap3A_1612, %swap3A_1613, %swap3A_1614] {strides = array<i32>} : memref<3x4x8x1024xf32, #tpu.memory_space<vmem>>, vector<1x1x1x16xf32>,
        %swap3A_1616 = vector.shape_cast %swap3A_1615 : vector<1x1x1x16xf32> to vector<16xf32>
        %swap3A_1617 = vector.shape_cast %get3A_1601 : vector<16xf32> to vector<1x1x1x16xf32>
        tpu.vector_store %arg8[%swap3A_1611, %swap3A_1612, %swap3A_1613, %swap3A_1614], %swap3A_1617 {add = true, strides = array<i32>} : memref<3x4x8x1024xf32, #tpu.memory_space<vmem>>, vector<1x1x1x16xf32>,
        %swap3A_1618 = arith.constant 2 : i32
        %swap3A_1619 = arith.index_cast %rem3A_298 : i32 to index
        %swap3A_1620 = arith.index_cast %swap3A_1618 : i32 to index
        %swap3A_1621 = arith.index_cast %scan3A_340 : i32 to index
        %swap3A_1622 = arith.constant 544 : index
        %swap3A_1623 = tpu.vector_load %arg8[%swap3A_1619, %swap3A_1620, %swap3A_1621, %swap3A_1622] {strides = array<i32>} : memref<3x4x8x1024xf32, #tpu.memory_space<vmem>>, vector<1x1x1x16xf32>,
        %swap3A_1624 = vector.shape_cast %swap3A_1623 : vector<1x1x1x16xf32> to vector<16xf32>
        %swap3A_1625 = vector.shape_cast %get3A_1601 : vector<16xf32> to vector<1x1x1x16xf32>
        tpu.vector_store %arg8[%swap3A_1619, %swap3A_1620, %swap3A_1621, %swap3A_1622], %swap3A_1625 {add = true, strides = array<i32>} : memref<3x4x8x1024xf32, #tpu.memory_space<vmem>>, vector<1x1x1x16xf32>,
        %swap3A_1626 = arith.constant 3 : i32
        %swap3A_1627 = arith.index_cast %rem3A_298 : i32 to index
        %swap3A_1628 = arith.index_cast %swap3A_1626 : i32 to index
        %swap3A_1629 = arith.index_cast %scan3A_340 : i32 to index
        %swap3A_1630 = arith.constant 544 : index
        %swap3A_1631 = tpu.vector_load %arg8[%swap3A_1627, %swap3A_1628, %swap3A_1629, %swap3A_1630] {strides = array<i32>} : memref<3x4x8x1024xf32, #tpu.memory_space<vmem>>, vector<1x1x1x16xf32>,
        %swap3A_1632 = vector.shape_cast %swap3A_1631 : vector<1x1x1x16xf32> to vector<16xf32>
        %swap3A_1633 = vector.shape_cast %get3A_1601 : vector<16xf32> to vector<1x1x1x16xf32>
        tpu.vector_store %arg8[%swap3A_1627, %swap3A_1628, %swap3A_1629, %swap3A_1630], %swap3A_1633 {add = true, strides = array<i32>} : memref<3x4x8x1024xf32, #tpu.memory_space<vmem>>, vector<1x1x1x16xf32>,
        %get3A_1634 = arith.index_cast %rem3A_298 : i32 to index
        %get3A_1635 = arith.index_cast %scan3A_340 : i32 to index
        %get3A_1636 = arith.constant 560 : index
        %get3A_1637 = tpu.vector_load %arg7[%get3A_1634, %get3A_1635, %get3A_1636] {strides = array<i32>} : memref<3x8x1024xf32, #tpu.memory_space<vmem>>, vector<1x1x16xf32>,
        %get3A_1638 = vector.shape_cast %get3A_1637 : vector<1x1x16xf32> to vector<16xf32>
        %swap3A_1639 = arith.constant 0 : i32
        %swap3A_1640 = arith.index_cast %rem3A_298 : i32 to index
        %swap3A_1641 = arith.index_cast %swap3A_1639 : i32 to index
        %swap3A_1642 = arith.index_cast %scan3A_340 : i32 to index
        %swap3A_1643 = arith.constant 560 : index
        %swap3A_1644 = tpu.vector_load %arg8[%swap3A_1640, %swap3A_1641, %swap3A_1642, %swap3A_1643] {strides = array<i32>} : memref<3x4x8x1024xf32, #tpu.memory_space<vmem>>, vector<1x1x1x16xf32>,
        %swap3A_1645 = vector.shape_cast %swap3A_1644 : vector<1x1x1x16xf32> to vector<16xf32>
        %swap3A_1646 = vector.shape_cast %get3A_1638 : vector<16xf32> to vector<1x1x1x16xf32>
        tpu.vector_store %arg8[%swap3A_1640, %swap3A_1641, %swap3A_1642, %swap3A_1643], %swap3A_1646 {add = true, strides = array<i32>} : memref<3x4x8x1024xf32, #tpu.memory_space<vmem>>, vector<1x1x1x16xf32>,
        %swap3A_1647 = arith.constant 1 : i32
        %swap3A_1648 = arith.index_cast %rem3A_298 : i32 to index
        %swap3A_1649 = arith.index_cast %swap3A_1647 : i32 to index
        %swap3A_1650 = arith.index_cast %scan3A_340 : i32 to index
        %swap3A_1651 = arith.constant 560 : index
        %swap3A_1652 = tpu.vector_load %arg8[%swap3A_1648, %swap3A_1649, %swap3A_1650, %swap3A_1651] {strides = array<i32>} : memref<3x4x8x1024xf32, #tpu.memory_space<vmem>>, vector<1x1x1x16xf32>,
        %swap3A_1653 = vector.shape_cast %swap3A_1652 : vector<1x1x1x16xf32> to vector<16xf32>
        %swap3A_1654 = vector.shape_cast %get3A_1638 : vector<16xf32> to vector<1x1x1x16xf32>
        tpu.vector_store %arg8[%swap3A_1648, %swap3A_1649, %swap3A_1650, %swap3A_1651], %swap3A_1654 {add = true, strides = array<i32>} : memref<3x4x8x1024xf32, #tpu.memory_space<vmem>>, vector<1x1x1x16xf32>,
        %swap3A_1655 = arith.constant 2 : i32
        %swap3A_1656 = arith.index_cast %rem3A_298 : i32 to index
        %swap3A_1657 = arith.index_cast %swap3A_1655 : i32 to index
        %swap3A_1658 = arith.index_cast %scan3A_340 : i32 to index
        %swap3A_1659 = arith.constant 560 : index
        %swap3A_1660 = tpu.vector_load %arg8[%swap3A_1656, %swap3A_1657, %swap3A_1658, %swap3A_1659] {strides = array<i32>} : memref<3x4x8x1024xf32, #tpu.memory_space<vmem>>, vector<1x1x1x16xf32>,
        %swap3A_1661 = vector.shape_cast %swap3A_1660 : vector<1x1x1x16xf32> to vector<16xf32>
        %swap3A_1662 = vector.shape_cast %get3A_1638 : vector<16xf32> to vector<1x1x1x16xf32>
        tpu.vector_store %arg8[%swap3A_1656, %swap3A_1657, %swap3A_1658, %swap3A_1659], %swap3A_1662 {add = true, strides = array<i32>} : memref<3x4x8x1024xf32, #tpu.memory_space<vmem>>, vector<1x1x1x16xf32>,
        %swap3A_1663 = arith.constant 3 : i32
        %swap3A_1664 = arith.index_cast %rem3A_298 : i32 to index
        %swap3A_1665 = arith.index_cast %swap3A_1663 : i32 to index
        %swap3A_1666 = arith.index_cast %scan3A_340 : i32 to index
        %swap3A_1667 = arith.constant 560 : index
        %swap3A_1668 = tpu.vector_load %arg8[%swap3A_1664, %swap3A_1665, %swap3A_1666, %swap3A_1667] {strides = array<i32>} : memref<3x4x8x1024xf32, #tpu.memory_space<vmem>>, vector<1x1x1x16xf32>,
        %swap3A_1669 = vector.shape_cast %swap3A_1668 : vector<1x1x1x16xf32> to vector<16xf32>
        %swap3A_1670 = vector.shape_cast %get3A_1638 : vector<16xf32> to vector<1x1x1x16xf32>
        tpu.vector_store %arg8[%swap3A_1664, %swap3A_1665, %swap3A_1666, %swap3A_1667], %swap3A_1670 {add = true, strides = array<i32>} : memref<3x4x8x1024xf32, #tpu.memory_space<vmem>>, vector<1x1x1x16xf32>,
        %get3A_1671 = arith.index_cast %rem3A_298 : i32 to index
        %get3A_1672 = arith.index_cast %scan3A_340 : i32 to index
        %get3A_1673 = arith.constant 576 : index
        %get3A_1674 = tpu.vector_load %arg7[%get3A_1671, %get3A_1672, %get3A_1673] {strides = array<i32>} : memref<3x8x1024xf32, #tpu.memory_space<vmem>>, vector<1x1x16xf32>,
        %get3A_1675 = vector.shape_cast %get3A_1674 : vector<1x1x16xf32> to vector<16xf32>
        %swap3A_1676 = arith.constant 0 : i32
        %swap3A_1677 = arith.index_cast %rem3A_298 : i32 to index
        %swap3A_1678 = arith.index_cast %swap3A_1676 : i32 to index
        %swap3A_1679 = arith.index_cast %scan3A_340 : i32 to index
        %swap3A_1680 = arith.constant 576 : index
        %swap3A_1681 = tpu.vector_load %arg8[%swap3A_1677, %swap3A_1678, %swap3A_1679, %swap3A_1680] {strides = array<i32>} : memref<3x4x8x1024xf32, #tpu.memory_space<vmem>>, vector<1x1x1x16xf32>,
        %swap3A_1682 = vector.shape_cast %swap3A_1681 : vector<1x1x1x16xf32> to vector<16xf32>
        %swap3A_1683 = vector.shape_cast %get3A_1675 : vector<16xf32> to vector<1x1x1x16xf32>
        tpu.vector_store %arg8[%swap3A_1677, %swap3A_1678, %swap3A_1679, %swap3A_1680], %swap3A_1683 {add = true, strides = array<i32>} : memref<3x4x8x1024xf32, #tpu.memory_space<vmem>>, vector<1x1x1x16xf32>,
        %swap3A_1684 = arith.constant 1 : i32
        %swap3A_1685 = arith.index_cast %rem3A_298 : i32 to index
        %swap3A_1686 = arith.index_cast %swap3A_1684 : i32 to index
        %swap3A_1687 = arith.index_cast %scan3A_340 : i32 to index
        %swap3A_1688 = arith.constant 576 : index
        %swap3A_1689 = tpu.vector_load %arg8[%swap3A_1685, %swap3A_1686, %swap3A_1687, %swap3A_1688] {strides = array<i32>} : memref<3x4x8x1024xf32, #tpu.memory_space<vmem>>, vector<1x1x1x16xf32>,
        %swap3A_1690 = vector.shape_cast %swap3A_1689 : vector<1x1x1x16xf32> to vector<16xf32>
        %swap3A_1691 = vector.shape_cast %get3A_1675 : vector<16xf32> to vector<1x1x1x16xf32>
        tpu.vector_store %arg8[%swap3A_1685, %swap3A_1686, %swap3A_1687, %swap3A_1688], %swap3A_1691 {add = true, strides = array<i32>} : memref<3x4x8x1024xf32, #tpu.memory_space<vmem>>, vector<1x1x1x16xf32>,
        %swap3A_1692 = arith.constant 2 : i32
        %swap3A_1693 = arith.index_cast %rem3A_298 : i32 to index
        %swap3A_1694 = arith.index_cast %swap3A_1692 : i32 to index
        %swap3A_1695 = arith.index_cast %scan3A_340 : i32 to index
        %swap3A_1696 = arith.constant 576 : index
        %swap3A_1697 = tpu.vector_load %arg8[%swap3A_1693, %swap3A_1694, %swap3A_1695, %swap3A_1696] {strides = array<i32>} : memref<3x4x8x1024xf32, #tpu.memory_space<vmem>>, vector<1x1x1x16xf32>,
        %swap3A_1698 = vector.shape_cast %swap3A_1697 : vector<1x1x1x16xf32> to vector<16xf32>
        %swap3A_1699 = vector.shape_cast %get3A_1675 : vector<16xf32> to vector<1x1x1x16xf32>
        tpu.vector_store %arg8[%swap3A_1693, %swap3A_1694, %swap3A_1695, %swap3A_1696], %swap3A_1699 {add = true, strides = array<i32>} : memref<3x4x8x1024xf32, #tpu.memory_space<vmem>>, vector<1x1x1x16xf32>,
        %swap3A_1700 = arith.constant 3 : i32
        %swap3A_1701 = arith.index_cast %rem3A_298 : i32 to index
        %swap3A_1702 = arith.index_cast %swap3A_1700 : i32 to index
        %swap3A_1703 = arith.index_cast %scan3A_340 : i32 to index
        %swap3A_1704 = arith.constant 576 : index
        %swap3A_1705 = tpu.vector_load %arg8[%swap3A_1701, %swap3A_1702, %swap3A_1703, %swap3A_1704] {strides = array<i32>} : memref<3x4x8x1024xf32, #tpu.memory_space<vmem>>, vector<1x1x1x16xf32>,
        %swap3A_1706 = vector.shape_cast %swap3A_1705 : vector<1x1x1x16xf32> to vector<16xf32>
        %swap3A_1707 = vector.shape_cast %get3A_1675 : vector<16xf32> to vector<1x1x1x16xf32>
        tpu.vector_store %arg8[%swap3A_1701, %swap3A_1702, %swap3A_1703, %swap3A_1704], %swap3A_1707 {add = true, strides = array<i32>} : memref<3x4x8x1024xf32, #tpu.memory_space<vmem>>, vector<1x1x1x16xf32>,
        %get3A_1708 = arith.index_cast %rem3A_298 : i32 to index
        %get3A_1709 = arith.index_cast %scan3A_340 : i32 to index
        %get3A_1710 = arith.constant 592 : index
        %get3A_1711 = tpu.vector_load %arg7[%get3A_1708, %get3A_1709, %get3A_1710] {strides = array<i32>} : memref<3x8x1024xf32, #tpu.memory_space<vmem>>, vector<1x1x16xf32>,
        %get3A_1712 = vector.shape_cast %get3A_1711 : vector<1x1x16xf32> to vector<16xf32>
        %swap3A_1713 = arith.constant 0 : i32
        %swap3A_1714 = arith.index_cast %rem3A_298 : i32 to index
        %swap3A_1715 = arith.index_cast %swap3A_1713 : i32 to index
        %swap3A_1716 = arith.index_cast %scan3A_340 : i32 to index
        %swap3A_1717 = arith.constant 592 : index
        %swap3A_1718 = tpu.vector_load %arg8[%swap3A_1714, %swap3A_1715, %swap3A_1716, %swap3A_1717] {strides = array<i32>} : memref<3x4x8x1024xf32, #tpu.memory_space<vmem>>, vector<1x1x1x16xf32>,
        %swap3A_1719 = vector.shape_cast %swap3A_1718 : vector<1x1x1x16xf32> to vector<16xf32>
        %swap3A_1720 = vector.shape_cast %get3A_1712 : vector<16xf32> to vector<1x1x1x16xf32>
        tpu.vector_store %arg8[%swap3A_1714, %swap3A_1715, %swap3A_1716, %swap3A_1717], %swap3A_1720 {add = true, strides = array<i32>} : memref<3x4x8x1024xf32, #tpu.memory_space<vmem>>, vector<1x1x1x16xf32>,
        %swap3A_1721 = arith.constant 1 : i32
        %swap3A_1722 = arith.index_cast %rem3A_298 : i32 to index
        %swap3A_1723 = arith.index_cast %swap3A_1721 : i32 to index
        %swap3A_1724 = arith.index_cast %scan3A_340 : i32 to index
        %swap3A_1725 = arith.constant 592 : index
        %swap3A_1726 = tpu.vector_load %arg8[%swap3A_1722, %swap3A_1723, %swap3A_1724, %swap3A_1725] {strides = array<i32>} : memref<3x4x8x1024xf32, #tpu.memory_space<vmem>>, vector<1x1x1x16xf32>,
        %swap3A_1727 = vector.shape_cast %swap3A_1726 : vector<1x1x1x16xf32> to vector<16xf32>
        %swap3A_1728 = vector.shape_cast %get3A_1712 : vector<16xf32> to vector<1x1x1x16xf32>
        tpu.vector_store %arg8[%swap3A_1722, %swap3A_1723, %swap3A_1724, %swap3A_1725], %swap3A_1728 {add = true, strides = array<i32>} : memref<3x4x8x1024xf32, #tpu.memory_space<vmem>>, vector<1x1x1x16xf32>,
        %swap3A_1729 = arith.constant 2 : i32
        %swap3A_1730 = arith.index_cast %rem3A_298 : i32 to index
        %swap3A_1731 = arith.index_cast %swap3A_1729 : i32 to index
        %swap3A_1732 = arith.index_cast %scan3A_340 : i32 to index
        %swap3A_1733 = arith.constant 592 : index
        %swap3A_1734 = tpu.vector_load %arg8[%swap3A_1730, %swap3A_1731, %swap3A_1732, %swap3A_1733] {strides = array<i32>} : memref<3x4x8x1024xf32, #tpu.memory_space<vmem>>, vector<1x1x1x16xf32>,
        %swap3A_1735 = vector.shape_cast %swap3A_1734 : vector<1x1x1x16xf32> to vector<16xf32>
        %swap3A_1736 = vector.shape_cast %get3A_1712 : vector<16xf32> to vector<1x1x1x16xf32>
        tpu.vector_store %arg8[%swap3A_1730, %swap3A_1731, %swap3A_1732, %swap3A_1733], %swap3A_1736 {add = true, strides = array<i32>} : memref<3x4x8x1024xf32, #tpu.memory_space<vmem>>, vector<1x1x1x16xf32>,
        %swap3A_1737 = arith.constant 3 : i32
        %swap3A_1738 = arith.index_cast %rem3A_298 : i32 to index
        %swap3A_1739 = arith.index_cast %swap3A_1737 : i32 to index
        %swap3A_1740 = arith.index_cast %scan3A_340 : i32 to index
        %swap3A_1741 = arith.constant 592 : index
        %swap3A_1742 = tpu.vector_load %arg8[%swap3A_1738, %swap3A_1739, %swap3A_1740, %swap3A_1741] {strides = array<i32>} : memref<3x4x8x1024xf32, #tpu.memory_space<vmem>>, vector<1x1x1x16xf32>,
        %swap3A_1743 = vector.shape_cast %swap3A_1742 : vector<1x1x1x16xf32> to vector<16xf32>
        %swap3A_1744 = vector.shape_cast %get3A_1712 : vector<16xf32> to vector<1x1x1x16xf32>
        tpu.vector_store %arg8[%swap3A_1738, %swap3A_1739, %swap3A_1740, %swap3A_1741], %swap3A_1744 {add = true, strides = array<i32>} : memref<3x4x8x1024xf32, #tpu.memory_space<vmem>>, vector<1x1x1x16xf32>,
        %get3A_1745 = arith.index_cast %rem3A_298 : i32 to index
        %get3A_1746 = arith.index_cast %scan3A_340 : i32 to index
        %get3A_1747 = arith.constant 608 : index
        %get3A_1748 = tpu.vector_load %arg7[%get3A_1745, %get3A_1746, %get3A_1747] {strides = array<i32>} : memref<3x8x1024xf32, #tpu.memory_space<vmem>>, vector<1x1x16xf32>,
        %get3A_1749 = vector.shape_cast %get3A_1748 : vector<1x1x16xf32> to vector<16xf32>
        %swap3A_1750 = arith.constant 0 : i32
        %swap3A_1751 = arith.index_cast %rem3A_298 : i32 to index
        %swap3A_1752 = arith.index_cast %swap3A_1750 : i32 to index
        %swap3A_1753 = arith.index_cast %scan3A_340 : i32 to index
        %swap3A_1754 = arith.constant 608 : index
        %swap3A_1755 = tpu.vector_load %arg8[%swap3A_1751, %swap3A_1752, %swap3A_1753, %swap3A_1754] {strides = array<i32>} : memref<3x4x8x1024xf32, #tpu.memory_space<vmem>>, vector<1x1x1x16xf32>,
        %swap3A_1756 = vector.shape_cast %swap3A_1755 : vector<1x1x1x16xf32> to vector<16xf32>
        %swap3A_1757 = vector.shape_cast %get3A_1749 : vector<16xf32> to vector<1x1x1x16xf32>
        tpu.vector_store %arg8[%swap3A_1751, %swap3A_1752, %swap3A_1753, %swap3A_1754], %swap3A_1757 {add = true, strides = array<i32>} : memref<3x4x8x1024xf32, #tpu.memory_space<vmem>>, vector<1x1x1x16xf32>,
        %swap3A_1758 = arith.constant 1 : i32
        %swap3A_1759 = arith.index_cast %rem3A_298 : i32 to index
        %swap3A_1760 = arith.index_cast %swap3A_1758 : i32 to index
        %swap3A_1761 = arith.index_cast %scan3A_340 : i32 to index
        %swap3A_1762 = arith.constant 608 : index
        %swap3A_1763 = tpu.vector_load %arg8[%swap3A_1759, %swap3A_1760, %swap3A_1761, %swap3A_1762] {strides = array<i32>} : memref<3x4x8x1024xf32, #tpu.memory_space<vmem>>, vector<1x1x1x16xf32>,
        %swap3A_1764 = vector.shape_cast %swap3A_1763 : vector<1x1x1x16xf32> to vector<16xf32>
        %swap3A_1765 = vector.shape_cast %get3A_1749 : vector<16xf32> to vector<1x1x1x16xf32>
        tpu.vector_store %arg8[%swap3A_1759, %swap3A_1760, %swap3A_1761, %swap3A_1762], %swap3A_1765 {add = true, strides = array<i32>} : memref<3x4x8x1024xf32, #tpu.memory_space<vmem>>, vector<1x1x1x16xf32>,
        %swap3A_1766 = arith.constant 2 : i32
        %swap3A_1767 = arith.index_cast %rem3A_298 : i32 to index
        %swap3A_1768 = arith.index_cast %swap3A_1766 : i32 to index
        %swap3A_1769 = arith.index_cast %scan3A_340 : i32 to index
        %swap3A_1770 = arith.constant 608 : index
        %swap3A_1771 = tpu.vector_load %arg8[%swap3A_1767, %swap3A_1768, %swap3A_1769, %swap3A_1770] {strides = array<i32>} : memref<3x4x8x1024xf32, #tpu.memory_space<vmem>>, vector<1x1x1x16xf32>,
        %swap3A_1772 = vector.shape_cast %swap3A_1771 : vector<1x1x1x16xf32> to vector<16xf32>
        %swap3A_1773 = vector.shape_cast %get3A_1749 : vector<16xf32> to vector<1x1x1x16xf32>
        tpu.vector_store %arg8[%swap3A_1767, %swap3A_1768, %swap3A_1769, %swap3A_1770], %swap3A_1773 {add = true, strides = array<i32>} : memref<3x4x8x1024xf32, #tpu.memory_space<vmem>>, vector<1x1x1x16xf32>,
        %swap3A_1774 = arith.constant 3 : i32
        %swap3A_1775 = arith.index_cast %rem3A_298 : i32 to index
        %swap3A_1776 = arith.index_cast %swap3A_1774 : i32 to index
        %swap3A_1777 = arith.index_cast %scan3A_340 : i32 to index
        %swap3A_1778 = arith.constant 608 : index
        %swap3A_1779 = tpu.vector_load %arg8[%swap3A_1775, %swap3A_1776, %swap3A_1777, %swap3A_1778] {strides = array<i32>} : memref<3x4x8x1024xf32, #tpu.memory_space<vmem>>, vector<1x1x1x16xf32>,
        %swap3A_1780 = vector.shape_cast %swap3A_1779 : vector<1x1x1x16xf32> to vector<16xf32>
        %swap3A_1781 = vector.shape_cast %get3A_1749 : vector<16xf32> to vector<1x1x1x16xf32>
        tpu.vector_store %arg8[%swap3A_1775, %swap3A_1776, %swap3A_1777, %swap3A_1778], %swap3A_1781 {add = true, strides = array<i32>} : memref<3x4x8x1024xf32, #tpu.memory_space<vmem>>, vector<1x1x1x16xf32>,
        %get3A_1782 = arith.index_cast %rem3A_298 : i32 to index
        %get3A_1783 = arith.index_cast %scan3A_340 : i32 to index
        %get3A_1784 = arith.constant 624 : index
        %get3A_1785 = tpu.vector_load %arg7[%get3A_1782, %get3A_1783, %get3A_1784] {strides = array<i32>} : memref<3x8x1024xf32, #tpu.memory_space<vmem>>, vector<1x1x16xf32>,
        %get3A_1786 = vector.shape_cast %get3A_1785 : vector<1x1x16xf32> to vector<16xf32>
        %swap3A_1787 = arith.constant 0 : i32
        %swap3A_1788 = arith.index_cast %rem3A_298 : i32 to index
        %swap3A_1789 = arith.index_cast %swap3A_1787 : i32 to index
        %swap3A_1790 = arith.index_cast %scan3A_340 : i32 to index
        %swap3A_1791 = arith.constant 624 : index
        %swap3A_1792 = tpu.vector_load %arg8[%swap3A_1788, %swap3A_1789, %swap3A_1790, %swap3A_1791] {strides = array<i32>} : memref<3x4x8x1024xf32, #tpu.memory_space<vmem>>, vector<1x1x1x16xf32>,
        %swap3A_1793 = vector.shape_cast %swap3A_1792 : vector<1x1x1x16xf32> to vector<16xf32>
        %swap3A_1794 = vector.shape_cast %get3A_1786 : vector<16xf32> to vector<1x1x1x16xf32>
        tpu.vector_store %arg8[%swap3A_1788, %swap3A_1789, %swap3A_1790, %swap3A_1791], %swap3A_1794 {add = true, strides = array<i32>} : memref<3x4x8x1024xf32, #tpu.memory_space<vmem>>, vector<1x1x1x16xf32>,
        %swap3A_1795 = arith.constant 1 : i32
        %swap3A_1796 = arith.index_cast %rem3A_298 : i32 to index
        %swap3A_1797 = arith.index_cast %swap3A_1795 : i32 to index
        %swap3A_1798 = arith.index_cast %scan3A_340 : i32 to index
        %swap3A_1799 = arith.constant 624 : index
        %swap3A_1800 = tpu.vector_load %arg8[%swap3A_1796, %swap3A_1797, %swap3A_1798, %swap3A_1799] {strides = array<i32>} : memref<3x4x8x1024xf32, #tpu.memory_space<vmem>>, vector<1x1x1x16xf32>,
        %swap3A_1801 = vector.shape_cast %swap3A_1800 : vector<1x1x1x16xf32> to vector<16xf32>
        %swap3A_1802 = vector.shape_cast %get3A_1786 : vector<16xf32> to vector<1x1x1x16xf32>
        tpu.vector_store %arg8[%swap3A_1796, %swap3A_1797, %swap3A_1798, %swap3A_1799], %swap3A_1802 {add = true, strides = array<i32>} : memref<3x4x8x1024xf32, #tpu.memory_space<vmem>>, vector<1x1x1x16xf32>,
        %swap3A_1803 = arith.constant 2 : i32
        %swap3A_1804 = arith.index_cast %rem3A_298 : i32 to index
        %swap3A_1805 = arith.index_cast %swap3A_1803 : i32 to index
        %swap3A_1806 = arith.index_cast %scan3A_340 : i32 to index
        %swap3A_1807 = arith.constant 624 : index
        %swap3A_1808 = tpu.vector_load %arg8[%swap3A_1804, %swap3A_1805, %swap3A_1806, %swap3A_1807] {strides = array<i32>} : memref<3x4x8x1024xf32, #tpu.memory_space<vmem>>, vector<1x1x1x16xf32>,
        %swap3A_1809 = vector.shape_cast %swap3A_1808 : vector<1x1x1x16xf32> to vector<16xf32>
        %swap3A_1810 = vector.shape_cast %get3A_1786 : vector<16xf32> to vector<1x1x1x16xf32>
        tpu.vector_store %arg8[%swap3A_1804, %swap3A_1805, %swap3A_1806, %swap3A_1807], %swap3A_1810 {add = true, strides = array<i32>} : memref<3x4x8x1024xf32, #tpu.memory_space<vmem>>, vector<1x1x1x16xf32>,
        %swap3A_1811 = arith.constant 3 : i32
        %swap3A_1812 = arith.index_cast %rem3A_298 : i32 to index
        %swap3A_1813 = arith.index_cast %swap3A_1811 : i32 to index
        %swap3A_1814 = arith.index_cast %scan3A_340 : i32 to index
        %swap3A_1815 = arith.constant 624 : index
        %swap3A_1816 = tpu.vector_load %arg8[%swap3A_1812, %swap3A_1813, %swap3A_1814, %swap3A_1815] {strides = array<i32>} : memref<3x4x8x1024xf32, #tpu.memory_space<vmem>>, vector<1x1x1x16xf32>,
        %swap3A_1817 = vector.shape_cast %swap3A_1816 : vector<1x1x1x16xf32> to vector<16xf32>
        %swap3A_1818 = vector.shape_cast %get3A_1786 : vector<16xf32> to vector<1x1x1x16xf32>
        tpu.vector_store %arg8[%swap3A_1812, %swap3A_1813, %swap3A_1814, %swap3A_1815], %swap3A_1818 {add = true, strides = array<i32>} : memref<3x4x8x1024xf32, #tpu.memory_space<vmem>>, vector<1x1x1x16xf32>,
        %get3A_1819 = arith.index_cast %rem3A_298 : i32 to index
        %get3A_1820 = arith.index_cast %scan3A_340 : i32 to index
        %get3A_1821 = arith.constant 640 : index
        %get3A_1822 = tpu.vector_load %arg7[%get3A_1819, %get3A_1820, %get3A_1821] {strides = array<i32>} : memref<3x8x1024xf32, #tpu.memory_space<vmem>>, vector<1x1x16xf32>,
        %get3A_1823 = vector.shape_cast %get3A_1822 : vector<1x1x16xf32> to vector<16xf32>
        %swap3A_1824 = arith.constant 0 : i32
        %swap3A_1825 = arith.index_cast %rem3A_298 : i32 to index
        %swap3A_1826 = arith.index_cast %swap3A_1824 : i32 to index
        %swap3A_1827 = arith.index_cast %scan3A_340 : i32 to index
        %swap3A_1828 = arith.constant 640 : index
        %swap3A_1829 = tpu.vector_load %arg8[%swap3A_1825, %swap3A_1826, %swap3A_1827, %swap3A_1828] {strides = array<i32>} : memref<3x4x8x1024xf32, #tpu.memory_space<vmem>>, vector<1x1x1x16xf32>,
        %swap3A_1830 = vector.shape_cast %swap3A_1829 : vector<1x1x1x16xf32> to vector<16xf32>
        %swap3A_1831 = vector.shape_cast %get3A_1823 : vector<16xf32> to vector<1x1x1x16xf32>
        tpu.vector_store %arg8[%swap3A_1825, %swap3A_1826, %swap3A_1827, %swap3A_1828], %swap3A_1831 {add = true, strides = array<i32>} : memref<3x4x8x1024xf32, #tpu.memory_space<vmem>>, vector<1x1x1x16xf32>,
        %swap3A_1832 = arith.constant 1 : i32
        %swap3A_1833 = arith.index_cast %rem3A_298 : i32 to index
        %swap3A_1834 = arith.index_cast %swap3A_1832 : i32 to index
        %swap3A_1835 = arith.index_cast %scan3A_340 : i32 to index
        %swap3A_1836 = arith.constant 640 : index
        %swap3A_1837 = tpu.vector_load %arg8[%swap3A_1833, %swap3A_1834, %swap3A_1835, %swap3A_1836] {strides = array<i32>} : memref<3x4x8x1024xf32, #tpu.memory_space<vmem>>, vector<1x1x1x16xf32>,
        %swap3A_1838 = vector.shape_cast %swap3A_1837 : vector<1x1x1x16xf32> to vector<16xf32>
        %swap3A_1839 = vector.shape_cast %get3A_1823 : vector<16xf32> to vector<1x1x1x16xf32>
        tpu.vector_store %arg8[%swap3A_1833, %swap3A_1834, %swap3A_1835, %swap3A_1836], %swap3A_1839 {add = true, strides = array<i32>} : memref<3x4x8x1024xf32, #tpu.memory_space<vmem>>, vector<1x1x1x16xf32>,
        %swap3A_1840 = arith.constant 2 : i32
        %swap3A_1841 = arith.index_cast %rem3A_298 : i32 to index
        %swap3A_1842 = arith.index_cast %swap3A_1840 : i32 to index
        %swap3A_1843 = arith.index_cast %scan3A_340 : i32 to index
        %swap3A_1844 = arith.constant 640 : index
        %swap3A_1845 = tpu.vector_load %arg8[%swap3A_1841, %swap3A_1842, %swap3A_1843, %swap3A_1844] {strides = array<i32>} : memref<3x4x8x1024xf32, #tpu.memory_space<vmem>>, vector<1x1x1x16xf32>,
        %swap3A_1846 = vector.shape_cast %swap3A_1845 : vector<1x1x1x16xf32> to vector<16xf32>
        %swap3A_1847 = vector.shape_cast %get3A_1823 : vector<16xf32> to vector<1x1x1x16xf32>
        tpu.vector_store %arg8[%swap3A_1841, %swap3A_1842, %swap3A_1843, %swap3A_1844], %swap3A_1847 {add = true, strides = array<i32>} : memref<3x4x8x1024xf32, #tpu.memory_space<vmem>>, vector<1x1x1x16xf32>,
        %swap3A_1848 = arith.constant 3 : i32
        %swap3A_1849 = arith.index_cast %rem3A_298 : i32 to index
        %swap3A_1850 = arith.index_cast %swap3A_1848 : i32 to index
        %swap3A_1851 = arith.index_cast %scan3A_340 : i32 to index
        %swap3A_1852 = arith.constant 640 : index
        %swap3A_1853 = tpu.vector_load %arg8[%swap3A_1849, %swap3A_1850, %swap3A_1851, %swap3A_1852] {strides = array<i32>} : memref<3x4x8x1024xf32, #tpu.memory_space<vmem>>, vector<1x1x1x16xf32>,
        %swap3A_1854 = vector.shape_cast %swap3A_1853 : vector<1x1x1x16xf32> to vector<16xf32>
        %swap3A_1855 = vector.shape_cast %get3A_1823 : vector<16xf32> to vector<1x1x1x16xf32>
        tpu.vector_store %arg8[%swap3A_1849, %swap3A_1850, %swap3A_1851, %swap3A_1852], %swap3A_1855 {add = true, strides = array<i32>} : memref<3x4x8x1024xf32, #tpu.memory_space<vmem>>, vector<1x1x1x16xf32>,
        %get3A_1856 = arith.index_cast %rem3A_298 : i32 to index
        %get3A_1857 = arith.index_cast %scan3A_340 : i32 to index
        %get3A_1858 = arith.constant 656 : index
        %get3A_1859 = tpu.vector_load %arg7[%get3A_1856, %get3A_1857, %get3A_1858] {strides = array<i32>} : memref<3x8x1024xf32, #tpu.memory_space<vmem>>, vector<1x1x16xf32>,
        %get3A_1860 = vector.shape_cast %get3A_1859 : vector<1x1x16xf32> to vector<16xf32>
        %swap3A_1861 = arith.constant 0 : i32
        %swap3A_1862 = arith.index_cast %rem3A_298 : i32 to index
        %swap3A_1863 = arith.index_cast %swap3A_1861 : i32 to index
        %swap3A_1864 = arith.index_cast %scan3A_340 : i32 to index
        %swap3A_1865 = arith.constant 656 : index
        %swap3A_1866 = tpu.vector_load %arg8[%swap3A_1862, %swap3A_1863, %swap3A_1864, %swap3A_1865] {strides = array<i32>} : memref<3x4x8x1024xf32, #tpu.memory_space<vmem>>, vector<1x1x1x16xf32>,
        %swap3A_1867 = vector.shape_cast %swap3A_1866 : vector<1x1x1x16xf32> to vector<16xf32>
        %swap3A_1868 = vector.shape_cast %get3A_1860 : vector<16xf32> to vector<1x1x1x16xf32>
        tpu.vector_store %arg8[%swap3A_1862, %swap3A_1863, %swap3A_1864, %swap3A_1865], %swap3A_1868 {add = true, strides = array<i32>} : memref<3x4x8x1024xf32, #tpu.memory_space<vmem>>, vector<1x1x1x16xf32>,
        %swap3A_1869 = arith.constant 1 : i32
        %swap3A_1870 = arith.index_cast %rem3A_298 : i32 to index
        %swap3A_1871 = arith.index_cast %swap3A_1869 : i32 to index
        %swap3A_1872 = arith.index_cast %scan3A_340 : i32 to index
        %swap3A_1873 = arith.constant 656 : index
        %swap3A_1874 = tpu.vector_load %arg8[%swap3A_1870, %swap3A_1871, %swap3A_1872, %swap3A_1873] {strides = array<i32>} : memref<3x4x8x1024xf32, #tpu.memory_space<vmem>>, vector<1x1x1x16xf32>,
        %swap3A_1875 = vector.shape_cast %swap3A_1874 : vector<1x1x1x16xf32> to vector<16xf32>
        %swap3A_1876 = vector.shape_cast %get3A_1860 : vector<16xf32> to vector<1x1x1x16xf32>
        tpu.vector_store %arg8[%swap3A_1870, %swap3A_1871, %swap3A_1872, %swap3A_1873], %swap3A_1876 {add = true, strides = array<i32>} : memref<3x4x8x1024xf32, #tpu.memory_space<vmem>>, vector<1x1x1x16xf32>,
        %swap3A_1877 = arith.constant 2 : i32
        %swap3A_1878 = arith.index_cast %rem3A_298 : i32 to index
        %swap3A_1879 = arith.index_cast %swap3A_1877 : i32 to index
        %swap3A_1880 = arith.index_cast %scan3A_340 : i32 to index
        %swap3A_1881 = arith.constant 656 : index
        %swap3A_1882 = tpu.vector_load %arg8[%swap3A_1878, %swap3A_1879, %swap3A_1880, %swap3A_1881] {strides = array<i32>} : memref<3x4x8x1024xf32, #tpu.memory_space<vmem>>, vector<1x1x1x16xf32>,
        %swap3A_1883 = vector.shape_cast %swap3A_1882 : vector<1x1x1x16xf32> to vector<16xf32>
        %swap3A_1884 = vector.shape_cast %get3A_1860 : vector<16xf32> to vector<1x1x1x16xf32>
        tpu.vector_store %arg8[%swap3A_1878, %swap3A_1879, %swap3A_1880, %swap3A_1881], %swap3A_1884 {add = true, strides = array<i32>} : memref<3x4x8x1024xf32, #tpu.memory_space<vmem>>, vector<1x1x1x16xf32>,
        %swap3A_1885 = arith.constant 3 : i32
        %swap3A_1886 = arith.index_cast %rem3A_298 : i32 to index
        %swap3A_1887 = arith.index_cast %swap3A_1885 : i32 to index
        %swap3A_1888 = arith.index_cast %scan3A_340 : i32 to index
        %swap3A_1889 = arith.constant 656 : index
        %swap3A_1890 = tpu.vector_load %arg8[%swap3A_1886, %swap3A_1887, %swap3A_1888, %swap3A_1889] {strides = array<i32>} : memref<3x4x8x1024xf32, #tpu.memory_space<vmem>>, vector<1x1x1x16xf32>,
        %swap3A_1891 = vector.shape_cast %swap3A_1890 : vector<1x1x1x16xf32> to vector<16xf32>
        %swap3A_1892 = vector.shape_cast %get3A_1860 : vector<16xf32> to vector<1x1x1x16xf32>
        tpu.vector_store %arg8[%swap3A_1886, %swap3A_1887, %swap3A_1888, %swap3A_1889], %swap3A_1892 {add = true, strides = array<i32>} : memref<3x4x8x1024xf32, #tpu.memory_space<vmem>>, vector<1x1x1x16xf32>,
        %get3A_1893 = arith.index_cast %rem3A_298 : i32 to index
        %get3A_1894 = arith.index_cast %scan3A_340 : i32 to index
        %get3A_1895 = arith.constant 672 : index
        %get3A_1896 = tpu.vector_load %arg7[%get3A_1893, %get3A_1894, %get3A_1895] {strides = array<i32>} : memref<3x8x1024xf32, #tpu.memory_space<vmem>>, vector<1x1x16xf32>,
        %get3A_1897 = vector.shape_cast %get3A_1896 : vector<1x1x16xf32> to vector<16xf32>
        %swap3A_1898 = arith.constant 0 : i32
        %swap3A_1899 = arith.index_cast %rem3A_298 : i32 to index
        %swap3A_1900 = arith.index_cast %swap3A_1898 : i32 to index
        %swap3A_1901 = arith.index_cast %scan3A_340 : i32 to index
        %swap3A_1902 = arith.constant 672 : index
        %swap3A_1903 = tpu.vector_load %arg8[%swap3A_1899, %swap3A_1900, %swap3A_1901, %swap3A_1902] {strides = array<i32>} : memref<3x4x8x1024xf32, #tpu.memory_space<vmem>>, vector<1x1x1x16xf32>,
        %swap3A_1904 = vector.shape_cast %swap3A_1903 : vector<1x1x1x16xf32> to vector<16xf32>
        %swap3A_1905 = vector.shape_cast %get3A_1897 : vector<16xf32> to vector<1x1x1x16xf32>
        tpu.vector_store %arg8[%swap3A_1899, %swap3A_1900, %swap3A_1901, %swap3A_1902], %swap3A_1905 {add = true, strides = array<i32>} : memref<3x4x8x1024xf32, #tpu.memory_space<vmem>>, vector<1x1x1x16xf32>,
        %swap3A_1906 = arith.constant 1 : i32
        %swap3A_1907 = arith.index_cast %rem3A_298 : i32 to index
        %swap3A_1908 = arith.index_cast %swap3A_1906 : i32 to index
        %swap3A_1909 = arith.index_cast %scan3A_340 : i32 to index
        %swap3A_1910 = arith.constant 672 : index
        %swap3A_1911 = tpu.vector_load %arg8[%swap3A_1907, %swap3A_1908, %swap3A_1909, %swap3A_1910] {strides = array<i32>} : memref<3x4x8x1024xf32, #tpu.memory_space<vmem>>, vector<1x1x1x16xf32>,
        %swap3A_1912 = vector.shape_cast %swap3A_1911 : vector<1x1x1x16xf32> to vector<16xf32>
        %swap3A_1913 = vector.shape_cast %get3A_1897 : vector<16xf32> to vector<1x1x1x16xf32>
        tpu.vector_store %arg8[%swap3A_1907, %swap3A_1908, %swap3A_1909, %swap3A_1910], %swap3A_1913 {add = true, strides = array<i32>} : memref<3x4x8x1024xf32, #tpu.memory_space<vmem>>, vector<1x1x1x16xf32>,
        %swap3A_1914 = arith.constant 2 : i32
        %swap3A_1915 = arith.index_cast %rem3A_298 : i32 to index
        %swap3A_1916 = arith.index_cast %swap3A_1914 : i32 to index
        %swap3A_1917 = arith.index_cast %scan3A_340 : i32 to index
        %swap3A_1918 = arith.constant 672 : index
        %swap3A_1919 = tpu.vector_load %arg8[%swap3A_1915, %swap3A_1916, %swap3A_1917, %swap3A_1918] {strides = array<i32>} : memref<3x4x8x1024xf32, #tpu.memory_space<vmem>>, vector<1x1x1x16xf32>,
        %swap3A_1920 = vector.shape_cast %swap3A_1919 : vector<1x1x1x16xf32> to vector<16xf32>
        %swap3A_1921 = vector.shape_cast %get3A_1897 : vector<16xf32> to vector<1x1x1x16xf32>
        tpu.vector_store %arg8[%swap3A_1915, %swap3A_1916, %swap3A_1917, %swap3A_1918], %swap3A_1921 {add = true, strides = array<i32>} : memref<3x4x8x1024xf32, #tpu.memory_space<vmem>>, vector<1x1x1x16xf32>,
        %swap3A_1922 = arith.constant 3 : i32
        %swap3A_1923 = arith.index_cast %rem3A_298 : i32 to index
        %swap3A_1924 = arith.index_cast %swap3A_1922 : i32 to index
        %swap3A_1925 = arith.index_cast %scan3A_340 : i32 to index
        %swap3A_1926 = arith.constant 672 : index
        %swap3A_1927 = tpu.vector_load %arg8[%swap3A_1923, %swap3A_1924, %swap3A_1925, %swap3A_1926] {strides = array<i32>} : memref<3x4x8x1024xf32, #tpu.memory_space<vmem>>, vector<1x1x1x16xf32>,
        %swap3A_1928 = vector.shape_cast %swap3A_1927 : vector<1x1x1x16xf32> to vector<16xf32>
        %swap3A_1929 = vector.shape_cast %get3A_1897 : vector<16xf32> to vector<1x1x1x16xf32>
        tpu.vector_store %arg8[%swap3A_1923, %swap3A_1924, %swap3A_1925, %swap3A_1926], %swap3A_1929 {add = true, strides = array<i32>} : memref<3x4x8x1024xf32, #tpu.memory_space<vmem>>, vector<1x1x1x16xf32>,
        %get3A_1930 = arith.index_cast %rem3A_298 : i32 to index
        %get3A_1931 = arith.index_cast %scan3A_340 : i32 to index
        %get3A_1932 = arith.constant 688 : index
        %get3A_1933 = tpu.vector_load %arg7[%get3A_1930, %get3A_1931, %get3A_1932] {strides = array<i32>} : memref<3x8x1024xf32, #tpu.memory_space<vmem>>, vector<1x1x16xf32>,
        %get3A_1934 = vector.shape_cast %get3A_1933 : vector<1x1x16xf32> to vector<16xf32>
        %swap3A_1935 = arith.constant 0 : i32
        %swap3A_1936 = arith.index_cast %rem3A_298 : i32 to index
        %swap3A_1937 = arith.index_cast %swap3A_1935 : i32 to index
        %swap3A_1938 = arith.index_cast %scan3A_340 : i32 to index
        %swap3A_1939 = arith.constant 688 : index
        %swap3A_1940 = tpu.vector_load %arg8[%swap3A_1936, %swap3A_1937, %swap3A_1938, %swap3A_1939] {strides = array<i32>} : memref<3x4x8x1024xf32, #tpu.memory_space<vmem>>, vector<1x1x1x16xf32>,
        %swap3A_1941 = vector.shape_cast %swap3A_1940 : vector<1x1x1x16xf32> to vector<16xf32>
        %swap3A_1942 = vector.shape_cast %get3A_1934 : vector<16xf32> to vector<1x1x1x16xf32>
        tpu.vector_store %arg8[%swap3A_1936, %swap3A_1937, %swap3A_1938, %swap3A_1939], %swap3A_1942 {add = true, strides = array<i32>} : memref<3x4x8x1024xf32, #tpu.memory_space<vmem>>, vector<1x1x1x16xf32>,
        %swap3A_1943 = arith.constant 1 : i32
        %swap3A_1944 = arith.index_cast %rem3A_298 : i32 to index
        %swap3A_1945 = arith.index_cast %swap3A_1943 : i32 to index
        %swap3A_1946 = arith.index_cast %scan3A_340 : i32 to index
        %swap3A_1947 = arith.constant 688 : index
        %swap3A_1948 = tpu.vector_load %arg8[%swap3A_1944, %swap3A_1945, %swap3A_1946, %swap3A_1947] {strides = array<i32>} : memref<3x4x8x1024xf32, #tpu.memory_space<vmem>>, vector<1x1x1x16xf32>,
        %swap3A_1949 = vector.shape_cast %swap3A_1948 : vector<1x1x1x16xf32> to vector<16xf32>
        %swap3A_1950 = vector.shape_cast %get3A_1934 : vector<16xf32> to vector<1x1x1x16xf32>
        tpu.vector_store %arg8[%swap3A_1944, %swap3A_1945, %swap3A_1946, %swap3A_1947], %swap3A_1950 {add = true, strides = array<i32>} : memref<3x4x8x1024xf32, #tpu.memory_space<vmem>>, vector<1x1x1x16xf32>,
        %swap3A_1951 = arith.constant 2 : i32
        %swap3A_1952 = arith.index_cast %rem3A_298 : i32 to index
        %swap3A_1953 = arith.index_cast %swap3A_1951 : i32 to index
        %swap3A_1954 = arith.index_cast %scan3A_340 : i32 to index
        %swap3A_1955 = arith.constant 688 : index
        %swap3A_1956 = tpu.vector_load %arg8[%swap3A_1952, %swap3A_1953, %swap3A_1954, %swap3A_1955] {strides = array<i32>} : memref<3x4x8x1024xf32, #tpu.memory_space<vmem>>, vector<1x1x1x16xf32>,
        %swap3A_1957 = vector.shape_cast %swap3A_1956 : vector<1x1x1x16xf32> to vector<16xf32>
        %swap3A_1958 = vector.shape_cast %get3A_1934 : vector<16xf32> to vector<1x1x1x16xf32>
        tpu.vector_store %arg8[%swap3A_1952, %swap3A_1953, %swap3A_1954, %swap3A_1955], %swap3A_1958 {add = true, strides = array<i32>} : memref<3x4x8x1024xf32, #tpu.memory_space<vmem>>, vector<1x1x1x16xf32>,
        %swap3A_1959 = arith.constant 3 : i32
        %swap3A_1960 = arith.index_cast %rem3A_298 : i32 to index
        %swap3A_1961 = arith.index_cast %swap3A_1959 : i32 to index
        %swap3A_1962 = arith.index_cast %scan3A_340 : i32 to index
        %swap3A_1963 = arith.constant 688 : index
        %swap3A_1964 = tpu.vector_load %arg8[%swap3A_1960, %swap3A_1961, %swap3A_1962, %swap3A_1963] {strides = array<i32>} : memref<3x4x8x1024xf32, #tpu.memory_space<vmem>>, vector<1x1x1x16xf32>,
        %swap3A_1965 = vector.shape_cast %swap3A_1964 : vector<1x1x1x16xf32> to vector<16xf32>
        %swap3A_1966 = vector.shape_cast %get3A_1934 : vector<16xf32> to vector<1x1x1x16xf32>
        tpu.vector_store %arg8[%swap3A_1960, %swap3A_1961, %swap3A_1962, %swap3A_1963], %swap3A_1966 {add = true, strides = array<i32>} : memref<3x4x8x1024xf32, #tpu.memory_space<vmem>>, vector<1x1x1x16xf32>,
        %get3A_1967 = arith.index_cast %rem3A_298 : i32 to index
        %get3A_1968 = arith.index_cast %scan3A_340 : i32 to index
        %get3A_1969 = arith.constant 704 : index
        %get3A_1970 = tpu.vector_load %arg7[%get3A_1967, %get3A_1968, %get3A_1969] {strides = array<i32>} : memref<3x8x1024xf32, #tpu.memory_space<vmem>>, vector<1x1x16xf32>,
        %get3A_1971 = vector.shape_cast %get3A_1970 : vector<1x1x16xf32> to vector<16xf32>
        %swap3A_1972 = arith.constant 0 : i32
        %swap3A_1973 = arith.index_cast %rem3A_298 : i32 to index
        %swap3A_1974 = arith.index_cast %swap3A_1972 : i32 to index
        %swap3A_1975 = arith.index_cast %scan3A_340 : i32 to index
        %swap3A_1976 = arith.constant 704 : index
        %swap3A_1977 = tpu.vector_load %arg8[%swap3A_1973, %swap3A_1974, %swap3A_1975, %swap3A_1976] {strides = array<i32>} : memref<3x4x8x1024xf32, #tpu.memory_space<vmem>>, vector<1x1x1x16xf32>,
        %swap3A_1978 = vector.shape_cast %swap3A_1977 : vector<1x1x1x16xf32> to vector<16xf32>
        %swap3A_1979 = vector.shape_cast %get3A_1971 : vector<16xf32> to vector<1x1x1x16xf32>
        tpu.vector_store %arg8[%swap3A_1973, %swap3A_1974, %swap3A_1975, %swap3A_1976], %swap3A_1979 {add = true, strides = array<i32>} : memref<3x4x8x1024xf32, #tpu.memory_space<vmem>>, vector<1x1x1x16xf32>,
        %swap3A_1980 = arith.constant 1 : i32
        %swap3A_1981 = arith.index_cast %rem3A_298 : i32 to index
        %swap3A_1982 = arith.index_cast %swap3A_1980 : i32 to index
        %swap3A_1983 = arith.index_cast %scan3A_340 : i32 to index
        %swap3A_1984 = arith.constant 704 : index
        %swap3A_1985 = tpu.vector_load %arg8[%swap3A_1981, %swap3A_1982, %swap3A_1983, %swap3A_1984] {strides = array<i32>} : memref<3x4x8x1024xf32, #tpu.memory_space<vmem>>, vector<1x1x1x16xf32>,
        %swap3A_1986 = vector.shape_cast %swap3A_1985 : vector<1x1x1x16xf32> to vector<16xf32>
        %swap3A_1987 = vector.shape_cast %get3A_1971 : vector<16xf32> to vector<1x1x1x16xf32>
        tpu.vector_store %arg8[%swap3A_1981, %swap3A_1982, %swap3A_1983, %swap3A_1984], %swap3A_1987 {add = true, strides = array<i32>} : memref<3x4x8x1024xf32, #tpu.memory_space<vmem>>, vector<1x1x1x16xf32>,
        %swap3A_1988 = arith.constant 2 : i32
        %swap3A_1989 = arith.index_cast %rem3A_298 : i32 to index
        %swap3A_1990 = arith.index_cast %swap3A_1988 : i32 to index
        %swap3A_1991 = arith.index_cast %scan3A_340 : i32 to index
        %swap3A_1992 = arith.constant 704 : index
        %swap3A_1993 = tpu.vector_load %arg8[%swap3A_1989, %swap3A_1990, %swap3A_1991, %swap3A_1992] {strides = array<i32>} : memref<3x4x8x1024xf32, #tpu.memory_space<vmem>>, vector<1x1x1x16xf32>,
        %swap3A_1994 = vector.shape_cast %swap3A_1993 : vector<1x1x1x16xf32> to vector<16xf32>
        %swap3A_1995 = vector.shape_cast %get3A_1971 : vector<16xf32> to vector<1x1x1x16xf32>
        tpu.vector_store %arg8[%swap3A_1989, %swap3A_1990, %swap3A_1991, %swap3A_1992], %swap3A_1995 {add = true, strides = array<i32>} : memref<3x4x8x1024xf32, #tpu.memory_space<vmem>>, vector<1x1x1x16xf32>,
        %swap3A_1996 = arith.constant 3 : i32
        %swap3A_1997 = arith.index_cast %rem3A_298 : i32 to index
        %swap3A_1998 = arith.index_cast %swap3A_1996 : i32 to index
        %swap3A_1999 = arith.index_cast %scan3A_340 : i32 to index
        %swap3A_2000 = arith.constant 704 : index
        %swap3A_2001 = tpu.vector_load %arg8[%swap3A_1997, %swap3A_1998, %swap3A_1999, %swap3A_2000] {strides = array<i32>} : memref<3x4x8x1024xf32, #tpu.memory_space<vmem>>, vector<1x1x1x16xf32>,
        %swap3A_2002 = vector.shape_cast %swap3A_2001 : vector<1x1x1x16xf32> to vector<16xf32>
        %swap3A_2003 = vector.shape_cast %get3A_1971 : vector<16xf32> to vector<1x1x1x16xf32>
        tpu.vector_store %arg8[%swap3A_1997, %swap3A_1998, %swap3A_1999, %swap3A_2000], %swap3A_2003 {add = true, strides = array<i32>} : memref<3x4x8x1024xf32, #tpu.memory_space<vmem>>, vector<1x1x1x16xf32>,
        %get3A_2004 = arith.index_cast %rem3A_298 : i32 to index
        %get3A_2005 = arith.index_cast %scan3A_340 : i32 to index
        %get3A_2006 = arith.constant 720 : index
        %get3A_2007 = tpu.vector_load %arg7[%get3A_2004, %get3A_2005, %get3A_2006] {strides = array<i32>} : memref<3x8x1024xf32, #tpu.memory_space<vmem>>, vector<1x1x16xf32>,
        %get3A_2008 = vector.shape_cast %get3A_2007 : vector<1x1x16xf32> to vector<16xf32>
        %swap3A_2009 = arith.constant 0 : i32
        %swap3A_2010 = arith.index_cast %rem3A_298 : i32 to index
        %swap3A_2011 = arith.index_cast %swap3A_2009 : i32 to index
        %swap3A_2012 = arith.index_cast %scan3A_340 : i32 to index
        %swap3A_2013 = arith.constant 720 : index
        %swap3A_2014 = tpu.vector_load %arg8[%swap3A_2010, %swap3A_2011, %swap3A_2012, %swap3A_2013] {strides = array<i32>} : memref<3x4x8x1024xf32, #tpu.memory_space<vmem>>, vector<1x1x1x16xf32>,
        %swap3A_2015 = vector.shape_cast %swap3A_2014 : vector<1x1x1x16xf32> to vector<16xf32>
        %swap3A_2016 = vector.shape_cast %get3A_2008 : vector<16xf32> to vector<1x1x1x16xf32>
        tpu.vector_store %arg8[%swap3A_2010, %swap3A_2011, %swap3A_2012, %swap3A_2013], %swap3A_2016 {add = true, strides = array<i32>} : memref<3x4x8x1024xf32, #tpu.memory_space<vmem>>, vector<1x1x1x16xf32>,
        %swap3A_2017 = arith.constant 1 : i32
        %swap3A_2018 = arith.index_cast %rem3A_298 : i32 to index
        %swap3A_2019 = arith.index_cast %swap3A_2017 : i32 to index
        %swap3A_2020 = arith.index_cast %scan3A_340 : i32 to index
        %swap3A_2021 = arith.constant 720 : index
        %swap3A_2022 = tpu.vector_load %arg8[%swap3A_2018, %swap3A_2019, %swap3A_2020, %swap3A_2021] {strides = array<i32>} : memref<3x4x8x1024xf32, #tpu.memory_space<vmem>>, vector<1x1x1x16xf32>,
        %swap3A_2023 = vector.shape_cast %swap3A_2022 : vector<1x1x1x16xf32> to vector<16xf32>
        %swap3A_2024 = vector.shape_cast %get3A_2008 : vector<16xf32> to vector<1x1x1x16xf32>
        tpu.vector_store %arg8[%swap3A_2018, %swap3A_2019, %swap3A_2020, %swap3A_2021], %swap3A_2024 {add = true, strides = array<i32>} : memref<3x4x8x1024xf32, #tpu.memory_space<vmem>>, vector<1x1x1x16xf32>,
        %swap3A_2025 = arith.constant 2 : i32
        %swap3A_2026 = arith.index_cast %rem3A_298 : i32 to index
        %swap3A_2027 = arith.index_cast %swap3A_2025 : i32 to index
        %swap3A_2028 = arith.index_cast %scan3A_340 : i32 to index
        %swap3A_2029 = arith.constant 720 : index
        %swap3A_2030 = tpu.vector_load %arg8[%swap3A_2026, %swap3A_2027, %swap3A_2028, %swap3A_2029] {strides = array<i32>} : memref<3x4x8x1024xf32, #tpu.memory_space<vmem>>, vector<1x1x1x16xf32>,
        %swap3A_2031 = vector.shape_cast %swap3A_2030 : vector<1x1x1x16xf32> to vector<16xf32>
        %swap3A_2032 = vector.shape_cast %get3A_2008 : vector<16xf32> to vector<1x1x1x16xf32>
        tpu.vector_store %arg8[%swap3A_2026, %swap3A_2027, %swap3A_2028, %swap3A_2029], %swap3A_2032 {add = true, strides = array<i32>} : memref<3x4x8x1024xf32, #tpu.memory_space<vmem>>, vector<1x1x1x16xf32>,
        %swap3A_2033 = arith.constant 3 : i32
        %swap3A_2034 = arith.index_cast %rem3A_298 : i32 to index
        %swap3A_2035 = arith.index_cast %swap3A_2033 : i32 to index
        %swap3A_2036 = arith.index_cast %scan3A_340 : i32 to index
        %swap3A_2037 = arith.constant 720 : index
        %swap3A_2038 = tpu.vector_load %arg8[%swap3A_2034, %swap3A_2035, %swap3A_2036, %swap3A_2037] {strides = array<i32>} : memref<3x4x8x1024xf32, #tpu.memory_space<vmem>>, vector<1x1x1x16xf32>,
        %swap3A_2039 = vector.shape_cast %swap3A_2038 : vector<1x1x1x16xf32> to vector<16xf32>
        %swap3A_2040 = vector.shape_cast %get3A_2008 : vector<16xf32> to vector<1x1x1x16xf32>
        tpu.vector_store %arg8[%swap3A_2034, %swap3A_2035, %swap3A_2036, %swap3A_2037], %swap3A_2040 {add = true, strides = array<i32>} : memref<3x4x8x1024xf32, #tpu.memory_space<vmem>>, vector<1x1x1x16xf32>,
        %get3A_2041 = arith.index_cast %rem3A_298 : i32 to index
        %get3A_2042 = arith.index_cast %scan3A_340 : i32 to index
        %get3A_2043 = arith.constant 736 : index
        %get3A_2044 = tpu.vector_load %arg7[%get3A_2041, %get3A_2042, %get3A_2043] {strides = array<i32>} : memref<3x8x1024xf32, #tpu.memory_space<vmem>>, vector<1x1x16xf32>,
        %get3A_2045 = vector.shape_cast %get3A_2044 : vector<1x1x16xf32> to vector<16xf32>
        %swap3A_2046 = arith.constant 0 : i32
        %swap3A_2047 = arith.index_cast %rem3A_298 : i32 to index
        %swap3A_2048 = arith.index_cast %swap3A_2046 : i32 to index
        %swap3A_2049 = arith.index_cast %scan3A_340 : i32 to index
        %swap3A_2050 = arith.constant 736 : index
        %swap3A_2051 = tpu.vector_load %arg8[%swap3A_2047, %swap3A_2048, %swap3A_2049, %swap3A_2050] {strides = array<i32>} : memref<3x4x8x1024xf32, #tpu.memory_space<vmem>>, vector<1x1x1x16xf32>,
        %swap3A_2052 = vector.shape_cast %swap3A_2051 : vector<1x1x1x16xf32> to vector<16xf32>
        %swap3A_2053 = vector.shape_cast %get3A_2045 : vector<16xf32> to vector<1x1x1x16xf32>
        tpu.vector_store %arg8[%swap3A_2047, %swap3A_2048, %swap3A_2049, %swap3A_2050], %swap3A_2053 {add = true, strides = array<i32>} : memref<3x4x8x1024xf32, #tpu.memory_space<vmem>>, vector<1x1x1x16xf32>,
        %swap3A_2054 = arith.constant 1 : i32
        %swap3A_2055 = arith.index_cast %rem3A_298 : i32 to index
        %swap3A_2056 = arith.index_cast %swap3A_2054 : i32 to index
        %swap3A_2057 = arith.index_cast %scan3A_340 : i32 to index
        %swap3A_2058 = arith.constant 736 : index
        %swap3A_2059 = tpu.vector_load %arg8[%swap3A_2055, %swap3A_2056, %swap3A_2057, %swap3A_2058] {strides = array<i32>} : memref<3x4x8x1024xf32, #tpu.memory_space<vmem>>, vector<1x1x1x16xf32>,
        %swap3A_2060 = vector.shape_cast %swap3A_2059 : vector<1x1x1x16xf32> to vector<16xf32>
        %swap3A_2061 = vector.shape_cast %get3A_2045 : vector<16xf32> to vector<1x1x1x16xf32>
        tpu.vector_store %arg8[%swap3A_2055, %swap3A_2056, %swap3A_2057, %swap3A_2058], %swap3A_2061 {add = true, strides = array<i32>} : memref<3x4x8x1024xf32, #tpu.memory_space<vmem>>, vector<1x1x1x16xf32>,
        %swap3A_2062 = arith.constant 2 : i32
        %swap3A_2063 = arith.index_cast %rem3A_298 : i32 to index
        %swap3A_2064 = arith.index_cast %swap3A_2062 : i32 to index
        %swap3A_2065 = arith.index_cast %scan3A_340 : i32 to index
        %swap3A_2066 = arith.constant 736 : index
        %swap3A_2067 = tpu.vector_load %arg8[%swap3A_2063, %swap3A_2064, %swap3A_2065, %swap3A_2066] {strides = array<i32>} : memref<3x4x8x1024xf32, #tpu.memory_space<vmem>>, vector<1x1x1x16xf32>,
        %swap3A_2068 = vector.shape_cast %swap3A_2067 : vector<1x1x1x16xf32> to vector<16xf32>
        %swap3A_2069 = vector.shape_cast %get3A_2045 : vector<16xf32> to vector<1x1x1x16xf32>
        tpu.vector_store %arg8[%swap3A_2063, %swap3A_2064, %swap3A_2065, %swap3A_2066], %swap3A_2069 {add = true, strides = array<i32>} : memref<3x4x8x1024xf32, #tpu.memory_space<vmem>>, vector<1x1x1x16xf32>,
        %swap3A_2070 = arith.constant 3 : i32
        %swap3A_2071 = arith.index_cast %rem3A_298 : i32 to index
        %swap3A_2072 = arith.index_cast %swap3A_2070 : i32 to index
        %swap3A_2073 = arith.index_cast %scan3A_340 : i32 to index
        %swap3A_2074 = arith.constant 736 : index
        %swap3A_2075 = tpu.vector_load %arg8[%swap3A_2071, %swap3A_2072, %swap3A_2073, %swap3A_2074] {strides = array<i32>} : memref<3x4x8x1024xf32, #tpu.memory_space<vmem>>, vector<1x1x1x16xf32>,
        %swap3A_2076 = vector.shape_cast %swap3A_2075 : vector<1x1x1x16xf32> to vector<16xf32>
        %swap3A_2077 = vector.shape_cast %get3A_2045 : vector<16xf32> to vector<1x1x1x16xf32>
        tpu.vector_store %arg8[%swap3A_2071, %swap3A_2072, %swap3A_2073, %swap3A_2074], %swap3A_2077 {add = true, strides = array<i32>} : memref<3x4x8x1024xf32, #tpu.memory_space<vmem>>, vector<1x1x1x16xf32>,
        %get3A_2078 = arith.index_cast %rem3A_298 : i32 to index
        %get3A_2079 = arith.index_cast %scan3A_340 : i32 to index
        %get3A_2080 = arith.constant 752 : index
        %get3A_2081 = tpu.vector_load %arg7[%get3A_2078, %get3A_2079, %get3A_2080] {strides = array<i32>} : memref<3x8x1024xf32, #tpu.memory_space<vmem>>, vector<1x1x16xf32>,
        %get3A_2082 = vector.shape_cast %get3A_2081 : vector<1x1x16xf32> to vector<16xf32>
        %swap3A_2083 = arith.constant 0 : i32
        %swap3A_2084 = arith.index_cast %rem3A_298 : i32 to index
        %swap3A_2085 = arith.index_cast %swap3A_2083 : i32 to index
        %swap3A_2086 = arith.index_cast %scan3A_340 : i32 to index
        %swap3A_2087 = arith.constant 752 : index
        %swap3A_2088 = tpu.vector_load %arg8[%swap3A_2084, %swap3A_2085, %swap3A_2086, %swap3A_2087] {strides = array<i32>} : memref<3x4x8x1024xf32, #tpu.memory_space<vmem>>, vector<1x1x1x16xf32>,
        %swap3A_2089 = vector.shape_cast %swap3A_2088 : vector<1x1x1x16xf32> to vector<16xf32>
        %swap3A_2090 = vector.shape_cast %get3A_2082 : vector<16xf32> to vector<1x1x1x16xf32>
        tpu.vector_store %arg8[%swap3A_2084, %swap3A_2085, %swap3A_2086, %swap3A_2087], %swap3A_2090 {add = true, strides = array<i32>} : memref<3x4x8x1024xf32, #tpu.memory_space<vmem>>, vector<1x1x1x16xf32>,
        %swap3A_2091 = arith.constant 1 : i32
        %swap3A_2092 = arith.index_cast %rem3A_298 : i32 to index
        %swap3A_2093 = arith.index_cast %swap3A_2091 : i32 to index
        %swap3A_2094 = arith.index_cast %scan3A_340 : i32 to index
        %swap3A_2095 = arith.constant 752 : index
        %swap3A_2096 = tpu.vector_load %arg8[%swap3A_2092, %swap3A_2093, %swap3A_2094, %swap3A_2095] {strides = array<i32>} : memref<3x4x8x1024xf32, #tpu.memory_space<vmem>>, vector<1x1x1x16xf32>,
        %swap3A_2097 = vector.shape_cast %swap3A_2096 : vector<1x1x1x16xf32> to vector<16xf32>
        %swap3A_2098 = vector.shape_cast %get3A_2082 : vector<16xf32> to vector<1x1x1x16xf32>
        tpu.vector_store %arg8[%swap3A_2092, %swap3A_2093, %swap3A_2094, %swap3A_2095], %swap3A_2098 {add = true, strides = array<i32>} : memref<3x4x8x1024xf32, #tpu.memory_space<vmem>>, vector<1x1x1x16xf32>,
        %swap3A_2099 = arith.constant 2 : i32
        %swap3A_2100 = arith.index_cast %rem3A_298 : i32 to index
        %swap3A_2101 = arith.index_cast %swap3A_2099 : i32 to index
        %swap3A_2102 = arith.index_cast %scan3A_340 : i32 to index
        %swap3A_2103 = arith.constant 752 : index
        %swap3A_2104 = tpu.vector_load %arg8[%swap3A_2100, %swap3A_2101, %swap3A_2102, %swap3A_2103] {strides = array<i32>} : memref<3x4x8x1024xf32, #tpu.memory_space<vmem>>, vector<1x1x1x16xf32>,
        %swap3A_2105 = vector.shape_cast %swap3A_2104 : vector<1x1x1x16xf32> to vector<16xf32>
        %swap3A_2106 = vector.shape_cast %get3A_2082 : vector<16xf32> to vector<1x1x1x16xf32>
        tpu.vector_store %arg8[%swap3A_2100, %swap3A_2101, %swap3A_2102, %swap3A_2103], %swap3A_2106 {add = true, strides = array<i32>} : memref<3x4x8x1024xf32, #tpu.memory_space<vmem>>, vector<1x1x1x16xf32>,
        %swap3A_2107 = arith.constant 3 : i32
        %swap3A_2108 = arith.index_cast %rem3A_298 : i32 to index
        %swap3A_2109 = arith.index_cast %swap3A_2107 : i32 to index
        %swap3A_2110 = arith.index_cast %scan3A_340 : i32 to index
        %swap3A_2111 = arith.constant 752 : index
        %swap3A_2112 = tpu.vector_load %arg8[%swap3A_2108, %swap3A_2109, %swap3A_2110, %swap3A_2111] {strides = array<i32>} : memref<3x4x8x1024xf32, #tpu.memory_space<vmem>>, vector<1x1x1x16xf32>,
        %swap3A_2113 = vector.shape_cast %swap3A_2112 : vector<1x1x1x16xf32> to vector<16xf32>
        %swap3A_2114 = vector.shape_cast %get3A_2082 : vector<16xf32> to vector<1x1x1x16xf32>
        tpu.vector_store %arg8[%swap3A_2108, %swap3A_2109, %swap3A_2110, %swap3A_2111], %swap3A_2114 {add = true, strides = array<i32>} : memref<3x4x8x1024xf32, #tpu.memory_space<vmem>>, vector<1x1x1x16xf32>,
        %get3A_2115 = arith.index_cast %rem3A_298 : i32 to index
        %get3A_2116 = arith.index_cast %scan3A_340 : i32 to index
        %get3A_2117 = arith.constant 768 : index
        %get3A_2118 = tpu.vector_load %arg7[%get3A_2115, %get3A_2116, %get3A_2117] {strides = array<i32>} : memref<3x8x1024xf32, #tpu.memory_space<vmem>>, vector<1x1x16xf32>,
        %get3A_2119 = vector.shape_cast %get3A_2118 : vector<1x1x16xf32> to vector<16xf32>
        %swap3A_2120 = arith.constant 0 : i32
        %swap3A_2121 = arith.index_cast %rem3A_298 : i32 to index
        %swap3A_2122 = arith.index_cast %swap3A_2120 : i32 to index
        %swap3A_2123 = arith.index_cast %scan3A_340 : i32 to index
        %swap3A_2124 = arith.constant 768 : index
        %swap3A_2125 = tpu.vector_load %arg8[%swap3A_2121, %swap3A_2122, %swap3A_2123, %swap3A_2124] {strides = array<i32>} : memref<3x4x8x1024xf32, #tpu.memory_space<vmem>>, vector<1x1x1x16xf32>,
        %swap3A_2126 = vector.shape_cast %swap3A_2125 : vector<1x1x1x16xf32> to vector<16xf32>
        %swap3A_2127 = vector.shape_cast %get3A_2119 : vector<16xf32> to vector<1x1x1x16xf32>
        tpu.vector_store %arg8[%swap3A_2121, %swap3A_2122, %swap3A_2123, %swap3A_2124], %swap3A_2127 {add = true, strides = array<i32>} : memref<3x4x8x1024xf32, #tpu.memory_space<vmem>>, vector<1x1x1x16xf32>,
        %swap3A_2128 = arith.constant 1 : i32
        %swap3A_2129 = arith.index_cast %rem3A_298 : i32 to index
        %swap3A_2130 = arith.index_cast %swap3A_2128 : i32 to index
        %swap3A_2131 = arith.index_cast %scan3A_340 : i32 to index
        %swap3A_2132 = arith.constant 768 : index
        %swap3A_2133 = tpu.vector_load %arg8[%swap3A_2129, %swap3A_2130, %swap3A_2131, %swap3A_2132] {strides = array<i32>} : memref<3x4x8x1024xf32, #tpu.memory_space<vmem>>, vector<1x1x1x16xf32>,
        %swap3A_2134 = vector.shape_cast %swap3A_2133 : vector<1x1x1x16xf32> to vector<16xf32>
        %swap3A_2135 = vector.shape_cast %get3A_2119 : vector<16xf32> to vector<1x1x1x16xf32>
        tpu.vector_store %arg8[%swap3A_2129, %swap3A_2130, %swap3A_2131, %swap3A_2132], %swap3A_2135 {add = true, strides = array<i32>} : memref<3x4x8x1024xf32, #tpu.memory_space<vmem>>, vector<1x1x1x16xf32>,
        %swap3A_2136 = arith.constant 2 : i32
        %swap3A_2137 = arith.index_cast %rem3A_298 : i32 to index
        %swap3A_2138 = arith.index_cast %swap3A_2136 : i32 to index
        %swap3A_2139 = arith.index_cast %scan3A_340 : i32 to index
        %swap3A_2140 = arith.constant 768 : index
        %swap3A_2141 = tpu.vector_load %arg8[%swap3A_2137, %swap3A_2138, %swap3A_2139, %swap3A_2140] {strides = array<i32>} : memref<3x4x8x1024xf32, #tpu.memory_space<vmem>>, vector<1x1x1x16xf32>,
        %swap3A_2142 = vector.shape_cast %swap3A_2141 : vector<1x1x1x16xf32> to vector<16xf32>
        %swap3A_2143 = vector.shape_cast %get3A_2119 : vector<16xf32> to vector<1x1x1x16xf32>
        tpu.vector_store %arg8[%swap3A_2137, %swap3A_2138, %swap3A_2139, %swap3A_2140], %swap3A_2143 {add = true, strides = array<i32>} : memref<3x4x8x1024xf32, #tpu.memory_space<vmem>>, vector<1x1x1x16xf32>,
        %swap3A_2144 = arith.constant 3 : i32
        %swap3A_2145 = arith.index_cast %rem3A_298 : i32 to index
        %swap3A_2146 = arith.index_cast %swap3A_2144 : i32 to index
        %swap3A_2147 = arith.index_cast %scan3A_340 : i32 to index
        %swap3A_2148 = arith.constant 768 : index
        %swap3A_2149 = tpu.vector_load %arg8[%swap3A_2145, %swap3A_2146, %swap3A_2147, %swap3A_2148] {strides = array<i32>} : memref<3x4x8x1024xf32, #tpu.memory_space<vmem>>, vector<1x1x1x16xf32>,
        %swap3A_2150 = vector.shape_cast %swap3A_2149 : vector<1x1x1x16xf32> to vector<16xf32>
        %swap3A_2151 = vector.shape_cast %get3A_2119 : vector<16xf32> to vector<1x1x1x16xf32>
        tpu.vector_store %arg8[%swap3A_2145, %swap3A_2146, %swap3A_2147, %swap3A_2148], %swap3A_2151 {add = true, strides = array<i32>} : memref<3x4x8x1024xf32, #tpu.memory_space<vmem>>, vector<1x1x1x16xf32>,
        %get3A_2152 = arith.index_cast %rem3A_298 : i32 to index
        %get3A_2153 = arith.index_cast %scan3A_340 : i32 to index
        %get3A_2154 = arith.constant 784 : index
        %get3A_2155 = tpu.vector_load %arg7[%get3A_2152, %get3A_2153, %get3A_2154] {strides = array<i32>} : memref<3x8x1024xf32, #tpu.memory_space<vmem>>, vector<1x1x16xf32>,
        %get3A_2156 = vector.shape_cast %get3A_2155 : vector<1x1x16xf32> to vector<16xf32>
        %swap3A_2157 = arith.constant 0 : i32
        %swap3A_2158 = arith.index_cast %rem3A_298 : i32 to index
        %swap3A_2159 = arith.index_cast %swap3A_2157 : i32 to index
        %swap3A_2160 = arith.index_cast %scan3A_340 : i32 to index
        %swap3A_2161 = arith.constant 784 : index
        %swap3A_2162 = tpu.vector_load %arg8[%swap3A_2158, %swap3A_2159, %swap3A_2160, %swap3A_2161] {strides = array<i32>} : memref<3x4x8x1024xf32, #tpu.memory_space<vmem>>, vector<1x1x1x16xf32>,
        %swap3A_2163 = vector.shape_cast %swap3A_2162 : vector<1x1x1x16xf32> to vector<16xf32>
        %swap3A_2164 = vector.shape_cast %get3A_2156 : vector<16xf32> to vector<1x1x1x16xf32>
        tpu.vector_store %arg8[%swap3A_2158, %swap3A_2159, %swap3A_2160, %swap3A_2161], %swap3A_2164 {add = true, strides = array<i32>} : memref<3x4x8x1024xf32, #tpu.memory_space<vmem>>, vector<1x1x1x16xf32>,
        %swap3A_2165 = arith.constant 1 : i32
        %swap3A_2166 = arith.index_cast %rem3A_298 : i32 to index
        %swap3A_2167 = arith.index_cast %swap3A_2165 : i32 to index
        %swap3A_2168 = arith.index_cast %scan3A_340 : i32 to index
        %swap3A_2169 = arith.constant 784 : index
        %swap3A_2170 = tpu.vector_load %arg8[%swap3A_2166, %swap3A_2167, %swap3A_2168, %swap3A_2169] {strides = array<i32>} : memref<3x4x8x1024xf32, #tpu.memory_space<vmem>>, vector<1x1x1x16xf32>,
        %swap3A_2171 = vector.shape_cast %swap3A_2170 : vector<1x1x1x16xf32> to vector<16xf32>
        %swap3A_2172 = vector.shape_cast %get3A_2156 : vector<16xf32> to vector<1x1x1x16xf32>
        tpu.vector_store %arg8[%swap3A_2166, %swap3A_2167, %swap3A_2168, %swap3A_2169], %swap3A_2172 {add = true, strides = array<i32>} : memref<3x4x8x1024xf32, #tpu.memory_space<vmem>>, vector<1x1x1x16xf32>,
        %swap3A_2173 = arith.constant 2 : i32
        %swap3A_2174 = arith.index_cast %rem3A_298 : i32 to index
        %swap3A_2175 = arith.index_cast %swap3A_2173 : i32 to index
        %swap3A_2176 = arith.index_cast %scan3A_340 : i32 to index
        %swap3A_2177 = arith.constant 784 : index
        %swap3A_2178 = tpu.vector_load %arg8[%swap3A_2174, %swap3A_2175, %swap3A_2176, %swap3A_2177] {strides = array<i32>} : memref<3x4x8x1024xf32, #tpu.memory_space<vmem>>, vector<1x1x1x16xf32>,
        %swap3A_2179 = vector.shape_cast %swap3A_2178 : vector<1x1x1x16xf32> to vector<16xf32>
        %swap3A_2180 = vector.shape_cast %get3A_2156 : vector<16xf32> to vector<1x1x1x16xf32>
        tpu.vector_store %arg8[%swap3A_2174, %swap3A_2175, %swap3A_2176, %swap3A_2177], %swap3A_2180 {add = true, strides = array<i32>} : memref<3x4x8x1024xf32, #tpu.memory_space<vmem>>, vector<1x1x1x16xf32>,
        %swap3A_2181 = arith.constant 3 : i32
        %swap3A_2182 = arith.index_cast %rem3A_298 : i32 to index
        %swap3A_2183 = arith.index_cast %swap3A_2181 : i32 to index
        %swap3A_2184 = arith.index_cast %scan3A_340 : i32 to index
        %swap3A_2185 = arith.constant 784 : index
        %swap3A_2186 = tpu.vector_load %arg8[%swap3A_2182, %swap3A_2183, %swap3A_2184, %swap3A_2185] {strides = array<i32>} : memref<3x4x8x1024xf32, #tpu.memory_space<vmem>>, vector<1x1x1x16xf32>,
        %swap3A_2187 = vector.shape_cast %swap3A_2186 : vector<1x1x1x16xf32> to vector<16xf32>
        %swap3A_2188 = vector.shape_cast %get3A_2156 : vector<16xf32> to vector<1x1x1x16xf32>
        tpu.vector_store %arg8[%swap3A_2182, %swap3A_2183, %swap3A_2184, %swap3A_2185], %swap3A_2188 {add = true, strides = array<i32>} : memref<3x4x8x1024xf32, #tpu.memory_space<vmem>>, vector<1x1x1x16xf32>,
        %get3A_2189 = arith.index_cast %rem3A_298 : i32 to index
        %get3A_2190 = arith.index_cast %scan3A_340 : i32 to index
        %get3A_2191 = arith.constant 800 : index
        %get3A_2192 = tpu.vector_load %arg7[%get3A_2189, %get3A_2190, %get3A_2191] {strides = array<i32>} : memref<3x8x1024xf32, #tpu.memory_space<vmem>>, vector<1x1x16xf32>,
        %get3A_2193 = vector.shape_cast %get3A_2192 : vector<1x1x16xf32> to vector<16xf32>
        %swap3A_2194 = arith.constant 0 : i32
        %swap3A_2195 = arith.index_cast %rem3A_298 : i32 to index
        %swap3A_2196 = arith.index_cast %swap3A_2194 : i32 to index
        %swap3A_2197 = arith.index_cast %scan3A_340 : i32 to index
        %swap3A_2198 = arith.constant 800 : index
        %swap3A_2199 = tpu.vector_load %arg8[%swap3A_2195, %swap3A_2196, %swap3A_2197, %swap3A_2198] {strides = array<i32>} : memref<3x4x8x1024xf32, #tpu.memory_space<vmem>>, vector<1x1x1x16xf32>,
        %swap3A_2200 = vector.shape_cast %swap3A_2199 : vector<1x1x1x16xf32> to vector<16xf32>
        %swap3A_2201 = vector.shape_cast %get3A_2193 : vector<16xf32> to vector<1x1x1x16xf32>
        tpu.vector_store %arg8[%swap3A_2195, %swap3A_2196, %swap3A_2197, %swap3A_2198], %swap3A_2201 {add = true, strides = array<i32>} : memref<3x4x8x1024xf32, #tpu.memory_space<vmem>>, vector<1x1x1x16xf32>,
        %swap3A_2202 = arith.constant 1 : i32
        %swap3A_2203 = arith.index_cast %rem3A_298 : i32 to index
        %swap3A_2204 = arith.index_cast %swap3A_2202 : i32 to index
        %swap3A_2205 = arith.index_cast %scan3A_340 : i32 to index
        %swap3A_2206 = arith.constant 800 : index
        %swap3A_2207 = tpu.vector_load %arg8[%swap3A_2203, %swap3A_2204, %swap3A_2205, %swap3A_2206] {strides = array<i32>} : memref<3x4x8x1024xf32, #tpu.memory_space<vmem>>, vector<1x1x1x16xf32>,
        %swap3A_2208 = vector.shape_cast %swap3A_2207 : vector<1x1x1x16xf32> to vector<16xf32>
        %swap3A_2209 = vector.shape_cast %get3A_2193 : vector<16xf32> to vector<1x1x1x16xf32>
        tpu.vector_store %arg8[%swap3A_2203, %swap3A_2204, %swap3A_2205, %swap3A_2206], %swap3A_2209 {add = true, strides = array<i32>} : memref<3x4x8x1024xf32, #tpu.memory_space<vmem>>, vector<1x1x1x16xf32>,
        %swap3A_2210 = arith.constant 2 : i32
        %swap3A_2211 = arith.index_cast %rem3A_298 : i32 to index
        %swap3A_2212 = arith.index_cast %swap3A_2210 : i32 to index
        %swap3A_2213 = arith.index_cast %scan3A_340 : i32 to index
        %swap3A_2214 = arith.constant 800 : index
        %swap3A_2215 = tpu.vector_load %arg8[%swap3A_2211, %swap3A_2212, %swap3A_2213, %swap3A_2214] {strides = array<i32>} : memref<3x4x8x1024xf32, #tpu.memory_space<vmem>>, vector<1x1x1x16xf32>,
        %swap3A_2216 = vector.shape_cast %swap3A_2215 : vector<1x1x1x16xf32> to vector<16xf32>
        %swap3A_2217 = vector.shape_cast %get3A_2193 : vector<16xf32> to vector<1x1x1x16xf32>
        tpu.vector_store %arg8[%swap3A_2211, %swap3A_2212, %swap3A_2213, %swap3A_2214], %swap3A_2217 {add = true, strides = array<i32>} : memref<3x4x8x1024xf32, #tpu.memory_space<vmem>>, vector<1x1x1x16xf32>,
        %swap3A_2218 = arith.constant 3 : i32
        %swap3A_2219 = arith.index_cast %rem3A_298 : i32 to index
        %swap3A_2220 = arith.index_cast %swap3A_2218 : i32 to index
        %swap3A_2221 = arith.index_cast %scan3A_340 : i32 to index
        %swap3A_2222 = arith.constant 800 : index
        %swap3A_2223 = tpu.vector_load %arg8[%swap3A_2219, %swap3A_2220, %swap3A_2221, %swap3A_2222] {strides = array<i32>} : memref<3x4x8x1024xf32, #tpu.memory_space<vmem>>, vector<1x1x1x16xf32>,
        %swap3A_2224 = vector.shape_cast %swap3A_2223 : vector<1x1x1x16xf32> to vector<16xf32>
        %swap3A_2225 = vector.shape_cast %get3A_2193 : vector<16xf32> to vector<1x1x1x16xf32>
        tpu.vector_store %arg8[%swap3A_2219, %swap3A_2220, %swap3A_2221, %swap3A_2222], %swap3A_2225 {add = true, strides = array<i32>} : memref<3x4x8x1024xf32, #tpu.memory_space<vmem>>, vector<1x1x1x16xf32>,
        %get3A_2226 = arith.index_cast %rem3A_298 : i32 to index
        %get3A_2227 = arith.index_cast %scan3A_340 : i32 to index
        %get3A_2228 = arith.constant 816 : index
        %get3A_2229 = tpu.vector_load %arg7[%get3A_2226, %get3A_2227, %get3A_2228] {strides = array<i32>} : memref<3x8x1024xf32, #tpu.memory_space<vmem>>, vector<1x1x16xf32>,
        %get3A_2230 = vector.shape_cast %get3A_2229 : vector<1x1x16xf32> to vector<16xf32>
        %swap3A_2231 = arith.constant 0 : i32
        %swap3A_2232 = arith.index_cast %rem3A_298 : i32 to index
        %swap3A_2233 = arith.index_cast %swap3A_2231 : i32 to index
        %swap3A_2234 = arith.index_cast %scan3A_340 : i32 to index
        %swap3A_2235 = arith.constant 816 : index
        %swap3A_2236 = tpu.vector_load %arg8[%swap3A_2232, %swap3A_2233, %swap3A_2234, %swap3A_2235] {strides = array<i32>} : memref<3x4x8x1024xf32, #tpu.memory_space<vmem>>, vector<1x1x1x16xf32>,
        %swap3A_2237 = vector.shape_cast %swap3A_2236 : vector<1x1x1x16xf32> to vector<16xf32>
        %swap3A_2238 = vector.shape_cast %get3A_2230 : vector<16xf32> to vector<1x1x1x16xf32>
        tpu.vector_store %arg8[%swap3A_2232, %swap3A_2233, %swap3A_2234, %swap3A_2235], %swap3A_2238 {add = true, strides = array<i32>} : memref<3x4x8x1024xf32, #tpu.memory_space<vmem>>, vector<1x1x1x16xf32>,
        %swap3A_2239 = arith.constant 1 : i32
        %swap3A_2240 = arith.index_cast %rem3A_298 : i32 to index
        %swap3A_2241 = arith.index_cast %swap3A_2239 : i32 to index
        %swap3A_2242 = arith.index_cast %scan3A_340 : i32 to index
        %swap3A_2243 = arith.constant 816 : index
        %swap3A_2244 = tpu.vector_load %arg8[%swap3A_2240, %swap3A_2241, %swap3A_2242, %swap3A_2243] {strides = array<i32>} : memref<3x4x8x1024xf32, #tpu.memory_space<vmem>>, vector<1x1x1x16xf32>,
        %swap3A_2245 = vector.shape_cast %swap3A_2244 : vector<1x1x1x16xf32> to vector<16xf32>
        %swap3A_2246 = vector.shape_cast %get3A_2230 : vector<16xf32> to vector<1x1x1x16xf32>
        tpu.vector_store %arg8[%swap3A_2240, %swap3A_2241, %swap3A_2242, %swap3A_2243], %swap3A_2246 {add = true, strides = array<i32>} : memref<3x4x8x1024xf32, #tpu.memory_space<vmem>>, vector<1x1x1x16xf32>,
        %swap3A_2247 = arith.constant 2 : i32
        %swap3A_2248 = arith.index_cast %rem3A_298 : i32 to index
        %swap3A_2249 = arith.index_cast %swap3A_2247 : i32 to index
        %swap3A_2250 = arith.index_cast %scan3A_340 : i32 to index
        %swap3A_2251 = arith.constant 816 : index
        %swap3A_2252 = tpu.vector_load %arg8[%swap3A_2248, %swap3A_2249, %swap3A_2250, %swap3A_2251] {strides = array<i32>} : memref<3x4x8x1024xf32, #tpu.memory_space<vmem>>, vector<1x1x1x16xf32>,
        %swap3A_2253 = vector.shape_cast %swap3A_2252 : vector<1x1x1x16xf32> to vector<16xf32>
        %swap3A_2254 = vector.shape_cast %get3A_2230 : vector<16xf32> to vector<1x1x1x16xf32>
        tpu.vector_store %arg8[%swap3A_2248, %swap3A_2249, %swap3A_2250, %swap3A_2251], %swap3A_2254 {add = true, strides = array<i32>} : memref<3x4x8x1024xf32, #tpu.memory_space<vmem>>, vector<1x1x1x16xf32>,
        %swap3A_2255 = arith.constant 3 : i32
        %swap3A_2256 = arith.index_cast %rem3A_298 : i32 to index
        %swap3A_2257 = arith.index_cast %swap3A_2255 : i32 to index
        %swap3A_2258 = arith.index_cast %scan3A_340 : i32 to index
        %swap3A_2259 = arith.constant 816 : index
        %swap3A_2260 = tpu.vector_load %arg8[%swap3A_2256, %swap3A_2257, %swap3A_2258, %swap3A_2259] {strides = array<i32>} : memref<3x4x8x1024xf32, #tpu.memory_space<vmem>>, vector<1x1x1x16xf32>,
        %swap3A_2261 = vector.shape_cast %swap3A_2260 : vector<1x1x1x16xf32> to vector<16xf32>
        %swap3A_2262 = vector.shape_cast %get3A_2230 : vector<16xf32> to vector<1x1x1x16xf32>
        tpu.vector_store %arg8[%swap3A_2256, %swap3A_2257, %swap3A_2258, %swap3A_2259], %swap3A_2262 {add = true, strides = array<i32>} : memref<3x4x8x1024xf32, #tpu.memory_space<vmem>>, vector<1x1x1x16xf32>,
        %get3A_2263 = arith.index_cast %rem3A_298 : i32 to index
        %get3A_2264 = arith.index_cast %scan3A_340 : i32 to index
        %get3A_2265 = arith.constant 832 : index
        %get3A_2266 = tpu.vector_load %arg7[%get3A_2263, %get3A_2264, %get3A_2265] {strides = array<i32>} : memref<3x8x1024xf32, #tpu.memory_space<vmem>>, vector<1x1x16xf32>,
        %get3A_2267 = vector.shape_cast %get3A_2266 : vector<1x1x16xf32> to vector<16xf32>
        %swap3A_2268 = arith.constant 0 : i32
        %swap3A_2269 = arith.index_cast %rem3A_298 : i32 to index
        %swap3A_2270 = arith.index_cast %swap3A_2268 : i32 to index
        %swap3A_2271 = arith.index_cast %scan3A_340 : i32 to index
        %swap3A_2272 = arith.constant 832 : index
        %swap3A_2273 = tpu.vector_load %arg8[%swap3A_2269, %swap3A_2270, %swap3A_2271, %swap3A_2272] {strides = array<i32>} : memref<3x4x8x1024xf32, #tpu.memory_space<vmem>>, vector<1x1x1x16xf32>,
        %swap3A_2274 = vector.shape_cast %swap3A_2273 : vector<1x1x1x16xf32> to vector<16xf32>
        %swap3A_2275 = vector.shape_cast %get3A_2267 : vector<16xf32> to vector<1x1x1x16xf32>
        tpu.vector_store %arg8[%swap3A_2269, %swap3A_2270, %swap3A_2271, %swap3A_2272], %swap3A_2275 {add = true, strides = array<i32>} : memref<3x4x8x1024xf32, #tpu.memory_space<vmem>>, vector<1x1x1x16xf32>,
        %swap3A_2276 = arith.constant 1 : i32
        %swap3A_2277 = arith.index_cast %rem3A_298 : i32 to index
        %swap3A_2278 = arith.index_cast %swap3A_2276 : i32 to index
        %swap3A_2279 = arith.index_cast %scan3A_340 : i32 to index
        %swap3A_2280 = arith.constant 832 : index
        %swap3A_2281 = tpu.vector_load %arg8[%swap3A_2277, %swap3A_2278, %swap3A_2279, %swap3A_2280] {strides = array<i32>} : memref<3x4x8x1024xf32, #tpu.memory_space<vmem>>, vector<1x1x1x16xf32>,
        %swap3A_2282 = vector.shape_cast %swap3A_2281 : vector<1x1x1x16xf32> to vector<16xf32>
        %swap3A_2283 = vector.shape_cast %get3A_2267 : vector<16xf32> to vector<1x1x1x16xf32>
        tpu.vector_store %arg8[%swap3A_2277, %swap3A_2278, %swap3A_2279, %swap3A_2280], %swap3A_2283 {add = true, strides = array<i32>} : memref<3x4x8x1024xf32, #tpu.memory_space<vmem>>, vector<1x1x1x16xf32>,
        %swap3A_2284 = arith.constant 2 : i32
        %swap3A_2285 = arith.index_cast %rem3A_298 : i32 to index
        %swap3A_2286 = arith.index_cast %swap3A_2284 : i32 to index
        %swap3A_2287 = arith.index_cast %scan3A_340 : i32 to index
        %swap3A_2288 = arith.constant 832 : index
        %swap3A_2289 = tpu.vector_load %arg8[%swap3A_2285, %swap3A_2286, %swap3A_2287, %swap3A_2288] {strides = array<i32>} : memref<3x4x8x1024xf32, #tpu.memory_space<vmem>>, vector<1x1x1x16xf32>,
        %swap3A_2290 = vector.shape_cast %swap3A_2289 : vector<1x1x1x16xf32> to vector<16xf32>
        %swap3A_2291 = vector.shape_cast %get3A_2267 : vector<16xf32> to vector<1x1x1x16xf32>
        tpu.vector_store %arg8[%swap3A_2285, %swap3A_2286, %swap3A_2287, %swap3A_2288], %swap3A_2291 {add = true, strides = array<i32>} : memref<3x4x8x1024xf32, #tpu.memory_space<vmem>>, vector<1x1x1x16xf32>,
        %swap3A_2292 = arith.constant 3 : i32
        %swap3A_2293 = arith.index_cast %rem3A_298 : i32 to index
        %swap3A_2294 = arith.index_cast %swap3A_2292 : i32 to index
        %swap3A_2295 = arith.index_cast %scan3A_340 : i32 to index
        %swap3A_2296 = arith.constant 832 : index
        %swap3A_2297 = tpu.vector_load %arg8[%swap3A_2293, %swap3A_2294, %swap3A_2295, %swap3A_2296] {strides = array<i32>} : memref<3x4x8x1024xf32, #tpu.memory_space<vmem>>, vector<1x1x1x16xf32>,
        %swap3A_2298 = vector.shape_cast %swap3A_2297 : vector<1x1x1x16xf32> to vector<16xf32>
        %swap3A_2299 = vector.shape_cast %get3A_2267 : vector<16xf32> to vector<1x1x1x16xf32>
        tpu.vector_store %arg8[%swap3A_2293, %swap3A_2294, %swap3A_2295, %swap3A_2296], %swap3A_2299 {add = true, strides = array<i32>} : memref<3x4x8x1024xf32, #tpu.memory_space<vmem>>, vector<1x1x1x16xf32>,
        %get3A_2300 = arith.index_cast %rem3A_298 : i32 to index
        %get3A_2301 = arith.index_cast %scan3A_340 : i32 to index
        %get3A_2302 = arith.constant 848 : index
        %get3A_2303 = tpu.vector_load %arg7[%get3A_2300, %get3A_2301, %get3A_2302] {strides = array<i32>} : memref<3x8x1024xf32, #tpu.memory_space<vmem>>, vector<1x1x16xf32>,
        %get3A_2304 = vector.shape_cast %get3A_2303 : vector<1x1x16xf32> to vector<16xf32>
        %swap3A_2305 = arith.constant 0 : i32
        %swap3A_2306 = arith.index_cast %rem3A_298 : i32 to index
        %swap3A_2307 = arith.index_cast %swap3A_2305 : i32 to index
        %swap3A_2308 = arith.index_cast %scan3A_340 : i32 to index
        %swap3A_2309 = arith.constant 848 : index
        %swap3A_2310 = tpu.vector_load %arg8[%swap3A_2306, %swap3A_2307, %swap3A_2308, %swap3A_2309] {strides = array<i32>} : memref<3x4x8x1024xf32, #tpu.memory_space<vmem>>, vector<1x1x1x16xf32>,
        %swap3A_2311 = vector.shape_cast %swap3A_2310 : vector<1x1x1x16xf32> to vector<16xf32>
        %swap3A_2312 = vector.shape_cast %get3A_2304 : vector<16xf32> to vector<1x1x1x16xf32>
        tpu.vector_store %arg8[%swap3A_2306, %swap3A_2307, %swap3A_2308, %swap3A_2309], %swap3A_2312 {add = true, strides = array<i32>} : memref<3x4x8x1024xf32, #tpu.memory_space<vmem>>, vector<1x1x1x16xf32>,
        %swap3A_2313 = arith.constant 1 : i32
        %swap3A_2314 = arith.index_cast %rem3A_298 : i32 to index
        %swap3A_2315 = arith.index_cast %swap3A_2313 : i32 to index
        %swap3A_2316 = arith.index_cast %scan3A_340 : i32 to index
        %swap3A_2317 = arith.constant 848 : index
        %swap3A_2318 = tpu.vector_load %arg8[%swap3A_2314, %swap3A_2315, %swap3A_2316, %swap3A_2317] {strides = array<i32>} : memref<3x4x8x1024xf32, #tpu.memory_space<vmem>>, vector<1x1x1x16xf32>,
        %swap3A_2319 = vector.shape_cast %swap3A_2318 : vector<1x1x1x16xf32> to vector<16xf32>
        %swap3A_2320 = vector.shape_cast %get3A_2304 : vector<16xf32> to vector<1x1x1x16xf32>
        tpu.vector_store %arg8[%swap3A_2314, %swap3A_2315, %swap3A_2316, %swap3A_2317], %swap3A_2320 {add = true, strides = array<i32>} : memref<3x4x8x1024xf32, #tpu.memory_space<vmem>>, vector<1x1x1x16xf32>,
        %swap3A_2321 = arith.constant 2 : i32
        %swap3A_2322 = arith.index_cast %rem3A_298 : i32 to index
        %swap3A_2323 = arith.index_cast %swap3A_2321 : i32 to index
        %swap3A_2324 = arith.index_cast %scan3A_340 : i32 to index
        %swap3A_2325 = arith.constant 848 : index
        %swap3A_2326 = tpu.vector_load %arg8[%swap3A_2322, %swap3A_2323, %swap3A_2324, %swap3A_2325] {strides = array<i32>} : memref<3x4x8x1024xf32, #tpu.memory_space<vmem>>, vector<1x1x1x16xf32>,
        %swap3A_2327 = vector.shape_cast %swap3A_2326 : vector<1x1x1x16xf32> to vector<16xf32>
        %swap3A_2328 = vector.shape_cast %get3A_2304 : vector<16xf32> to vector<1x1x1x16xf32>
        tpu.vector_store %arg8[%swap3A_2322, %swap3A_2323, %swap3A_2324, %swap3A_2325], %swap3A_2328 {add = true, strides = array<i32>} : memref<3x4x8x1024xf32, #tpu.memory_space<vmem>>, vector<1x1x1x16xf32>,
        %swap3A_2329 = arith.constant 3 : i32
        %swap3A_2330 = arith.index_cast %rem3A_298 : i32 to index
        %swap3A_2331 = arith.index_cast %swap3A_2329 : i32 to index
        %swap3A_2332 = arith.index_cast %scan3A_340 : i32 to index
        %swap3A_2333 = arith.constant 848 : index
        %swap3A_2334 = tpu.vector_load %arg8[%swap3A_2330, %swap3A_2331, %swap3A_2332, %swap3A_2333] {strides = array<i32>} : memref<3x4x8x1024xf32, #tpu.memory_space<vmem>>, vector<1x1x1x16xf32>,
        %swap3A_2335 = vector.shape_cast %swap3A_2334 : vector<1x1x1x16xf32> to vector<16xf32>
        %swap3A_2336 = vector.shape_cast %get3A_2304 : vector<16xf32> to vector<1x1x1x16xf32>
        tpu.vector_store %arg8[%swap3A_2330, %swap3A_2331, %swap3A_2332, %swap3A_2333], %swap3A_2336 {add = true, strides = array<i32>} : memref<3x4x8x1024xf32, #tpu.memory_space<vmem>>, vector<1x1x1x16xf32>,
        %get3A_2337 = arith.index_cast %rem3A_298 : i32 to index
        %get3A_2338 = arith.index_cast %scan3A_340 : i32 to index
        %get3A_2339 = arith.constant 864 : index
        %get3A_2340 = tpu.vector_load %arg7[%get3A_2337, %get3A_2338, %get3A_2339] {strides = array<i32>} : memref<3x8x1024xf32, #tpu.memory_space<vmem>>, vector<1x1x16xf32>,
        %get3A_2341 = vector.shape_cast %get3A_2340 : vector<1x1x16xf32> to vector<16xf32>
        %swap3A_2342 = arith.constant 0 : i32
        %swap3A_2343 = arith.index_cast %rem3A_298 : i32 to index
        %swap3A_2344 = arith.index_cast %swap3A_2342 : i32 to index
        %swap3A_2345 = arith.index_cast %scan3A_340 : i32 to index
        %swap3A_2346 = arith.constant 864 : index
        %swap3A_2347 = tpu.vector_load %arg8[%swap3A_2343, %swap3A_2344, %swap3A_2345, %swap3A_2346] {strides = array<i32>} : memref<3x4x8x1024xf32, #tpu.memory_space<vmem>>, vector<1x1x1x16xf32>,
        %swap3A_2348 = vector.shape_cast %swap3A_2347 : vector<1x1x1x16xf32> to vector<16xf32>
        %swap3A_2349 = vector.shape_cast %get3A_2341 : vector<16xf32> to vector<1x1x1x16xf32>
        tpu.vector_store %arg8[%swap3A_2343, %swap3A_2344, %swap3A_2345, %swap3A_2346], %swap3A_2349 {add = true, strides = array<i32>} : memref<3x4x8x1024xf32, #tpu.memory_space<vmem>>, vector<1x1x1x16xf32>,
        %swap3A_2350 = arith.constant 1 : i32
        %swap3A_2351 = arith.index_cast %rem3A_298 : i32 to index
        %swap3A_2352 = arith.index_cast %swap3A_2350 : i32 to index
        %swap3A_2353 = arith.index_cast %scan3A_340 : i32 to index
        %swap3A_2354 = arith.constant 864 : index
        %swap3A_2355 = tpu.vector_load %arg8[%swap3A_2351, %swap3A_2352, %swap3A_2353, %swap3A_2354] {strides = array<i32>} : memref<3x4x8x1024xf32, #tpu.memory_space<vmem>>, vector<1x1x1x16xf32>,
        %swap3A_2356 = vector.shape_cast %swap3A_2355 : vector<1x1x1x16xf32> to vector<16xf32>
        %swap3A_2357 = vector.shape_cast %get3A_2341 : vector<16xf32> to vector<1x1x1x16xf32>
        tpu.vector_store %arg8[%swap3A_2351, %swap3A_2352, %swap3A_2353, %swap3A_2354], %swap3A_2357 {add = true, strides = array<i32>} : memref<3x4x8x1024xf32, #tpu.memory_space<vmem>>, vector<1x1x1x16xf32>,
        %swap3A_2358 = arith.constant 2 : i32
        %swap3A_2359 = arith.index_cast %rem3A_298 : i32 to index
        %swap3A_2360 = arith.index_cast %swap3A_2358 : i32 to index
        %swap3A_2361 = arith.index_cast %scan3A_340 : i32 to index
        %swap3A_2362 = arith.constant 864 : index
        %swap3A_2363 = tpu.vector_load %arg8[%swap3A_2359, %swap3A_2360, %swap3A_2361, %swap3A_2362] {strides = array<i32>} : memref<3x4x8x1024xf32, #tpu.memory_space<vmem>>, vector<1x1x1x16xf32>,
        %swap3A_2364 = vector.shape_cast %swap3A_2363 : vector<1x1x1x16xf32> to vector<16xf32>
        %swap3A_2365 = vector.shape_cast %get3A_2341 : vector<16xf32> to vector<1x1x1x16xf32>
        tpu.vector_store %arg8[%swap3A_2359, %swap3A_2360, %swap3A_2361, %swap3A_2362], %swap3A_2365 {add = true, strides = array<i32>} : memref<3x4x8x1024xf32, #tpu.memory_space<vmem>>, vector<1x1x1x16xf32>,
        %swap3A_2366 = arith.constant 3 : i32
        %swap3A_2367 = arith.index_cast %rem3A_298 : i32 to index
        %swap3A_2368 = arith.index_cast %swap3A_2366 : i32 to index
        %swap3A_2369 = arith.index_cast %scan3A_340 : i32 to index
        %swap3A_2370 = arith.constant 864 : index
        %swap3A_2371 = tpu.vector_load %arg8[%swap3A_2367, %swap3A_2368, %swap3A_2369, %swap3A_2370] {strides = array<i32>} : memref<3x4x8x1024xf32, #tpu.memory_space<vmem>>, vector<1x1x1x16xf32>,
        %swap3A_2372 = vector.shape_cast %swap3A_2371 : vector<1x1x1x16xf32> to vector<16xf32>
        %swap3A_2373 = vector.shape_cast %get3A_2341 : vector<16xf32> to vector<1x1x1x16xf32>
        tpu.vector_store %arg8[%swap3A_2367, %swap3A_2368, %swap3A_2369, %swap3A_2370], %swap3A_2373 {add = true, strides = array<i32>} : memref<3x4x8x1024xf32, #tpu.memory_space<vmem>>, vector<1x1x1x16xf32>,
        %get3A_2374 = arith.index_cast %rem3A_298 : i32 to index
        %get3A_2375 = arith.index_cast %scan3A_340 : i32 to index
        %get3A_2376 = arith.constant 880 : index
        %get3A_2377 = tpu.vector_load %arg7[%get3A_2374, %get3A_2375, %get3A_2376] {strides = array<i32>} : memref<3x8x1024xf32, #tpu.memory_space<vmem>>, vector<1x1x16xf32>,
        %get3A_2378 = vector.shape_cast %get3A_2377 : vector<1x1x16xf32> to vector<16xf32>
        %swap3A_2379 = arith.constant 0 : i32
        %swap3A_2380 = arith.index_cast %rem3A_298 : i32 to index
        %swap3A_2381 = arith.index_cast %swap3A_2379 : i32 to index
        %swap3A_2382 = arith.index_cast %scan3A_340 : i32 to index
        %swap3A_2383 = arith.constant 880 : index
        %swap3A_2384 = tpu.vector_load %arg8[%swap3A_2380, %swap3A_2381, %swap3A_2382, %swap3A_2383] {strides = array<i32>} : memref<3x4x8x1024xf32, #tpu.memory_space<vmem>>, vector<1x1x1x16xf32>,
        %swap3A_2385 = vector.shape_cast %swap3A_2384 : vector<1x1x1x16xf32> to vector<16xf32>
        %swap3A_2386 = vector.shape_cast %get3A_2378 : vector<16xf32> to vector<1x1x1x16xf32>
        tpu.vector_store %arg8[%swap3A_2380, %swap3A_2381, %swap3A_2382, %swap3A_2383], %swap3A_2386 {add = true, strides = array<i32>} : memref<3x4x8x1024xf32, #tpu.memory_space<vmem>>, vector<1x1x1x16xf32>,
        %swap3A_2387 = arith.constant 1 : i32
        %swap3A_2388 = arith.index_cast %rem3A_298 : i32 to index
        %swap3A_2389 = arith.index_cast %swap3A_2387 : i32 to index
        %swap3A_2390 = arith.index_cast %scan3A_340 : i32 to index
        %swap3A_2391 = arith.constant 880 : index
        %swap3A_2392 = tpu.vector_load %arg8[%swap3A_2388, %swap3A_2389, %swap3A_2390, %swap3A_2391] {strides = array<i32>} : memref<3x4x8x1024xf32, #tpu.memory_space<vmem>>, vector<1x1x1x16xf32>,
        %swap3A_2393 = vector.shape_cast %swap3A_2392 : vector<1x1x1x16xf32> to vector<16xf32>
        %swap3A_2394 = vector.shape_cast %get3A_2378 : vector<16xf32> to vector<1x1x1x16xf32>
        tpu.vector_store %arg8[%swap3A_2388, %swap3A_2389, %swap3A_2390, %swap3A_2391], %swap3A_2394 {add = true, strides = array<i32>} : memref<3x4x8x1024xf32, #tpu.memory_space<vmem>>, vector<1x1x1x16xf32>,
        %swap3A_2395 = arith.constant 2 : i32
        %swap3A_2396 = arith.index_cast %rem3A_298 : i32 to index
        %swap3A_2397 = arith.index_cast %swap3A_2395 : i32 to index
        %swap3A_2398 = arith.index_cast %scan3A_340 : i32 to index
        %swap3A_2399 = arith.constant 880 : index
        %swap3A_2400 = tpu.vector_load %arg8[%swap3A_2396, %swap3A_2397, %swap3A_2398, %swap3A_2399] {strides = array<i32>} : memref<3x4x8x1024xf32, #tpu.memory_space<vmem>>, vector<1x1x1x16xf32>,
        %swap3A_2401 = vector.shape_cast %swap3A_2400 : vector<1x1x1x16xf32> to vector<16xf32>
        %swap3A_2402 = vector.shape_cast %get3A_2378 : vector<16xf32> to vector<1x1x1x16xf32>
        tpu.vector_store %arg8[%swap3A_2396, %swap3A_2397, %swap3A_2398, %swap3A_2399], %swap3A_2402 {add = true, strides = array<i32>} : memref<3x4x8x1024xf32, #tpu.memory_space<vmem>>, vector<1x1x1x16xf32>,
        %swap3A_2403 = arith.constant 3 : i32
        %swap3A_2404 = arith.index_cast %rem3A_298 : i32 to index
        %swap3A_2405 = arith.index_cast %swap3A_2403 : i32 to index
        %swap3A_2406 = arith.index_cast %scan3A_340 : i32 to index
        %swap3A_2407 = arith.constant 880 : index
        %swap3A_2408 = tpu.vector_load %arg8[%swap3A_2404, %swap3A_2405, %swap3A_2406, %swap3A_2407] {strides = array<i32>} : memref<3x4x8x1024xf32, #tpu.memory_space<vmem>>, vector<1x1x1x16xf32>,
        %swap3A_2409 = vector.shape_cast %swap3A_2408 : vector<1x1x1x16xf32> to vector<16xf32>
        %swap3A_2410 = vector.shape_cast %get3A_2378 : vector<16xf32> to vector<1x1x1x16xf32>
        tpu.vector_store %arg8[%swap3A_2404, %swap3A_2405, %swap3A_2406, %swap3A_2407], %swap3A_2410 {add = true, strides = array<i32>} : memref<3x4x8x1024xf32, #tpu.memory_space<vmem>>, vector<1x1x1x16xf32>,
        %get3A_2411 = arith.index_cast %rem3A_298 : i32 to index
        %get3A_2412 = arith.index_cast %scan3A_340 : i32 to index
        %get3A_2413 = arith.constant 896 : index
        %get3A_2414 = tpu.vector_load %arg7[%get3A_2411, %get3A_2412, %get3A_2413] {strides = array<i32>} : memref<3x8x1024xf32, #tpu.memory_space<vmem>>, vector<1x1x16xf32>,
        %get3A_2415 = vector.shape_cast %get3A_2414 : vector<1x1x16xf32> to vector<16xf32>
        %swap3A_2416 = arith.constant 0 : i32
        %swap3A_2417 = arith.index_cast %rem3A_298 : i32 to index
        %swap3A_2418 = arith.index_cast %swap3A_2416 : i32 to index
        %swap3A_2419 = arith.index_cast %scan3A_340 : i32 to index
        %swap3A_2420 = arith.constant 896 : index
        %swap3A_2421 = tpu.vector_load %arg8[%swap3A_2417, %swap3A_2418, %swap3A_2419, %swap3A_2420] {strides = array<i32>} : memref<3x4x8x1024xf32, #tpu.memory_space<vmem>>, vector<1x1x1x16xf32>,
        %swap3A_2422 = vector.shape_cast %swap3A_2421 : vector<1x1x1x16xf32> to vector<16xf32>
        %swap3A_2423 = vector.shape_cast %get3A_2415 : vector<16xf32> to vector<1x1x1x16xf32>
        tpu.vector_store %arg8[%swap3A_2417, %swap3A_2418, %swap3A_2419, %swap3A_2420], %swap3A_2423 {add = true, strides = array<i32>} : memref<3x4x8x1024xf32, #tpu.memory_space<vmem>>, vector<1x1x1x16xf32>,
        %swap3A_2424 = arith.constant 1 : i32
        %swap3A_2425 = arith.index_cast %rem3A_298 : i32 to index
        %swap3A_2426 = arith.index_cast %swap3A_2424 : i32 to index
        %swap3A_2427 = arith.index_cast %scan3A_340 : i32 to index
        %swap3A_2428 = arith.constant 896 : index
        %swap3A_2429 = tpu.vector_load %arg8[%swap3A_2425, %swap3A_2426, %swap3A_2427, %swap3A_2428] {strides = array<i32>} : memref<3x4x8x1024xf32, #tpu.memory_space<vmem>>, vector<1x1x1x16xf32>,
        %swap3A_2430 = vector.shape_cast %swap3A_2429 : vector<1x1x1x16xf32> to vector<16xf32>
        %swap3A_2431 = vector.shape_cast %get3A_2415 : vector<16xf32> to vector<1x1x1x16xf32>
        tpu.vector_store %arg8[%swap3A_2425, %swap3A_2426, %swap3A_2427, %swap3A_2428], %swap3A_2431 {add = true, strides = array<i32>} : memref<3x4x8x1024xf32, #tpu.memory_space<vmem>>, vector<1x1x1x16xf32>,
        %swap3A_2432 = arith.constant 2 : i32
        %swap3A_2433 = arith.index_cast %rem3A_298 : i32 to index
        %swap3A_2434 = arith.index_cast %swap3A_2432 : i32 to index
        %swap3A_2435 = arith.index_cast %scan3A_340 : i32 to index
        %swap3A_2436 = arith.constant 896 : index
        %swap3A_2437 = tpu.vector_load %arg8[%swap3A_2433, %swap3A_2434, %swap3A_2435, %swap3A_2436] {strides = array<i32>} : memref<3x4x8x1024xf32, #tpu.memory_space<vmem>>, vector<1x1x1x16xf32>,
        %swap3A_2438 = vector.shape_cast %swap3A_2437 : vector<1x1x1x16xf32> to vector<16xf32>
        %swap3A_2439 = vector.shape_cast %get3A_2415 : vector<16xf32> to vector<1x1x1x16xf32>
        tpu.vector_store %arg8[%swap3A_2433, %swap3A_2434, %swap3A_2435, %swap3A_2436], %swap3A_2439 {add = true, strides = array<i32>} : memref<3x4x8x1024xf32, #tpu.memory_space<vmem>>, vector<1x1x1x16xf32>,
        %swap3A_2440 = arith.constant 3 : i32
        %swap3A_2441 = arith.index_cast %rem3A_298 : i32 to index
        %swap3A_2442 = arith.index_cast %swap3A_2440 : i32 to index
        %swap3A_2443 = arith.index_cast %scan3A_340 : i32 to index
        %swap3A_2444 = arith.constant 896 : index
        %swap3A_2445 = tpu.vector_load %arg8[%swap3A_2441, %swap3A_2442, %swap3A_2443, %swap3A_2444] {strides = array<i32>} : memref<3x4x8x1024xf32, #tpu.memory_space<vmem>>, vector<1x1x1x16xf32>,
        %swap3A_2446 = vector.shape_cast %swap3A_2445 : vector<1x1x1x16xf32> to vector<16xf32>
        %swap3A_2447 = vector.shape_cast %get3A_2415 : vector<16xf32> to vector<1x1x1x16xf32>
        tpu.vector_store %arg8[%swap3A_2441, %swap3A_2442, %swap3A_2443, %swap3A_2444], %swap3A_2447 {add = true, strides = array<i32>} : memref<3x4x8x1024xf32, #tpu.memory_space<vmem>>, vector<1x1x1x16xf32>,
        %get3A_2448 = arith.index_cast %rem3A_298 : i32 to index
        %get3A_2449 = arith.index_cast %scan3A_340 : i32 to index
        %get3A_2450 = arith.constant 912 : index
        %get3A_2451 = tpu.vector_load %arg7[%get3A_2448, %get3A_2449, %get3A_2450] {strides = array<i32>} : memref<3x8x1024xf32, #tpu.memory_space<vmem>>, vector<1x1x16xf32>,
        %get3A_2452 = vector.shape_cast %get3A_2451 : vector<1x1x16xf32> to vector<16xf32>
        %swap3A_2453 = arith.constant 0 : i32
        %swap3A_2454 = arith.index_cast %rem3A_298 : i32 to index
        %swap3A_2455 = arith.index_cast %swap3A_2453 : i32 to index
        %swap3A_2456 = arith.index_cast %scan3A_340 : i32 to index
        %swap3A_2457 = arith.constant 912 : index
        %swap3A_2458 = tpu.vector_load %arg8[%swap3A_2454, %swap3A_2455, %swap3A_2456, %swap3A_2457] {strides = array<i32>} : memref<3x4x8x1024xf32, #tpu.memory_space<vmem>>, vector<1x1x1x16xf32>,
        %swap3A_2459 = vector.shape_cast %swap3A_2458 : vector<1x1x1x16xf32> to vector<16xf32>
        %swap3A_2460 = vector.shape_cast %get3A_2452 : vector<16xf32> to vector<1x1x1x16xf32>
        tpu.vector_store %arg8[%swap3A_2454, %swap3A_2455, %swap3A_2456, %swap3A_2457], %swap3A_2460 {add = true, strides = array<i32>} : memref<3x4x8x1024xf32, #tpu.memory_space<vmem>>, vector<1x1x1x16xf32>,
        %swap3A_2461 = arith.constant 1 : i32
        %swap3A_2462 = arith.index_cast %rem3A_298 : i32 to index
        %swap3A_2463 = arith.index_cast %swap3A_2461 : i32 to index
        %swap3A_2464 = arith.index_cast %scan3A_340 : i32 to index
        %swap3A_2465 = arith.constant 912 : index
        %swap3A_2466 = tpu.vector_load %arg8[%swap3A_2462, %swap3A_2463, %swap3A_2464, %swap3A_2465] {strides = array<i32>} : memref<3x4x8x1024xf32, #tpu.memory_space<vmem>>, vector<1x1x1x16xf32>,
        %swap3A_2467 = vector.shape_cast %swap3A_2466 : vector<1x1x1x16xf32> to vector<16xf32>
        %swap3A_2468 = vector.shape_cast %get3A_2452 : vector<16xf32> to vector<1x1x1x16xf32>
        tpu.vector_store %arg8[%swap3A_2462, %swap3A_2463, %swap3A_2464, %swap3A_2465], %swap3A_2468 {add = true, strides = array<i32>} : memref<3x4x8x1024xf32, #tpu.memory_space<vmem>>, vector<1x1x1x16xf32>,
        %swap3A_2469 = arith.constant 2 : i32
        %swap3A_2470 = arith.index_cast %rem3A_298 : i32 to index
        %swap3A_2471 = arith.index_cast %swap3A_2469 : i32 to index
        %swap3A_2472 = arith.index_cast %scan3A_340 : i32 to index
        %swap3A_2473 = arith.constant 912 : index
        %swap3A_2474 = tpu.vector_load %arg8[%swap3A_2470, %swap3A_2471, %swap3A_2472, %swap3A_2473] {strides = array<i32>} : memref<3x4x8x1024xf32, #tpu.memory_space<vmem>>, vector<1x1x1x16xf32>,
        %swap3A_2475 = vector.shape_cast %swap3A_2474 : vector<1x1x1x16xf32> to vector<16xf32>
        %swap3A_2476 = vector.shape_cast %get3A_2452 : vector<16xf32> to vector<1x1x1x16xf32>
        tpu.vector_store %arg8[%swap3A_2470, %swap3A_2471, %swap3A_2472, %swap3A_2473], %swap3A_2476 {add = true, strides = array<i32>} : memref<3x4x8x1024xf32, #tpu.memory_space<vmem>>, vector<1x1x1x16xf32>,
        %swap3A_2477 = arith.constant 3 : i32
        %swap3A_2478 = arith.index_cast %rem3A_298 : i32 to index
        %swap3A_2479 = arith.index_cast %swap3A_2477 : i32 to index
        %swap3A_2480 = arith.index_cast %scan3A_340 : i32 to index
        %swap3A_2481 = arith.constant 912 : index
        %swap3A_2482 = tpu.vector_load %arg8[%swap3A_2478, %swap3A_2479, %swap3A_2480, %swap3A_2481] {strides = array<i32>} : memref<3x4x8x1024xf32, #tpu.memory_space<vmem>>, vector<1x1x1x16xf32>,
        %swap3A_2483 = vector.shape_cast %swap3A_2482 : vector<1x1x1x16xf32> to vector<16xf32>
        %swap3A_2484 = vector.shape_cast %get3A_2452 : vector<16xf32> to vector<1x1x1x16xf32>
        tpu.vector_store %arg8[%swap3A_2478, %swap3A_2479, %swap3A_2480, %swap3A_2481], %swap3A_2484 {add = true, strides = array<i32>} : memref<3x4x8x1024xf32, #tpu.memory_space<vmem>>, vector<1x1x1x16xf32>,
        %get3A_2485 = arith.index_cast %rem3A_298 : i32 to index
        %get3A_2486 = arith.index_cast %scan3A_340 : i32 to index
        %get3A_2487 = arith.constant 928 : index
        %get3A_2488 = tpu.vector_load %arg7[%get3A_2485, %get3A_2486, %get3A_2487] {strides = array<i32>} : memref<3x8x1024xf32, #tpu.memory_space<vmem>>, vector<1x1x16xf32>,
        %get3A_2489 = vector.shape_cast %get3A_2488 : vector<1x1x16xf32> to vector<16xf32>
        %swap3A_2490 = arith.constant 0 : i32
        %swap3A_2491 = arith.index_cast %rem3A_298 : i32 to index
        %swap3A_2492 = arith.index_cast %swap3A_2490 : i32 to index
        %swap3A_2493 = arith.index_cast %scan3A_340 : i32 to index
        %swap3A_2494 = arith.constant 928 : index
        %swap3A_2495 = tpu.vector_load %arg8[%swap3A_2491, %swap3A_2492, %swap3A_2493, %swap3A_2494] {strides = array<i32>} : memref<3x4x8x1024xf32, #tpu.memory_space<vmem>>, vector<1x1x1x16xf32>,
        %swap3A_2496 = vector.shape_cast %swap3A_2495 : vector<1x1x1x16xf32> to vector<16xf32>
        %swap3A_2497 = vector.shape_cast %get3A_2489 : vector<16xf32> to vector<1x1x1x16xf32>
        tpu.vector_store %arg8[%swap3A_2491, %swap3A_2492, %swap3A_2493, %swap3A_2494], %swap3A_2497 {add = true, strides = array<i32>} : memref<3x4x8x1024xf32, #tpu.memory_space<vmem>>, vector<1x1x1x16xf32>,
        %swap3A_2498 = arith.constant 1 : i32
        %swap3A_2499 = arith.index_cast %rem3A_298 : i32 to index
        %swap3A_2500 = arith.index_cast %swap3A_2498 : i32 to index
        %swap3A_2501 = arith.index_cast %scan3A_340 : i32 to index
        %swap3A_2502 = arith.constant 928 : index
        %swap3A_2503 = tpu.vector_load %arg8[%swap3A_2499, %swap3A_2500, %swap3A_2501, %swap3A_2502] {strides = array<i32>} : memref<3x4x8x1024xf32, #tpu.memory_space<vmem>>, vector<1x1x1x16xf32>,
        %swap3A_2504 = vector.shape_cast %swap3A_2503 : vector<1x1x1x16xf32> to vector<16xf32>
        %swap3A_2505 = vector.shape_cast %get3A_2489 : vector<16xf32> to vector<1x1x1x16xf32>
        tpu.vector_store %arg8[%swap3A_2499, %swap3A_2500, %swap3A_2501, %swap3A_2502], %swap3A_2505 {add = true, strides = array<i32>} : memref<3x4x8x1024xf32, #tpu.memory_space<vmem>>, vector<1x1x1x16xf32>,
        %swap3A_2506 = arith.constant 2 : i32
        %swap3A_2507 = arith.index_cast %rem3A_298 : i32 to index
        %swap3A_2508 = arith.index_cast %swap3A_2506 : i32 to index
        %swap3A_2509 = arith.index_cast %scan3A_340 : i32 to index
        %swap3A_2510 = arith.constant 928 : index
        %swap3A_2511 = tpu.vector_load %arg8[%swap3A_2507, %swap3A_2508, %swap3A_2509, %swap3A_2510] {strides = array<i32>} : memref<3x4x8x1024xf32, #tpu.memory_space<vmem>>, vector<1x1x1x16xf32>,
        %swap3A_2512 = vector.shape_cast %swap3A_2511 : vector<1x1x1x16xf32> to vector<16xf32>
        %swap3A_2513 = vector.shape_cast %get3A_2489 : vector<16xf32> to vector<1x1x1x16xf32>
        tpu.vector_store %arg8[%swap3A_2507, %swap3A_2508, %swap3A_2509, %swap3A_2510], %swap3A_2513 {add = true, strides = array<i32>} : memref<3x4x8x1024xf32, #tpu.memory_space<vmem>>, vector<1x1x1x16xf32>,
        %swap3A_2514 = arith.constant 3 : i32
        %swap3A_2515 = arith.index_cast %rem3A_298 : i32 to index
        %swap3A_2516 = arith.index_cast %swap3A_2514 : i32 to index
        %swap3A_2517 = arith.index_cast %scan3A_340 : i32 to index
        %swap3A_2518 = arith.constant 928 : index
        %swap3A_2519 = tpu.vector_load %arg8[%swap3A_2515, %swap3A_2516, %swap3A_2517, %swap3A_2518] {strides = array<i32>} : memref<3x4x8x1024xf32, #tpu.memory_space<vmem>>, vector<1x1x1x16xf32>,
        %swap3A_2520 = vector.shape_cast %swap3A_2519 : vector<1x1x1x16xf32> to vector<16xf32>
        %swap3A_2521 = vector.shape_cast %get3A_2489 : vector<16xf32> to vector<1x1x1x16xf32>
        tpu.vector_store %arg8[%swap3A_2515, %swap3A_2516, %swap3A_2517, %swap3A_2518], %swap3A_2521 {add = true, strides = array<i32>} : memref<3x4x8x1024xf32, #tpu.memory_space<vmem>>, vector<1x1x1x16xf32>,
        %get3A_2522 = arith.index_cast %rem3A_298 : i32 to index
        %get3A_2523 = arith.index_cast %scan3A_340 : i32 to index
        %get3A_2524 = arith.constant 944 : index
        %get3A_2525 = tpu.vector_load %arg7[%get3A_2522, %get3A_2523, %get3A_2524] {strides = array<i32>} : memref<3x8x1024xf32, #tpu.memory_space<vmem>>, vector<1x1x16xf32>,
        %get3A_2526 = vector.shape_cast %get3A_2525 : vector<1x1x16xf32> to vector<16xf32>
        %swap3A_2527 = arith.constant 0 : i32
        %swap3A_2528 = arith.index_cast %rem3A_298 : i32 to index
        %swap3A_2529 = arith.index_cast %swap3A_2527 : i32 to index
        %swap3A_2530 = arith.index_cast %scan3A_340 : i32 to index
        %swap3A_2531 = arith.constant 944 : index
        %swap3A_2532 = tpu.vector_load %arg8[%swap3A_2528, %swap3A_2529, %swap3A_2530, %swap3A_2531] {strides = array<i32>} : memref<3x4x8x1024xf32, #tpu.memory_space<vmem>>, vector<1x1x1x16xf32>,
        %swap3A_2533 = vector.shape_cast %swap3A_2532 : vector<1x1x1x16xf32> to vector<16xf32>
        %swap3A_2534 = vector.shape_cast %get3A_2526 : vector<16xf32> to vector<1x1x1x16xf32>
        tpu.vector_store %arg8[%swap3A_2528, %swap3A_2529, %swap3A_2530, %swap3A_2531], %swap3A_2534 {add = true, strides = array<i32>} : memref<3x4x8x1024xf32, #tpu.memory_space<vmem>>, vector<1x1x1x16xf32>,
        %swap3A_2535 = arith.constant 1 : i32
        %swap3A_2536 = arith.index_cast %rem3A_298 : i32 to index
        %swap3A_2537 = arith.index_cast %swap3A_2535 : i32 to index
        %swap3A_2538 = arith.index_cast %scan3A_340 : i32 to index
        %swap3A_2539 = arith.constant 944 : index
        %swap3A_2540 = tpu.vector_load %arg8[%swap3A_2536, %swap3A_2537, %swap3A_2538, %swap3A_2539] {strides = array<i32>} : memref<3x4x8x1024xf32, #tpu.memory_space<vmem>>, vector<1x1x1x16xf32>,
        %swap3A_2541 = vector.shape_cast %swap3A_2540 : vector<1x1x1x16xf32> to vector<16xf32>
        %swap3A_2542 = vector.shape_cast %get3A_2526 : vector<16xf32> to vector<1x1x1x16xf32>
        tpu.vector_store %arg8[%swap3A_2536, %swap3A_2537, %swap3A_2538, %swap3A_2539], %swap3A_2542 {add = true, strides = array<i32>} : memref<3x4x8x1024xf32, #tpu.memory_space<vmem>>, vector<1x1x1x16xf32>,
        %swap3A_2543 = arith.constant 2 : i32
        %swap3A_2544 = arith.index_cast %rem3A_298 : i32 to index
        %swap3A_2545 = arith.index_cast %swap3A_2543 : i32 to index
        %swap3A_2546 = arith.index_cast %scan3A_340 : i32 to index
        %swap3A_2547 = arith.constant 944 : index
        %swap3A_2548 = tpu.vector_load %arg8[%swap3A_2544, %swap3A_2545, %swap3A_2546, %swap3A_2547] {strides = array<i32>} : memref<3x4x8x1024xf32, #tpu.memory_space<vmem>>, vector<1x1x1x16xf32>,
        %swap3A_2549 = vector.shape_cast %swap3A_2548 : vector<1x1x1x16xf32> to vector<16xf32>
        %swap3A_2550 = vector.shape_cast %get3A_2526 : vector<16xf32> to vector<1x1x1x16xf32>
        tpu.vector_store %arg8[%swap3A_2544, %swap3A_2545, %swap3A_2546, %swap3A_2547], %swap3A_2550 {add = true, strides = array<i32>} : memref<3x4x8x1024xf32, #tpu.memory_space<vmem>>, vector<1x1x1x16xf32>,
        %swap3A_2551 = arith.constant 3 : i32
        %swap3A_2552 = arith.index_cast %rem3A_298 : i32 to index
        %swap3A_2553 = arith.index_cast %swap3A_2551 : i32 to index
        %swap3A_2554 = arith.index_cast %scan3A_340 : i32 to index
        %swap3A_2555 = arith.constant 944 : index
        %swap3A_2556 = tpu.vector_load %arg8[%swap3A_2552, %swap3A_2553, %swap3A_2554, %swap3A_2555] {strides = array<i32>} : memref<3x4x8x1024xf32, #tpu.memory_space<vmem>>, vector<1x1x1x16xf32>,
        %swap3A_2557 = vector.shape_cast %swap3A_2556 : vector<1x1x1x16xf32> to vector<16xf32>
        %swap3A_2558 = vector.shape_cast %get3A_2526 : vector<16xf32> to vector<1x1x1x16xf32>
        tpu.vector_store %arg8[%swap3A_2552, %swap3A_2553, %swap3A_2554, %swap3A_2555], %swap3A_2558 {add = true, strides = array<i32>} : memref<3x4x8x1024xf32, #tpu.memory_space<vmem>>, vector<1x1x1x16xf32>,
        %get3A_2559 = arith.index_cast %rem3A_298 : i32 to index
        %get3A_2560 = arith.index_cast %scan3A_340 : i32 to index
        %get3A_2561 = arith.constant 960 : index
        %get3A_2562 = tpu.vector_load %arg7[%get3A_2559, %get3A_2560, %get3A_2561] {strides = array<i32>} : memref<3x8x1024xf32, #tpu.memory_space<vmem>>, vector<1x1x16xf32>,
        %get3A_2563 = vector.shape_cast %get3A_2562 : vector<1x1x16xf32> to vector<16xf32>
        %swap3A_2564 = arith.constant 0 : i32
        %swap3A_2565 = arith.index_cast %rem3A_298 : i32 to index
        %swap3A_2566 = arith.index_cast %swap3A_2564 : i32 to index
        %swap3A_2567 = arith.index_cast %scan3A_340 : i32 to index
        %swap3A_2568 = arith.constant 960 : index
        %swap3A_2569 = tpu.vector_load %arg8[%swap3A_2565, %swap3A_2566, %swap3A_2567, %swap3A_2568] {strides = array<i32>} : memref<3x4x8x1024xf32, #tpu.memory_space<vmem>>, vector<1x1x1x16xf32>,
        %swap3A_2570 = vector.shape_cast %swap3A_2569 : vector<1x1x1x16xf32> to vector<16xf32>
        %swap3A_2571 = vector.shape_cast %get3A_2563 : vector<16xf32> to vector<1x1x1x16xf32>
        tpu.vector_store %arg8[%swap3A_2565, %swap3A_2566, %swap3A_2567, %swap3A_2568], %swap3A_2571 {add = true, strides = array<i32>} : memref<3x4x8x1024xf32, #tpu.memory_space<vmem>>, vector<1x1x1x16xf32>,
        %swap3A_2572 = arith.constant 1 : i32
        %swap3A_2573 = arith.index_cast %rem3A_298 : i32 to index
        %swap3A_2574 = arith.index_cast %swap3A_2572 : i32 to index
        %swap3A_2575 = arith.index_cast %scan3A_340 : i32 to index
        %swap3A_2576 = arith.constant 960 : index
        %swap3A_2577 = tpu.vector_load %arg8[%swap3A_2573, %swap3A_2574, %swap3A_2575, %swap3A_2576] {strides = array<i32>} : memref<3x4x8x1024xf32, #tpu.memory_space<vmem>>, vector<1x1x1x16xf32>,
        %swap3A_2578 = vector.shape_cast %swap3A_2577 : vector<1x1x1x16xf32> to vector<16xf32>
        %swap3A_2579 = vector.shape_cast %get3A_2563 : vector<16xf32> to vector<1x1x1x16xf32>
        tpu.vector_store %arg8[%swap3A_2573, %swap3A_2574, %swap3A_2575, %swap3A_2576], %swap3A_2579 {add = true, strides = array<i32>} : memref<3x4x8x1024xf32, #tpu.memory_space<vmem>>, vector<1x1x1x16xf32>,
        %swap3A_2580 = arith.constant 2 : i32
        %swap3A_2581 = arith.index_cast %rem3A_298 : i32 to index
        %swap3A_2582 = arith.index_cast %swap3A_2580 : i32 to index
        %swap3A_2583 = arith.index_cast %scan3A_340 : i32 to index
        %swap3A_2584 = arith.constant 960 : index
        %swap3A_2585 = tpu.vector_load %arg8[%swap3A_2581, %swap3A_2582, %swap3A_2583, %swap3A_2584] {strides = array<i32>} : memref<3x4x8x1024xf32, #tpu.memory_space<vmem>>, vector<1x1x1x16xf32>,
        %swap3A_2586 = vector.shape_cast %swap3A_2585 : vector<1x1x1x16xf32> to vector<16xf32>
        %swap3A_2587 = vector.shape_cast %get3A_2563 : vector<16xf32> to vector<1x1x1x16xf32>
        tpu.vector_store %arg8[%swap3A_2581, %swap3A_2582, %swap3A_2583, %swap3A_2584], %swap3A_2587 {add = true, strides = array<i32>} : memref<3x4x8x1024xf32, #tpu.memory_space<vmem>>, vector<1x1x1x16xf32>,
        %swap3A_2588 = arith.constant 3 : i32
        %swap3A_2589 = arith.index_cast %rem3A_298 : i32 to index
        %swap3A_2590 = arith.index_cast %swap3A_2588 : i32 to index
        %swap3A_2591 = arith.index_cast %scan3A_340 : i32 to index
        %swap3A_2592 = arith.constant 960 : index
        %swap3A_2593 = tpu.vector_load %arg8[%swap3A_2589, %swap3A_2590, %swap3A_2591, %swap3A_2592] {strides = array<i32>} : memref<3x4x8x1024xf32, #tpu.memory_space<vmem>>, vector<1x1x1x16xf32>,
        %swap3A_2594 = vector.shape_cast %swap3A_2593 : vector<1x1x1x16xf32> to vector<16xf32>
        %swap3A_2595 = vector.shape_cast %get3A_2563 : vector<16xf32> to vector<1x1x1x16xf32>
        tpu.vector_store %arg8[%swap3A_2589, %swap3A_2590, %swap3A_2591, %swap3A_2592], %swap3A_2595 {add = true, strides = array<i32>} : memref<3x4x8x1024xf32, #tpu.memory_space<vmem>>, vector<1x1x1x16xf32>,
        %get3A_2596 = arith.index_cast %rem3A_298 : i32 to index
        %get3A_2597 = arith.index_cast %scan3A_340 : i32 to index
        %get3A_2598 = arith.constant 976 : index
        %get3A_2599 = tpu.vector_load %arg7[%get3A_2596, %get3A_2597, %get3A_2598] {strides = array<i32>} : memref<3x8x1024xf32, #tpu.memory_space<vmem>>, vector<1x1x16xf32>,
        %get3A_2600 = vector.shape_cast %get3A_2599 : vector<1x1x16xf32> to vector<16xf32>
        %swap3A_2601 = arith.constant 0 : i32
        %swap3A_2602 = arith.index_cast %rem3A_298 : i32 to index
        %swap3A_2603 = arith.index_cast %swap3A_2601 : i32 to index
        %swap3A_2604 = arith.index_cast %scan3A_340 : i32 to index
        %swap3A_2605 = arith.constant 976 : index
        %swap3A_2606 = tpu.vector_load %arg8[%swap3A_2602, %swap3A_2603, %swap3A_2604, %swap3A_2605] {strides = array<i32>} : memref<3x4x8x1024xf32, #tpu.memory_space<vmem>>, vector<1x1x1x16xf32>,
        %swap3A_2607 = vector.shape_cast %swap3A_2606 : vector<1x1x1x16xf32> to vector<16xf32>
        %swap3A_2608 = vector.shape_cast %get3A_2600 : vector<16xf32> to vector<1x1x1x16xf32>
        tpu.vector_store %arg8[%swap3A_2602, %swap3A_2603, %swap3A_2604, %swap3A_2605], %swap3A_2608 {add = true, strides = array<i32>} : memref<3x4x8x1024xf32, #tpu.memory_space<vmem>>, vector<1x1x1x16xf32>,
        %swap3A_2609 = arith.constant 1 : i32
        %swap3A_2610 = arith.index_cast %rem3A_298 : i32 to index
        %swap3A_2611 = arith.index_cast %swap3A_2609 : i32 to index
        %swap3A_2612 = arith.index_cast %scan3A_340 : i32 to index
        %swap3A_2613 = arith.constant 976 : index
        %swap3A_2614 = tpu.vector_load %arg8[%swap3A_2610, %swap3A_2611, %swap3A_2612, %swap3A_2613] {strides = array<i32>} : memref<3x4x8x1024xf32, #tpu.memory_space<vmem>>, vector<1x1x1x16xf32>,
        %swap3A_2615 = vector.shape_cast %swap3A_2614 : vector<1x1x1x16xf32> to vector<16xf32>
        %swap3A_2616 = vector.shape_cast %get3A_2600 : vector<16xf32> to vector<1x1x1x16xf32>
        tpu.vector_store %arg8[%swap3A_2610, %swap3A_2611, %swap3A_2612, %swap3A_2613], %swap3A_2616 {add = true, strides = array<i32>} : memref<3x4x8x1024xf32, #tpu.memory_space<vmem>>, vector<1x1x1x16xf32>,
        %swap3A_2617 = arith.constant 2 : i32
        %swap3A_2618 = arith.index_cast %rem3A_298 : i32 to index
        %swap3A_2619 = arith.index_cast %swap3A_2617 : i32 to index
        %swap3A_2620 = arith.index_cast %scan3A_340 : i32 to index
        %swap3A_2621 = arith.constant 976 : index
        %swap3A_2622 = tpu.vector_load %arg8[%swap3A_2618, %swap3A_2619, %swap3A_2620, %swap3A_2621] {strides = array<i32>} : memref<3x4x8x1024xf32, #tpu.memory_space<vmem>>, vector<1x1x1x16xf32>,
        %swap3A_2623 = vector.shape_cast %swap3A_2622 : vector<1x1x1x16xf32> to vector<16xf32>
        %swap3A_2624 = vector.shape_cast %get3A_2600 : vector<16xf32> to vector<1x1x1x16xf32>
        tpu.vector_store %arg8[%swap3A_2618, %swap3A_2619, %swap3A_2620, %swap3A_2621], %swap3A_2624 {add = true, strides = array<i32>} : memref<3x4x8x1024xf32, #tpu.memory_space<vmem>>, vector<1x1x1x16xf32>,
        %swap3A_2625 = arith.constant 3 : i32
        %swap3A_2626 = arith.index_cast %rem3A_298 : i32 to index
        %swap3A_2627 = arith.index_cast %swap3A_2625 : i32 to index
        %swap3A_2628 = arith.index_cast %scan3A_340 : i32 to index
        %swap3A_2629 = arith.constant 976 : index
        %swap3A_2630 = tpu.vector_load %arg8[%swap3A_2626, %swap3A_2627, %swap3A_2628, %swap3A_2629] {strides = array<i32>} : memref<3x4x8x1024xf32, #tpu.memory_space<vmem>>, vector<1x1x1x16xf32>,
        %swap3A_2631 = vector.shape_cast %swap3A_2630 : vector<1x1x1x16xf32> to vector<16xf32>
        %swap3A_2632 = vector.shape_cast %get3A_2600 : vector<16xf32> to vector<1x1x1x16xf32>
        tpu.vector_store %arg8[%swap3A_2626, %swap3A_2627, %swap3A_2628, %swap3A_2629], %swap3A_2632 {add = true, strides = array<i32>} : memref<3x4x8x1024xf32, #tpu.memory_space<vmem>>, vector<1x1x1x16xf32>,
        %get3A_2633 = arith.index_cast %rem3A_298 : i32 to index
        %get3A_2634 = arith.index_cast %scan3A_340 : i32 to index
        %get3A_2635 = arith.constant 992 : index
        %get3A_2636 = tpu.vector_load %arg7[%get3A_2633, %get3A_2634, %get3A_2635] {strides = array<i32>} : memref<3x8x1024xf32, #tpu.memory_space<vmem>>, vector<1x1x16xf32>,
        %get3A_2637 = vector.shape_cast %get3A_2636 : vector<1x1x16xf32> to vector<16xf32>
        %swap3A_2638 = arith.constant 0 : i32
        %swap3A_2639 = arith.index_cast %rem3A_298 : i32 to index
        %swap3A_2640 = arith.index_cast %swap3A_2638 : i32 to index
        %swap3A_2641 = arith.index_cast %scan3A_340 : i32 to index
        %swap3A_2642 = arith.constant 992 : index
        %swap3A_2643 = tpu.vector_load %arg8[%swap3A_2639, %swap3A_2640, %swap3A_2641, %swap3A_2642] {strides = array<i32>} : memref<3x4x8x1024xf32, #tpu.memory_space<vmem>>, vector<1x1x1x16xf32>,
        %swap3A_2644 = vector.shape_cast %swap3A_2643 : vector<1x1x1x16xf32> to vector<16xf32>
        %swap3A_2645 = vector.shape_cast %get3A_2637 : vector<16xf32> to vector<1x1x1x16xf32>
        tpu.vector_store %arg8[%swap3A_2639, %swap3A_2640, %swap3A_2641, %swap3A_2642], %swap3A_2645 {add = true, strides = array<i32>} : memref<3x4x8x1024xf32, #tpu.memory_space<vmem>>, vector<1x1x1x16xf32>,
        %swap3A_2646 = arith.constant 1 : i32
        %swap3A_2647 = arith.index_cast %rem3A_298 : i32 to index
        %swap3A_2648 = arith.index_cast %swap3A_2646 : i32 to index
        %swap3A_2649 = arith.index_cast %scan3A_340 : i32 to index
        %swap3A_2650 = arith.constant 992 : index
        %swap3A_2651 = tpu.vector_load %arg8[%swap3A_2647, %swap3A_2648, %swap3A_2649, %swap3A_2650] {strides = array<i32>} : memref<3x4x8x1024xf32, #tpu.memory_space<vmem>>, vector<1x1x1x16xf32>,
        %swap3A_2652 = vector.shape_cast %swap3A_2651 : vector<1x1x1x16xf32> to vector<16xf32>
        %swap3A_2653 = vector.shape_cast %get3A_2637 : vector<16xf32> to vector<1x1x1x16xf32>
        tpu.vector_store %arg8[%swap3A_2647, %swap3A_2648, %swap3A_2649, %swap3A_2650], %swap3A_2653 {add = true, strides = array<i32>} : memref<3x4x8x1024xf32, #tpu.memory_space<vmem>>, vector<1x1x1x16xf32>,
        %swap3A_2654 = arith.constant 2 : i32
        %swap3A_2655 = arith.index_cast %rem3A_298 : i32 to index
        %swap3A_2656 = arith.index_cast %swap3A_2654 : i32 to index
        %swap3A_2657 = arith.index_cast %scan3A_340 : i32 to index
        %swap3A_2658 = arith.constant 992 : index
        %swap3A_2659 = tpu.vector_load %arg8[%swap3A_2655, %swap3A_2656, %swap3A_2657, %swap3A_2658] {strides = array<i32>} : memref<3x4x8x1024xf32, #tpu.memory_space<vmem>>, vector<1x1x1x16xf32>,
        %swap3A_2660 = vector.shape_cast %swap3A_2659 : vector<1x1x1x16xf32> to vector<16xf32>
        %swap3A_2661 = vector.shape_cast %get3A_2637 : vector<16xf32> to vector<1x1x1x16xf32>
        tpu.vector_store %arg8[%swap3A_2655, %swap3A_2656, %swap3A_2657, %swap3A_2658], %swap3A_2661 {add = true, strides = array<i32>} : memref<3x4x8x1024xf32, #tpu.memory_space<vmem>>, vector<1x1x1x16xf32>,
        %swap3A_2662 = arith.constant 3 : i32
        %swap3A_2663 = arith.index_cast %rem3A_298 : i32 to index
        %swap3A_2664 = arith.index_cast %swap3A_2662 : i32 to index
        %swap3A_2665 = arith.index_cast %scan3A_340 : i32 to index
        %swap3A_2666 = arith.constant 992 : index
        %swap3A_2667 = tpu.vector_load %arg8[%swap3A_2663, %swap3A_2664, %swap3A_2665, %swap3A_2666] {strides = array<i32>} : memref<3x4x8x1024xf32, #tpu.memory_space<vmem>>, vector<1x1x1x16xf32>,
        %swap3A_2668 = vector.shape_cast %swap3A_2667 : vector<1x1x1x16xf32> to vector<16xf32>
        %swap3A_2669 = vector.shape_cast %get3A_2637 : vector<16xf32> to vector<1x1x1x16xf32>
        tpu.vector_store %arg8[%swap3A_2663, %swap3A_2664, %swap3A_2665, %swap3A_2666], %swap3A_2669 {add = true, strides = array<i32>} : memref<3x4x8x1024xf32, #tpu.memory_space<vmem>>, vector<1x1x1x16xf32>,
        %get3A_2670 = arith.index_cast %rem3A_298 : i32 to index
        %get3A_2671 = arith.index_cast %scan3A_340 : i32 to index
        %get3A_2672 = arith.constant 1008 : index
        %get3A_2673 = tpu.vector_load %arg7[%get3A_2670, %get3A_2671, %get3A_2672] {strides = array<i32>} : memref<3x8x1024xf32, #tpu.memory_space<vmem>>, vector<1x1x16xf32>,
        %get3A_2674 = vector.shape_cast %get3A_2673 : vector<1x1x16xf32> to vector<16xf32>
        %swap3A_2675 = arith.constant 0 : i32
        %swap3A_2676 = arith.index_cast %rem3A_298 : i32 to index
        %swap3A_2677 = arith.index_cast %swap3A_2675 : i32 to index
        %swap3A_2678 = arith.index_cast %scan3A_340 : i32 to index
        %swap3A_2679 = arith.constant 1008 : index
        %swap3A_2680 = tpu.vector_load %arg8[%swap3A_2676, %swap3A_2677, %swap3A_2678, %swap3A_2679] {strides = array<i32>} : memref<3x4x8x1024xf32, #tpu.memory_space<vmem>>, vector<1x1x1x16xf32>,
        %swap3A_2681 = vector.shape_cast %swap3A_2680 : vector<1x1x1x16xf32> to vector<16xf32>
        %swap3A_2682 = vector.shape_cast %get3A_2674 : vector<16xf32> to vector<1x1x1x16xf32>
        tpu.vector_store %arg8[%swap3A_2676, %swap3A_2677, %swap3A_2678, %swap3A_2679], %swap3A_2682 {add = true, strides = array<i32>} : memref<3x4x8x1024xf32, #tpu.memory_space<vmem>>, vector<1x1x1x16xf32>,
        %swap3A_2683 = arith.constant 1 : i32
        %swap3A_2684 = arith.index_cast %rem3A_298 : i32 to index
        %swap3A_2685 = arith.index_cast %swap3A_2683 : i32 to index
        %swap3A_2686 = arith.index_cast %scan3A_340 : i32 to index
        %swap3A_2687 = arith.constant 1008 : index
        %swap3A_2688 = tpu.vector_load %arg8[%swap3A_2684, %swap3A_2685, %swap3A_2686, %swap3A_2687] {strides = array<i32>} : memref<3x4x8x1024xf32, #tpu.memory_space<vmem>>, vector<1x1x1x16xf32>,
        %swap3A_2689 = vector.shape_cast %swap3A_2688 : vector<1x1x1x16xf32> to vector<16xf32>
        %swap3A_2690 = vector.shape_cast %get3A_2674 : vector<16xf32> to vector<1x1x1x16xf32>
        tpu.vector_store %arg8[%swap3A_2684, %swap3A_2685, %swap3A_2686, %swap3A_2687], %swap3A_2690 {add = true, strides = array<i32>} : memref<3x4x8x1024xf32, #tpu.memory_space<vmem>>, vector<1x1x1x16xf32>,
        %swap3A_2691 = arith.constant 2 : i32
        %swap3A_2692 = arith.index_cast %rem3A_298 : i32 to index
        %swap3A_2693 = arith.index_cast %swap3A_2691 : i32 to index
        %swap3A_2694 = arith.index_cast %scan3A_340 : i32 to index
        %swap3A_2695 = arith.constant 1008 : index
        %swap3A_2696 = tpu.vector_load %arg8[%swap3A_2692, %swap3A_2693, %swap3A_2694, %swap3A_2695] {strides = array<i32>} : memref<3x4x8x1024xf32, #tpu.memory_space<vmem>>, vector<1x1x1x16xf32>,
        %swap3A_2697 = vector.shape_cast %swap3A_2696 : vector<1x1x1x16xf32> to vector<16xf32>
        %swap3A_2698 = vector.shape_cast %get3A_2674 : vector<16xf32> to vector<1x1x1x16xf32>
        tpu.vector_store %arg8[%swap3A_2692, %swap3A_2693, %swap3A_2694, %swap3A_2695], %swap3A_2698 {add = true, strides = array<i32>} : memref<3x4x8x1024xf32, #tpu.memory_space<vmem>>, vector<1x1x1x16xf32>,
        %swap3A_2699 = arith.constant 3 : i32
        %swap3A_2700 = arith.index_cast %rem3A_298 : i32 to index
        %swap3A_2701 = arith.index_cast %swap3A_2699 : i32 to index
        %swap3A_2702 = arith.index_cast %scan3A_340 : i32 to index
        %swap3A_2703 = arith.constant 1008 : index
        %swap3A_2704 = tpu.vector_load %arg8[%swap3A_2700, %swap3A_2701, %swap3A_2702, %swap3A_2703] {strides = array<i32>} : memref<3x4x8x1024xf32, #tpu.memory_space<vmem>>, vector<1x1x1x16xf32>,
        %swap3A_2705 = vector.shape_cast %swap3A_2704 : vector<1x1x1x16xf32> to vector<16xf32>
        %swap3A_2706 = vector.shape_cast %get3A_2674 : vector<16xf32> to vector<1x1x1x16xf32>
        tpu.vector_store %arg8[%swap3A_2700, %swap3A_2701, %swap3A_2702, %swap3A_2703], %swap3A_2706 {add = true, strides = array<i32>} : memref<3x4x8x1024xf32, #tpu.memory_space<vmem>>, vector<1x1x1x16xf32>,
      }
      %scan3A_316 = arith.constant 8 : i32
      %eq3A_317 = arith.constant 0 : i32
      %eq3A_318 = arith.cmpi eq, %rem3A_298, %eq3A_317 : i32
      %convert_element_type3A_319 = arith.extui %eq3A_318 : i1 to i32
      %cond3A_320 = arith.constant 0 : i32
      %cond3A_321 = arith.cmpi ne, %convert_element_type3A_319, %cond3A_320 : i32
      scf.if %cond3A_321 {
        %mul3A_340 = arith.constant 8 : i32
        %mul3A_341 = arith.muli %scan3A_297, %mul3A_340 : i32
        %add3A_342 = arith.addi %mul3A_2, %mul3A_341 : i32
        %dma_start3A_343 = arith.constant 0 : i32
        %dma_start3A_344 = arith.constant 0 : i32
        %dma_start3A_345 = arith.constant 0 : i32
        %dma_start3A_346 = arith.constant 0 : i32
        %dma_start3A_347 = tpu.memref_slice %arg8[%dma_start3A_343, %dma_start3A_344, %dma_start3A_345, %dma_start3A_346] : memref<3x4x8x1024xf32, #tpu.memory_space<vmem>> -> memref<1x4x8x1024xf32, #tpu.memory_space<vmem>>
        %dma_start3A_348 = tpu.memref_squeeze %dma_start3A_347 : memref<1x4x8x1024xf32, #tpu.memory_space<vmem>> -> memref<4x8x1024xf32, #tpu.memory_space<vmem>>
        %dma_start3A_349 = arith.constant 0 : i32
        %dma_start3A_350 = arith.constant 0 : i32
        %dma_start3A_351 = tpu.memref_slice %arg5[%dma_start3A_349, %add3A_342, %dma_start3A_350] : memref<4x2048x1024xf32, #tpu.memory_space<hbm>> -> memref<4x8x1024xf32, #tpu.memory_space<hbm>>
        %dma_start3A_352 = arith.constant 0 : i32
        %dma_start3A_353 = arith.constant 0 : i32
        %dma_start3A_354 = tpu.memref_slice %arg5[%dma_start3A_352, %add3A_342, %dma_start3A_353] : memref<4x2048x1024xf32, #tpu.memory_space<hbm>> -> memref<4x8x1024xf32, #tpu.memory_space<hbm>>
        %dma_start3A_355 = arith.constant 0 : i32
        %dma_start3A_356 = arith.constant 0 : i32
        %dma_start3A_357 = arith.constant 0 : i32
        %dma_start3A_358 = tpu.memref_slice %arg8[%dma_start3A_343, %dma_start3A_355, %dma_start3A_356, %dma_start3A_357] : memref<3x4x8x1024xf32, #tpu.memory_space<vmem>> -> memref<1x4x8x1024xf32, #tpu.memory_space<vmem>>
        %dma_start3A_359 = tpu.memref_squeeze %dma_start3A_358 : memref<1x4x8x1024xf32, #tpu.memory_space<vmem>> -> memref<4x8x1024xf32, #tpu.memory_space<vmem>>
        tpu.enqueue_dma source(%dma_start3A_359 : memref<4x8x1024xf32, #tpu.memory_space<vmem>>) target(%dma_start3A_354 : memref<4x8x1024xf32, #tpu.memory_space<hbm>>) target_semaphore(%arg12 : memref<!tpu.dma_semaphore, #tpu.memory_space<semaphore_mem>>)
      } else {
      }
      %eq3A_322 = arith.constant 1 : i32
      %eq3A_323 = arith.cmpi eq, %rem3A_298, %eq3A_322 : i32
      %convert_element_type3A_324 = arith.extui %eq3A_323 : i1 to i32
      %cond3A_325 = arith.constant 0 : i32
      %cond3A_326 = arith.cmpi ne, %convert_element_type3A_324, %cond3A_325 : i32
      scf.if %cond3A_326 {
        %mul3A_340 = arith.constant 8 : i32
        %mul3A_341 = arith.muli %scan3A_297, %mul3A_340 : i32
        %add3A_342 = arith.addi %mul3A_2, %mul3A_341 : i32
        %dma_start3A_343 = arith.constant 1 : i32
        %dma_start3A_344 = arith.constant 0 : i32
        %dma_start3A_345 = arith.constant 0 : i32
        %dma_start3A_346 = arith.constant 0 : i32
        %dma_start3A_347 = tpu.memref_slice %arg8[%dma_start3A_343, %dma_start3A_344, %dma_start3A_345, %dma_start3A_346] : memref<3x4x8x1024xf32, #tpu.memory_space<vmem>> -> memref<1x4x8x1024xf32, #tpu.memory_space<vmem>>
        %dma_start3A_348 = tpu.memref_squeeze %dma_start3A_347 : memref<1x4x8x1024xf32, #tpu.memory_space<vmem>> -> memref<4x8x1024xf32, #tpu.memory_space<vmem>>
        %dma_start3A_349 = arith.constant 0 : i32
        %dma_start3A_350 = arith.constant 0 : i32
        %dma_start3A_351 = tpu.memref_slice %arg5[%dma_start3A_349, %add3A_342, %dma_start3A_350] : memref<4x2048x1024xf32, #tpu.memory_space<hbm>> -> memref<4x8x1024xf32, #tpu.memory_space<hbm>>
        %dma_start3A_352 = arith.constant 0 : i32
        %dma_start3A_353 = arith.constant 0 : i32
        %dma_start3A_354 = tpu.memref_slice %arg5[%dma_start3A_352, %add3A_342, %dma_start3A_353] : memref<4x2048x1024xf32, #tpu.memory_space<hbm>> -> memref<4x8x1024xf32, #tpu.memory_space<hbm>>
        %dma_start3A_355 = arith.constant 0 : i32
        %dma_start3A_356 = arith.constant 0 : i32
        %dma_start3A_357 = arith.constant 0 : i32
        %dma_start3A_358 = tpu.memref_slice %arg8[%dma_start3A_343, %dma_start3A_355, %dma_start3A_356, %dma_start3A_357] : memref<3x4x8x1024xf32, #tpu.memory_space<vmem>> -> memref<1x4x8x1024xf32, #tpu.memory_space<vmem>>
        %dma_start3A_359 = tpu.memref_squeeze %dma_start3A_358 : memref<1x4x8x1024xf32, #tpu.memory_space<vmem>> -> memref<4x8x1024xf32, #tpu.memory_space<vmem>>
        tpu.enqueue_dma source(%dma_start3A_359 : memref<4x8x1024xf32, #tpu.memory_space<vmem>>) target(%dma_start3A_354 : memref<4x8x1024xf32, #tpu.memory_space<hbm>>) target_semaphore(%arg13 : memref<!tpu.dma_semaphore, #tpu.memory_space<semaphore_mem>>)
      } else {
      }
      %eq3A_327 = arith.constant 2 : i32
      %eq3A_328 = arith.cmpi eq, %rem3A_298, %eq3A_327 : i32
      %convert_element_type3A_329 = arith.extui %eq3A_328 : i1 to i32
      %cond3A_330 = arith.constant 0 : i32
      %cond3A_331 = arith.cmpi ne, %convert_element_type3A_329, %cond3A_330 : i32
      scf.if %cond3A_331 {
        %mul3A_340 = arith.constant 8 : i32
        %mul3A_341 = arith.muli %scan3A_297, %mul3A_340 : i32
        %add3A_342 = arith.addi %mul3A_2, %mul3A_341 : i32
        %dma_start3A_343 = arith.constant 2 : i32
        %dma_start3A_344 = arith.constant 0 : i32
        %dma_start3A_345 = arith.constant 0 : i32
        %dma_start3A_346 = arith.constant 0 : i32
        %dma_start3A_347 = tpu.memref_slice %arg8[%dma_start3A_343, %dma_start3A_344, %dma_start3A_345, %dma_start3A_346] : memref<3x4x8x1024xf32, #tpu.memory_space<vmem>> -> memref<1x4x8x1024xf32, #tpu.memory_space<vmem>>
        %dma_start3A_348 = tpu.memref_squeeze %dma_start3A_347 : memref<1x4x8x1024xf32, #tpu.memory_space<vmem>> -> memref<4x8x1024xf32, #tpu.memory_space<vmem>>
        %dma_start3A_349 = arith.constant 0 : i32
        %dma_start3A_350 = arith.constant 0 : i32
        %dma_start3A_351 = tpu.memref_slice %arg5[%dma_start3A_349, %add3A_342, %dma_start3A_350] : memref<4x2048x1024xf32, #tpu.memory_space<hbm>> -> memref<4x8x1024xf32, #tpu.memory_space<hbm>>
        %dma_start3A_352 = arith.constant 0 : i32
        %dma_start3A_353 = arith.constant 0 : i32
        %dma_start3A_354 = tpu.memref_slice %arg5[%dma_start3A_352, %add3A_342, %dma_start3A_353] : memref<4x2048x1024xf32, #tpu.memory_space<hbm>> -> memref<4x8x1024xf32, #tpu.memory_space<hbm>>
        %dma_start3A_355 = arith.constant 0 : i32
        %dma_start3A_356 = arith.constant 0 : i32
        %dma_start3A_357 = arith.constant 0 : i32
        %dma_start3A_358 = tpu.memref_slice %arg8[%dma_start3A_343, %dma_start3A_355, %dma_start3A_356, %dma_start3A_357] : memref<3x4x8x1024xf32, #tpu.memory_space<vmem>> -> memref<1x4x8x1024xf32, #tpu.memory_space<vmem>>
        %dma_start3A_359 = tpu.memref_squeeze %dma_start3A_358 : memref<1x4x8x1024xf32, #tpu.memory_space<vmem>> -> memref<4x8x1024xf32, #tpu.memory_space<vmem>>
        tpu.enqueue_dma source(%dma_start3A_359 : memref<4x8x1024xf32, #tpu.memory_space<vmem>>) target(%dma_start3A_354 : memref<4x8x1024xf32, #tpu.memory_space<hbm>>) target_semaphore(%arg14 : memref<!tpu.dma_semaphore, #tpu.memory_space<semaphore_mem>>)
      } else {
      }
      %add3A_332 = arith.constant 2 : i32
      %add3A_333 = arith.addi %scan3A_297, %add3A_332 : i32
      %rem3A_334 = arith.constant 3 : i32
      %rem3A_335 = arith.remsi %add3A_333, %rem3A_334 : i32
      %lt3A = arith.constant 8 : i32
      %lt3A_336 = arith.cmpi slt, %add3A_333, %lt3A : i32
      %convert_element_type3A_337 = arith.extui %lt3A_336 : i1 to i32
      %cond3A_338 = arith.constant 0 : i32
      %cond3A_339 = arith.cmpi ne, %convert_element_type3A_337, %cond3A_338 : i32
      scf.if %cond3A_339 {
        %eq3A_340 = arith.constant 0 : i32
        %eq3A_341 = arith.cmpi eq, %rem3A_335, %eq3A_340 : i32
        %convert_element_type3A_342 = arith.extui %eq3A_341 : i1 to i32
        %cond3A_343 = arith.constant 0 : i32
        %cond3A_344 = arith.cmpi ne, %convert_element_type3A_342, %cond3A_343 : i32
        scf.if %cond3A_344 {
          %ge3A = arith.constant 1 : i32
          %ge3A_355 = arith.cmpi sge, %scan3A_297, %ge3A : i32
          %convert_element_type3A_356 = arith.extui %ge3A_355 : i1 to i32
          %cond3A_357 = arith.constant 0 : i32
          %cond3A_358 = arith.cmpi ne, %convert_element_type3A_356, %cond3A_357 : i32
          scf.if %cond3A_358 {
            %sub3A = arith.constant 1 : i32
            %sub3A_431 = arith.subi %scan3A_297, %sub3A : i32
            %mul3A_432 = arith.constant 8 : i32
            %mul3A_433 = arith.muli %sub3A_431, %mul3A_432 : i32
            %add3A_434 = arith.addi %mul3A_2, %mul3A_433 : i32
            %dma_wait3A_435 = arith.constant 0 : i32
            %dma_wait3A_436 = arith.constant 0 : i32
            %dma_wait3A_437 = arith.constant 0 : i32
            %dma_wait3A_438 = arith.constant 0 : i32
            %dma_wait3A_439 = tpu.memref_slice %arg8[%dma_wait3A_435, %dma_wait3A_436, %dma_wait3A_437, %dma_wait3A_438] : memref<3x4x8x1024xf32, #tpu.memory_space<vmem>> -> memref<1x4x8x1024xf32, #tpu.memory_space<vmem>>
            %dma_wait3A_440 = tpu.memref_squeeze %dma_wait3A_439 : memref<1x4x8x1024xf32, #tpu.memory_space<vmem>> -> memref<4x8x1024xf32, #tpu.memory_space<vmem>>
            %dma_wait3A_441 = arith.constant 0 : i32
            %dma_wait3A_442 = arith.constant 0 : i32
            %dma_wait3A_443 = tpu.memref_slice %arg5[%dma_wait3A_441, %add3A_434, %dma_wait3A_442] : memref<4x2048x1024xf32, #tpu.memory_space<hbm>> -> memref<4x8x1024xf32, #tpu.memory_space<hbm>>
            %dma_wait3A_444 = arith.constant 0 : i32
            %dma_wait3A_445 = arith.constant 0 : i32
            %dma_wait3A_446 = tpu.memref_slice %arg5[%dma_wait3A_444, %add3A_434, %dma_wait3A_445] : memref<4x2048x1024xf32, #tpu.memory_space<hbm>> -> memref<4x8x1024xf32, #tpu.memory_space<hbm>>
            %dma_wait3A_447 = arith.constant 0 : i32
            %dma_wait3A_448 = arith.constant 0 : i32
            %dma_wait3A_449 = arith.constant 0 : i32
            %dma_wait3A_450 = tpu.memref_slice %arg8[%dma_wait3A_435, %dma_wait3A_447, %dma_wait3A_448, %dma_wait3A_449] : memref<3x4x8x1024xf32, #tpu.memory_space<vmem>> -> memref<1x4x8x1024xf32, #tpu.memory_space<vmem>>
            %dma_wait3A_451 = tpu.memref_squeeze %dma_wait3A_450 : memref<1x4x8x1024xf32, #tpu.memory_space<vmem>> -> memref<4x8x1024xf32, #tpu.memory_space<vmem>>
            tpu.wait_dma2 semaphore(%arg12 : memref<!tpu.dma_semaphore, #tpu.memory_space<semaphore_mem>>) src(%dma_wait3A_451 : memref<4x8x1024xf32, #tpu.memory_space<vmem>>) dst(%dma_wait3A_446 : memref<4x8x1024xf32, #tpu.memory_space<hbm>>)
          } else {
          }
          %mul3A_359 = arith.constant 8 : i32
          %mul3A_360 = arith.muli %add3A_333, %mul3A_359 : i32
          %add3A_361 = arith.addi %mul3A_2, %mul3A_360 : i32
          %mul3A_362 = arith.constant 8 : i32
          %mul3A_363 = arith.muli %add3A_333, %mul3A_362 : i32
          %mul3A_364 = arith.constant 8 : i32
          %mul3A_365 = arith.muli %add3A_333, %mul3A_364 : i32
          %mul3A_366 = arith.constant 8 : i32
          %mul3A_367 = arith.muli %add3A_333, %mul3A_366 : i32
          %mul3A_368 = arith.constant 8 : i32
          %mul3A_369 = arith.muli %add3A_333, %mul3A_368 : i32
          %dma_start3A_370 = arith.constant 0 : i32
          %dma_start3A_371 = arith.constant 0 : i32
          %dma_start3A_372 = arith.constant 0 : i32
          %dma_start3A_373 = tpu.memref_slice %arg7[%dma_start3A_370, %dma_start3A_371, %dma_start3A_372] : memref<3x8x1024xf32, #tpu.memory_space<vmem>> -> memref<1x8x1024xf32, #tpu.memory_space<vmem>>
          %dma_start3A_374 = tpu.memref_squeeze %dma_start3A_373 : memref<1x8x1024xf32, #tpu.memory_space<vmem>> -> memref<8x1024xf32, #tpu.memory_space<vmem>>
          %dma_start3A_375 = arith.constant 0 : i32
          %dma_start3A_376 = tpu.memref_slice %arg4[%add3A_361, %dma_start3A_375] : memref<2048x1024xf32, #tpu.memory_space<hbm>> -> memref<8x1024xf32, #tpu.memory_space<hbm>>
          %dma_start3A_377 = arith.constant 0 : i32
          %dma_start3A_378 = arith.constant 0 : i32
          %dma_start3A_379 = tpu.memref_slice %arg7[%dma_start3A_370, %dma_start3A_377, %dma_start3A_378] : memref<3x8x1024xf32, #tpu.memory_space<vmem>> -> memref<1x8x1024xf32, #tpu.memory_space<vmem>>
          %dma_start3A_380 = tpu.memref_squeeze %dma_start3A_379 : memref<1x8x1024xf32, #tpu.memory_space<vmem>> -> memref<8x1024xf32, #tpu.memory_space<vmem>>
          %dma_start3A_381 = arith.constant 0 : i32
          %dma_start3A_382 = tpu.memref_slice %arg4[%add3A_361, %dma_start3A_381] : memref<2048x1024xf32, #tpu.memory_space<hbm>> -> memref<8x1024xf32, #tpu.memory_space<hbm>>
          tpu.enqueue_dma source(%dma_start3A_382 : memref<8x1024xf32, #tpu.memory_space<hbm>>) target(%dma_start3A_380 : memref<8x1024xf32, #tpu.memory_space<vmem>>) target_semaphore(%arg9 : memref<!tpu.dma_semaphore, #tpu.memory_space<semaphore_mem>>)
          %dma_start3A_383 = arith.constant 0 : i32
          %dma_start3A_384 = arith.constant 0 : i32
          %dma_start3A_385 = arith.constant 0 : i32
          %dma_start3A_386 = arith.constant 0 : i32
          %dma_start3A_387 = arith.constant 0 : i32
          %dma_start3A_388 = tpu.memref_slice %arg8[%dma_start3A_384, %dma_start3A_385, %dma_start3A_386, %dma_start3A_387] : memref<3x4x8x1024xf32, #tpu.memory_space<vmem>> -> memref<1x1x8x1024xf32, #tpu.memory_space<vmem>>
          %dma_start3A_389 = tpu.memref_squeeze %dma_start3A_388 : memref<1x1x8x1024xf32, #tpu.memory_space<vmem>> -> memref<8x1024xf32, #tpu.memory_space<vmem>>
          %dma_start3A_390 = tpu.memref_slice %arg6[%dma_start3A_383, %mul3A_363] : memref<4x64xi32, #tpu.memory_space<vmem>> -> memref<1x8xi32, #tpu.memory_space<vmem>>
          %dma_start3A_391 = tpu.memref_squeeze %dma_start3A_390 : memref<1x8xi32, #tpu.memory_space<vmem>> -> memref<8xi32, #tpu.memory_space<vmem>>
          %dma_start3A_392 = arith.constant 0 : i32
          %dma_start3A_393 = arith.constant 0 : i32
          %dma_start3A_394 = tpu.memref_slice %arg3[%dma_start3A_392, %dma_start3A_393] : memref<100000x1024xf32, #tpu.memory_space<hbm>> -> memref<100000x1024xf32, #tpu.memory_space<hbm>>
          tpu.enqueue_indirect_dma source(%dma_start3A_394 : memref<100000x1024xf32, #tpu.memory_space<hbm>>) target(%dma_start3A_389 : memref<8x1024xf32, #tpu.memory_space<vmem>>) offsets(%dma_start3A_391 : memref<8xi32, #tpu.memory_space<vmem>>) semaphore(%arg9 : memref<!tpu.dma_semaphore, #tpu.memory_space<semaphore_mem>>)
          %dma_start3A_395 = arith.constant 1 : i32
          %dma_start3A_396 = arith.constant 0 : i32
          %dma_start3A_397 = arith.constant 1 : i32
          %dma_start3A_398 = arith.constant 0 : i32
          %dma_start3A_399 = arith.constant 0 : i32
          %dma_start3A_400 = tpu.memref_slice %arg8[%dma_start3A_396, %dma_start3A_397, %dma_start3A_398, %dma_start3A_399] : memref<3x4x8x1024xf32, #tpu.memory_space<vmem>> -> memref<1x1x8x1024xf32, #tpu.memory_space<vmem>>
          %dma_start3A_401 = tpu.memref_squeeze %dma_start3A_400 : memref<1x1x8x1024xf32, #tpu.memory_space<vmem>> -> memref<8x1024xf32, #tpu.memory_space<vmem>>
          %dma_start3A_402 = tpu.memref_slice %arg6[%dma_start3A_395, %mul3A_365] : memref<4x64xi32, #tpu.memory_space<vmem>> -> memref<1x8xi32, #tpu.memory_space<vmem>>
          %dma_start3A_403 = tpu.memref_squeeze %dma_start3A_402 : memref<1x8xi32, #tpu.memory_space<vmem>> -> memref<8xi32, #tpu.memory_space<vmem>>
          %dma_start3A_404 = arith.constant 0 : i32
          %dma_start3A_405 = arith.constant 0 : i32
          %dma_start3A_406 = tpu.memref_slice %arg3[%dma_start3A_404, %dma_start3A_405] : memref<100000x1024xf32, #tpu.memory_space<hbm>> -> memref<100000x1024xf32, #tpu.memory_space<hbm>>
          tpu.enqueue_indirect_dma source(%dma_start3A_406 : memref<100000x1024xf32, #tpu.memory_space<hbm>>) target(%dma_start3A_401 : memref<8x1024xf32, #tpu.memory_space<vmem>>) offsets(%dma_start3A_403 : memref<8xi32, #tpu.memory_space<vmem>>) semaphore(%arg9 : memref<!tpu.dma_semaphore, #tpu.memory_space<semaphore_mem>>)
          %dma_start3A_407 = arith.constant 2 : i32
          %dma_start3A_408 = arith.constant 0 : i32
          %dma_start3A_409 = arith.constant 2 : i32
          %dma_start3A_410 = arith.constant 0 : i32
          %dma_start3A_411 = arith.constant 0 : i32
          %dma_start3A_412 = tpu.memref_slice %arg8[%dma_start3A_408, %dma_start3A_409, %dma_start3A_410, %dma_start3A_411] : memref<3x4x8x1024xf32, #tpu.memory_space<vmem>> -> memref<1x1x8x1024xf32, #tpu.memory_space<vmem>>
          %dma_start3A_413 = tpu.memref_squeeze %dma_start3A_412 : memref<1x1x8x1024xf32, #tpu.memory_space<vmem>> -> memref<8x1024xf32, #tpu.memory_space<vmem>>
          %dma_start3A_414 = tpu.memref_slice %arg6[%dma_start3A_407, %mul3A_367] : memref<4x64xi32, #tpu.memory_space<vmem>> -> memref<1x8xi32, #tpu.memory_space<vmem>>
          %dma_start3A_415 = tpu.memref_squeeze %dma_start3A_414 : memref<1x8xi32, #tpu.memory_space<vmem>> -> memref<8xi32, #tpu.memory_space<vmem>>
          %dma_start3A_416 = arith.constant 0 : i32
          %dma_start3A_417 = arith.constant 0 : i32
          %dma_start3A_418 = tpu.memref_slice %arg3[%dma_start3A_416, %dma_start3A_417] : memref<100000x1024xf32, #tpu.memory_space<hbm>> -> memref<100000x1024xf32, #tpu.memory_space<hbm>>
          tpu.enqueue_indirect_dma source(%dma_start3A_418 : memref<100000x1024xf32, #tpu.memory_space<hbm>>) target(%dma_start3A_413 : memref<8x1024xf32, #tpu.memory_space<vmem>>) offsets(%dma_start3A_415 : memref<8xi32, #tpu.memory_space<vmem>>) semaphore(%arg9 : memref<!tpu.dma_semaphore, #tpu.memory_space<semaphore_mem>>)
          %dma_start3A_419 = arith.constant 3 : i32
          %dma_start3A_420 = arith.constant 0 : i32
          %dma_start3A_421 = arith.constant 3 : i32
          %dma_start3A_422 = arith.constant 0 : i32
          %dma_start3A_423 = arith.constant 0 : i32
          %dma_start3A_424 = tpu.memref_slice %arg8[%dma_start3A_420, %dma_start3A_421, %dma_start3A_422, %dma_start3A_423] : memref<3x4x8x1024xf32, #tpu.memory_space<vmem>> -> memref<1x1x8x1024xf32, #tpu.memory_space<vmem>>
          %dma_start3A_425 = tpu.memref_squeeze %dma_start3A_424 : memref<1x1x8x1024xf32, #tpu.memory_space<vmem>> -> memref<8x1024xf32, #tpu.memory_space<vmem>>
          %dma_start3A_426 = tpu.memref_slice %arg6[%dma_start3A_419, %mul3A_369] : memref<4x64xi32, #tpu.memory_space<vmem>> -> memref<1x8xi32, #tpu.memory_space<vmem>>
          %dma_start3A_427 = tpu.memref_squeeze %dma_start3A_426 : memref<1x8xi32, #tpu.memory_space<vmem>> -> memref<8xi32, #tpu.memory_space<vmem>>
          %dma_start3A_428 = arith.constant 0 : i32
          %dma_start3A_429 = arith.constant 0 : i32
          %dma_start3A_430 = tpu.memref_slice %arg3[%dma_start3A_428, %dma_start3A_429] : memref<100000x1024xf32, #tpu.memory_space<hbm>> -> memref<100000x1024xf32, #tpu.memory_space<hbm>>
          tpu.enqueue_indirect_dma source(%dma_start3A_430 : memref<100000x1024xf32, #tpu.memory_space<hbm>>) target(%dma_start3A_425 : memref<8x1024xf32, #tpu.memory_space<vmem>>) offsets(%dma_start3A_427 : memref<8xi32, #tpu.memory_space<vmem>>) semaphore(%arg9 : memref<!tpu.dma_semaphore, #tpu.memory_space<semaphore_mem>>)
        } else {
        }
        %eq3A_345 = arith.constant 1 : i32
        %eq3A_346 = arith.cmpi eq, %rem3A_335, %eq3A_345 : i32
        %convert_element_type3A_347 = arith.extui %eq3A_346 : i1 to i32
        %cond3A_348 = arith.constant 0 : i32
        %cond3A_349 = arith.cmpi ne, %convert_element_type3A_347, %cond3A_348 : i32
        scf.if %cond3A_349 {
          %ge3A = arith.constant 1 : i32
          %ge3A_355 = arith.cmpi sge, %scan3A_297, %ge3A : i32
          %convert_element_type3A_356 = arith.extui %ge3A_355 : i1 to i32
          %cond3A_357 = arith.constant 0 : i32
          %cond3A_358 = arith.cmpi ne, %convert_element_type3A_356, %cond3A_357 : i32
          scf.if %cond3A_358 {
            %sub3A = arith.constant 1 : i32
            %sub3A_431 = arith.subi %scan3A_297, %sub3A : i32
            %mul3A_432 = arith.constant 8 : i32
            %mul3A_433 = arith.muli %sub3A_431, %mul3A_432 : i32
            %add3A_434 = arith.addi %mul3A_2, %mul3A_433 : i32
            %dma_wait3A_435 = arith.constant 1 : i32
            %dma_wait3A_436 = arith.constant 0 : i32
            %dma_wait3A_437 = arith.constant 0 : i32
            %dma_wait3A_438 = arith.constant 0 : i32
            %dma_wait3A_439 = tpu.memref_slice %arg8[%dma_wait3A_435, %dma_wait3A_436, %dma_wait3A_437, %dma_wait3A_438] : memref<3x4x8x1024xf32, #tpu.memory_space<vmem>> -> memref<1x4x8x1024xf32, #tpu.memory_space<vmem>>
            %dma_wait3A_440 = tpu.memref_squeeze %dma_wait3A_439 : memref<1x4x8x1024xf32, #tpu.memory_space<vmem>> -> memref<4x8x1024xf32, #tpu.memory_space<vmem>>
            %dma_wait3A_441 = arith.constant 0 : i32
            %dma_wait3A_442 = arith.constant 0 : i32
            %dma_wait3A_443 = tpu.memref_slice %arg5[%dma_wait3A_441, %add3A_434, %dma_wait3A_442] : memref<4x2048x1024xf32, #tpu.memory_space<hbm>> -> memref<4x8x1024xf32, #tpu.memory_space<hbm>>
            %dma_wait3A_444 = arith.constant 0 : i32
            %dma_wait3A_445 = arith.constant 0 : i32
            %dma_wait3A_446 = tpu.memref_slice %arg5[%dma_wait3A_444, %add3A_434, %dma_wait3A_445] : memref<4x2048x1024xf32, #tpu.memory_space<hbm>> -> memref<4x8x1024xf32, #tpu.memory_space<hbm>>
            %dma_wait3A_447 = arith.constant 0 : i32
            %dma_wait3A_448 = arith.constant 0 : i32
            %dma_wait3A_449 = arith.constant 0 : i32
            %dma_wait3A_450 = tpu.memref_slice %arg8[%dma_wait3A_435, %dma_wait3A_447, %dma_wait3A_448, %dma_wait3A_449] : memref<3x4x8x1024xf32, #tpu.memory_space<vmem>> -> memref<1x4x8x1024xf32, #tpu.memory_space<vmem>>
            %dma_wait3A_451 = tpu.memref_squeeze %dma_wait3A_450 : memref<1x4x8x1024xf32, #tpu.memory_space<vmem>> -> memref<4x8x1024xf32, #tpu.memory_space<vmem>>
            tpu.wait_dma2 semaphore(%arg13 : memref<!tpu.dma_semaphore, #tpu.memory_space<semaphore_mem>>) src(%dma_wait3A_451 : memref<4x8x1024xf32, #tpu.memory_space<vmem>>) dst(%dma_wait3A_446 : memref<4x8x1024xf32, #tpu.memory_space<hbm>>)
          } else {
          }
          %mul3A_359 = arith.constant 8 : i32
          %mul3A_360 = arith.muli %add3A_333, %mul3A_359 : i32
          %add3A_361 = arith.addi %mul3A_2, %mul3A_360 : i32
          %mul3A_362 = arith.constant 8 : i32
          %mul3A_363 = arith.muli %add3A_333, %mul3A_362 : i32
          %mul3A_364 = arith.constant 8 : i32
          %mul3A_365 = arith.muli %add3A_333, %mul3A_364 : i32
          %mul3A_366 = arith.constant 8 : i32
          %mul3A_367 = arith.muli %add3A_333, %mul3A_366 : i32
          %mul3A_368 = arith.constant 8 : i32
          %mul3A_369 = arith.muli %add3A_333, %mul3A_368 : i32
          %dma_start3A_370 = arith.constant 1 : i32
          %dma_start3A_371 = arith.constant 0 : i32
          %dma_start3A_372 = arith.constant 0 : i32
          %dma_start3A_373 = tpu.memref_slice %arg7[%dma_start3A_370, %dma_start3A_371, %dma_start3A_372] : memref<3x8x1024xf32, #tpu.memory_space<vmem>> -> memref<1x8x1024xf32, #tpu.memory_space<vmem>>
          %dma_start3A_374 = tpu.memref_squeeze %dma_start3A_373 : memref<1x8x1024xf32, #tpu.memory_space<vmem>> -> memref<8x1024xf32, #tpu.memory_space<vmem>>
          %dma_start3A_375 = arith.constant 0 : i32
          %dma_start3A_376 = tpu.memref_slice %arg4[%add3A_361, %dma_start3A_375] : memref<2048x1024xf32, #tpu.memory_space<hbm>> -> memref<8x1024xf32, #tpu.memory_space<hbm>>
          %dma_start3A_377 = arith.constant 0 : i32
          %dma_start3A_378 = arith.constant 0 : i32
          %dma_start3A_379 = tpu.memref_slice %arg7[%dma_start3A_370, %dma_start3A_377, %dma_start3A_378] : memref<3x8x1024xf32, #tpu.memory_space<vmem>> -> memref<1x8x1024xf32, #tpu.memory_space<vmem>>
          %dma_start3A_380 = tpu.memref_squeeze %dma_start3A_379 : memref<1x8x1024xf32, #tpu.memory_space<vmem>> -> memref<8x1024xf32, #tpu.memory_space<vmem>>
          %dma_start3A_381 = arith.constant 0 : i32
          %dma_start3A_382 = tpu.memref_slice %arg4[%add3A_361, %dma_start3A_381] : memref<2048x1024xf32, #tpu.memory_space<hbm>> -> memref<8x1024xf32, #tpu.memory_space<hbm>>
          tpu.enqueue_dma source(%dma_start3A_382 : memref<8x1024xf32, #tpu.memory_space<hbm>>) target(%dma_start3A_380 : memref<8x1024xf32, #tpu.memory_space<vmem>>) target_semaphore(%arg10 : memref<!tpu.dma_semaphore, #tpu.memory_space<semaphore_mem>>)
          %dma_start3A_383 = arith.constant 0 : i32
          %dma_start3A_384 = arith.constant 1 : i32
          %dma_start3A_385 = arith.constant 0 : i32
          %dma_start3A_386 = arith.constant 0 : i32
          %dma_start3A_387 = arith.constant 0 : i32
          %dma_start3A_388 = tpu.memref_slice %arg8[%dma_start3A_384, %dma_start3A_385, %dma_start3A_386, %dma_start3A_387] : memref<3x4x8x1024xf32, #tpu.memory_space<vmem>> -> memref<1x1x8x1024xf32, #tpu.memory_space<vmem>>
          %dma_start3A_389 = tpu.memref_squeeze %dma_start3A_388 : memref<1x1x8x1024xf32, #tpu.memory_space<vmem>> -> memref<8x1024xf32, #tpu.memory_space<vmem>>
          %dma_start3A_390 = tpu.memref_slice %arg6[%dma_start3A_383, %mul3A_363] : memref<4x64xi32, #tpu.memory_space<vmem>> -> memref<1x8xi32, #tpu.memory_space<vmem>>
          %dma_start3A_391 = tpu.memref_squeeze %dma_start3A_390 : memref<1x8xi32, #tpu.memory_space<vmem>> -> memref<8xi32, #tpu.memory_space<vmem>>
          %dma_start3A_392 = arith.constant 0 : i32
          %dma_start3A_393 = arith.constant 0 : i32
          %dma_start3A_394 = tpu.memref_slice %arg3[%dma_start3A_392, %dma_start3A_393] : memref<100000x1024xf32, #tpu.memory_space<hbm>> -> memref<100000x1024xf32, #tpu.memory_space<hbm>>
          tpu.enqueue_indirect_dma source(%dma_start3A_394 : memref<100000x1024xf32, #tpu.memory_space<hbm>>) target(%dma_start3A_389 : memref<8x1024xf32, #tpu.memory_space<vmem>>) offsets(%dma_start3A_391 : memref<8xi32, #tpu.memory_space<vmem>>) semaphore(%arg10 : memref<!tpu.dma_semaphore, #tpu.memory_space<semaphore_mem>>)
          %dma_start3A_395 = arith.constant 1 : i32
          %dma_start3A_396 = arith.constant 1 : i32
          %dma_start3A_397 = arith.constant 1 : i32
          %dma_start3A_398 = arith.constant 0 : i32
          %dma_start3A_399 = arith.constant 0 : i32
          %dma_start3A_400 = tpu.memref_slice %arg8[%dma_start3A_396, %dma_start3A_397, %dma_start3A_398, %dma_start3A_399] : memref<3x4x8x1024xf32, #tpu.memory_space<vmem>> -> memref<1x1x8x1024xf32, #tpu.memory_space<vmem>>
          %dma_start3A_401 = tpu.memref_squeeze %dma_start3A_400 : memref<1x1x8x1024xf32, #tpu.memory_space<vmem>> -> memref<8x1024xf32, #tpu.memory_space<vmem>>
          %dma_start3A_402 = tpu.memref_slice %arg6[%dma_start3A_395, %mul3A_365] : memref<4x64xi32, #tpu.memory_space<vmem>> -> memref<1x8xi32, #tpu.memory_space<vmem>>
          %dma_start3A_403 = tpu.memref_squeeze %dma_start3A_402 : memref<1x8xi32, #tpu.memory_space<vmem>> -> memref<8xi32, #tpu.memory_space<vmem>>
          %dma_start3A_404 = arith.constant 0 : i32
          %dma_start3A_405 = arith.constant 0 : i32
          %dma_start3A_406 = tpu.memref_slice %arg3[%dma_start3A_404, %dma_start3A_405] : memref<100000x1024xf32, #tpu.memory_space<hbm>> -> memref<100000x1024xf32, #tpu.memory_space<hbm>>
          tpu.enqueue_indirect_dma source(%dma_start3A_406 : memref<100000x1024xf32, #tpu.memory_space<hbm>>) target(%dma_start3A_401 : memref<8x1024xf32, #tpu.memory_space<vmem>>) offsets(%dma_start3A_403 : memref<8xi32, #tpu.memory_space<vmem>>) semaphore(%arg10 : memref<!tpu.dma_semaphore, #tpu.memory_space<semaphore_mem>>)
          %dma_start3A_407 = arith.constant 2 : i32
          %dma_start3A_408 = arith.constant 1 : i32
          %dma_start3A_409 = arith.constant 2 : i32
          %dma_start3A_410 = arith.constant 0 : i32
          %dma_start3A_411 = arith.constant 0 : i32
          %dma_start3A_412 = tpu.memref_slice %arg8[%dma_start3A_408, %dma_start3A_409, %dma_start3A_410, %dma_start3A_411] : memref<3x4x8x1024xf32, #tpu.memory_space<vmem>> -> memref<1x1x8x1024xf32, #tpu.memory_space<vmem>>
          %dma_start3A_413 = tpu.memref_squeeze %dma_start3A_412 : memref<1x1x8x1024xf32, #tpu.memory_space<vmem>> -> memref<8x1024xf32, #tpu.memory_space<vmem>>
          %dma_start3A_414 = tpu.memref_slice %arg6[%dma_start3A_407, %mul3A_367] : memref<4x64xi32, #tpu.memory_space<vmem>> -> memref<1x8xi32, #tpu.memory_space<vmem>>
          %dma_start3A_415 = tpu.memref_squeeze %dma_start3A_414 : memref<1x8xi32, #tpu.memory_space<vmem>> -> memref<8xi32, #tpu.memory_space<vmem>>
          %dma_start3A_416 = arith.constant 0 : i32
          %dma_start3A_417 = arith.constant 0 : i32
          %dma_start3A_418 = tpu.memref_slice %arg3[%dma_start3A_416, %dma_start3A_417] : memref<100000x1024xf32, #tpu.memory_space<hbm>> -> memref<100000x1024xf32, #tpu.memory_space<hbm>>
          tpu.enqueue_indirect_dma source(%dma_start3A_418 : memref<100000x1024xf32, #tpu.memory_space<hbm>>) target(%dma_start3A_413 : memref<8x1024xf32, #tpu.memory_space<vmem>>) offsets(%dma_start3A_415 : memref<8xi32, #tpu.memory_space<vmem>>) semaphore(%arg10 : memref<!tpu.dma_semaphore, #tpu.memory_space<semaphore_mem>>)
          %dma_start3A_419 = arith.constant 3 : i32
          %dma_start3A_420 = arith.constant 1 : i32
          %dma_start3A_421 = arith.constant 3 : i32
          %dma_start3A_422 = arith.constant 0 : i32
          %dma_start3A_423 = arith.constant 0 : i32
          %dma_start3A_424 = tpu.memref_slice %arg8[%dma_start3A_420, %dma_start3A_421, %dma_start3A_422, %dma_start3A_423] : memref<3x4x8x1024xf32, #tpu.memory_space<vmem>> -> memref<1x1x8x1024xf32, #tpu.memory_space<vmem>>
          %dma_start3A_425 = tpu.memref_squeeze %dma_start3A_424 : memref<1x1x8x1024xf32, #tpu.memory_space<vmem>> -> memref<8x1024xf32, #tpu.memory_space<vmem>>
          %dma_start3A_426 = tpu.memref_slice %arg6[%dma_start3A_419, %mul3A_369] : memref<4x64xi32, #tpu.memory_space<vmem>> -> memref<1x8xi32, #tpu.memory_space<vmem>>
          %dma_start3A_427 = tpu.memref_squeeze %dma_start3A_426 : memref<1x8xi32, #tpu.memory_space<vmem>> -> memref<8xi32, #tpu.memory_space<vmem>>
          %dma_start3A_428 = arith.constant 0 : i32
          %dma_start3A_429 = arith.constant 0 : i32
          %dma_start3A_430 = tpu.memref_slice %arg3[%dma_start3A_428, %dma_start3A_429] : memref<100000x1024xf32, #tpu.memory_space<hbm>> -> memref<100000x1024xf32, #tpu.memory_space<hbm>>
          tpu.enqueue_indirect_dma source(%dma_start3A_430 : memref<100000x1024xf32, #tpu.memory_space<hbm>>) target(%dma_start3A_425 : memref<8x1024xf32, #tpu.memory_space<vmem>>) offsets(%dma_start3A_427 : memref<8xi32, #tpu.memory_space<vmem>>) semaphore(%arg10 : memref<!tpu.dma_semaphore, #tpu.memory_space<semaphore_mem>>)
        } else {
        }
        %eq3A_350 = arith.constant 2 : i32
        %eq3A_351 = arith.cmpi eq, %rem3A_335, %eq3A_350 : i32
        %convert_element_type3A_352 = arith.extui %eq3A_351 : i1 to i32
        %cond3A_353 = arith.constant 0 : i32
        %cond3A_354 = arith.cmpi ne, %convert_element_type3A_352, %cond3A_353 : i32
        scf.if %cond3A_354 {
          %ge3A = arith.constant 1 : i32
          %ge3A_355 = arith.cmpi sge, %scan3A_297, %ge3A : i32
          %convert_element_type3A_356 = arith.extui %ge3A_355 : i1 to i32
          %cond3A_357 = arith.constant 0 : i32
          %cond3A_358 = arith.cmpi ne, %convert_element_type3A_356, %cond3A_357 : i32
          scf.if %cond3A_358 {
            %sub3A = arith.constant 1 : i32
            %sub3A_431 = arith.subi %scan3A_297, %sub3A : i32
            %mul3A_432 = arith.constant 8 : i32
            %mul3A_433 = arith.muli %sub3A_431, %mul3A_432 : i32
            %add3A_434 = arith.addi %mul3A_2, %mul3A_433 : i32
            %dma_wait3A_435 = arith.constant 2 : i32
            %dma_wait3A_436 = arith.constant 0 : i32
            %dma_wait3A_437 = arith.constant 0 : i32
            %dma_wait3A_438 = arith.constant 0 : i32
            %dma_wait3A_439 = tpu.memref_slice %arg8[%dma_wait3A_435, %dma_wait3A_436, %dma_wait3A_437, %dma_wait3A_438] : memref<3x4x8x1024xf32, #tpu.memory_space<vmem>> -> memref<1x4x8x1024xf32, #tpu.memory_space<vmem>>
            %dma_wait3A_440 = tpu.memref_squeeze %dma_wait3A_439 : memref<1x4x8x1024xf32, #tpu.memory_space<vmem>> -> memref<4x8x1024xf32, #tpu.memory_space<vmem>>
            %dma_wait3A_441 = arith.constant 0 : i32
            %dma_wait3A_442 = arith.constant 0 : i32
            %dma_wait3A_443 = tpu.memref_slice %arg5[%dma_wait3A_441, %add3A_434, %dma_wait3A_442] : memref<4x2048x1024xf32, #tpu.memory_space<hbm>> -> memref<4x8x1024xf32, #tpu.memory_space<hbm>>
            %dma_wait3A_444 = arith.constant 0 : i32
            %dma_wait3A_445 = arith.constant 0 : i32
            %dma_wait3A_446 = tpu.memref_slice %arg5[%dma_wait3A_444, %add3A_434, %dma_wait3A_445] : memref<4x2048x1024xf32, #tpu.memory_space<hbm>> -> memref<4x8x1024xf32, #tpu.memory_space<hbm>>
            %dma_wait3A_447 = arith.constant 0 : i32
            %dma_wait3A_448 = arith.constant 0 : i32
            %dma_wait3A_449 = arith.constant 0 : i32
            %dma_wait3A_450 = tpu.memref_slice %arg8[%dma_wait3A_435, %dma_wait3A_447, %dma_wait3A_448, %dma_wait3A_449] : memref<3x4x8x1024xf32, #tpu.memory_space<vmem>> -> memref<1x4x8x1024xf32, #tpu.memory_space<vmem>>
            %dma_wait3A_451 = tpu.memref_squeeze %dma_wait3A_450 : memref<1x4x8x1024xf32, #tpu.memory_space<vmem>> -> memref<4x8x1024xf32, #tpu.memory_space<vmem>>
            tpu.wait_dma2 semaphore(%arg14 : memref<!tpu.dma_semaphore, #tpu.memory_space<semaphore_mem>>) src(%dma_wait3A_451 : memref<4x8x1024xf32, #tpu.memory_space<vmem>>) dst(%dma_wait3A_446 : memref<4x8x1024xf32, #tpu.memory_space<hbm>>)
          } else {
          }
          %mul3A_359 = arith.constant 8 : i32
          %mul3A_360 = arith.muli %add3A_333, %mul3A_359 : i32
          %add3A_361 = arith.addi %mul3A_2, %mul3A_360 : i32
          %mul3A_362 = arith.constant 8 : i32
          %mul3A_363 = arith.muli %add3A_333, %mul3A_362 : i32
          %mul3A_364 = arith.constant 8 : i32
          %mul3A_365 = arith.muli %add3A_333, %mul3A_364 : i32
          %mul3A_366 = arith.constant 8 : i32
          %mul3A_367 = arith.muli %add3A_333, %mul3A_366 : i32
          %mul3A_368 = arith.constant 8 : i32
          %mul3A_369 = arith.muli %add3A_333, %mul3A_368 : i32
          %dma_start3A_370 = arith.constant 2 : i32
          %dma_start3A_371 = arith.constant 0 : i32
          %dma_start3A_372 = arith.constant 0 : i32
          %dma_start3A_373 = tpu.memref_slice %arg7[%dma_start3A_370, %dma_start3A_371, %dma_start3A_372] : memref<3x8x1024xf32, #tpu.memory_space<vmem>> -> memref<1x8x1024xf32, #tpu.memory_space<vmem>>
          %dma_start3A_374 = tpu.memref_squeeze %dma_start3A_373 : memref<1x8x1024xf32, #tpu.memory_space<vmem>> -> memref<8x1024xf32, #tpu.memory_space<vmem>>
          %dma_start3A_375 = arith.constant 0 : i32
          %dma_start3A_376 = tpu.memref_slice %arg4[%add3A_361, %dma_start3A_375] : memref<2048x1024xf32, #tpu.memory_space<hbm>> -> memref<8x1024xf32, #tpu.memory_space<hbm>>
          %dma_start3A_377 = arith.constant 0 : i32
          %dma_start3A_378 = arith.constant 0 : i32
          %dma_start3A_379 = tpu.memref_slice %arg7[%dma_start3A_370, %dma_start3A_377, %dma_start3A_378] : memref<3x8x1024xf32, #tpu.memory_space<vmem>> -> memref<1x8x1024xf32, #tpu.memory_space<vmem>>
          %dma_start3A_380 = tpu.memref_squeeze %dma_start3A_379 : memref<1x8x1024xf32, #tpu.memory_space<vmem>> -> memref<8x1024xf32, #tpu.memory_space<vmem>>
          %dma_start3A_381 = arith.constant 0 : i32
          %dma_start3A_382 = tpu.memref_slice %arg4[%add3A_361, %dma_start3A_381] : memref<2048x1024xf32, #tpu.memory_space<hbm>> -> memref<8x1024xf32, #tpu.memory_space<hbm>>
          tpu.enqueue_dma source(%dma_start3A_382 : memref<8x1024xf32, #tpu.memory_space<hbm>>) target(%dma_start3A_380 : memref<8x1024xf32, #tpu.memory_space<vmem>>) target_semaphore(%arg11 : memref<!tpu.dma_semaphore, #tpu.memory_space<semaphore_mem>>)
          %dma_start3A_383 = arith.constant 0 : i32
          %dma_start3A_384 = arith.constant 2 : i32
          %dma_start3A_385 = arith.constant 0 : i32
          %dma_start3A_386 = arith.constant 0 : i32
          %dma_start3A_387 = arith.constant 0 : i32
          %dma_start3A_388 = tpu.memref_slice %arg8[%dma_start3A_384, %dma_start3A_385, %dma_start3A_386, %dma_start3A_387] : memref<3x4x8x1024xf32, #tpu.memory_space<vmem>> -> memref<1x1x8x1024xf32, #tpu.memory_space<vmem>>
          %dma_start3A_389 = tpu.memref_squeeze %dma_start3A_388 : memref<1x1x8x1024xf32, #tpu.memory_space<vmem>> -> memref<8x1024xf32, #tpu.memory_space<vmem>>
          %dma_start3A_390 = tpu.memref_slice %arg6[%dma_start3A_383, %mul3A_363] : memref<4x64xi32, #tpu.memory_space<vmem>> -> memref<1x8xi32, #tpu.memory_space<vmem>>
          %dma_start3A_391 = tpu.memref_squeeze %dma_start3A_390 : memref<1x8xi32, #tpu.memory_space<vmem>> -> memref<8xi32, #tpu.memory_space<vmem>>
          %dma_start3A_392 = arith.constant 0 : i32
          %dma_start3A_393 = arith.constant 0 : i32
          %dma_start3A_394 = tpu.memref_slice %arg3[%dma_start3A_392, %dma_start3A_393] : memref<100000x1024xf32, #tpu.memory_space<hbm>> -> memref<100000x1024xf32, #tpu.memory_space<hbm>>
          tpu.enqueue_indirect_dma source(%dma_start3A_394 : memref<100000x1024xf32, #tpu.memory_space<hbm>>) target(%dma_start3A_389 : memref<8x1024xf32, #tpu.memory_space<vmem>>) offsets(%dma_start3A_391 : memref<8xi32, #tpu.memory_space<vmem>>) semaphore(%arg11 : memref<!tpu.dma_semaphore, #tpu.memory_space<semaphore_mem>>)
          %dma_start3A_395 = arith.constant 1 : i32
          %dma_start3A_396 = arith.constant 2 : i32
          %dma_start3A_397 = arith.constant 1 : i32
          %dma_start3A_398 = arith.constant 0 : i32
          %dma_start3A_399 = arith.constant 0 : i32
          %dma_start3A_400 = tpu.memref_slice %arg8[%dma_start3A_396, %dma_start3A_397, %dma_start3A_398, %dma_start3A_399] : memref<3x4x8x1024xf32, #tpu.memory_space<vmem>> -> memref<1x1x8x1024xf32, #tpu.memory_space<vmem>>
          %dma_start3A_401 = tpu.memref_squeeze %dma_start3A_400 : memref<1x1x8x1024xf32, #tpu.memory_space<vmem>> -> memref<8x1024xf32, #tpu.memory_space<vmem>>
          %dma_start3A_402 = tpu.memref_slice %arg6[%dma_start3A_395, %mul3A_365] : memref<4x64xi32, #tpu.memory_space<vmem>> -> memref<1x8xi32, #tpu.memory_space<vmem>>
          %dma_start3A_403 = tpu.memref_squeeze %dma_start3A_402 : memref<1x8xi32, #tpu.memory_space<vmem>> -> memref<8xi32, #tpu.memory_space<vmem>>
          %dma_start3A_404 = arith.constant 0 : i32
          %dma_start3A_405 = arith.constant 0 : i32
          %dma_start3A_406 = tpu.memref_slice %arg3[%dma_start3A_404, %dma_start3A_405] : memref<100000x1024xf32, #tpu.memory_space<hbm>> -> memref<100000x1024xf32, #tpu.memory_space<hbm>>
          tpu.enqueue_indirect_dma source(%dma_start3A_406 : memref<100000x1024xf32, #tpu.memory_space<hbm>>) target(%dma_start3A_401 : memref<8x1024xf32, #tpu.memory_space<vmem>>) offsets(%dma_start3A_403 : memref<8xi32, #tpu.memory_space<vmem>>) semaphore(%arg11 : memref<!tpu.dma_semaphore, #tpu.memory_space<semaphore_mem>>)
          %dma_start3A_407 = arith.constant 2 : i32
          %dma_start3A_408 = arith.constant 2 : i32
          %dma_start3A_409 = arith.constant 2 : i32
          %dma_start3A_410 = arith.constant 0 : i32
          %dma_start3A_411 = arith.constant 0 : i32
          %dma_start3A_412 = tpu.memref_slice %arg8[%dma_start3A_408, %dma_start3A_409, %dma_start3A_410, %dma_start3A_411] : memref<3x4x8x1024xf32, #tpu.memory_space<vmem>> -> memref<1x1x8x1024xf32, #tpu.memory_space<vmem>>
          %dma_start3A_413 = tpu.memref_squeeze %dma_start3A_412 : memref<1x1x8x1024xf32, #tpu.memory_space<vmem>> -> memref<8x1024xf32, #tpu.memory_space<vmem>>
          %dma_start3A_414 = tpu.memref_slice %arg6[%dma_start3A_407, %mul3A_367] : memref<4x64xi32, #tpu.memory_space<vmem>> -> memref<1x8xi32, #tpu.memory_space<vmem>>
          %dma_start3A_415 = tpu.memref_squeeze %dma_start3A_414 : memref<1x8xi32, #tpu.memory_space<vmem>> -> memref<8xi32, #tpu.memory_space<vmem>>
          %dma_start3A_416 = arith.constant 0 : i32
          %dma_start3A_417 = arith.constant 0 : i32
          %dma_start3A_418 = tpu.memref_slice %arg3[%dma_start3A_416, %dma_start3A_417] : memref<100000x1024xf32, #tpu.memory_space<hbm>> -> memref<100000x1024xf32, #tpu.memory_space<hbm>>
          tpu.enqueue_indirect_dma source(%dma_start3A_418 : memref<100000x1024xf32, #tpu.memory_space<hbm>>) target(%dma_start3A_413 : memref<8x1024xf32, #tpu.memory_space<vmem>>) offsets(%dma_start3A_415 : memref<8xi32, #tpu.memory_space<vmem>>) semaphore(%arg11 : memref<!tpu.dma_semaphore, #tpu.memory_space<semaphore_mem>>)
          %dma_start3A_419 = arith.constant 3 : i32
          %dma_start3A_420 = arith.constant 2 : i32
          %dma_start3A_421 = arith.constant 3 : i32
          %dma_start3A_422 = arith.constant 0 : i32
          %dma_start3A_423 = arith.constant 0 : i32
          %dma_start3A_424 = tpu.memref_slice %arg8[%dma_start3A_420, %dma_start3A_421, %dma_start3A_422, %dma_start3A_423] : memref<3x4x8x1024xf32, #tpu.memory_space<vmem>> -> memref<1x1x8x1024xf32, #tpu.memory_space<vmem>>
          %dma_start3A_425 = tpu.memref_squeeze %dma_start3A_424 : memref<1x1x8x1024xf32, #tpu.memory_space<vmem>> -> memref<8x1024xf32, #tpu.memory_space<vmem>>
          %dma_start3A_426 = tpu.memref_slice %arg6[%dma_start3A_419, %mul3A_369] : memref<4x64xi32, #tpu.memory_space<vmem>> -> memref<1x8xi32, #tpu.memory_space<vmem>>
          %dma_start3A_427 = tpu.memref_squeeze %dma_start3A_426 : memref<1x8xi32, #tpu.memory_space<vmem>> -> memref<8xi32, #tpu.memory_space<vmem>>
          %dma_start3A_428 = arith.constant 0 : i32
          %dma_start3A_429 = arith.constant 0 : i32
          %dma_start3A_430 = tpu.memref_slice %arg3[%dma_start3A_428, %dma_start3A_429] : memref<100000x1024xf32, #tpu.memory_space<hbm>> -> memref<100000x1024xf32, #tpu.memory_space<hbm>>
          tpu.enqueue_indirect_dma source(%dma_start3A_430 : memref<100000x1024xf32, #tpu.memory_space<hbm>>) target(%dma_start3A_425 : memref<8x1024xf32, #tpu.memory_space<vmem>>) offsets(%dma_start3A_427 : memref<8xi32, #tpu.memory_space<vmem>>) semaphore(%arg11 : memref<!tpu.dma_semaphore, #tpu.memory_space<semaphore_mem>>)
        } else {
        }
      } else {
      }
    }
    %scan3A_239 = arith.constant 8 : i32
    %add3A_240 = arith.constant 40 : i32
    %add3A_241 = arith.addi %mul3A_2, %add3A_240 : i32
    %dma_wait3A_242 = arith.constant 2 : i32
    %dma_wait3A_243 = arith.constant 0 : i32
    %dma_wait3A_244 = arith.constant 0 : i32
    %dma_wait3A_245 = arith.constant 0 : i32
    %dma_wait3A_246 = tpu.memref_slice %arg8[%dma_wait3A_242, %dma_wait3A_243, %dma_wait3A_244, %dma_wait3A_245] : memref<3x4x8x1024xf32, #tpu.memory_space<vmem>> -> memref<1x4x8x1024xf32, #tpu.memory_space<vmem>>
    %dma_wait3A_247 = tpu.memref_squeeze %dma_wait3A_246 : memref<1x4x8x1024xf32, #tpu.memory_space<vmem>> -> memref<4x8x1024xf32, #tpu.memory_space<vmem>>
    %dma_wait3A_248 = arith.constant 0 : i32
    %dma_wait3A_249 = arith.constant 0 : i32
    %dma_wait3A_250 = tpu.memref_slice %arg5[%dma_wait3A_248, %add3A_241, %dma_wait3A_249] : memref<4x2048x1024xf32, #tpu.memory_space<hbm>> -> memref<4x8x1024xf32, #tpu.memory_space<hbm>>
    %dma_wait3A_251 = arith.constant 0 : i32
    %dma_wait3A_252 = arith.constant 0 : i32
    %dma_wait3A_253 = tpu.memref_slice %arg5[%dma_wait3A_251, %add3A_241, %dma_wait3A_252] : memref<4x2048x1024xf32, #tpu.memory_space<hbm>> -> memref<4x8x1024xf32, #tpu.memory_space<hbm>>
    %dma_wait3A_254 = arith.constant 0 : i32
    %dma_wait3A_255 = arith.constant 0 : i32
    %dma_wait3A_256 = arith.constant 0 : i32
    %dma_wait3A_257 = tpu.memref_slice %arg8[%dma_wait3A_242, %dma_wait3A_254, %dma_wait3A_255, %dma_wait3A_256] : memref<3x4x8x1024xf32, #tpu.memory_space<vmem>> -> memref<1x4x8x1024xf32, #tpu.memory_space<vmem>>
    %dma_wait3A_258 = tpu.memref_squeeze %dma_wait3A_257 : memref<1x4x8x1024xf32, #tpu.memory_space<vmem>> -> memref<4x8x1024xf32, #tpu.memory_space<vmem>>
    tpu.wait_dma2 semaphore(%arg14 : memref<!tpu.dma_semaphore, #tpu.memory_space<semaphore_mem>>) src(%dma_wait3A_258 : memref<4x8x1024xf32, #tpu.memory_space<vmem>>) dst(%dma_wait3A_253 : memref<4x8x1024xf32, #tpu.memory_space<hbm>>)
    %add3A_259 = arith.constant 48 : i32
    %add3A_260 = arith.addi %mul3A_2, %add3A_259 : i32
    %dma_wait3A_261 = arith.constant 0 : i32
    %dma_wait3A_262 = arith.constant 0 : i32
    %dma_wait3A_263 = arith.constant 0 : i32
    %dma_wait3A_264 = arith.constant 0 : i32
    %dma_wait3A_265 = tpu.memref_slice %arg8[%dma_wait3A_261, %dma_wait3A_262, %dma_wait3A_263, %dma_wait3A_264] : memref<3x4x8x1024xf32, #tpu.memory_space<vmem>> -> memref<1x4x8x1024xf32, #tpu.memory_space<vmem>>
    %dma_wait3A_266 = tpu.memref_squeeze %dma_wait3A_265 : memref<1x4x8x1024xf32, #tpu.memory_space<vmem>> -> memref<4x8x1024xf32, #tpu.memory_space<vmem>>
    %dma_wait3A_267 = arith.constant 0 : i32
    %dma_wait3A_268 = arith.constant 0 : i32
    %dma_wait3A_269 = tpu.memref_slice %arg5[%dma_wait3A_267, %add3A_260, %dma_wait3A_268] : memref<4x2048x1024xf32, #tpu.memory_space<hbm>> -> memref<4x8x1024xf32, #tpu.memory_space<hbm>>
    %dma_wait3A_270 = arith.constant 0 : i32
    %dma_wait3A_271 = arith.constant 0 : i32
    %dma_wait3A_272 = tpu.memref_slice %arg5[%dma_wait3A_270, %add3A_260, %dma_wait3A_271] : memref<4x2048x1024xf32, #tpu.memory_space<hbm>> -> memref<4x8x1024xf32, #tpu.memory_space<hbm>>
    %dma_wait3A_273 = arith.constant 0 : i32
    %dma_wait3A_274 = arith.constant 0 : i32
    %dma_wait3A_275 = arith.constant 0 : i32
    %dma_wait3A_276 = tpu.memref_slice %arg8[%dma_wait3A_261, %dma_wait3A_273, %dma_wait3A_274, %dma_wait3A_275] : memref<3x4x8x1024xf32, #tpu.memory_space<vmem>> -> memref<1x4x8x1024xf32, #tpu.memory_space<vmem>>
    %dma_wait3A_277 = tpu.memref_squeeze %dma_wait3A_276 : memref<1x4x8x1024xf32, #tpu.memory_space<vmem>> -> memref<4x8x1024xf32, #tpu.memory_space<vmem>>
    tpu.wait_dma2 semaphore(%arg12 : memref<!tpu.dma_semaphore, #tpu.memory_space<semaphore_mem>>) src(%dma_wait3A_277 : memref<4x8x1024xf32, #tpu.memory_space<vmem>>) dst(%dma_wait3A_272 : memref<4x8x1024xf32, #tpu.memory_space<hbm>>)
    %add3A_278 = arith.constant 56 : i32
    %add3A_279 = arith.addi %mul3A_2, %add3A_278 : i32
    %dma_wait3A_280 = arith.constant 1 : i32
    %dma_wait3A_281 = arith.constant 0 : i32
    %dma_wait3A_282 = arith.constant 0 : i32
    %dma_wait3A_283 = arith.constant 0 : i32
    %dma_wait3A_284 = tpu.memref_slice %arg8[%dma_wait3A_280, %dma_wait3A_281, %dma_wait3A_282, %dma_wait3A_283] : memref<3x4x8x1024xf32, #tpu.memory_space<vmem>> -> memref<1x4x8x1024xf32, #tpu.memory_space<vmem>>
    %dma_wait3A_285 = tpu.memref_squeeze %dma_wait3A_284 : memref<1x4x8x1024xf32, #tpu.memory_space<vmem>> -> memref<4x8x1024xf32, #tpu.memory_space<vmem>>
    %dma_wait3A_286 = arith.constant 0 : i32
    %dma_wait3A_287 = arith.constant 0 : i32
    %dma_wait3A_288 = tpu.memref_slice %arg5[%dma_wait3A_286, %add3A_279, %dma_wait3A_287] : memref<4x2048x1024xf32, #tpu.memory_space<hbm>> -> memref<4x8x1024xf32, #tpu.memory_space<hbm>>
    %dma_wait3A_289 = arith.constant 0 : i32
    %dma_wait3A_290 = arith.constant 0 : i32
    %dma_wait3A_291 = tpu.memref_slice %arg5[%dma_wait3A_289, %add3A_279, %dma_wait3A_290] : memref<4x2048x1024xf32, #tpu.memory_space<hbm>> -> memref<4x8x1024xf32, #tpu.memory_space<hbm>>
    %dma_wait3A_292 = arith.constant 0 : i32
    %dma_wait3A_293 = arith.constant 0 : i32
    %dma_wait3A_294 = arith.constant 0 : i32
    %dma_wait3A_295 = tpu.memref_slice %arg8[%dma_wait3A_280, %dma_wait3A_292, %dma_wait3A_293, %dma_wait3A_294] : memref<3x4x8x1024xf32, #tpu.memory_space<vmem>> -> memref<1x4x8x1024xf32, #tpu.memory_space<vmem>>
    %dma_wait3A_296 = tpu.memref_squeeze %dma_wait3A_295 : memref<1x4x8x1024xf32, #tpu.memory_space<vmem>> -> memref<4x8x1024xf32, #tpu.memory_space<vmem>>
    tpu.wait_dma2 semaphore(%arg13 : memref<!tpu.dma_semaphore, #tpu.memory_space<semaphore_mem>>) src(%dma_wait3A_296 : memref<4x8x1024xf32, #tpu.memory_space<vmem>>) dst(%dma_wait3A_291 : memref<4x8x1024xf32, #tpu.memory_space<hbm>>)
    return
  }
}

</mosaic_0001>

<sc_bundles>
// kernel: kernel.3.cloned.1.call-start
scs
__scs_entry_jumppad:
0x0: {  	(pc) =	sbr.rel $0x88, $3  }
0x1: {  	(tag) =	ssettag $0x0;
	lr =	simm.s32 $0x1  }
0x2: {  	[smem:$0x3F9E] =	sst lr;
	_ =	strace $0xD0000000  }
0x3: {  	_ = 	snop  }
0x4: {  	_ = 	snop  }
0x5: {  	_ = 	snop  }
0x6: {  	_ = 	snop  }
0x7: {  	_ = 	snop  }
__scs_overlays_trampoline_lowered:
0x8: {  	[smem:$0x3FAD] =	sst s0  }
0x9: {  	[smem:$0x3FAE] =	sst s1  }
0xa: {  	[smem:$0x3FAF] =	sst s2  }
0xb: {  	[smem:$0x3FB0] =	sst s3  }
0xc: {  	[smem:$0x3FB1] =	sst s4  }
0xd: {  	[smem:$0x3FB2] =	sst s5  }
0xe: {  	[smem:$0x3FB3] =	sst s6  }
0xf: {  	[smem:$0x3FB4] =	sst s7  }
0x10: {  	[smem:$0x3FB5] =	sst s8  }
0x11: {  	[smem:$0x3FB6] =	sst s9;
	s0 =	simm.s32 @!p0 $0x0  }
0x12: {  	s1 =	sld [smem:$0x3F9C];
	s0 =	simm.s32 @p0 $0x1  }
0x13: {  	[smem:$0x3FB7] =	sst s0;
	s0 =	simm.s32 @!p1 $0x0  }
0x14: {  	s2 =	sld [smem:$0x3F9B];
	s0 =	simm.s32 @p1 $0x1  }
0x15: {  	[smem:$0x3FB8] =	sst s0;
	s0 =	simm.s32 @!p2 $0x0  }
0x16: {  	s3 =	sld [smem:$0x3FDB];
	s0 =	simm.s32 @p2 $0x1  }
0x17: {  	s4 =	simm.s32 $0x1BF5;
	[smem:$0x3FBA] =	sst s0  }
0x18: {  	s0 =	sld [smem:$0x3F9D];
	_ =	swait.ge [sflag:s4], $0x0  }
0x19: {  	s7 =	sld [smem:$0x3F9E]  }
0x1a: {  	s8 =	sadd.s32 $0xFFFFE003, lr  }
0x1b: {  	s9 =	sadd.s32 $0xFFFFFEF7, lr;
	s5 =	simm.s32 $0xFFFFFFFF;
	p2 =	slt.u32 s8, $0xFFFFF086  }
0x1c: {  	p1 =	slt.u32 s9, $0xF7A;
	s5 =	simm.s32 @!p2 $0x0  }
0x1d: {  	s5 =	simm.s32 @p1 $0x1;
	p0 =	seq.s32 s7, s2  }
0x1e: {  	s7 =	smul.u32 @!p0 $0xF7A, s2;
	p2 =	seq.s32 @!p0 s5, $0x0  }
0x1f: {  	s9 =	smul.u32 $0xF7A, s1;
	s8 =	simm.s32 @!p0 $0x1BF5;
	p2 =	por !p2, p0  }
0x20: {  	[sflag:s8] =	ssyncset.s32 @!p0 $0xFFFFF086;
	s6 =	sadd.s32 @!p0 s3, s7;
	s7 =	simm.s32 @!p0 $0x108  }
0x21: {  	s3 =	sadd.s32 s3, s9;
	s6 =	sadd.s32 @!p0 $0x88, s6;
	s7 =	simm.s32 @p2 $0x1082  }
0x22: {  	[simem:s7], [sflag:s8] =	dma.local @!p0 [hbm:s6], $0xF7A  }
0x23: {  	s9 =	sor.u32 $0xD0000000, s2;
	s6 =	simm.s32 $0x108;
	_ =	swait.ge @!p0 [sflag:s8], $0x0  }
0x24: {  	s3 =	sadd.s32 $0x88, s3;
	s6 =	simm.s32 @!p1 $0x1082;
	[sflag:s4] =	ssyncset.s32 $0xFFFFF086  }
0x25: {  	[simem:s6], [sflag:s4] =	dma.local [hbm:s3], $0xF7A  }
0x26: {  	[smem:$0x3F9E] =	sst s1;
	(tag) =	ssettag s2;
	_ =	strace s9  }
0x27: {  	s1 =	sld [smem:$0x3FAE]  }
0x28: {  	s2 =	sld [smem:$0x3FAF]  }
0x29: {  	s4 =	sld [smem:$0x3FB1]  }
0x2a: {  	p0 =	seq.s32 s5, $0x0;
	s5 =	sld [smem:$0x3FB2]  }
0x2b: {  	s6 =	sld [smem:$0x3FB3]  }
0x2c: {  	s7 =	sld [smem:$0x3FB4]  }
0x2d: {  	s3 =	simm.s32 $0x108;
	s8 =	sld [smem:$0x3FB5]  }
0x2e: {  	s3 =	simm.s32 @!p0 $0x1082;
	s9 =	sld [smem:$0x3FB6]  }
0x2f: {  	lr =	sadd.s32 s0, s3;
	s0 =	sld [smem:$0x3FAD]  }
0x30: {  	s3 =	sld [smem:$0x3FB0]  }
0x31: {  	[smem:$0x3FB9] =	sst s10  }
0x32: {  	s10 =	sld [smem:$0x3FB7];
	_ =	sdelay $0x3  }
0x33: {  	p0 =	seq.s32 s10, $0x1;
	s10 =	sld [smem:$0x3FB9];
	_ =	sdelay $0x3  }
0x34: {  	[smem:$0x3FB9] =	sst s10  }
0x35: {  	s10 =	sld [smem:$0x3FB8];
	_ =	sdelay $0x3  }
0x36: {  	p1 =	seq.s32 s10, $0x1;
	s10 =	sld [smem:$0x3FB9];
	_ =	sdelay $0x3  }
0x37: {  	[smem:$0x3FB9] =	sst s10  }
0x38: {  	s10 =	sld [smem:$0x3FBA]  }
0x39: {  	_ = 	snop;
	(pc) =	sbr.ind lr, $3  }
0x3a: {  	_ = 	snop  }
0x3b: {  	_ = 	snop  }
0x3c: {  	p2 =	seq.s32 s10, $0x1;
	s10 =	sld [smem:$0x3FB9]  }
0x3d: {  	_ =	shalt  }
0x3e: {  	_ =	shalt  }
0x3f: {  	_ =	shalt  }
0x40: {  	_ =	shalt  }
0x41: {  	_ =	shalt  }
0x42: {  	_ =	shalt  }
0x43: {  	_ =	shalt  }
0x44: {  	_ =	shalt  }
0x45: {  	_ =	shalt  }
0x46: {  	_ =	shalt  }
0x47: {  	_ =	shalt  }
0x48: {  	_ =	shalt  }
0x49: {  	_ =	shalt  }
0x4a: {  	_ =	shalt  }
0x4b: {  	_ =	shalt  }
0x4c: {  	_ =	shalt  }
0x4d: {  	_ =	shalt  }
0x4e: {  	_ =	shalt  }
0x4f: {  	_ =	shalt  }
0x50: {  	_ =	shalt  }
0x51: {  	_ =	shalt  }
0x52: {  	_ =	shalt  }
0x53: {  	_ =	shalt  }
0x54: {  	_ =	shalt  }
0x55: {  	_ =	shalt  }
0x56: {  	_ =	shalt  }
0x57: {  	_ =	shalt  }
0x58: {  	_ =	shalt  }
0x59: {  	_ =	shalt  }
0x5a: {  	_ =	shalt  }
0x5b: {  	_ =	shalt  }
0x5c: {  	_ =	shalt  }
0x5d: {  	_ =	shalt  }
0x5e: {  	_ =	shalt  }
0x5f: {  	_ =	shalt  }
0x60: {  	_ =	shalt  }
0x61: {  	_ =	shalt  }
0x62: {  	_ =	shalt  }
0x63: {  	_ =	shalt  }
0x64: {  	_ =	shalt  }
0x65: {  	_ =	shalt  }
0x66: {  	_ =	shalt  }
0x67: {  	_ =	shalt  }
0x68: {  	_ =	shalt  }
0x69: {  	_ =	shalt  }
0x6a: {  	_ =	shalt  }
0x6b: {  	_ =	shalt  }
0x6c: {  	_ =	shalt  }
0x6d: {  	_ =	shalt  }
0x6e: {  	_ =	shalt  }
0x6f: {  	_ =	shalt  }
0x70: {  	_ =	shalt  }
0x71: {  	_ =	shalt  }
0x72: {  	_ =	shalt  }
0x73: {  	_ =	shalt  }
0x74: {  	_ =	shalt  }
0x75: {  	_ =	shalt  }
0x76: {  	_ =	shalt  }
0x77: {  	_ =	shalt  }
0x78: {  	_ =	shalt  }
0x79: {  	_ =	shalt  }
0x7a: {  	_ =	shalt  }
0x7b: {  	_ =	shalt  }
0x7c: {  	_ =	shalt  }
0x7d: {  	_ =	shalt  }
0x7e: {  	_ =	shalt  }
0x7f: {  	_ =	shalt  }
0x80: {  	_ =	shalt  }
0x81: {  	_ =	shalt  }
0x82: {  	_ =	shalt  }
0x83: {  	_ =	shalt  }
0x84: {  	_ =	shalt  }
0x85: {  	_ =	shalt  }
0x86: {  	_ =	shalt  }
0x87: {  	_ =	shalt  }
.Lfunc_end0:
.L_simem_size_0:
called_computation_lowered:
.L_overlay_start_0:
0x88: {  	s2 =	sld [smem:$0x3FD9]  }
0x89: {  	s3 =	sld [smem:$0x3FFE];
	_ =	sdelay $0x1  }
0x8a: {  	s1 =	srdreg.scid  }
0x8b: {  	s0 =	sand.u32 $0x1, s1  }
0x8c: {  	s18 =	sshll.u32 s0, $0xA;
	s2 =	sadd.s32 s3, s2  }
0x8d: {  	s2 =	sadd.s32 s2, s18  }
0x8e: {  	[smem:$0x3FC5] =	sst s2  }
0x8f: {  	_ = 	snop  }
0x90: {  	s2 =	sld [smem:$0x3FC9]  }
0x91: {  	s19 =	sld [smem:$0x3FC8]  }
0x92: {  	s4 =	sld [smem:$0x3FC7]  }
0x93: {  	s5 =	sld [smem:$0x3FD0];
	(tm) =	ssettm $0x1  }
0x94: {  	s6 =	sld [smem:$0x3FFB];
	_ =	sdelay $0x3  }
0x95: {  	_ =	strace s6  }
0x96: {  	s6 =	sld [smem:$0x3FFC];
	_ =	sdelay $0x3  }
0x97: {  	_ =	strace s6  }
0x98: {  	s6 =	sld [smem:$0x3FFD];
	_ =	sdelay $0x3  }
0x99: {  	_ =	strace s6  }
0x9a: {  	_ =	strace $0x8FFFFFFF  }
0x9b: {  	s20 =	sld [smem:$0x3FDB];
	_ =	sdelay $0x1  }
0x9c: {  	s7 =	simm.s32 $_scs_section_size  }
0x9d: {  	s8 =	simm.s32 $_size__tile_overlayer_lowered;
	s9 =	simm.s32 $_tile_overlayer_lowered  }
0x9e: {  	s23 =	simm.s32 $0x1BFF;
	s22 =	sshll.u32 s9, $0x1;
	s6 =	sadd.s32 s7, s20  }
0x9f: {  	s10 =	simm.s32 $0x0;
	s21 =	sshll.u32 s8, $0x1;
	s8 =	sadd.s32 s22, s6  }
0xa0: {  	[timem:s10], [sflag:s23] =	dma.local [hbm:s8], s21  }
0xa1: {  	_ =	swait.ge [sflag:s23], s21  }
0xa2: {  	s7 =	ssub.s32 $0x0, s21;
	[sflag:s23] =	ssyncset.done $0x0  }
0xa3: {  	[sflag:s23] =	ssyncadd.s32 s7;
	_ =	sdelay $0x1  }
0xa4: {  	s24 =	simm.s32 $0x1B8B  }
0xa5: {  	_ =	swait.ge [sflag:s24], $0x1  }
0xa6: {  	[sflag:s24] =	ssyncset.done $0x0  }
0xa7: {  	s25 =	simm.s32 $0x1B8E;
	[sflag:s24] =	ssyncadd.s32 $0xFFFFFFFF  }
0xa8: {  	s26 =	simm.s32 $execute0_lowered;
	[smem:$0x3FD2] =	sst s25  }
0xa9: {  	s7 =	sshll.u32 s26, $0x1;
	_ =	strace $0x80000046;
	[dreg:$0x1] =	wrdreg $0xFFFFFFFF  }
0xaa: {  	s28 =	simm.s32 $_size_execute0_lowered;
	s6 =	sadd.s32 s6, s7;
	[dreg:$0x0] =	wrdreg $0x0  }
0xab: {  	s7 =	sshll.u32 s28, $0x1;
	[dreg:$0x2] =	wrdreg s6  }
0xac: {  	[dreg:$0x3] =	wrdreg s7  }
0xad: {  	[dreg:$0x4] =	wrdreg $0xC0  }
0xae: {  	_ =	task [dreg:s10], $0x5FFFF  }
0xaf: {  	[dreg:$0x1] =	wrdreg $0xFFFFFFFF  }
0xb0: {  	[dreg:$0x0] =	wrdreg $0x60  }
0xb1: {  	[dreg:$0x2] =	wrdreg s2  }
0xb2: {  	[dreg:$0x3] =	wrdreg s19  }
0xb3: {  	[dreg:$0x4] =	wrdreg s4  }
0xb4: {  	[dreg:$0x5] =	wrdreg s5  }
0xb5: {  	[dreg:$0x6] =	wrdreg $0x9  }
0xb6: {  	_ =	task.clear_ibuf [dreg:s10], $0x7FFFF;
	_ =	strace $0x90000046  }
0xb7: {  	s29 =	simm.s32 $0x9;
	_ =	strace $0x80000048  }
0xb8: {  	_ =	swait.ge [sflag:s29], $0x1  }
0xb9: {  	[sflag:s29] =	ssyncadd.s32 $0xFFFFFFFF  }
0xba: {  	_ =	strace $0x90000048  }
0xbb: {  	_ =	sfence  }
0xbc: {  	s30 =	sld [smem:$0x0];
	_ =	sdelay $0x2  }
0xbd: {  	s31 =	sshll.u32 s1, $0xD;
	s1 =	sshrl.u32 s1, $0x2  }
0xbe: {  	s3 =	sand.u32 $0x4000, s31;
	s1 =	sadd.s32 s1, s30  }
0xbf: {  	s0 =	sor.u32 s3, s0;
	s1 =	sshll.u32 s1, $0x11  }
0xc0: {  	s0 =	sor.u32 s1, s0  }
0xc1: {  	s0 =	sadd.s32 $0x8F2B, s0  }
0xc2: {  	[sflag:s0] =	ssyncadd.remote.s32 $0x1  }
0xc3: {  	_ =	sfence.sel $0xFFFF  }
0xc4: {  	[dreg:$0x0] =	wrdreg $0xFFFFFFFF;
	(pc) =	sbr.abs _section_cstart, $3  }
0xc5: {  	[dreg:$0x1] =	wrdreg $0xFFFFFFFF  }
0xc6: {  	_ =	task.clear_ibuf [dreg:s10], $0x2FFFF;
	_ =	strace $0x9FFFFFFF  }
0xc7: {  	(tm) =	ssettm $0x7FFFFFFF  }
tec
execute0_lowered:
.L_overlay_start_1:
0x0: {  	(tag) =	ssettag $0x1  }
0x1: {  	s0 =	rddreg [dreg:$0x0];
	s2 =	srdreg.scid  }
0x2: {  	s1 =	rddreg [dreg:$0x1];
	s4 =	stileid.u32  }
0x3: {  	s3 =	rddreg [dreg:$0x2];
	s6 =	simm.s32 $0x0;
	s28 =	simm.s32 $0x12200  }
0x4: {  	s29 =	simm.s32 $0x12A00;
	s30 =	simm.s32 $0x13200;
	s31 =	simm.s32 $0x13A00  }
0x5: {  	s18 =	simm.s32 $0x15200;
	s19 =	simm.s32 $0x15A00;
	s20 =	simm.s32 $0x0  }
0x6: {  	s2 =	sand.u32 $0x1, s2;
	s5 =	sshll.u32 s4, $0x7;
	s4 =	rddreg [dreg:$0x3]  }
0x7: {  	[smem:$0x7FF] =	sst s6;
	s13 =	sadd.s32 $0x100, s1;
	s14 =	sadd.s32 $0x200, s1  }
0x8: {  	s15 =	sadd.s32 $0x300, s1;
	s7 =	sshll.u32 s2, $0x6;
	s2 =	ssub.s32 $0x2, s2  }
0x9: {  	_ =	strace $0x80000047;
	s5 =	sor.u32 s7, s5;
	s10 =	sshrl.u32 s2, $0x1  }
0xa: {  	s8 =	sshll.u32 s5, $0x2;
	s2 =	ssub.s32 s2, s10;
	s23 =	sshll.u32 s5, $0x7  }
0xb: {  	s16 =	sshrl.u32 s5, $0x3;
	s9 =	sand.u32 $0x1E00, s8;
	s24 =	sadd.s32 s3, s23  }
0xc: {  	s26 =	smax.u32 s2, $0x1;
	s23 =	simm.s32 $0x7;
	s2 =	simm.s32 $0x14200  }
0xd: {  	s9 =	sor.u32 s7, s9;
	s7 =	sor.u32 s7, s8;
	[dreg:$0x8] =	wrdreg s24  }
0xe: {  	s25 =	sadd.s32 $0x400, s24;
	[dreg:$0xb] =	wrdreg s26;
	s24 =	simm.s32 $0x10A00  }
0xf: {  	s26 =	simm.s32 $0x11A00;
	s9 =	sshrl.u32 s9, $0x3;
	s7 =	sshrl.u32 s7, $0x3  }
.Ltmp0:
0x10: {  	[dreg:$0xa] =	wrdreg s25;
	s21 =	sadd.s32 s0, s9;
	(pc) =	sbr.rel .LBB2_1-.Ltmp0, $4  }
0x11: {  	s22 =	sor.u32 $0x20, s7;
	[dreg:$0x5] =	wrdreg s21;
	s8 =	sadd.s32 $0x10, s21  }
0x12: {  	v0 =	vlaneseq.u32;
	s7 =	sor.u32 $0x30, s7;
	[dreg:$0x6] =	wrdreg s8;
	s8 =	sadd.s32 s0, s22  }
0x13: {  	v1 =	vshrl.u32 v0, $0x3;
	s25 =	simm.s32 $0x11200;
	s0 =	sadd.s32 s0, s7;
	[dreg:$0x7] =	wrdreg s8  }
0x14: {  	vm0 =	vmmov $0xffff;
	v0 =	vand.u32 $0x7, v0;
	v1 =	vmul.u32 $0x8, v1;
	s22 =	simm.s32 $0x10200;
	[dreg:$0x9] =	wrdreg s0;
	s0 =	simm.s32 $0x14A00  }
.LBB2_11:
0x15: {  	s7 =	simm.s32 $0x6  }
0x16: {  	_ =	swait.ge [sflag:s7], $0x8000  }
0x17: {  	[sflag:s7] =	ssyncset.done $0x0  }
0x18: {  	s17 =	simm.s32 $0x4;
	[sflag:s7] =	ssyncadd.s32 $0xFFFF8000  }
0x19: {  	_ =	swait.ge [sflag:s17], $0x8000  }
0x1a: {  	[sflag:s17] =	ssyncset.done $0x0  }
0x1b: {  	s8 =	simm.s32 $0x5;
	[sflag:s17] =	ssyncadd.s32 $0xFFFF8000  }
0x1c: {  	_ =	swait.ge [sflag:s8], $0x8000  }
0x1d: {  	s20 =	sadd.s32 $0x1, s20;
	s21 =	rddreg [dreg:$0xb]  }
0x1e: {  	p0 =	sne.s32 s20, s21  }
.Ltmp1:
0x1f: {  	_ = 	snop;
	(pc) =	sbr.rel @!p0 .LBB2_12-.Ltmp1, $3  }
0x20: {  	_ =	sdelay $0x1  }
0x21: {  	[sflag:s8] =	ssyncset.done $0x0  }
0x22: {  	[sflag:s8] =	ssyncadd.s32 $0xFFFF8000  }
.LBB2_1:
0x23: {  	s7 =	rddreg [dreg:$0x5]  }
0x24: {  	[tilespmem:s6], [sflag:$0x7] =	stream.linear.gather [hbm4b:s7+s6], $0x40, $0x38;
	[tilespmem:$0x1E200] =	vst v63  }
0x25: {  	s12 =	rddreg [dreg:$0x6];
	s8 =	simm.s32 $0x80  }
0x26: {  	[tilespmem:s8], [sflag:$0x7] =	stream.linear.gather [hbm4b:s12+s6], $0x40, $0x38;
	[tilespmem:$0x1E200] =	vst v63  }
0x27: {  	s17 =	rddreg [dreg:$0x7];
	s21 =	simm.s32 $0x100  }
0x28: {  	[tilespmem:s21], [sflag:$0x7] =	stream.linear.gather [hbm4b:s17+s6], $0x40, $0x38;
	[tilespmem:$0x1E200] =	vst v63  }
0x29: {  	s9 =	rddreg [dreg:$0x9];
	s10 =	simm.s32 $0x180  }
0x2a: {  	[tilespmem:s10], [sflag:$0x7] =	stream.linear.gather [hbm4b:s9+s6], $0x40, $0x38;
	[tilespmem:$0x1E200] =	vst v63  }
0x2b: {  	s11 =	rddreg [dreg:$0x8];
	s12 =	simm.s32 $0x200  }
0x2c: {  	[tilespmem:s12], [sflag:$0x1] =	stream.linear.gather [hbm4b:s11+s6], $0x2000, $0x38;
	[tilespmem:$0x1E200] =	vst v63  }
0x2d: {  	s17 =	rddreg [dreg:$0xa];
	s21 =	simm.s32 $0x2200  }
0x2e: {  	[tilespmem:s21], [sflag:$0x2] =	stream.linear.gather [hbm4b:s17+s6], $0x2000, $0x38;
	[tilespmem:$0x1E200] =	vst v63  }
0x2f: {  	_ =	swait.ge [sflag:s23], $0x40  }
0x30: {  	[sflag:s23] =	ssyncset.done $0x0  }
0x31: {  	[sflag:s23] =	ssyncadd.s32 $0xFFFFFFC0  }
0x32: {  	_ =	swait.ge [sflag:s23], $0x40  }
0x33: {  	[sflag:s23] =	ssyncset.done $0x0  }
0x34: {  	[sflag:s23] =	ssyncadd.s32 $0xFFFFFFC0  }
0x35: {  	_ =	swait.ge [sflag:s23], $0x40  }
0x36: {  	[sflag:s23] =	ssyncset.done $0x0  }
0x37: {  	[sflag:s23] =	ssyncadd.s32 $0xFFFFFFC0  }
0x38: {  	_ =	swait.ge [sflag:s23], $0x40  }
0x39: {  	[sflag:s23] =	ssyncset.done $0x0  }
0x3a: {  	[sflag:s23] =	ssyncadd.s32 $0xFFFFFFC0  }
0x3b: {  	v2 =	vld.msk [tilespmem:$0x0], $0xff;
	_ =	sdelay $0x4  }
0x3c: {  	v3 =	vshll.u32 v2, $0x3  }
0x3d: {  	v2 =	vand.u32 $0x7, v2;
	v3 =	vand.u32 $0xFFFFFFC0, v3  }
0x3e: {  	v2 =	vor.u32 v2, v3  }
0x3f: {  	v2 =	vperm.xlane v2, v0;
	_ =	sdelay $0x1  }
0x40: {  	v2 =	vadd.s32 v1, v2;
	_ =	sdelay $0x3  }
0x41: {  	s9 =	simm.s32 $0x6200  }
0x42: {  	[tilespmem:s9], [sflag:$0x1] =	stream.indirect_vreg.gather [hbm4b:s1+s6], $0x80, v2, vm0, $0xb8;
	[tilespmem:$0x1E200] =	vst v63  }
0x43: {  	s10 =	simm.s32 $0x6A00  }
0x44: {  	[tilespmem:s10], [sflag:$0x1] =	stream.indirect_vreg.gather [hbm4b:s13+s6], $0x80, v2, vm0, $0xb8;
	[tilespmem:$0x1E200] =	vst v63  }
0x45: {  	s11 =	simm.s32 $0x7200  }
0x46: {  	[tilespmem:s11], [sflag:$0x1] =	stream.indirect_vreg.gather [hbm4b:s14+s6], $0x80, v2, vm0, $0xb8;
	[tilespmem:$0x1E200] =	vst v63  }
0x47: {  	s12 =	simm.s32 $0x7A00  }
0x48: {  	[tilespmem:s12], [sflag:$0x1] =	stream.indirect_vreg.gather [hbm4b:s15+s6], $0x80, v2, vm0, $0xb8;
	[tilespmem:$0x1E200] =	vst v63  }
0x49: {  	v2 =	vld.msk [tilespmem:$0x80], $0xff;
	_ =	sdelay $0x4  }
0x4a: {  	v3 =	vshll.u32 v2, $0x3  }
0x4b: {  	v2 =	vand.u32 $0x7, v2;
	v3 =	vand.u32 $0xFFFFFFC0, v3  }
0x4c: {  	v2 =	vor.u32 v2, v3  }
0x4d: {  	v2 =	vperm.xlane v2, v0;
	_ =	sdelay $0x1  }
0x4e: {  	v2 =	vadd.s32 v1, v2;
	_ =	sdelay $0x3  }
0x4f: {  	s17 =	simm.s32 $0x8200  }
0x50: {  	[tilespmem:s17], [sflag:$0x1] =	stream.indirect_vreg.gather [hbm4b:s1+s6], $0x80, v2, vm0, $0xb8;
	[tilespmem:$0x1E200] =	vst v63  }
0x51: {  	s21 =	simm.s32 $0x8A00  }
0x52: {  	[tilespmem:s21], [sflag:$0x1] =	stream.indirect_vreg.gather [hbm4b:s13+s6], $0x80, v2, vm0, $0xb8;
	[tilespmem:$0x1E200] =	vst v63  }
0x53: {  	s8 =	simm.s32 $0x9200  }
0x54: {  	[tilespmem:s8], [sflag:$0x1] =	stream.indirect_vreg.gather [hbm4b:s14+s6], $0x80, v2, vm0, $0xb8;
	[tilespmem:$0x1E200] =	vst v63  }
0x55: {  	s9 =	simm.s32 $0x9A00  }
0x56: {  	[tilespmem:s9], [sflag:$0x1] =	stream.indirect_vreg.gather [hbm4b:s15+s6], $0x80, v2, vm0, $0xb8;
	[tilespmem:$0x1E200] =	vst v63  }
0x57: {  	v2 =	vld.msk [tilespmem:$0x100], $0xff;
	_ =	sdelay $0x4  }
0x58: {  	v3 =	vshll.u32 v2, $0x3  }
0x59: {  	v2 =	vand.u32 $0x7, v2;
	v3 =	vand.u32 $0xFFFFFFC0, v3  }
0x5a: {  	v2 =	vor.u32 v2, v3  }
0x5b: {  	v2 =	vperm.xlane v2, v0;
	_ =	sdelay $0x1  }
0x5c: {  	v2 =	vadd.s32 v1, v2;
	_ =	sdelay $0x3  }
0x5d: {  	s10 =	simm.s32 $0xA200  }
0x5e: {  	[tilespmem:s10], [sflag:$0x1] =	stream.indirect_vreg.gather [hbm4b:s1+s6], $0x80, v2, vm0, $0xb8;
	[tilespmem:$0x1E200] =	vst v63  }
0x5f: {  	s11 =	simm.s32 $0xAA00  }
0x60: {  	[tilespmem:s11], [sflag:$0x1] =	stream.indirect_vreg.gather [hbm4b:s13+s6], $0x80, v2, vm0, $0xb8;
	[tilespmem:$0x1E200] =	vst v63  }
0x61: {  	s12 =	simm.s32 $0xB200  }
0x62: {  	[tilespmem:s12], [sflag:$0x1] =	stream.indirect_vreg.gather [hbm4b:s14+s6], $0x80, v2, vm0, $0xb8;
	[tilespmem:$0x1E200] =	vst v63  }
0x63: {  	s17 =	simm.s32 $0xBA00  }
0x64: {  	[tilespmem:s17], [sflag:$0x1] =	stream.indirect_vreg.gather [hbm4b:s15+s6], $0x80, v2, vm0, $0xb8;
	[tilespmem:$0x1E200] =	vst v63  }
0x65: {  	v2 =	vld.msk [tilespmem:$0x180], $0xff;
	_ =	sdelay $0x4  }
0x66: {  	v3 =	vshll.u32 v2, $0x3  }
0x67: {  	v2 =	vand.u32 $0x7, v2;
	v3 =	vand.u32 $0xFFFFFFC0, v3  }
0x68: {  	v2 =	vor.u32 v2, v3  }
0x69: {  	v2 =	vperm.xlane v2, v0;
	_ =	sdelay $0x1  }
0x6a: {  	v2 =	vadd.s32 v1, v2;
	_ =	sdelay $0x3  }
0x6b: {  	s21 =	simm.s32 $0xC200  }
0x6c: {  	[tilespmem:s21], [sflag:$0x1] =	stream.indirect_vreg.gather [hbm4b:s1+s6], $0x80, v2, vm0, $0xb8;
	[tilespmem:$0x1E200] =	vst v63  }
0x6d: {  	s8 =	simm.s32 $0xCA00  }
0x6e: {  	[tilespmem:s8], [sflag:$0x1] =	stream.indirect_vreg.gather [hbm4b:s13+s6], $0x80, v2, vm0, $0xb8;
	[tilespmem:$0x1E200] =	vst v63  }
0x6f: {  	s9 =	simm.s32 $0xD200  }
0x70: {  	[tilespmem:s9], [sflag:$0x1] =	stream.indirect_vreg.gather [hbm4b:s14+s6], $0x80, v2, vm0, $0xb8;
	[tilespmem:$0x1E200] =	vst v63  }
0x71: {  	s10 =	simm.s32 $0xDA00  }
0x72: {  	[tilespmem:s10], [sflag:$0x1] =	stream.indirect_vreg.gather [hbm4b:s15+s6], $0x80, v2, vm0, $0xb8;
	[tilespmem:$0x1E200] =	vst v63  }
0x73: {  	v2 =	vld.msk [tilespmem:$0x8], $0xff;
	_ =	sdelay $0x4  }
0x74: {  	v3 =	vshll.u32 v2, $0x3  }
0x75: {  	v2 =	vand.u32 $0x7, v2;
	v3 =	vand.u32 $0xFFFFFFC0, v3  }
0x76: {  	v2 =	vor.u32 v2, v3  }
0x77: {  	v2 =	vperm.xlane v2, v0;
	_ =	sdelay $0x1  }
0x78: {  	v2 =	vadd.s32 v1, v2;
	_ =	sdelay $0x3  }
0x79: {  	s11 =	simm.s32 $0xE200  }
0x7a: {  	[tilespmem:s11], [sflag:$0x2] =	stream.indirect_vreg.gather [hbm4b:s1+s6], $0x80, v2, vm0, $0xb8;
	[tilespmem:$0x1E200] =	vst v63  }
0x7b: {  	s12 =	simm.s32 $0xEA00  }
0x7c: {  	[tilespmem:s12], [sflag:$0x2] =	stream.indirect_vreg.gather [hbm4b:s13+s6], $0x80, v2, vm0, $0xb8;
	[tilespmem:$0x1E200] =	vst v63  }
0x7d: {  	s17 =	simm.s32 $0xF200  }
0x7e: {  	[tilespmem:s17], [sflag:$0x2] =	stream.indirect_vreg.gather [hbm4b:s14+s6], $0x80, v2, vm0, $0xb8;
	[tilespmem:$0x1E200] =	vst v63  }
0x7f: {  	s21 =	simm.s32 $0xFA00  }
0x80: {  	[tilespmem:s21], [sflag:$0x2] =	stream.indirect_vreg.gather [hbm4b:s15+s6], $0x80, v2, vm0, $0xb8;
	[tilespmem:$0x1E200] =	vst v63  }
0x81: {  	v2 =	vld.msk [tilespmem:$0x88], $0xff;
	_ =	sdelay $0x4  }
0x82: {  	v3 =	vshll.u32 v2, $0x3  }
0x83: {  	v2 =	vand.u32 $0x7, v2;
	v3 =	vand.u32 $0xFFFFFFC0, v3  }
0x84: {  	v2 =	vor.u32 v2, v3  }
0x85: {  	v2 =	vperm.xlane v2, v0;
	_ =	sdelay $0x1  }
0x86: {  	v2 =	vadd.s32 v1, v2;
	_ =	sdelay $0x4  }
0x87: {  	[tilespmem:s22], [sflag:$0x2] =	stream.indirect_vreg.gather [hbm4b:s1+s6], $0x80, v2, vm0, $0xb8;
	[tilespmem:$0x1E200] =	vst v63  }
0x88: {  	_ = 	snop  }
0x89: {  	[tilespmem:s24], [sflag:$0x2] =	stream.indirect_vreg.gather [hbm4b:s13+s6], $0x80, v2, vm0, $0xb8;
	[tilespmem:$0x1E200] =	vst v63  }
0x8a: {  	_ = 	snop  }
0x8b: {  	[tilespmem:s25], [sflag:$0x2] =	stream.indirect_vreg.gather [hbm4b:s14+s6], $0x80, v2, vm0, $0xb8;
	[tilespmem:$0x1E200] =	vst v63  }
0x8c: {  	_ = 	snop  }
0x8d: {  	[tilespmem:s26], [sflag:$0x2] =	stream.indirect_vreg.gather [hbm4b:s15+s6], $0x80, v2, vm0, $0xb8;
	[tilespmem:$0x1E200] =	vst v63  }
0x8e: {  	v2 =	vld.msk [tilespmem:$0x108], $0xff;
	_ =	sdelay $0x4  }
0x8f: {  	v3 =	vshll.u32 v2, $0x3  }
0x90: {  	v2 =	vand.u32 $0x7, v2;
	v3 =	vand.u32 $0xFFFFFFC0, v3  }
0x91: {  	v2 =	vor.u32 v2, v3  }
0x92: {  	v2 =	vperm.xlane v2, v0;
	_ =	sdelay $0x1  }
0x93: {  	v2 =	vadd.s32 v1, v2;
	_ =	sdelay $0x4  }
0x94: {  	[tilespmem:s28], [sflag:$0x2] =	stream.indirect_vreg.gather [hbm4b:s1+s6], $0x80, v2, vm0, $0xb8;
	[tilespmem:$0x1E200] =	vst v63  }
0x95: {  	_ = 	snop  }
0x96: {  	[tilespmem:s29], [sflag:$0x2] =	stream.indirect_vreg.gather [hbm4b:s13+s6], $0x80, v2, vm0, $0xb8;
	[tilespmem:$0x1E200] =	vst v63  }
0x97: {  	_ = 	snop  }
0x98: {  	[tilespmem:s30], [sflag:$0x2] =	stream.indirect_vreg.gather [hbm4b:s14+s6], $0x80, v2, vm0, $0xb8;
	[tilespmem:$0x1E200] =	vst v63  }
0x99: {  	_ = 	snop  }
0x9a: {  	[tilespmem:s31], [sflag:$0x2] =	stream.indirect_vreg.gather [hbm4b:s15+s6], $0x80, v2, vm0, $0xb8;
	[tilespmem:$0x1E200] =	vst v63  }
0x9b: {  	v2 =	vld.msk [tilespmem:$0x188], $0xff;
	_ =	sdelay $0x4  }
0x9c: {  	v3 =	vshll.u32 v2, $0x3  }
0x9d: {  	v2 =	vand.u32 $0x7, v2;
	v3 =	vand.u32 $0xFFFFFFC0, v3  }
0x9e: {  	v2 =	vor.u32 v2, v3  }
0x9f: {  	v2 =	vperm.xlane v2, v0;
	_ =	sdelay $0x1  }
0xa0: {  	v2 =	vadd.s32 v1, v2;
	_ =	sdelay $0x4  }
0xa1: {  	[tilespmem:s2], [sflag:$0x2] =	stream.indirect_vreg.gather [hbm4b:s1+s6], $0x80, v2, vm0, $0xb8;
	[tilespmem:$0x1E200] =	vst v63  }
0xa2: {  	_ = 	snop  }
0xa3: {  	[tilespmem:s0], [sflag:$0x2] =	stream.indirect_vreg.gather [hbm4b:s13+s6], $0x80, v2, vm0, $0xb8;
	[tilespmem:$0x1E200] =	vst v63  }
.Ltmp2:
0xa4: {  	_ = 	snop;
	(pc) =	sbr.rel .LBB2_2-.Ltmp2, $4  }
0xa5: {  	_ = 	snop  }
0xa6: {  	[tilespmem:s18], [sflag:$0x2] =	stream.indirect_vreg.gather [hbm4b:s14+s6], $0x80, v2, vm0, $0xb8;
	[tilespmem:$0x1E200] =	vst v63  }
0xa7: {  	s8 =	simm.s32 $0x0  }
0xa8: {  	[tilespmem:s19], [sflag:$0x2] =	stream.indirect_vreg.gather [hbm4b:s15+s6], $0x80, v2, vm0, $0xb8;
	[tilespmem:$0x1E200] =	vst v63  }
.LBB2_9:
0xa9: {  	p0 =	seq.s32 s8, $0x0  }
0xaa: {  	s7 =	sshll.u32 s7, $0x3;
	s9 =	simm.s32 @!p0 $0x6  }
0xab: {  	s10 =	sadd.s32 s5, s7;
	_ =	swait.ge @!p0 [sflag:s9], $0x8000  }
0xac: {  	s10 =	sshll.u32 s10, $0x7;
	[sflag:s9] =	ssyncset.done @!p0 $0x0  }
0xad: {  	s17 =	simm.s32 $0x4200;
	s12 =	sadd.s32 s3, s10;
	[sflag:s9] =	ssyncadd.s32 @!p0 $0xFFFF8000  }
0xae: {  	[tilespmem:s17], [sflag:$0x3] =	stream.linear.gather [hbm4b:s12+s6], $0x2000, $0x38;
	[tilespmem:$0x1E200] =	vst v63  }
0xaf: {  	v2 =	vld.msk [tilespmem:s7+$0x0], $0xff;
	_ =	sdelay $0x4  }
0xb0: {  	v3 =	vshll.u32 v2, $0x3  }
0xb1: {  	v2 =	vand.u32 $0x7, v2;
	v3 =	vand.u32 $0xFFFFFFC0, v3  }
0xb2: {  	v2 =	vor.u32 v2, v3  }
0xb3: {  	v2 =	vperm.xlane v2, v0;
	_ =	sdelay $0x1  }
0xb4: {  	v2 =	vadd.s32 v1, v2;
	_ =	sdelay $0x3  }
0xb5: {  	s21 =	simm.s32 $0x16200  }
0xb6: {  	[tilespmem:s21], [sflag:$0x3] =	stream.indirect_vreg.gather [hbm4b:s1+s6], $0x80, v2, vm0, $0xb8;
	[tilespmem:$0x1E200] =	vst v63  }
0xb7: {  	s10 =	simm.s32 $0x16A00  }
0xb8: {  	[tilespmem:s10], [sflag:$0x3] =	stream.indirect_vreg.gather [hbm4b:s13+s6], $0x80, v2, vm0, $0xb8;
	[tilespmem:$0x1E200] =	vst v63  }
0xb9: {  	s11 =	simm.s32 $0x17200  }
0xba: {  	[tilespmem:s11], [sflag:$0x3] =	stream.indirect_vreg.gather [hbm4b:s14+s6], $0x80, v2, vm0, $0xb8;
	[tilespmem:$0x1E200] =	vst v63  }
0xbb: {  	s12 =	simm.s32 $0x17A00  }
0xbc: {  	[tilespmem:s12], [sflag:$0x3] =	stream.indirect_vreg.gather [hbm4b:s15+s6], $0x80, v2, vm0, $0xb8;
	[tilespmem:$0x1E200] =	vst v63  }
0xbd: {  	v2 =	vld.msk [tilespmem:s7+$0x80], $0xff;
	_ =	sdelay $0x4  }
0xbe: {  	v3 =	vshll.u32 v2, $0x3  }
0xbf: {  	v2 =	vand.u32 $0x7, v2;
	v3 =	vand.u32 $0xFFFFFFC0, v3  }
0xc0: {  	v2 =	vor.u32 v2, v3  }
0xc1: {  	v2 =	vperm.xlane v2, v0;
	_ =	sdelay $0x1  }
0xc2: {  	v2 =	vadd.s32 v1, v2;
	_ =	sdelay $0x3  }
0xc3: {  	s17 =	simm.s32 $0x18200  }
0xc4: {  	[tilespmem:s17], [sflag:$0x3] =	stream.indirect_vreg.gather [hbm4b:s1+s6], $0x80, v2, vm0, $0xb8;
	[tilespmem:$0x1E200] =	vst v63  }
0xc5: {  	s21 =	simm.s32 $0x18A00  }
0xc6: {  	[tilespmem:s21], [sflag:$0x3] =	stream.indirect_vreg.gather [hbm4b:s13+s6], $0x80, v2, vm0, $0xb8;
	[tilespmem:$0x1E200] =	vst v63  }
0xc7: {  	s10 =	simm.s32 $0x19200  }
0xc8: {  	[tilespmem:s10], [sflag:$0x3] =	stream.indirect_vreg.gather [hbm4b:s14+s6], $0x80, v2, vm0, $0xb8;
	[tilespmem:$0x1E200] =	vst v63  }
0xc9: {  	s11 =	simm.s32 $0x19A00  }
0xca: {  	[tilespmem:s11], [sflag:$0x3] =	stream.indirect_vreg.gather [hbm4b:s15+s6], $0x80, v2, vm0, $0xb8;
	[tilespmem:$0x1E200] =	vst v63  }
0xcb: {  	v2 =	vld.msk [tilespmem:s7+$0x100], $0xff;
	_ =	sdelay $0x4  }
0xcc: {  	v3 =	vshll.u32 v2, $0x3  }
0xcd: {  	v2 =	vand.u32 $0x7, v2;
	v3 =	vand.u32 $0xFFFFFFC0, v3  }
0xce: {  	v2 =	vor.u32 v2, v3  }
0xcf: {  	v2 =	vperm.xlane v2, v0;
	_ =	sdelay $0x1  }
0xd0: {  	v2 =	vadd.s32 v1, v2;
	_ =	sdelay $0x3  }
0xd1: {  	s12 =	simm.s32 $0x1A200  }
0xd2: {  	[tilespmem:s12], [sflag:$0x3] =	stream.indirect_vreg.gather [hbm4b:s1+s6], $0x80, v2, vm0, $0xb8;
	[tilespmem:$0x1E200] =	vst v63  }
0xd3: {  	s17 =	simm.s32 $0x1AA00  }
0xd4: {  	[tilespmem:s17], [sflag:$0x3] =	stream.indirect_vreg.gather [hbm4b:s13+s6], $0x80, v2, vm0, $0xb8;
	[tilespmem:$0x1E200] =	vst v63  }
0xd5: {  	s21 =	simm.s32 $0x1B200  }
0xd6: {  	[tilespmem:s21], [sflag:$0x3] =	stream.indirect_vreg.gather [hbm4b:s14+s6], $0x80, v2, vm0, $0xb8;
	[tilespmem:$0x1E200] =	vst v63  }
0xd7: {  	s10 =	simm.s32 $0x1BA00  }
0xd8: {  	[tilespmem:s10], [sflag:$0x3] =	stream.indirect_vreg.gather [hbm4b:s15+s6], $0x80, v2, vm0, $0xb8;
	[tilespmem:$0x1E200] =	vst v63  }
0xd9: {  	v2 =	vld.msk [tilespmem:s7+$0x180], $0xff;
	_ =	sdelay $0x4  }
0xda: {  	v3 =	vshll.u32 v2, $0x3  }
0xdb: {  	v2 =	vand.u32 $0x7, v2;
	v3 =	vand.u32 $0xFFFFFFC0, v3  }
0xdc: {  	v2 =	vor.u32 v2, v3  }
0xdd: {  	v2 =	vperm.xlane v2, v0;
	_ =	sdelay $0x1  }
0xde: {  	v2 =	vadd.s32 v1, v2;
	_ =	sdelay $0x3  }
0xdf: {  	s11 =	simm.s32 $0x1C200  }
0xe0: {  	[tilespmem:s11], [sflag:$0x3] =	stream.indirect_vreg.gather [hbm4b:s1+s6], $0x80, v2, vm0, $0xb8;
	[tilespmem:$0x1E200] =	vst v63  }
0xe1: {  	s12 =	simm.s32 $0x1CA00  }
0xe2: {  	[tilespmem:s12], [sflag:$0x3] =	stream.indirect_vreg.gather [hbm4b:s13+s6], $0x80, v2, vm0, $0xb8;
	[tilespmem:$0x1E200] =	vst v63  }
0xe3: {  	s17 =	simm.s32 $0x1D200  }
0xe4: {  	[tilespmem:s17], [sflag:$0x3] =	stream.indirect_vreg.gather [hbm4b:s14+s6], $0x80, v2, vm0, $0xb8;
	[tilespmem:$0x1E200] =	vst v63  }
0xe5: {  	s21 =	simm.s32 $0x1DA00  }
0xe6: {  	[tilespmem:s21], [sflag:$0x3] =	stream.indirect_vreg.gather [hbm4b:s15+s6], $0x80, v2, vm0, $0xb8;
	[tilespmem:$0x1E200] =	vst v63  }
.LBB2_10:
0xe7: {  	s8 =	sadd.s32 $0x1, s8  }
0xe8: {  	p0 =	sne.s32 s8, $0x8  }
.Ltmp3:
0xe9: {  	_ = 	snop;
	(pc) =	sbr.rel @!p0 .LBB2_11-.Ltmp3, $1  }
0xea: {  	_ =	sdelay $0x3  }
.LBB2_2:
0xeb: {  	s7 =	smul.u32 $0xAB, s8;
	_ =	sdelay $0x1  }
0xec: {  	s7 =	sshrl.u32 s7, $0x9  }
0xed: {  	s7 =	sand.u32 $0x7F, s7  }
0xee: {  	s7 =	smul.u32 $0x3, s7;
	_ =	sdelay $0x1  }
0xef: {  	s11 =	ssub.s32 s8, s7  }
0xf0: {  	s9 =	sand.u32 $0xFF, s11  }
0xf1: {  	s7 =	simm.s32 $0x2;
	p0 =	seq.s32 s9, $0x1  }
0xf2: {  	p1 =	seq.s32 s9, $0x0;
	s7 =	simm.s32 @!p0 $0x3  }
0xf3: {  	s7 =	simm.s32 @p1 $0x1  }
0xf4: {  	_ =	swait.ge [sflag:s7], $0x2000  }
0xf5: {  	[sflag:s7] =	ssyncset.done $0x0  }
0xf6: {  	[sflag:s7] =	ssyncadd.s32 $0xFFFFE000  }
0xf7: {  	_ =	swait.ge [sflag:s7], $0x2000  }
0xf8: {  	[sflag:s7] =	ssyncset.done $0x0  }
0xf9: {  	[sflag:s7] =	ssyncadd.s32 $0xFFFFE000  }
0xfa: {  	_ =	swait.ge [sflag:s7], $0x2000  }
0xfb: {  	[sflag:s7] =	ssyncset.done $0x0  }
0xfc: {  	s10 =	sshll.u32 s9, $0xF;
	[sflag:s7] =	ssyncadd.s32 $0xFFFFE000  }
0xfd: {  	s12 =	sshrl.u32 s10, $0x2;
	_ =	swait.ge [sflag:s7], $0x2000  }
0xfe: {  	s21 =	sor.u32 $0x200, s12;
	[sflag:s7] =	ssyncset.done $0x0  }
0xff: {  	v2 =	vmov s21;
	[sflag:s7] =	ssyncadd.s32 $0xFFFFE000  }
0x100: {  	_ =	swait.ge [sflag:s7], $0x2000  }
0x101: {  	[sflag:s7] =	ssyncset.done $0x0  }
0x102: {  	s17 =	simm.s32 $0x0;
	s12 =	sor.u32 $0x6200, s10;
	[sflag:s7] =	ssyncadd.s32 $0xFFFFE000  }
.LBB2_3:
0x103: {  	s10 =	sshll.u32 s17, $0x7  }
0x104: {  	v3 =	vld.idx.msk [tilespmem:v2+s10+$0x0 ss:$0x1], $0xffff;
	_ =	sdelay $0x3  }
0x105: {  	s7 =	sadd.s32 s10, s12  }
0x106: {  	[tilespmem:s7+$0x0] =	vst.add.f32.msk $0xffff, v3  }
0x107: {  	[tilespmem:s7+$0x2000] =	vst.add.f32.msk $0xffff, v3  }
0x108: {  	[tilespmem:s7+$0x4000] =	vst.add.f32.msk $0xffff, v3  }
0x109: {  	[tilespmem:s7+$0x6000] =	vst.add.f32.msk $0xffff, v3  }
0x10a: {  	v3 =	vld.idx.msk [tilespmem:v2+s10+$0x10 ss:$0x1], $0xffff;
	_ =	sdelay $0x4  }
0x10b: {  	[tilespmem:s7+$0x10] =	vst.add.f32.msk $0xffff, v3  }
0x10c: {  	[tilespmem:s7+$0x2010] =	vst.add.f32.msk $0xffff, v3  }
0x10d: {  	[tilespmem:s7+$0x4010] =	vst.add.f32.msk $0xffff, v3  }
0x10e: {  	[tilespmem:s7+$0x6010] =	vst.add.f32.msk $0xffff, v3  }
0x10f: {  	v3 =	vld.idx.msk [tilespmem:v2+s10+$0x20 ss:$0x1], $0xffff;
	_ =	sdelay $0x4  }
0x110: {  	[tilespmem:s7+$0x20] =	vst.add.f32.msk $0xffff, v3  }
0x111: {  	[tilespmem:s7+$0x2020] =	vst.add.f32.msk $0xffff, v3  }
0x112: {  	[tilespmem:s7+$0x4020] =	vst.add.f32.msk $0xffff, v3  }
0x113: {  	[tilespmem:s7+$0x6020] =	vst.add.f32.msk $0xffff, v3  }
0x114: {  	v3 =	vld.idx.msk [tilespmem:v2+s10+$0x30 ss:$0x1], $0xffff;
	_ =	sdelay $0x4  }
0x115: {  	[tilespmem:s7+$0x30] =	vst.add.f32.msk $0xffff, v3  }
0x116: {  	[tilespmem:s7+$0x2030] =	vst.add.f32.msk $0xffff, v3  }
0x117: {  	[tilespmem:s7+$0x4030] =	vst.add.f32.msk $0xffff, v3  }
0x118: {  	[tilespmem:s7+$0x6030] =	vst.add.f32.msk $0xffff, v3  }
0x119: {  	v3 =	vld.idx.msk [tilespmem:v2+s10+$0x40 ss:$0x1], $0xffff;
	_ =	sdelay $0x4  }
0x11a: {  	[tilespmem:s7+$0x40] =	vst.add.f32.msk $0xffff, v3  }
0x11b: {  	[tilespmem:s7+$0x2040] =	vst.add.f32.msk $0xffff, v3  }
0x11c: {  	[tilespmem:s7+$0x4040] =	vst.add.f32.msk $0xffff, v3  }
0x11d: {  	[tilespmem:s7+$0x6040] =	vst.add.f32.msk $0xffff, v3  }
0x11e: {  	v3 =	vld.idx.msk [tilespmem:v2+s10+$0x50 ss:$0x1], $0xffff;
	_ =	sdelay $0x4  }
0x11f: {  	[tilespmem:s7+$0x50] =	vst.add.f32.msk $0xffff, v3  }
0x120: {  	[tilespmem:s7+$0x2050] =	vst.add.f32.msk $0xffff, v3  }
0x121: {  	[tilespmem:s7+$0x4050] =	vst.add.f32.msk $0xffff, v3  }
0x122: {  	[tilespmem:s7+$0x6050] =	vst.add.f32.msk $0xffff, v3  }
0x123: {  	v3 =	vld.idx.msk [tilespmem:v2+s10+$0x60 ss:$0x1], $0xffff;
	_ =	sdelay $0x4  }
0x124: {  	[tilespmem:s7+$0x60] =	vst.add.f32.msk $0xffff, v3  }
0x125: {  	[tilespmem:s7+$0x2060] =	vst.add.f32.msk $0xffff, v3  }
0x126: {  	[tilespmem:s7+$0x4060] =	vst.add.f32.msk $0xffff, v3  }
0x127: {  	[tilespmem:s7+$0x6060] =	vst.add.f32.msk $0xffff, v3  }
0x128: {  	v3 =	vld.idx.msk [tilespmem:v2+s10+$0x70 ss:$0x1], $0xffff;
	_ =	sdelay $0x4  }
0x129: {  	[tilespmem:s7+$0x70] =	vst.add.f32.msk $0xffff, v3  }
0x12a: {  	[tilespmem:s7+$0x2070] =	vst.add.f32.msk $0xffff, v3  }
0x12b: {  	[tilespmem:s7+$0x4070] =	vst.add.f32.msk $0xffff, v3  }
0x12c: {  	[tilespmem:s7+$0x6070] =	vst.add.f32.msk $0xffff, v3  }
0x12d: {  	v3 =	vld.idx.msk [tilespmem:v2+s10+$0x400 ss:$0x1], $0xffff;
	_ =	sdelay $0x4  }
0x12e: {  	[tilespmem:s7+$0x400] =	vst.add.f32.msk $0xffff, v3  }
0x12f: {  	[tilespmem:s7+$0x2400] =	vst.add.f32.msk $0xffff, v3  }
0x130: {  	[tilespmem:s7+$0x4400] =	vst.add.f32.msk $0xffff, v3  }
0x131: {  	[tilespmem:s7+$0x6400] =	vst.add.f32.msk $0xffff, v3  }
0x132: {  	v3 =	vld.idx.msk [tilespmem:v2+s10+$0x410 ss:$0x1], $0xffff;
	_ =	sdelay $0x4  }
0x133: {  	[tilespmem:s7+$0x410] =	vst.add.f32.msk $0xffff, v3  }
0x134: {  	[tilespmem:s7+$0x2410] =	vst.add.f32.msk $0xffff, v3  }
0x135: {  	[tilespmem:s7+$0x4410] =	vst.add.f32.msk $0xffff, v3  }
0x136: {  	[tilespmem:s7+$0x6410] =	vst.add.f32.msk $0xffff, v3  }
0x137: {  	v3 =	vld.idx.msk [tilespmem:v2+s10+$0x420 ss:$0x1], $0xffff;
	_ =	sdelay $0x4  }
0x138: {  	[tilespmem:s7+$0x420] =	vst.add.f32.msk $0xffff, v3  }
0x139: {  	[tilespmem:s7+$0x2420] =	vst.add.f32.msk $0xffff, v3  }
0x13a: {  	[tilespmem:s7+$0x4420] =	vst.add.f32.msk $0xffff, v3  }
0x13b: {  	[tilespmem:s7+$0x6420] =	vst.add.f32.msk $0xffff, v3  }
0x13c: {  	v3 =	vld.idx.msk [tilespmem:v2+s10+$0x430 ss:$0x1], $0xffff;
	_ =	sdelay $0x4  }
0x13d: {  	[tilespmem:s7+$0x430] =	vst.add.f32.msk $0xffff, v3  }
0x13e: {  	[tilespmem:s7+$0x2430] =	vst.add.f32.msk $0xffff, v3  }
0x13f: {  	[tilespmem:s7+$0x4430] =	vst.add.f32.msk $0xffff, v3  }
0x140: {  	[tilespmem:s7+$0x6430] =	vst.add.f32.msk $0xffff, v3  }
0x141: {  	v3 =	vld.idx.msk [tilespmem:v2+s10+$0x440 ss:$0x1], $0xffff;
	_ =	sdelay $0x4  }
0x142: {  	[tilespmem:s7+$0x440] =	vst.add.f32.msk $0xffff, v3  }
0x143: {  	[tilespmem:s7+$0x2440] =	vst.add.f32.msk $0xffff, v3  }
0x144: {  	[tilespmem:s7+$0x4440] =	vst.add.f32.msk $0xffff, v3  }
0x145: {  	[tilespmem:s7+$0x6440] =	vst.add.f32.msk $0xffff, v3  }
0x146: {  	v3 =	vld.idx.msk [tilespmem:v2+s10+$0x450 ss:$0x1], $0xffff;
	_ =	sdelay $0x4  }
0x147: {  	[tilespmem:s7+$0x450] =	vst.add.f32.msk $0xffff, v3  }
0x148: {  	[tilespmem:s7+$0x2450] =	vst.add.f32.msk $0xffff, v3  }
0x149: {  	[tilespmem:s7+$0x4450] =	vst.add.f32.msk $0xffff, v3  }
0x14a: {  	[tilespmem:s7+$0x6450] =	vst.add.f32.msk $0xffff, v3  }
0x14b: {  	v3 =	vld.idx.msk [tilespmem:v2+s10+$0x460 ss:$0x1], $0xffff;
	_ =	sdelay $0x4  }
0x14c: {  	[tilespmem:s7+$0x460] =	vst.add.f32.msk $0xffff, v3  }
0x14d: {  	[tilespmem:s7+$0x2460] =	vst.add.f32.msk $0xffff, v3  }
0x14e: {  	[tilespmem:s7+$0x4460] =	vst.add.f32.msk $0xffff, v3  }
0x14f: {  	[tilespmem:s7+$0x6460] =	vst.add.f32.msk $0xffff, v3  }
0x150: {  	v3 =	vld.idx.msk [tilespmem:v2+s10+$0x470 ss:$0x1], $0xffff;
	_ =	sdelay $0x4  }
0x151: {  	[tilespmem:s7+$0x470] =	vst.add.f32.msk $0xffff, v3  }
0x152: {  	[tilespmem:s7+$0x2470] =	vst.add.f32.msk $0xffff, v3  }
0x153: {  	[tilespmem:s7+$0x4470] =	vst.add.f32.msk $0xffff, v3  }
0x154: {  	[tilespmem:s7+$0x6470] =	vst.add.f32.msk $0xffff, v3  }
0x155: {  	v3 =	vld.idx.msk [tilespmem:v2+s10+$0x800 ss:$0x1], $0xffff;
	_ =	sdelay $0x4  }
0x156: {  	[tilespmem:s7+$0x800] =	vst.add.f32.msk $0xffff, v3  }
0x157: {  	[tilespmem:s7+$0x2800] =	vst.add.f32.msk $0xffff, v3  }
0x158: {  	[tilespmem:s7+$0x4800] =	vst.add.f32.msk $0xffff, v3  }
0x159: {  	[tilespmem:s7+$0x6800] =	vst.add.f32.msk $0xffff, v3  }
0x15a: {  	v3 =	vld.idx.msk [tilespmem:v2+s10+$0x810 ss:$0x1], $0xffff;
	_ =	sdelay $0x4  }
0x15b: {  	[tilespmem:s7+$0x810] =	vst.add.f32.msk $0xffff, v3  }
0x15c: {  	[tilespmem:s7+$0x2810] =	vst.add.f32.msk $0xffff, v3  }
0x15d: {  	[tilespmem:s7+$0x4810] =	vst.add.f32.msk $0xffff, v3  }
0x15e: {  	[tilespmem:s7+$0x6810] =	vst.add.f32.msk $0xffff, v3  }
0x15f: {  	v3 =	vld.idx.msk [tilespmem:v2+s10+$0x820 ss:$0x1], $0xffff;
	_ =	sdelay $0x4  }
0x160: {  	[tilespmem:s7+$0x820] =	vst.add.f32.msk $0xffff, v3  }
0x161: {  	[tilespmem:s7+$0x2820] =	vst.add.f32.msk $0xffff, v3  }
0x162: {  	[tilespmem:s7+$0x4820] =	vst.add.f32.msk $0xffff, v3  }
0x163: {  	[tilespmem:s7+$0x6820] =	vst.add.f32.msk $0xffff, v3  }
0x164: {  	v3 =	vld.idx.msk [tilespmem:v2+s10+$0x830 ss:$0x1], $0xffff;
	_ =	sdelay $0x4  }
0x165: {  	[tilespmem:s7+$0x830] =	vst.add.f32.msk $0xffff, v3  }
0x166: {  	[tilespmem:s7+$0x2830] =	vst.add.f32.msk $0xffff, v3  }
0x167: {  	[tilespmem:s7+$0x4830] =	vst.add.f32.msk $0xffff, v3  }
0x168: {  	[tilespmem:s7+$0x6830] =	vst.add.f32.msk $0xffff, v3  }
0x169: {  	v3 =	vld.idx.msk [tilespmem:v2+s10+$0x840 ss:$0x1], $0xffff;
	_ =	sdelay $0x4  }
0x16a: {  	[tilespmem:s7+$0x840] =	vst.add.f32.msk $0xffff, v3  }
0x16b: {  	[tilespmem:s7+$0x2840] =	vst.add.f32.msk $0xffff, v3  }
0x16c: {  	[tilespmem:s7+$0x4840] =	vst.add.f32.msk $0xffff, v3  }
0x16d: {  	[tilespmem:s7+$0x6840] =	vst.add.f32.msk $0xffff, v3  }
0x16e: {  	v3 =	vld.idx.msk [tilespmem:v2+s10+$0x850 ss:$0x1], $0xffff;
	_ =	sdelay $0x4  }
0x16f: {  	[tilespmem:s7+$0x850] =	vst.add.f32.msk $0xffff, v3  }
0x170: {  	[tilespmem:s7+$0x2850] =	vst.add.f32.msk $0xffff, v3  }
0x171: {  	[tilespmem:s7+$0x4850] =	vst.add.f32.msk $0xffff, v3  }
0x172: {  	[tilespmem:s7+$0x6850] =	vst.add.f32.msk $0xffff, v3  }
0x173: {  	v3 =	vld.idx.msk [tilespmem:v2+s10+$0x860 ss:$0x1], $0xffff;
	_ =	sdelay $0x4  }
0x174: {  	[tilespmem:s7+$0x860] =	vst.add.f32.msk $0xffff, v3  }
0x175: {  	[tilespmem:s7+$0x2860] =	vst.add.f32.msk $0xffff, v3  }
0x176: {  	[tilespmem:s7+$0x4860] =	vst.add.f32.msk $0xffff, v3  }
0x177: {  	[tilespmem:s7+$0x6860] =	vst.add.f32.msk $0xffff, v3  }
0x178: {  	v3 =	vld.idx.msk [tilespmem:v2+s10+$0x870 ss:$0x1], $0xffff;
	_ =	sdelay $0x4  }
0x179: {  	[tilespmem:s7+$0x870] =	vst.add.f32.msk $0xffff, v3  }
0x17a: {  	[tilespmem:s7+$0x2870] =	vst.add.f32.msk $0xffff, v3  }
0x17b: {  	[tilespmem:s7+$0x4870] =	vst.add.f32.msk $0xffff, v3  }
0x17c: {  	[tilespmem:s7+$0x6870] =	vst.add.f32.msk $0xffff, v3  }
0x17d: {  	v3 =	vld.idx.msk [tilespmem:v2+s10+$0xC00 ss:$0x1], $0xffff;
	_ =	sdelay $0x4  }
0x17e: {  	[tilespmem:s7+$0xC00] =	vst.add.f32.msk $0xffff, v3  }
0x17f: {  	[tilespmem:s7+$0x2C00] =	vst.add.f32.msk $0xffff, v3  }
0x180: {  	[tilespmem:s7+$0x4C00] =	vst.add.f32.msk $0xffff, v3  }
0x181: {  	[tilespmem:s7+$0x6C00] =	vst.add.f32.msk $0xffff, v3  }
0x182: {  	v3 =	vld.idx.msk [tilespmem:v2+s10+$0xC10 ss:$0x1], $0xffff;
	_ =	sdelay $0x4  }
0x183: {  	[tilespmem:s7+$0xC10] =	vst.add.f32.msk $0xffff, v3  }
0x184: {  	[tilespmem:s7+$0x2C10] =	vst.add.f32.msk $0xffff, v3  }
0x185: {  	[tilespmem:s7+$0x4C10] =	vst.add.f32.msk $0xffff, v3  }
0x186: {  	[tilespmem:s7+$0x6C10] =	vst.add.f32.msk $0xffff, v3  }
0x187: {  	v3 =	vld.idx.msk [tilespmem:v2+s10+$0xC20 ss:$0x1], $0xffff;
	_ =	sdelay $0x4  }
0x188: {  	[tilespmem:s7+$0xC20] =	vst.add.f32.msk $0xffff, v3  }
0x189: {  	[tilespmem:s7+$0x2C20] =	vst.add.f32.msk $0xffff, v3  }
0x18a: {  	[tilespmem:s7+$0x4C20] =	vst.add.f32.msk $0xffff, v3  }
0x18b: {  	[tilespmem:s7+$0x6C20] =	vst.add.f32.msk $0xffff, v3  }
0x18c: {  	v3 =	vld.idx.msk [tilespmem:v2+s10+$0xC30 ss:$0x1], $0xffff;
	_ =	sdelay $0x4  }
0x18d: {  	[tilespmem:s7+$0xC30] =	vst.add.f32.msk $0xffff, v3  }
0x18e: {  	[tilespmem:s7+$0x2C30] =	vst.add.f32.msk $0xffff, v3  }
0x18f: {  	[tilespmem:s7+$0x4C30] =	vst.add.f32.msk $0xffff, v3  }
0x190: {  	[tilespmem:s7+$0x6C30] =	vst.add.f32.msk $0xffff, v3  }
0x191: {  	v3 =	vld.idx.msk [tilespmem:v2+s10+$0xC40 ss:$0x1], $0xffff;
	_ =	sdelay $0x4  }
0x192: {  	[tilespmem:s7+$0xC40] =	vst.add.f32.msk $0xffff, v3  }
0x193: {  	[tilespmem:s7+$0x2C40] =	vst.add.f32.msk $0xffff, v3  }
0x194: {  	[tilespmem:s7+$0x4C40] =	vst.add.f32.msk $0xffff, v3  }
0x195: {  	[tilespmem:s7+$0x6C40] =	vst.add.f32.msk $0xffff, v3  }
0x196: {  	v3 =	vld.idx.msk [tilespmem:v2+s10+$0xC50 ss:$0x1], $0xffff;
	_ =	sdelay $0x4  }
0x197: {  	[tilespmem:s7+$0xC50] =	vst.add.f32.msk $0xffff, v3  }
0x198: {  	[tilespmem:s7+$0x2C50] =	vst.add.f32.msk $0xffff, v3  }
0x199: {  	[tilespmem:s7+$0x4C50] =	vst.add.f32.msk $0xffff, v3  }
0x19a: {  	[tilespmem:s7+$0x6C50] =	vst.add.f32.msk $0xffff, v3  }
0x19b: {  	v3 =	vld.idx.msk [tilespmem:v2+s10+$0xC60 ss:$0x1], $0xffff;
	_ =	sdelay $0x4  }
0x19c: {  	[tilespmem:s7+$0xC60] =	vst.add.f32.msk $0xffff, v3  }
0x19d: {  	[tilespmem:s7+$0x2C60] =	vst.add.f32.msk $0xffff, v3  }
0x19e: {  	[tilespmem:s7+$0x4C60] =	vst.add.f32.msk $0xffff, v3  }
0x19f: {  	[tilespmem:s7+$0x6C60] =	vst.add.f32.msk $0xffff, v3  }
0x1a0: {  	v3 =	vld.idx.msk [tilespmem:v2+s10+$0xC70 ss:$0x1], $0xffff;
	_ =	sdelay $0x4  }
0x1a1: {  	[tilespmem:s7+$0xC70] =	vst.add.f32.msk $0xffff, v3  }
0x1a2: {  	[tilespmem:s7+$0x2C70] =	vst.add.f32.msk $0xffff, v3  }
0x1a3: {  	[tilespmem:s7+$0x4C70] =	vst.add.f32.msk $0xffff, v3  }
0x1a4: {  	[tilespmem:s7+$0x6C70] =	vst.add.f32.msk $0xffff, v3  }
0x1a5: {  	v3 =	vld.idx.msk [tilespmem:v2+s10+$0x1000 ss:$0x1], $0xffff;
	_ =	sdelay $0x4  }
0x1a6: {  	[tilespmem:s7+$0x1000] =	vst.add.f32.msk $0xffff, v3  }
0x1a7: {  	[tilespmem:s7+$0x3000] =	vst.add.f32.msk $0xffff, v3  }
0x1a8: {  	[tilespmem:s7+$0x5000] =	vst.add.f32.msk $0xffff, v3  }
0x1a9: {  	[tilespmem:s7+$0x7000] =	vst.add.f32.msk $0xffff, v3  }
0x1aa: {  	v3 =	vld.idx.msk [tilespmem:v2+s10+$0x1010 ss:$0x1], $0xffff;
	_ =	sdelay $0x4  }
0x1ab: {  	[tilespmem:s7+$0x1010] =	vst.add.f32.msk $0xffff, v3  }
0x1ac: {  	[tilespmem:s7+$0x3010] =	vst.add.f32.msk $0xffff, v3  }
0x1ad: {  	[tilespmem:s7+$0x5010] =	vst.add.f32.msk $0xffff, v3  }
0x1ae: {  	[tilespmem:s7+$0x7010] =	vst.add.f32.msk $0xffff, v3  }
0x1af: {  	v3 =	vld.idx.msk [tilespmem:v2+s10+$0x1020 ss:$0x1], $0xffff;
	_ =	sdelay $0x4  }
0x1b0: {  	[tilespmem:s7+$0x1020] =	vst.add.f32.msk $0xffff, v3  }
0x1b1: {  	[tilespmem:s7+$0x3020] =	vst.add.f32.msk $0xffff, v3  }
0x1b2: {  	[tilespmem:s7+$0x5020] =	vst.add.f32.msk $0xffff, v3  }
0x1b3: {  	[tilespmem:s7+$0x7020] =	vst.add.f32.msk $0xffff, v3  }
0x1b4: {  	v3 =	vld.idx.msk [tilespmem:v2+s10+$0x1030 ss:$0x1], $0xffff;
	_ =	sdelay $0x4  }
0x1b5: {  	[tilespmem:s7+$0x1030] =	vst.add.f32.msk $0xffff, v3  }
0x1b6: {  	[tilespmem:s7+$0x3030] =	vst.add.f32.msk $0xffff, v3  }
0x1b7: {  	[tilespmem:s7+$0x5030] =	vst.add.f32.msk $0xffff, v3  }
0x1b8: {  	[tilespmem:s7+$0x7030] =	vst.add.f32.msk $0xffff, v3  }
0x1b9: {  	v3 =	vld.idx.msk [tilespmem:v2+s10+$0x1040 ss:$0x1], $0xffff;
	_ =	sdelay $0x4  }
0x1ba: {  	[tilespmem:s7+$0x1040] =	vst.add.f32.msk $0xffff, v3  }
0x1bb: {  	[tilespmem:s7+$0x3040] =	vst.add.f32.msk $0xffff, v3  }
0x1bc: {  	[tilespmem:s7+$0x5040] =	vst.add.f32.msk $0xffff, v3  }
0x1bd: {  	[tilespmem:s7+$0x7040] =	vst.add.f32.msk $0xffff, v3  }
0x1be: {  	v3 =	vld.idx.msk [tilespmem:v2+s10+$0x1050 ss:$0x1], $0xffff;
	_ =	sdelay $0x4  }
0x1bf: {  	[tilespmem:s7+$0x1050] =	vst.add.f32.msk $0xffff, v3  }
0x1c0: {  	[tilespmem:s7+$0x3050] =	vst.add.f32.msk $0xffff, v3  }
0x1c1: {  	[tilespmem:s7+$0x5050] =	vst.add.f32.msk $0xffff, v3  }
0x1c2: {  	[tilespmem:s7+$0x7050] =	vst.add.f32.msk $0xffff, v3  }
0x1c3: {  	v3 =	vld.idx.msk [tilespmem:v2+s10+$0x1060 ss:$0x1], $0xffff;
	_ =	sdelay $0x4  }
0x1c4: {  	[tilespmem:s7+$0x1060] =	vst.add.f32.msk $0xffff, v3  }
0x1c5: {  	[tilespmem:s7+$0x3060] =	vst.add.f32.msk $0xffff, v3  }
0x1c6: {  	[tilespmem:s7+$0x5060] =	vst.add.f32.msk $0xffff, v3  }
0x1c7: {  	[tilespmem:s7+$0x7060] =	vst.add.f32.msk $0xffff, v3  }
0x1c8: {  	v3 =	vld.idx.msk [tilespmem:v2+s10+$0x1070 ss:$0x1], $0xffff;
	_ =	sdelay $0x4  }
0x1c9: {  	[tilespmem:s7+$0x1070] =	vst.add.f32.msk $0xffff, v3  }
0x1ca: {  	[tilespmem:s7+$0x3070] =	vst.add.f32.msk $0xffff, v3  }
0x1cb: {  	[tilespmem:s7+$0x5070] =	vst.add.f32.msk $0xffff, v3  }
0x1cc: {  	[tilespmem:s7+$0x7070] =	vst.add.f32.msk $0xffff, v3  }
0x1cd: {  	v3 =	vld.idx.msk [tilespmem:v2+s10+$0x1400 ss:$0x1], $0xffff;
	_ =	sdelay $0x4  }
0x1ce: {  	[tilespmem:s7+$0x1400] =	vst.add.f32.msk $0xffff, v3  }
0x1cf: {  	[tilespmem:s7+$0x3400] =	vst.add.f32.msk $0xffff, v3  }
0x1d0: {  	[tilespmem:s7+$0x5400] =	vst.add.f32.msk $0xffff, v3  }
0x1d1: {  	[tilespmem:s7+$0x7400] =	vst.add.f32.msk $0xffff, v3  }
0x1d2: {  	v3 =	vld.idx.msk [tilespmem:v2+s10+$0x1410 ss:$0x1], $0xffff;
	_ =	sdelay $0x4  }
0x1d3: {  	[tilespmem:s7+$0x1410] =	vst.add.f32.msk $0xffff, v3  }
0x1d4: {  	[tilespmem:s7+$0x3410] =	vst.add.f32.msk $0xffff, v3  }
0x1d5: {  	[tilespmem:s7+$0x5410] =	vst.add.f32.msk $0xffff, v3  }
0x1d6: {  	[tilespmem:s7+$0x7410] =	vst.add.f32.msk $0xffff, v3  }
0x1d7: {  	v3 =	vld.idx.msk [tilespmem:v2+s10+$0x1420 ss:$0x1], $0xffff;
	_ =	sdelay $0x4  }
0x1d8: {  	[tilespmem:s7+$0x1420] =	vst.add.f32.msk $0xffff, v3  }
0x1d9: {  	[tilespmem:s7+$0x3420] =	vst.add.f32.msk $0xffff, v3  }
0x1da: {  	[tilespmem:s7+$0x5420] =	vst.add.f32.msk $0xffff, v3  }
0x1db: {  	[tilespmem:s7+$0x7420] =	vst.add.f32.msk $0xffff, v3  }
0x1dc: {  	v3 =	vld.idx.msk [tilespmem:v2+s10+$0x1430 ss:$0x1], $0xffff;
	_ =	sdelay $0x4  }
0x1dd: {  	[tilespmem:s7+$0x1430] =	vst.add.f32.msk $0xffff, v3  }
0x1de: {  	[tilespmem:s7+$0x3430] =	vst.add.f32.msk $0xffff, v3  }
0x1df: {  	[tilespmem:s7+$0x5430] =	vst.add.f32.msk $0xffff, v3  }
0x1e0: {  	[tilespmem:s7+$0x7430] =	vst.add.f32.msk $0xffff, v3  }
0x1e1: {  	v3 =	vld.idx.msk [tilespmem:v2+s10+$0x1440 ss:$0x1], $0xffff;
	_ =	sdelay $0x4  }
0x1e2: {  	[tilespmem:s7+$0x1440] =	vst.add.f32.msk $0xffff, v3  }
0x1e3: {  	[tilespmem:s7+$0x3440] =	vst.add.f32.msk $0xffff, v3  }
0x1e4: {  	[tilespmem:s7+$0x5440] =	vst.add.f32.msk $0xffff, v3  }
0x1e5: {  	[tilespmem:s7+$0x7440] =	vst.add.f32.msk $0xffff, v3  }
0x1e6: {  	v3 =	vld.idx.msk [tilespmem:v2+s10+$0x1450 ss:$0x1], $0xffff;
	_ =	sdelay $0x4  }
0x1e7: {  	[tilespmem:s7+$0x1450] =	vst.add.f32.msk $0xffff, v3  }
0x1e8: {  	[tilespmem:s7+$0x3450] =	vst.add.f32.msk $0xffff, v3  }
0x1e9: {  	[tilespmem:s7+$0x5450] =	vst.add.f32.msk $0xffff, v3  }
0x1ea: {  	[tilespmem:s7+$0x7450] =	vst.add.f32.msk $0xffff, v3  }
0x1eb: {  	v3 =	vld.idx.msk [tilespmem:v2+s10+$0x1460 ss:$0x1], $0xffff;
	_ =	sdelay $0x4  }
0x1ec: {  	[tilespmem:s7+$0x1460] =	vst.add.f32.msk $0xffff, v3  }
0x1ed: {  	[tilespmem:s7+$0x3460] =	vst.add.f32.msk $0xffff, v3  }
0x1ee: {  	[tilespmem:s7+$0x5460] =	vst.add.f32.msk $0xffff, v3  }
0x1ef: {  	[tilespmem:s7+$0x7460] =	vst.add.f32.msk $0xffff, v3  }
0x1f0: {  	v3 =	vld.idx.msk [tilespmem:v2+s10+$0x1470 ss:$0x1], $0xffff;
	_ =	sdelay $0x4  }
0x1f1: {  	[tilespmem:s7+$0x1470] =	vst.add.f32.msk $0xffff, v3  }
0x1f2: {  	[tilespmem:s7+$0x3470] =	vst.add.f32.msk $0xffff, v3  }
0x1f3: {  	[tilespmem:s7+$0x5470] =	vst.add.f32.msk $0xffff, v3  }
0x1f4: {  	[tilespmem:s7+$0x7470] =	vst.add.f32.msk $0xffff, v3  }
0x1f5: {  	v3 =	vld.idx.msk [tilespmem:v2+s10+$0x1800 ss:$0x1], $0xffff;
	_ =	sdelay $0x4  }
0x1f6: {  	[tilespmem:s7+$0x1800] =	vst.add.f32.msk $0xffff, v3  }
0x1f7: {  	[tilespmem:s7+$0x3800] =	vst.add.f32.msk $0xffff, v3  }
0x1f8: {  	[tilespmem:s7+$0x5800] =	vst.add.f32.msk $0xffff, v3  }
0x1f9: {  	[tilespmem:s7+$0x7800] =	vst.add.f32.msk $0xffff, v3  }
0x1fa: {  	v3 =	vld.idx.msk [tilespmem:v2+s10+$0x1810 ss:$0x1], $0xffff;
	_ =	sdelay $0x4  }
0x1fb: {  	[tilespmem:s7+$0x1810] =	vst.add.f32.msk $0xffff, v3  }
0x1fc: {  	[tilespmem:s7+$0x3810] =	vst.add.f32.msk $0xffff, v3  }
0x1fd: {  	[tilespmem:s7+$0x5810] =	vst.add.f32.msk $0xffff, v3  }
0x1fe: {  	[tilespmem:s7+$0x7810] =	vst.add.f32.msk $0xffff, v3  }
0x1ff: {  	v3 =	vld.idx.msk [tilespmem:v2+s10+$0x1820 ss:$0x1], $0xffff;
	_ =	sdelay $0x4  }
0x200: {  	[tilespmem:s7+$0x1820] =	vst.add.f32.msk $0xffff, v3  }
0x201: {  	[tilespmem:s7+$0x3820] =	vst.add.f32.msk $0xffff, v3  }
0x202: {  	[tilespmem:s7+$0x5820] =	vst.add.f32.msk $0xffff, v3  }
0x203: {  	[tilespmem:s7+$0x7820] =	vst.add.f32.msk $0xffff, v3  }
0x204: {  	v3 =	vld.idx.msk [tilespmem:v2+s10+$0x1830 ss:$0x1], $0xffff;
	_ =	sdelay $0x4  }
0x205: {  	[tilespmem:s7+$0x1830] =	vst.add.f32.msk $0xffff, v3  }
0x206: {  	[tilespmem:s7+$0x3830] =	vst.add.f32.msk $0xffff, v3  }
0x207: {  	[tilespmem:s7+$0x5830] =	vst.add.f32.msk $0xffff, v3  }
0x208: {  	[tilespmem:s7+$0x7830] =	vst.add.f32.msk $0xffff, v3  }
0x209: {  	v3 =	vld.idx.msk [tilespmem:v2+s10+$0x1840 ss:$0x1], $0xffff;
	_ =	sdelay $0x4  }
0x20a: {  	[tilespmem:s7+$0x1840] =	vst.add.f32.msk $0xffff, v3  }
0x20b: {  	[tilespmem:s7+$0x3840] =	vst.add.f32.msk $0xffff, v3  }
0x20c: {  	[tilespmem:s7+$0x5840] =	vst.add.f32.msk $0xffff, v3  }
0x20d: {  	[tilespmem:s7+$0x7840] =	vst.add.f32.msk $0xffff, v3  }
0x20e: {  	v3 =	vld.idx.msk [tilespmem:v2+s10+$0x1850 ss:$0x1], $0xffff;
	_ =	sdelay $0x4  }
0x20f: {  	[tilespmem:s7+$0x1850] =	vst.add.f32.msk $0xffff, v3  }
0x210: {  	[tilespmem:s7+$0x3850] =	vst.add.f32.msk $0xffff, v3  }
0x211: {  	[tilespmem:s7+$0x5850] =	vst.add.f32.msk $0xffff, v3  }
0x212: {  	[tilespmem:s7+$0x7850] =	vst.add.f32.msk $0xffff, v3  }
0x213: {  	v3 =	vld.idx.msk [tilespmem:v2+s10+$0x1860 ss:$0x1], $0xffff;
	_ =	sdelay $0x4  }
0x214: {  	[tilespmem:s7+$0x1860] =	vst.add.f32.msk $0xffff, v3  }
0x215: {  	[tilespmem:s7+$0x3860] =	vst.add.f32.msk $0xffff, v3  }
0x216: {  	[tilespmem:s7+$0x5860] =	vst.add.f32.msk $0xffff, v3  }
0x217: {  	[tilespmem:s7+$0x7860] =	vst.add.f32.msk $0xffff, v3  }
0x218: {  	v3 =	vld.idx.msk [tilespmem:v2+s10+$0x1870 ss:$0x1], $0xffff;
	_ =	sdelay $0x4  }
0x219: {  	[tilespmem:s7+$0x1870] =	vst.add.f32.msk $0xffff, v3  }
0x21a: {  	[tilespmem:s7+$0x3870] =	vst.add.f32.msk $0xffff, v3  }
0x21b: {  	[tilespmem:s7+$0x5870] =	vst.add.f32.msk $0xffff, v3  }
0x21c: {  	[tilespmem:s7+$0x7870] =	vst.add.f32.msk $0xffff, v3  }
0x21d: {  	v3 =	vld.idx.msk [tilespmem:v2+s10+$0x1C00 ss:$0x1], $0xffff;
	_ =	sdelay $0x4  }
0x21e: {  	[tilespmem:s7+$0x1C00] =	vst.add.f32.msk $0xffff, v3  }
0x21f: {  	[tilespmem:s7+$0x3C00] =	vst.add.f32.msk $0xffff, v3  }
0x220: {  	[tilespmem:s7+$0x5C00] =	vst.add.f32.msk $0xffff, v3  }
0x221: {  	[tilespmem:s7+$0x7C00] =	vst.add.f32.msk $0xffff, v3  }
0x222: {  	v3 =	vld.idx.msk [tilespmem:v2+s10+$0x1C10 ss:$0x1], $0xffff;
	_ =	sdelay $0x4  }
0x223: {  	[tilespmem:s7+$0x1C10] =	vst.add.f32.msk $0xffff, v3  }
0x224: {  	[tilespmem:s7+$0x3C10] =	vst.add.f32.msk $0xffff, v3  }
0x225: {  	[tilespmem:s7+$0x5C10] =	vst.add.f32.msk $0xffff, v3  }
0x226: {  	[tilespmem:s7+$0x7C10] =	vst.add.f32.msk $0xffff, v3  }
0x227: {  	v3 =	vld.idx.msk [tilespmem:v2+s10+$0x1C20 ss:$0x1], $0xffff;
	_ =	sdelay $0x4  }
0x228: {  	[tilespmem:s7+$0x1C20] =	vst.add.f32.msk $0xffff, v3  }
0x229: {  	[tilespmem:s7+$0x3C20] =	vst.add.f32.msk $0xffff, v3  }
0x22a: {  	[tilespmem:s7+$0x5C20] =	vst.add.f32.msk $0xffff, v3  }
0x22b: {  	[tilespmem:s7+$0x7C20] =	vst.add.f32.msk $0xffff, v3  }
0x22c: {  	v3 =	vld.idx.msk [tilespmem:v2+s10+$0x1C30 ss:$0x1], $0xffff;
	_ =	sdelay $0x4  }
0x22d: {  	[tilespmem:s7+$0x1C30] =	vst.add.f32.msk $0xffff, v3  }
0x22e: {  	[tilespmem:s7+$0x3C30] =	vst.add.f32.msk $0xffff, v3  }
0x22f: {  	[tilespmem:s7+$0x5C30] =	vst.add.f32.msk $0xffff, v3  }
0x230: {  	[tilespmem:s7+$0x7C30] =	vst.add.f32.msk $0xffff, v3  }
0x231: {  	v3 =	vld.idx.msk [tilespmem:v2+s10+$0x1C40 ss:$0x1], $0xffff;
	_ =	sdelay $0x4  }
0x232: {  	[tilespmem:s7+$0x1C40] =	vst.add.f32.msk $0xffff, v3  }
0x233: {  	[tilespmem:s7+$0x3C40] =	vst.add.f32.msk $0xffff, v3  }
0x234: {  	[tilespmem:s7+$0x5C40] =	vst.add.f32.msk $0xffff, v3  }
0x235: {  	[tilespmem:s7+$0x7C40] =	vst.add.f32.msk $0xffff, v3  }
0x236: {  	v3 =	vld.idx.msk [tilespmem:v2+s10+$0x1C50 ss:$0x1], $0xffff;
	_ =	sdelay $0x4  }
0x237: {  	[tilespmem:s7+$0x1C50] =	vst.add.f32.msk $0xffff, v3  }
0x238: {  	[tilespmem:s7+$0x3C50] =	vst.add.f32.msk $0xffff, v3  }
0x239: {  	[tilespmem:s7+$0x5C50] =	vst.add.f32.msk $0xffff, v3  }
0x23a: {  	[tilespmem:s7+$0x7C50] =	vst.add.f32.msk $0xffff, v3  }
0x23b: {  	v3 =	vld.idx.msk [tilespmem:v2+s10+$0x1C60 ss:$0x1], $0xffff;
	_ =	sdelay $0x4  }
0x23c: {  	[tilespmem:s7+$0x1C60] =	vst.add.f32.msk $0xffff, v3  }
0x23d: {  	[tilespmem:s7+$0x3C60] =	vst.add.f32.msk $0xffff, v3  }
0x23e: {  	[tilespmem:s7+$0x5C60] =	vst.add.f32.msk $0xffff, v3  }
0x23f: {  	[tilespmem:s7+$0x7C60] =	vst.add.f32.msk $0xffff, v3  }
0x240: {  	v3 =	vld.idx.msk [tilespmem:v2+s10+$0x1C70 ss:$0x1], $0xffff;
	_ =	sdelay $0x2  }
0x241: {  	p1 =	sne.s32 s17, $0x7  }
.Ltmp4:
0x242: {  	_ = 	snop;
	(pc) =	sbr.rel @p1 .LBB2_3-.Ltmp4, $4  }
0x243: {  	[tilespmem:s7+$0x1C70] =	vst.add.f32.msk $0xffff, v3  }
0x244: {  	[tilespmem:s7+$0x3C70] =	vst.add.f32.msk $0xffff, v3  }
0x245: {  	[tilespmem:s7+$0x5C70] =	vst.add.f32.msk $0xffff, v3  }
0x246: {  	s17 =	sadd.s32 $0x1, s17;
	[tilespmem:s7+$0x7C70] =	vst.add.f32.msk $0xffff, v3  }
0x247: {  	s7 =	sadd.s32 @p0 s16, s8  }
0x248: {  	s10 =	simm.s32 @p0 $0x2000;
	s7 =	sshll.u32 @p0 s7, $0xA  }
0x249: {  	s12 =	simm.s32 @p0 $0x200000;
	s17 =	simm.s32 @p0 $0xE200;
	s7 =	sadd.s32 @p0 s4, s7  }
0x24a: {  	[hbm4b:s7+s10] =	stream.strided.scatter @p0 [tilespmem:s17], [sflag:$0x5], $0x8000, s12, s10, $0x38;
	[tilespmem:$0x1E200] =	vst v63  }
0x24b: {  	s7 =	sand.u32 @!p0 $0xFF, s11  }
0x24c: {  	p1 =	sne.s32 @!p0 s7, $0x0  }
0x24d: {  	p0 =	por p1, p0  }
0x24e: {  	s7 =	sadd.s32 @!p0 s16, s8  }
0x24f: {  	s10 =	simm.s32 @!p0 $0x2000;
	s7 =	sshll.u32 @!p0 s7, $0xA  }
0x250: {  	s11 =	simm.s32 @!p0 $0x200000;
	s12 =	simm.s32 @!p0 $0x6200;
	s7 =	sadd.s32 @!p0 s4, s7  }
0x251: {  	[hbm4b:s7+s10] =	stream.strided.scatter @!p0 [tilespmem:s12], [sflag:$0x4], $0x8000, s11, s10, $0x38;
	[tilespmem:$0x1E200] =	vst v63  }
0x252: {  	p0 =	slt.u32 s9, $0x2  }
0x253: {  	s7 =	sadd.s32 @!p0 s16, s8  }
0x254: {  	s9 =	simm.s32 @!p0 $0x2000;
	s7 =	sshll.u32 @!p0 s7, $0xA  }
0x255: {  	s10 =	simm.s32 @!p0 $0x200000;
	s11 =	simm.s32 @!p0 $0x16200;
	s7 =	sadd.s32 @!p0 s4, s7  }
0x256: {  	[hbm4b:s7+s9] =	stream.strided.scatter @!p0 [tilespmem:s11], [sflag:$0x6], $0x8000, s10, s9, $0x38;
	[tilespmem:$0x1E200] =	vst v63  }
0x257: {  	p0 =	sgt.u32 s8, $0x5  }
.Ltmp5:
0x258: {  	_ = 	snop;
	(pc) =	sbr.rel @p0 .LBB2_10-.Ltmp5, $1  }
0x259: {  	_ =	sdelay $0x3  }
0x25a: {  	s7 =	sadd.s32 $0x2, s8  }
0x25b: {  	s9 =	smul.u32 $0xAB, s7;
	_ =	sdelay $0x1  }
0x25c: {  	s9 =	sshrl.u32 s9, $0x9  }
0x25d: {  	s9 =	sand.u32 $0x7F, s9  }
0x25e: {  	s9 =	smul.u32 $0x3, s9;
	_ =	sdelay $0x1  }
0x25f: {  	s9 =	ssub.s32 s7, s9  }
0x260: {  	s9 =	sand.u32 $0xFF, s9  }
0x261: {  	p0 =	seq.s32 s9, $0x2  }
.Ltmp6:
0x262: {  	_ = 	snop;
	(pc) =	sbr.rel @p0 .LBB2_9-.Ltmp6, $1  }
0x263: {  	_ =	sdelay $0x3  }
0x264: {  	p0 =	seq.s32 s9, $0x1  }
.Ltmp7:
0x265: {  	_ = 	snop;
	(pc) =	sbr.rel @!p0 .LBB2_7-.Ltmp7, $1  }
0x266: {  	_ =	sdelay $0x3  }
0x267: {  	p0 =	seq.s32 s8, $0x0  }
0x268: {  	s7 =	sshll.u32 s7, $0x3;
	s9 =	simm.s32 @!p0 $0x5  }
0x269: {  	s10 =	sadd.s32 s5, s7;
	_ =	swait.ge @!p0 [sflag:s9], $0x8000  }
0x26a: {  	s10 =	sshll.u32 s10, $0x7;
	[sflag:s9] =	ssyncset.done @!p0 $0x0  }
0x26b: {  	s21 =	simm.s32 $0x2200;
	s17 =	sadd.s32 s3, s10;
	[sflag:s9] =	ssyncadd.s32 @!p0 $0xFFFF8000  }
0x26c: {  	[tilespmem:s21], [sflag:$0x2] =	stream.linear.gather [hbm4b:s17+s6], $0x2000, $0x38;
	[tilespmem:$0x1E200] =	vst v63  }
0x26d: {  	v2 =	vld.msk [tilespmem:s7+$0x0], $0xff;
	_ =	sdelay $0x4  }
0x26e: {  	v3 =	vshll.u32 v2, $0x3  }
0x26f: {  	v2 =	vand.u32 $0x7, v2;
	v3 =	vand.u32 $0xFFFFFFC0, v3  }
0x270: {  	v2 =	vor.u32 v2, v3  }
0x271: {  	v2 =	vperm.xlane v2, v0;
	_ =	sdelay $0x1  }
0x272: {  	v2 =	vadd.s32 v1, v2;
	_ =	sdelay $0x3  }
0x273: {  	s11 =	simm.s32 $0xE200  }
0x274: {  	[tilespmem:s11], [sflag:$0x2] =	stream.indirect_vreg.gather [hbm4b:s1+s6], $0x80, v2, vm0, $0xb8;
	[tilespmem:$0x1E200] =	vst v63  }
0x275: {  	s12 =	simm.s32 $0xEA00  }
0x276: {  	[tilespmem:s12], [sflag:$0x2] =	stream.indirect_vreg.gather [hbm4b:s13+s6], $0x80, v2, vm0, $0xb8;
	[tilespmem:$0x1E200] =	vst v63  }
0x277: {  	s17 =	simm.s32 $0xF200  }
0x278: {  	[tilespmem:s17], [sflag:$0x2] =	stream.indirect_vreg.gather [hbm4b:s14+s6], $0x80, v2, vm0, $0xb8;
	[tilespmem:$0x1E200] =	vst v63  }
0x279: {  	s21 =	simm.s32 $0xFA00  }
0x27a: {  	[tilespmem:s21], [sflag:$0x2] =	stream.indirect_vreg.gather [hbm4b:s15+s6], $0x80, v2, vm0, $0xb8;
	[tilespmem:$0x1E200] =	vst v63  }
0x27b: {  	v2 =	vld.msk [tilespmem:s7+$0x80], $0xff;
	_ =	sdelay $0x4  }
0x27c: {  	v3 =	vshll.u32 v2, $0x3  }
0x27d: {  	v2 =	vand.u32 $0x7, v2;
	v3 =	vand.u32 $0xFFFFFFC0, v3  }
0x27e: {  	v2 =	vor.u32 v2, v3  }
0x27f: {  	v2 =	vperm.xlane v2, v0;
	_ =	sdelay $0x1  }
0x280: {  	v2 =	vadd.s32 v1, v2;
	_ =	sdelay $0x4  }
0x281: {  	[tilespmem:s22], [sflag:$0x2] =	stream.indirect_vreg.gather [hbm4b:s1+s6], $0x80, v2, vm0, $0xb8;
	[tilespmem:$0x1E200] =	vst v63  }
0x282: {  	_ = 	snop  }
0x283: {  	[tilespmem:s24], [sflag:$0x2] =	stream.indirect_vreg.gather [hbm4b:s13+s6], $0x80, v2, vm0, $0xb8;
	[tilespmem:$0x1E200] =	vst v63  }
0x284: {  	_ = 	snop  }
0x285: {  	[tilespmem:s25], [sflag:$0x2] =	stream.indirect_vreg.gather [hbm4b:s14+s6], $0x80, v2, vm0, $0xb8;
	[tilespmem:$0x1E200] =	vst v63  }
0x286: {  	_ = 	snop  }
0x287: {  	[tilespmem:s26], [sflag:$0x2] =	stream.indirect_vreg.gather [hbm4b:s15+s6], $0x80, v2, vm0, $0xb8;
	[tilespmem:$0x1E200] =	vst v63  }
0x288: {  	v2 =	vld.msk [tilespmem:s7+$0x100], $0xff;
	_ =	sdelay $0x4  }
0x289: {  	v3 =	vshll.u32 v2, $0x3  }
0x28a: {  	v2 =	vand.u32 $0x7, v2;
	v3 =	vand.u32 $0xFFFFFFC0, v3  }
0x28b: {  	v2 =	vor.u32 v2, v3  }
0x28c: {  	v2 =	vperm.xlane v2, v0;
	_ =	sdelay $0x1  }
0x28d: {  	v2 =	vadd.s32 v1, v2;
	_ =	sdelay $0x4  }
0x28e: {  	[tilespmem:s28], [sflag:$0x2] =	stream.indirect_vreg.gather [hbm4b:s1+s6], $0x80, v2, vm0, $0xb8;
	[tilespmem:$0x1E200] =	vst v63  }
0x28f: {  	_ = 	snop  }
0x290: {  	[tilespmem:s29], [sflag:$0x2] =	stream.indirect_vreg.gather [hbm4b:s13+s6], $0x80, v2, vm0, $0xb8;
	[tilespmem:$0x1E200] =	vst v63  }
0x291: {  	_ = 	snop  }
0x292: {  	[tilespmem:s30], [sflag:$0x2] =	stream.indirect_vreg.gather [hbm4b:s14+s6], $0x80, v2, vm0, $0xb8;
	[tilespmem:$0x1E200] =	vst v63  }
0x293: {  	_ = 	snop  }
0x294: {  	[tilespmem:s31], [sflag:$0x2] =	stream.indirect_vreg.gather [hbm4b:s15+s6], $0x80, v2, vm0, $0xb8;
	[tilespmem:$0x1E200] =	vst v63  }
0x295: {  	v2 =	vld.msk [tilespmem:s7+$0x180], $0xff;
	_ =	sdelay $0x4  }
0x296: {  	v3 =	vshll.u32 v2, $0x3  }
0x297: {  	v2 =	vand.u32 $0x7, v2;
	v3 =	vand.u32 $0xFFFFFFC0, v3  }
0x298: {  	v2 =	vor.u32 v2, v3  }
0x299: {  	v2 =	vperm.xlane v2, v0;
	_ =	sdelay $0x1  }
0x29a: {  	v2 =	vadd.s32 v1, v2;
	_ =	sdelay $0x4  }
0x29b: {  	[tilespmem:s2], [sflag:$0x2] =	stream.indirect_vreg.gather [hbm4b:s1+s6], $0x80, v2, vm0, $0xb8;
	[tilespmem:$0x1E200] =	vst v63  }
0x29c: {  	_ = 	snop  }
0x29d: {  	[tilespmem:s0], [sflag:$0x2] =	stream.indirect_vreg.gather [hbm4b:s13+s6], $0x80, v2, vm0, $0xb8;
	[tilespmem:$0x1E200] =	vst v63  }
.Ltmp8:
0x29e: {  	_ = 	snop;
	(pc) =	sbr.rel .LBB2_10-.Ltmp8, $4  }
0x29f: {  	_ = 	snop  }
0x2a0: {  	[tilespmem:s18], [sflag:$0x2] =	stream.indirect_vreg.gather [hbm4b:s14+s6], $0x80, v2, vm0, $0xb8;
	[tilespmem:$0x1E200] =	vst v63  }
0x2a1: {  	_ = 	snop  }
0x2a2: {  	[tilespmem:s19], [sflag:$0x2] =	stream.indirect_vreg.gather [hbm4b:s15+s6], $0x80, v2, vm0, $0xb8;
	[tilespmem:$0x1E200] =	vst v63  }
.LBB2_7:
0x2a3: {  	p0 =	seq.s32 s8, $0x0  }
0x2a4: {  	s7 =	sshll.u32 s7, $0x3;
	s9 =	simm.s32 @!p0 $0x4  }
0x2a5: {  	s10 =	sadd.s32 s5, s7;
	_ =	swait.ge @!p0 [sflag:s9], $0x8000  }
0x2a6: {  	s10 =	sshll.u32 s10, $0x7;
	[sflag:s9] =	ssyncset.done @!p0 $0x0  }
0x2a7: {  	s17 =	simm.s32 $0x200;
	s12 =	sadd.s32 s3, s10;
	[sflag:s9] =	ssyncadd.s32 @!p0 $0xFFFF8000  }
0x2a8: {  	[tilespmem:s17], [sflag:$0x1] =	stream.linear.gather [hbm4b:s12+s6], $0x2000, $0x38;
	[tilespmem:$0x1E200] =	vst v63  }
0x2a9: {  	v2 =	vld.msk [tilespmem:s7+$0x0], $0xff;
	_ =	sdelay $0x4  }
0x2aa: {  	v3 =	vshll.u32 v2, $0x3  }
0x2ab: {  	v2 =	vand.u32 $0x7, v2;
	v3 =	vand.u32 $0xFFFFFFC0, v3  }
0x2ac: {  	v2 =	vor.u32 v2, v3  }
0x2ad: {  	v2 =	vperm.xlane v2, v0;
	_ =	sdelay $0x1  }
0x2ae: {  	v2 =	vadd.s32 v1, v2;
	_ =	sdelay $0x3  }
0x2af: {  	s21 =	simm.s32 $0x6200  }
0x2b0: {  	[tilespmem:s21], [sflag:$0x1] =	stream.indirect_vreg.gather [hbm4b:s1+s6], $0x80, v2, vm0, $0xb8;
	[tilespmem:$0x1E200] =	vst v63  }
0x2b1: {  	s10 =	simm.s32 $0x6A00  }
0x2b2: {  	[tilespmem:s10], [sflag:$0x1] =	stream.indirect_vreg.gather [hbm4b:s13+s6], $0x80, v2, vm0, $0xb8;
	[tilespmem:$0x1E200] =	vst v63  }
0x2b3: {  	s11 =	simm.s32 $0x7200  }
0x2b4: {  	[tilespmem:s11], [sflag:$0x1] =	stream.indirect_vreg.gather [hbm4b:s14+s6], $0x80, v2, vm0, $0xb8;
	[tilespmem:$0x1E200] =	vst v63  }
0x2b5: {  	s12 =	simm.s32 $0x7A00  }
0x2b6: {  	[tilespmem:s12], [sflag:$0x1] =	stream.indirect_vreg.gather [hbm4b:s15+s6], $0x80, v2, vm0, $0xb8;
	[tilespmem:$0x1E200] =	vst v63  }
0x2b7: {  	v2 =	vld.msk [tilespmem:s7+$0x80], $0xff;
	_ =	sdelay $0x4  }
0x2b8: {  	v3 =	vshll.u32 v2, $0x3  }
0x2b9: {  	v2 =	vand.u32 $0x7, v2;
	v3 =	vand.u32 $0xFFFFFFC0, v3  }
0x2ba: {  	v2 =	vor.u32 v2, v3  }
0x2bb: {  	v2 =	vperm.xlane v2, v0;
	_ =	sdelay $0x1  }
0x2bc: {  	v2 =	vadd.s32 v1, v2;
	_ =	sdelay $0x3  }
0x2bd: {  	s17 =	simm.s32 $0x8200  }
0x2be: {  	[tilespmem:s17], [sflag:$0x1] =	stream.indirect_vreg.gather [hbm4b:s1+s6], $0x80, v2, vm0, $0xb8;
	[tilespmem:$0x1E200] =	vst v63  }
0x2bf: {  	s21 =	simm.s32 $0x8A00  }
0x2c0: {  	[tilespmem:s21], [sflag:$0x1] =	stream.indirect_vreg.gather [hbm4b:s13+s6], $0x80, v2, vm0, $0xb8;
	[tilespmem:$0x1E200] =	vst v63  }
0x2c1: {  	s10 =	simm.s32 $0x9200  }
0x2c2: {  	[tilespmem:s10], [sflag:$0x1] =	stream.indirect_vreg.gather [hbm4b:s14+s6], $0x80, v2, vm0, $0xb8;
	[tilespmem:$0x1E200] =	vst v63  }
0x2c3: {  	s11 =	simm.s32 $0x9A00  }
0x2c4: {  	[tilespmem:s11], [sflag:$0x1] =	stream.indirect_vreg.gather [hbm4b:s15+s6], $0x80, v2, vm0, $0xb8;
	[tilespmem:$0x1E200] =	vst v63  }
0x2c5: {  	v2 =	vld.msk [tilespmem:s7+$0x100], $0xff;
	_ =	sdelay $0x4  }
0x2c6: {  	v3 =	vshll.u32 v2, $0x3  }
0x2c7: {  	v2 =	vand.u32 $0x7, v2;
	v3 =	vand.u32 $0xFFFFFFC0, v3  }
0x2c8: {  	v2 =	vor.u32 v2, v3  }
0x2c9: {  	v2 =	vperm.xlane v2, v0;
	_ =	sdelay $0x1  }
0x2ca: {  	v2 =	vadd.s32 v1, v2;
	_ =	sdelay $0x3  }
0x2cb: {  	s12 =	simm.s32 $0xA200  }
0x2cc: {  	[tilespmem:s12], [sflag:$0x1] =	stream.indirect_vreg.gather [hbm4b:s1+s6], $0x80, v2, vm0, $0xb8;
	[tilespmem:$0x1E200] =	vst v63  }
0x2cd: {  	s17 =	simm.s32 $0xAA00  }
0x2ce: {  	[tilespmem:s17], [sflag:$0x1] =	stream.indirect_vreg.gather [hbm4b:s13+s6], $0x80, v2, vm0, $0xb8;
	[tilespmem:$0x1E200] =	vst v63  }
0x2cf: {  	s21 =	simm.s32 $0xB200  }
0x2d0: {  	[tilespmem:s21], [sflag:$0x1] =	stream.indirect_vreg.gather [hbm4b:s14+s6], $0x80, v2, vm0, $0xb8;
	[tilespmem:$0x1E200] =	vst v63  }
0x2d1: {  	s10 =	simm.s32 $0xBA00  }
0x2d2: {  	[tilespmem:s10], [sflag:$0x1] =	stream.indirect_vreg.gather [hbm4b:s15+s6], $0x80, v2, vm0, $0xb8;
	[tilespmem:$0x1E200] =	vst v63  }
0x2d3: {  	v2 =	vld.msk [tilespmem:s7+$0x180], $0xff;
	_ =	sdelay $0x4  }
0x2d4: {  	v3 =	vshll.u32 v2, $0x3  }
0x2d5: {  	v2 =	vand.u32 $0x7, v2;
	v3 =	vand.u32 $0xFFFFFFC0, v3  }
0x2d6: {  	v2 =	vor.u32 v2, v3  }
0x2d7: {  	v2 =	vperm.xlane v2, v0;
	_ =	sdelay $0x1  }
0x2d8: {  	v2 =	vadd.s32 v1, v2;
	_ =	sdelay $0x3  }
0x2d9: {  	s11 =	simm.s32 $0xC200  }
0x2da: {  	[tilespmem:s11], [sflag:$0x1] =	stream.indirect_vreg.gather [hbm4b:s1+s6], $0x80, v2, vm0, $0xb8;
	[tilespmem:$0x1E200] =	vst v63  }
0x2db: {  	s12 =	simm.s32 $0xCA00  }
0x2dc: {  	[tilespmem:s12], [sflag:$0x1] =	stream.indirect_vreg.gather [hbm4b:s13+s6], $0x80, v2, vm0, $0xb8;
	[tilespmem:$0x1E200] =	vst v63  }
.Ltmp9:
0x2dd: {  	_ = 	snop;
	(pc) =	sbr.rel .LBB2_10-.Ltmp9, $4  }
0x2de: {  	s17 =	simm.s32 $0xD200  }
0x2df: {  	[tilespmem:s17], [sflag:$0x1] =	stream.indirect_vreg.gather [hbm4b:s14+s6], $0x80, v2, vm0, $0xb8;
	[tilespmem:$0x1E200] =	vst v63  }
0x2e0: {  	s21 =	simm.s32 $0xDA00  }
0x2e1: {  	[tilespmem:s21], [sflag:$0x1] =	stream.indirect_vreg.gather [hbm4b:s15+s6], $0x80, v2, vm0, $0xb8;
	[tilespmem:$0x1E200] =	vst v63  }
.LBB2_12:
0x2e2: {  	_ =	sfence.sel $0x180000  }
0x2e3: {  	[bflag:$0x0] =	sbarrier.arrive $0xFFFF  }
0x2e4: {  	_ =	strace $0x90000047  }
0x2e5: {  	s0 =	stileid.u32;
	[bflag:$0x2] =	sbarrier.arrive $0xFFFF  }
0x2e6: {  	p0 =	sne.s32 s0, $0x0;
	s0 =	rddreg [dreg:$0x4]  }
0x2e7: {  	s0 =	sadd.s32 @!p0 $0x100000, s0  }
0x2e8: {  	[sflag:s0] =	ssyncadd.tile.s32 @!p0 $0x1;
	_ =	shalt  }
.Lfunc_end2:
_tile_overlayer_lowered:
.L_overlay_start_2:
0x2e9: {  	(tag) =	ssettag $0x2  }
0x2ea: {  	s0 =	rddreg [dreg:$0x0];
	s2 =	stileid.u32  }
0x2eb: {  	s1 =	rddreg [dreg:$0x1];
	p0 =	sne.s32 s2, $0x0  }
0x2ec: {  	s3 =	rddreg [dreg:$0x2];
	[bflag:$0x3] =	sbarrier.arrive $0xFFFF;
	s2 =	simm.s32 @!p0 $0x1C08  }
0x2ed: {  	[timem:s3], [sflag:s2] =	dma.local @!p0 [hbm:s0], s1  }
0x2ee: {  	s0 =	simm.s32 @!p0 $0x8  }
0x2ef: {  	_ =	swait.ge @!p0 [sflag:s0], s1  }
0x2f0: {  	s1 =	ssub.s32 @!p0 $0x0, s1;
	[sflag:s0] =	ssyncset.done @!p0 $0x0  }
0x2f1: {  	[sflag:s0] =	ssyncadd.s32 @!p0 s1  }
0x2f2: {  	[bflag:$0x3] =	sbarrier.arrive $0xFFFF  }
0x2f3: {  	_ =	shalt  }

</sc_bundles>
